<compile_context>
chip_gen: v7x
topology: tpu7x:2x2x1
jax: 0.10.2.dev20260603
libtpu: 0.0.44.dev20260713+nightly
codegen_flags: <defaults>
</compile_context>

<pallas_src>
import functools

import jax
import jax.numpy as jnp
from jax import lax
from jax.experimental import pallas as pl
from jax.experimental.pallas import tpu as pltpu
from jax.experimental.pallas import tpu_sc as plsc

N = 10000
E = 160000
D = 256
HF = 128
NC = 2
NS = 16
EP = 163840
EPT = EP // NS
IRT = EPT // 128
ERW = EP // 128
NCHUNK = EPT // 512
RPT = 624
TAIL = N - NS * RPT
DUM = 128
RZD = 632
ZTAIL = N + DUM - NS * RZD

_mesh = plsc.VectorSubcoreMesh(core_axis_name="c", subcore_axis_name="s")


@functools.partial(
    pl.kernel,
    out_type=jax.ShapeDtypeStruct((2 * N, 16), jnp.float32),
    mesh=_mesh,
    scratch_types=[
        pltpu.VMEM((40, 128), jnp.int32),
        pltpu.VMEM((128, 16), jnp.float32),
        pltpu.VMEM_SHARED((N + DUM, 16), jnp.float32),
        pltpu.SemaphoreType.DMA,
    ],
    compiler_params=pltpu.CompilerParams(use_tc_tiling_on_sc=False),
)
def _deg_kernel(dst2, ones_hbm, zeros_hbm, out, di, ones_v, accum, ssem):
    c = lax.axis_index("c")
    s = lax.axis_index("s")
    pltpu.sync_copy(zeros_hbm.at[pl.ds(0, RZD)], accum.at[pl.ds(s * RZD, RZD)])

    @pl.when(s == NS - 1)
    def _():
        pltpu.sync_copy(zeros_hbm.at[pl.ds(0, ZTAIL)],
                        accum.at[pl.ds(NS * RZD, ZTAIL)])

    pltpu.sync_copy(ones_hbm, ones_v)
    base_row = c * (ERW // 2) + s * 40
    pltpu.sync_copy(dst2.at[pl.ds(base_row, 40)], di)
    plsc.subcore_barrier()

    def body(i, carry):
        pltpu.sync_copy(ones_v, accum.at[di.at[i]], add=True)
        return carry

    lax.fori_loop(0, 40, body, 0)
    plsc.subcore_barrier()
    pltpu.sync_copy(accum.at[pl.ds(s * RPT, RPT)],
                    out.at[pl.ds(c * N + s * RPT, RPT)])

    @pl.when(s == NS - 1)
    def _():
        pltpu.sync_copy(accum.at[pl.ds(NS * RPT, TAIL)],
                        out.at[pl.ds(c * N + NS * RPT, TAIL)])


@functools.partial(
    pl.kernel,
    out_type=jax.ShapeDtypeStruct((NC * N, HF), jnp.bfloat16),
    mesh=_mesh,
    scratch_types=[
        pltpu.VMEM((IRT, 128), jnp.int32),
        pltpu.VMEM((IRT, 128), jnp.int32),
        pltpu.VMEM((512, HF), jnp.bfloat16),
        pltpu.VMEM((512, HF), jnp.bfloat16),
        pltpu.VMEM_SHARED((N + DUM, HF), jnp.bfloat16),
        pltpu.SemaphoreType.DMA,
        pltpu.SemaphoreType.DMA,
        pltpu.SemaphoreType.DMA,
        pltpu.SemaphoreType.DMA,
    ],
    compiler_params=pltpu.CompilerParams(use_tc_tiling_on_sc=False),
)
def _spmm_kernel(u, srcp2, dst2, zer, out, si, di, rows0, rows1, accum,
                 gs0, gs1, ss0, ss1):
    c = lax.axis_index("c")
    s = lax.axis_index("s")
    irow = s * IRT
    pltpu.sync_copy(dst2.at[pl.ds(irow, IRT)], di)
    pltpu.sync_copy(srcp2.at[pl.ds(c * ERW + irow, IRT)], si)

    pltpu.sync_copy(u.at[pl.ds(c * N + s * RPT, RPT)],
                    accum.at[pl.ds(s * RPT, RPT)])

    @pl.when(s == NS - 1)
    def _():
        pltpu.sync_copy(u.at[pl.ds(c * N + NS * RPT, TAIL)],
                        accum.at[pl.ds(NS * RPT, TAIL)])

    @pl.when(s == 0)
    def _():
        pltpu.sync_copy(zer, accum.at[pl.ds(N, DUM)])

    plsc.subcore_barrier()

    def gather(k, buf, sem):
        r = 4 * k
        for j in range(4):
            pltpu.async_copy(u.at[si.at[r + j]],
                             buf.at[pl.ds(j * 128, 128)], sem)

    def gwait(buf, sem):
        for j in range(4):
            pltpu.make_async_copy(u.at[si.at[0]],
                                  buf.at[pl.ds(j * 128, 128)], sem).wait()

    def scatter(k, buf, sem):
        r = 4 * k
        ds_ = [pltpu.async_copy(buf.at[pl.ds(j * 128, 128)],
                                accum.at[di.at[r + j]], sem, add=True)
               for j in range(4)]
        for d_ in ds_:
            d_.wait()

    gather(0, rows0, gs0)

    def body(t, carry):
        gather(2 * t + 1, rows1, gs1)
        gwait(rows0, gs0)
        scatter(2 * t, rows0, ss0)

        @pl.when(t < NCHUNK // 2 - 1)
        def _():
            gather(2 * t + 2, rows0, gs0)

        gwait(rows1, gs1)
        scatter(2 * t + 1, rows1, ss1)
        return carry

    lax.fori_loop(0, NCHUNK // 2, body, 0)
    plsc.subcore_barrier()
    pltpu.sync_copy(accum.at[pl.ds(s * RPT, RPT)],
                    out.at[pl.ds(c * N + s * RPT, RPT)])

    @pl.when(s == NS - 1)
    def _():
        pltpu.sync_copy(accum.at[pl.ds(NS * RPT, TAIL)],
                        out.at[pl.ds(c * N + NS * RPT, TAIL)])


BN = 2000


def _dis_from(dp_ref):
    deg = dp_ref[0, :, 0:1] + dp_ref[1, :, 0:1] + 1.0
    return lax.rsqrt(deg)


def _store_halves(u_ref, u):
    ub = u.astype(jnp.bfloat16)
    u_ref[0] = ub[:, 0:HF]
    u_ref[1] = ub[:, HF:D]


def _tc_pre_body(x_ref, q_ref, dp_ref, w_ref, u_ref, h1_ref):
    h1 = q_ref[...] * x_ref[...]
    dis = _dis_from(dp_ref)
    z = jnp.dot(h1, w_ref[...], preferred_element_type=jnp.float32)
    _store_halves(u_ref, dis * z)
    h1_ref[...] = h1


def _tc_mid_body(g0_ref, g1_ref, dp_ref, h_ref, b_ref, w_ref, u_ref, hn_ref):
    dis = _dis_from(dp_ref)
    g = jnp.concatenate([g0_ref[...], g1_ref[...]], axis=1).astype(jnp.float32)
    conv = dis * g + b_ref[...]
    hn = jnp.maximum(conv + h_ref[...], 0.0)
    z = jnp.dot(hn, w_ref[...], preferred_element_type=jnp.float32)
    _store_halves(u_ref, dis * z)
    hn_ref[...] = hn


def _tc_fin_body(g0_ref, g1_ref, dp_ref, h_ref, b_ref, wc_ref, bc_ref, o_ref):
    dis = _dis_from(dp_ref)
    g = jnp.concatenate([g0_ref[...], g1_ref[...]], axis=1).astype(jnp.float32)
    conv = dis * g + b_ref[...]
    h5 = conv + h_ref[...]
    o_ref[...] = (jnp.dot(h5, wc_ref[...], preferred_element_type=jnp.float32)
                  + bc_ref[...])


def _tc_pre(x, query, dp, W1):
    return pl.pallas_call(
        _tc_pre_body,
        grid=(N // BN,),
        in_specs=[
            pl.BlockSpec((BN, D), lambda i: (i, 0)),
            pl.BlockSpec((BN, D), lambda i: (i, 0)),
            pl.BlockSpec((2, BN, 16), lambda i: (0, i, 0)),
            pl.BlockSpec((D, D), lambda i: (0, 0)),
        ],
        out_specs=[
            pl.BlockSpec((NC, BN, HF), lambda i: (0, i, 0)),
            pl.BlockSpec((BN, D), lambda i: (i, 0)),
        ],
        out_shape=[
            jax.ShapeDtypeStruct((NC, N, HF), jnp.bfloat16),
            jax.ShapeDtypeStruct((N, D), jnp.float32),
        ],
    )(x, query, dp, W1)


def _tc_mid(g, dp, h, b, Wn):
    return pl.pallas_call(
        _tc_mid_body,
        grid=(N // BN,),
        in_specs=[
            pl.BlockSpec((BN, HF), lambda i: (i, 0)),
            pl.BlockSpec((BN, HF), lambda i: (N // BN + i, 0)),
            pl.BlockSpec((2, BN, 16), lambda i: (0, i, 0)),
            pl.BlockSpec((BN, D), lambda i: (i, 0)),
            pl.BlockSpec((1, D), lambda i: (0, 0)),
            pl.BlockSpec((D, D), lambda i: (0, 0)),
        ],
        out_specs=[
            pl.BlockSpec((NC, BN, HF), lambda i: (0, i, 0)),
            pl.BlockSpec((BN, D), lambda i: (i, 0)),
        ],
        out_shape=[
            jax.ShapeDtypeStruct((NC, N, HF), jnp.bfloat16),
            jax.ShapeDtypeStruct((N, D), jnp.float32),
        ],
    )(g, g, dp, h, b, Wn)


def _tc_fin(g, dp, h, b, Wc, bc):
    return pl.pallas_call(
        _tc_fin_body,
        grid=(N // BN,),
        in_specs=[
            pl.BlockSpec((BN, HF), lambda i: (i, 0)),
            pl.BlockSpec((BN, HF), lambda i: (N // BN + i, 0)),
            pl.BlockSpec((2, BN, 16), lambda i: (0, i, 0)),
            pl.BlockSpec((BN, D), lambda i: (i, 0)),
            pl.BlockSpec((1, D), lambda i: (0, 0)),
            pl.BlockSpec((D, 64), lambda i: (0, 0)),
            pl.BlockSpec((1, 64), lambda i: (0, 0)),
        ],
        out_specs=pl.BlockSpec((BN, 64), lambda i: (i, 0)),
        out_shape=jax.ShapeDtypeStruct((N, 64), jnp.float32),
    )(g, g, dp, h, b, Wc, bc)


def kernel(x, edge_index, query, W1, b1, W2, b2, W3, b3, W4, b4, Wc, bc):
    src = edge_index[0]
    dst = edge_index[1]
    pad = EP - E
    ar = jnp.arange(pad, dtype=jnp.int32) % DUM
    srcf = jnp.concatenate([src, ar])
    dstf = jnp.concatenate([dst, N + ar])
    srcp2 = jnp.concatenate([srcf, srcf + N]).reshape(-1, 128)
    dst2 = dstf.reshape(-1, 128)
    ones16 = jnp.ones((128, 16), jnp.float32)
    zer16 = jnp.zeros((RZD, 16), jnp.float32)
    zerh = jnp.zeros((DUM, HF), jnp.bfloat16)

    dp = _deg_kernel(dst2, ones16, zer16).reshape(2, N, 16)

    U, h = _tc_pre(x, query, dp, W1)
    g = _spmm_kernel(U.reshape(NC * N, HF), srcp2, dst2, zerh)
    U, h = _tc_mid(g, dp, h, b1.reshape(1, D), W2)
    g = _spmm_kernel(U.reshape(NC * N, HF), srcp2, dst2, zerh)
    U, h = _tc_mid(g, dp, h, b2.reshape(1, D), W3)
    g = _spmm_kernel(U.reshape(NC * N, HF), srcp2, dst2, zerh)
    U, h = _tc_mid(g, dp, h, b3.reshape(1, D), W4)
    g = _spmm_kernel(U.reshape(NC * N, HF), srcp2, dst2, zerh)
    return _tc_fin(g, dp, h, b4.reshape(1, D), Wc,
                   bc.reshape(1, 64))

# --- scband reference (transcript-rebuilt; emitter-appended) ---
"""Pipeline reference for scband-gcnreaonser-45483703665398 (READ-ONLY COPY).

The authoritative reference and input builder live on the scoring server;
editing this copy changes nothing except your own understanding.
"""

import jax, jax.numpy as jnp
import numpy as np

N = 10000
E = 160000
D_IN = 256
D_H = 256
N_CLS = 64


def build_norm(edge_index, num_nodes):
    # GCN symmetric normalization with self-loops (PyG GCNConv default)
    loop = jnp.arange(num_nodes, dtype=edge_index.dtype)
    src = jnp.concatenate([edge_index[0], loop])
    dst = jnp.concatenate([edge_index[1], loop])
    deg = jnp.zeros((num_nodes,), jnp.float32).at[dst].add(1.0)
    dis = jnp.where(deg > 0, 1.0 / jnp.sqrt(jnp.maximum(deg, 1e-12)), 0.0)
    norm = dis[src] * dis[dst]
    return src, dst, norm


def gcn_conv(x, src, dst, norm, W, b):
    h = x @ W
    msg = h[src] * norm[:, None]
    out = jnp.zeros((x.shape[0], W.shape[1]), dtype=x.dtype).at[dst].add(msg)
    return out + b


def setup_inputs(seed: int = 0):
    key = jax.random.key(seed)
    ks = jax.random.split(key, 14)
    inp = {}
    inp["x"] = jax.random.normal(ks[0], (N, D_IN), jnp.float32)
    inp["edge_index"] = jax.random.randint(ks[1], (2, E), 0, N, dtype=jnp.int32)
    inp["query"] = jax.random.normal(ks[2], (N, D_IN), jnp.float32)
    dims = [(D_IN, D_H), (D_H, D_H), (D_H, D_H), (D_H, D_H)]
    for i, (di, do) in enumerate(dims):
        s = 1.0 / np.sqrt(di)
        inp[f"W{i+1}"] = jax.random.uniform(ks[3 + 2 * i], (di, do), jnp.float32, -s, s)
        inp[f"b{i+1}"] = jnp.zeros((do,), jnp.float32)
    s = 1.0 / np.sqrt(D_H)
    inp["Wc"] = jax.random.uniform(ks[11], (D_H, N_CLS), jnp.float32, -s, s)
    inp["bc"] = jax.random.uniform(ks[12], (N_CLS,), jnp.float32, -s, s)
    return inp


def reference(x, edge_index, query, W1, b1, W2, b2, W3, b3, W4, b4, Wc, bc):
    src, dst, norm = build_norm(edge_index, x.shape[0])
    h = query * x
    residuals = [h]
    convs = [(W1, b1), (W2, b2), (W3, b3)]
    for i, (W, b) in enumerate(convs):
        hc = gcn_conv(h, src, dst, norm, W, b)
        if residuals[i].shape[1] == hc.shape[1]:
            hc = hc + residuals[i]
        h = jax.nn.relu(hc)
        residuals.append(h)
    h2 = gcn_conv(h, src, dst, norm, W4, b4)
    if residuals[-1].shape[1] == h2.shape[1]:
        h2 = h2 + residuals[-1]
    out = h2 @ Wc + bc
    # dropout is identity at inference (training=False)
    return out

if __name__ == "__main__":
    import jax
    _d = setup_inputs()
    print(jax.jit(kernel)(*tuple(_d.values())))

</pallas_src>

<mosaic_0001>
#map = affine_map<(d0, d1) -> (0, 0)>
module attributes {stable_mosaic.version = 14 : i64} {
  func.func @_deg_kernel(%arg0: i32, %arg1: i32, %arg2: memref<1280x128xi32, #tpu.memory_space<hbm>>, %arg3: memref<128x16xf32, #tpu.memory_space<hbm>>, %arg4: memref<632x16xf32, #tpu.memory_space<hbm>>, %arg5: memref<20000x16xf32, #tpu.memory_space<hbm>>, %arg6: memref<40x128xi32, #tpu.memory_space<vmem>>, %arg7: memref<128x16xf32, #tpu.memory_space<vmem>>, %arg8: memref<10128x16xf32, #tpu.memory_space<vmem_shared>>, %arg9: memref<!tpu.dma_semaphore, #tpu.memory_space<semaphore_mem>>) attributes {dimension_semantics = [#tpu.dimension_semantics<core_parallel>, #tpu.dimension_semantics<subcore_parallel>], iteration_bounds = array<i64: 2, 16>, scalar_prefetch = 0 : i64, scratch_operands = 4 : i64, tpu.core_type = #tpu.core_type<sc_vector_subcore>, window_params = [{transform_indices = #map}, {transform_indices = #map}, {transform_indices = #map}, {transform_indices = #map}]} {
    %mul3A = arith.constant 632 : i32
    %mul3A_0 = arith.muli %arg1, %mul3A : i32
    "tpu.region"() ({
      %run_scoped3A = tpu.sem_alloc : memref<!tpu.dma_semaphore, #tpu.memory_space<semaphore_mem>>
      %dma_start3A = arith.constant 0 : i32
      %dma_start3A_25 = tpu.memref_slice %arg8[%mul3A_0, %dma_start3A] : memref<10128x16xf32, #tpu.memory_space<vmem_shared>> -> memref<632x16xf32, #tpu.memory_space<vmem_shared>>
      %dma_start3A_26 = arith.constant 0 : i32
      %dma_start3A_27 = arith.constant 0 : i32
      %dma_start3A_28 = tpu.memref_slice %arg4[%dma_start3A_26, %dma_start3A_27] : memref<632x16xf32, #tpu.memory_space<hbm>> -> memref<632x16xf32, #tpu.memory_space<hbm>>
      tpu.enqueue_dma source(%dma_start3A_28 : memref<632x16xf32, #tpu.memory_space<hbm>>) target(%dma_start3A_25 : memref<632x16xf32, #tpu.memory_space<vmem_shared>>) target_semaphore(%run_scoped3A : memref<!tpu.dma_semaphore, #tpu.memory_space<semaphore_mem>>)
      %dma_wait3A = arith.constant 0 : i32
      %dma_wait3A_29 = tpu.memref_slice %arg8[%mul3A_0, %dma_wait3A] : memref<10128x16xf32, #tpu.memory_space<vmem_shared>> -> memref<632x16xf32, #tpu.memory_space<vmem_shared>>
      %dma_wait3A_30 = arith.constant 0 : i32
      %dma_wait3A_31 = arith.constant 0 : i32
      %dma_wait3A_32 = tpu.memref_slice %arg4[%dma_wait3A_30, %dma_wait3A_31] : memref<632x16xf32, #tpu.memory_space<hbm>> -> memref<632x16xf32, #tpu.memory_space<hbm>>
      tpu.wait_dma2 semaphore(%run_scoped3A : memref<!tpu.dma_semaphore, #tpu.memory_space<semaphore_mem>>) src(%dma_wait3A_32 : memref<632x16xf32, #tpu.memory_space<hbm>>) dst(%dma_wait3A_29 : memref<632x16xf32, #tpu.memory_space<vmem_shared>>)
      tpu.yield
    }) : () -> ()
    %eq3A = arith.constant 15 : i32
    %eq3A_1 = arith.cmpi eq, %arg1, %eq3A : i32
    %convert_element_type3A = arith.extui %eq3A_1 : i1 to i32
    %cond3A = arith.constant 0 : i32
    %cond3A_2 = arith.cmpi ne, %convert_element_type3A, %cond3A : i32
    scf.if %cond3A_2 {
      "tpu.region"() ({
        %run_scoped3A = tpu.sem_alloc : memref<!tpu.dma_semaphore, #tpu.memory_space<semaphore_mem>>
        %dma_start3A = arith.constant 10112 : i32
        %dma_start3A_25 = arith.constant 0 : i32
        %dma_start3A_26 = tpu.memref_slice %arg8[%dma_start3A, %dma_start3A_25] : memref<10128x16xf32, #tpu.memory_space<vmem_shared>> -> memref<16x16xf32, #tpu.memory_space<vmem_shared>>
        %dma_start3A_27 = arith.constant 0 : i32
        %dma_start3A_28 = arith.constant 0 : i32
        %dma_start3A_29 = tpu.memref_slice %arg4[%dma_start3A_27, %dma_start3A_28] : memref<632x16xf32, #tpu.memory_space<hbm>> -> memref<16x16xf32, #tpu.memory_space<hbm>>
        tpu.enqueue_dma source(%dma_start3A_29 : memref<16x16xf32, #tpu.memory_space<hbm>>) target(%dma_start3A_26 : memref<16x16xf32, #tpu.memory_space<vmem_shared>>) target_semaphore(%run_scoped3A : memref<!tpu.dma_semaphore, #tpu.memory_space<semaphore_mem>>)
        %dma_wait3A = arith.constant 10112 : i32
        %dma_wait3A_30 = arith.constant 0 : i32
        %dma_wait3A_31 = tpu.memref_slice %arg8[%dma_wait3A, %dma_wait3A_30] : memref<10128x16xf32, #tpu.memory_space<vmem_shared>> -> memref<16x16xf32, #tpu.memory_space<vmem_shared>>
        %dma_wait3A_32 = arith.constant 0 : i32
        %dma_wait3A_33 = arith.constant 0 : i32
        %dma_wait3A_34 = tpu.memref_slice %arg4[%dma_wait3A_32, %dma_wait3A_33] : memref<632x16xf32, #tpu.memory_space<hbm>> -> memref<16x16xf32, #tpu.memory_space<hbm>>
        tpu.wait_dma2 semaphore(%run_scoped3A : memref<!tpu.dma_semaphore, #tpu.memory_space<semaphore_mem>>) src(%dma_wait3A_34 : memref<16x16xf32, #tpu.memory_space<hbm>>) dst(%dma_wait3A_31 : memref<16x16xf32, #tpu.memory_space<vmem_shared>>)
        tpu.yield
      }) : () -> ()
    } else {
    }
    "tpu.region"() ({
      %run_scoped3A = tpu.sem_alloc : memref<!tpu.dma_semaphore, #tpu.memory_space<semaphore_mem>>
      tpu.enqueue_dma source(%arg3 : memref<128x16xf32, #tpu.memory_space<hbm>>) target(%arg7 : memref<128x16xf32, #tpu.memory_space<vmem>>) target_semaphore(%run_scoped3A : memref<!tpu.dma_semaphore, #tpu.memory_space<semaphore_mem>>)
      tpu.wait_dma2 semaphore(%run_scoped3A : memref<!tpu.dma_semaphore, #tpu.memory_space<semaphore_mem>>) src(%arg3 : memref<128x16xf32, #tpu.memory_space<hbm>>) dst(%arg7 : memref<128x16xf32, #tpu.memory_space<vmem>>)
      tpu.yield
    }) : () -> ()
    %mul3A_3 = arith.constant 640 : i32
    %mul3A_4 = arith.muli %arg0, %mul3A_3 : i32
    %mul3A_5 = arith.constant 40 : i32
    %mul3A_6 = arith.muli %arg1, %mul3A_5 : i32
    %add3A = arith.addi %mul3A_4, %mul3A_6 : i32
    "tpu.region"() ({
      %run_scoped3A = tpu.sem_alloc : memref<!tpu.dma_semaphore, #tpu.memory_space<semaphore_mem>>
      %dma_start3A = arith.constant 0 : i32
      %dma_start3A_25 = tpu.memref_slice %arg2[%add3A, %dma_start3A] : memref<1280x128xi32, #tpu.memory_space<hbm>> -> memref<40x128xi32, #tpu.memory_space<hbm>>
      %dma_start3A_26 = arith.constant 0 : i32
      %dma_start3A_27 = tpu.memref_slice %arg2[%add3A, %dma_start3A_26] : memref<1280x128xi32, #tpu.memory_space<hbm>> -> memref<40x128xi32, #tpu.memory_space<hbm>>
      tpu.enqueue_dma source(%dma_start3A_27 : memref<40x128xi32, #tpu.memory_space<hbm>>) target(%arg6 : memref<40x128xi32, #tpu.memory_space<vmem>>) target_semaphore(%run_scoped3A : memref<!tpu.dma_semaphore, #tpu.memory_space<semaphore_mem>>)
      %dma_wait3A = arith.constant 0 : i32
      %dma_wait3A_28 = tpu.memref_slice %arg2[%add3A, %dma_wait3A] : memref<1280x128xi32, #tpu.memory_space<hbm>> -> memref<40x128xi32, #tpu.memory_space<hbm>>
      %dma_wait3A_29 = arith.constant 0 : i32
      %dma_wait3A_30 = tpu.memref_slice %arg2[%add3A, %dma_wait3A_29] : memref<1280x128xi32, #tpu.memory_space<hbm>> -> memref<40x128xi32, #tpu.memory_space<hbm>>
      tpu.wait_dma2 semaphore(%run_scoped3A : memref<!tpu.dma_semaphore, #tpu.memory_space<semaphore_mem>>) src(%dma_wait3A_30 : memref<40x128xi32, #tpu.memory_space<hbm>>) dst(%arg6 : memref<40x128xi32, #tpu.memory_space<vmem>>)
      tpu.yield
    }) : () -> ()
    %barrier3A = arith.constant 0 : index
    tpu.barrier barrier_id(%barrier3A)
    %scan3A = arith.constant 0 : i32
    %scan3A_7 = arith.constant 0 : i32
    %scan3A_8 = arith.constant 40 : i32
    %scan3A_9 = arith.addi %scan3A_7, %scan3A_8 : i32
    %scan3A_10 = arith.constant 1 : i32
    scf.for %scan3A_25 = %scan3A_7 to %scan3A_9 step %scan3A_10  : i32 {
      "tpu.region"() ({
        %run_scoped3A = tpu.sem_alloc : memref<!tpu.dma_semaphore, #tpu.memory_space<semaphore_mem>>
        %dma_start3A = arith.constant 0 : i32
        %dma_start3A_26 = tpu.memref_slice %arg6[%scan3A_25, %dma_start3A] : memref<40x128xi32, #tpu.memory_space<vmem>> -> memref<1x128xi32, #tpu.memory_space<vmem>>
        %dma_start3A_27 = tpu.memref_squeeze %dma_start3A_26 : memref<1x128xi32, #tpu.memory_space<vmem>> -> memref<128xi32, #tpu.memory_space<vmem>>
        %dma_start3A_28 = arith.constant 0 : i32
        %dma_start3A_29 = arith.constant 0 : i32
        %dma_start3A_30 = tpu.memref_slice %arg8[%dma_start3A_28, %dma_start3A_29] : memref<10128x16xf32, #tpu.memory_space<vmem_shared>> -> memref<10128x16xf32, #tpu.memory_space<vmem_shared>>
        tpu.enqueue_indirect_dma source(%arg7 : memref<128x16xf32, #tpu.memory_space<vmem>>) target(%dma_start3A_30 : memref<10128x16xf32, #tpu.memory_space<vmem_shared>>) offsets(%dma_start3A_27 : memref<128xi32, #tpu.memory_space<vmem>>) semaphore(%run_scoped3A : memref<!tpu.dma_semaphore, #tpu.memory_space<semaphore_mem>>) {add = true}
        %dma_wait3A = arith.constant 0 : i32
        %dma_wait3A_31 = tpu.memref_slice %arg6[%scan3A_25, %dma_wait3A] : memref<40x128xi32, #tpu.memory_space<vmem>> -> memref<1x128xi32, #tpu.memory_space<vmem>>
        %dma_wait3A_32 = tpu.memref_squeeze %dma_wait3A_31 : memref<1x128xi32, #tpu.memory_space<vmem>> -> memref<128xi32, #tpu.memory_space<vmem>>
        %dma_wait3A_33 = arith.constant 0 : i32
        %dma_wait3A_34 = arith.constant 0 : i32
        %dma_wait3A_35 = tpu.memref_slice %arg8[%dma_wait3A_33, %dma_wait3A_34] : memref<10128x16xf32, #tpu.memory_space<vmem_shared>> -> memref<10128x16xf32, #tpu.memory_space<vmem_shared>>
        tpu.wait_indirect_dma semaphore(%run_scoped3A : memref<!tpu.dma_semaphore, #tpu.memory_space<semaphore_mem>>) src(%arg7 : memref<128x16xf32, #tpu.memory_space<vmem>>) dst(%dma_wait3A_35 : memref<10128x16xf32, #tpu.memory_space<vmem_shared>>)
        tpu.yield
      }) : () -> ()
    }
    %scan3A_11 = arith.constant 40 : i32
    %barrier3A_12 = arith.constant 0 : index
    tpu.barrier barrier_id(%barrier3A_12)
    %mul3A_13 = arith.constant 624 : i32
    %mul3A_14 = arith.muli %arg1, %mul3A_13 : i32
    %mul3A_15 = arith.constant 10000 : i32
    %mul3A_16 = arith.muli %arg0, %mul3A_15 : i32
    %mul3A_17 = arith.constant 624 : i32
    %mul3A_18 = arith.muli %arg1, %mul3A_17 : i32
    %add3A_19 = arith.addi %mul3A_16, %mul3A_18 : i32
    "tpu.region"() ({
      %run_scoped3A = tpu.sem_alloc : memref<!tpu.dma_semaphore, #tpu.memory_space<semaphore_mem>>
      %dma_start3A = arith.constant 0 : i32
      %dma_start3A_25 = tpu.memref_slice %arg5[%add3A_19, %dma_start3A] : memref<20000x16xf32, #tpu.memory_space<hbm>> -> memref<624x16xf32, #tpu.memory_space<hbm>>
      %dma_start3A_26 = arith.constant 0 : i32
      %dma_start3A_27 = tpu.memref_slice %arg8[%mul3A_14, %dma_start3A_26] : memref<10128x16xf32, #tpu.memory_space<vmem_shared>> -> memref<624x16xf32, #tpu.memory_space<vmem_shared>>
      tpu.enqueue_dma source(%dma_start3A_27 : memref<624x16xf32, #tpu.memory_space<vmem_shared>>) target(%dma_start3A_25 : memref<624x16xf32, #tpu.memory_space<hbm>>) target_semaphore(%run_scoped3A : memref<!tpu.dma_semaphore, #tpu.memory_space<semaphore_mem>>)
      %dma_wait3A = arith.constant 0 : i32
      %dma_wait3A_28 = tpu.memref_slice %arg5[%add3A_19, %dma_wait3A] : memref<20000x16xf32, #tpu.memory_space<hbm>> -> memref<624x16xf32, #tpu.memory_space<hbm>>
      %dma_wait3A_29 = arith.constant 0 : i32
      %dma_wait3A_30 = tpu.memref_slice %arg8[%mul3A_14, %dma_wait3A_29] : memref<10128x16xf32, #tpu.memory_space<vmem_shared>> -> memref<624x16xf32, #tpu.memory_space<vmem_shared>>
      tpu.wait_dma2 semaphore(%run_scoped3A : memref<!tpu.dma_semaphore, #tpu.memory_space<semaphore_mem>>) src(%dma_wait3A_30 : memref<624x16xf32, #tpu.memory_space<vmem_shared>>) dst(%dma_wait3A_28 : memref<624x16xf32, #tpu.memory_space<hbm>>)
      tpu.yield
    }) : () -> ()
    %eq3A_20 = arith.constant 15 : i32
    %eq3A_21 = arith.cmpi eq, %arg1, %eq3A_20 : i32
    %convert_element_type3A_22 = arith.extui %eq3A_21 : i1 to i32
    %cond3A_23 = arith.constant 0 : i32
    %cond3A_24 = arith.cmpi ne, %convert_element_type3A_22, %cond3A_23 : i32
    scf.if %cond3A_24 {
      %mul3A_25 = arith.constant 10000 : i32
      %mul3A_26 = arith.muli %arg0, %mul3A_25 : i32
      %add3A_27 = arith.constant 9984 : i32
      %add3A_28 = arith.addi %mul3A_26, %add3A_27 : i32
      "tpu.region"() ({
        %run_scoped3A = tpu.sem_alloc : memref<!tpu.dma_semaphore, #tpu.memory_space<semaphore_mem>>
        %dma_start3A = arith.constant 0 : i32
        %dma_start3A_29 = tpu.memref_slice %arg5[%add3A_28, %dma_start3A] : memref<20000x16xf32, #tpu.memory_space<hbm>> -> memref<16x16xf32, #tpu.memory_space<hbm>>
        %dma_start3A_30 = arith.constant 9984 : i32
        %dma_start3A_31 = arith.constant 0 : i32
        %dma_start3A_32 = tpu.memref_slice %arg8[%dma_start3A_30, %dma_start3A_31] : memref<10128x16xf32, #tpu.memory_space<vmem_shared>> -> memref<16x16xf32, #tpu.memory_space<vmem_shared>>
        tpu.enqueue_dma source(%dma_start3A_32 : memref<16x16xf32, #tpu.memory_space<vmem_shared>>) target(%dma_start3A_29 : memref<16x16xf32, #tpu.memory_space<hbm>>) target_semaphore(%run_scoped3A : memref<!tpu.dma_semaphore, #tpu.memory_space<semaphore_mem>>)
        %dma_wait3A = arith.constant 0 : i32
        %dma_wait3A_33 = tpu.memref_slice %arg5[%add3A_28, %dma_wait3A] : memref<20000x16xf32, #tpu.memory_space<hbm>> -> memref<16x16xf32, #tpu.memory_space<hbm>>
        %dma_wait3A_34 = arith.constant 9984 : i32
        %dma_wait3A_35 = arith.constant 0 : i32
        %dma_wait3A_36 = tpu.memref_slice %arg8[%dma_wait3A_34, %dma_wait3A_35] : memref<10128x16xf32, #tpu.memory_space<vmem_shared>> -> memref<16x16xf32, #tpu.memory_space<vmem_shared>>
        tpu.wait_dma2 semaphore(%run_scoped3A : memref<!tpu.dma_semaphore, #tpu.memory_space<semaphore_mem>>) src(%dma_wait3A_36 : memref<16x16xf32, #tpu.memory_space<vmem_shared>>) dst(%dma_wait3A_33 : memref<16x16xf32, #tpu.memory_space<hbm>>)
        tpu.yield
      }) : () -> ()
    } else {
    }
    return
  }
}

#map = affine_map<(d0, d1) -> (0, 0)>
module attributes {stable_mosaic.version = 14 : i64} {
  func.func @_spmm_kernel(%arg0: i32, %arg1: i32, %arg2: memref<20000x128xbf16, #tpu.memory_space<hbm>>, %arg3: memref<2560x128xi32, #tpu.memory_space<hbm>>, %arg4: memref<1280x128xi32, #tpu.memory_space<hbm>>, %arg5: memref<128x128xbf16, #tpu.memory_space<hbm>>, %arg6: memref<20000x128xbf16, #tpu.memory_space<hbm>>, %arg7: memref<80x128xi32, #tpu.memory_space<vmem>>, %arg8: memref<80x128xi32, #tpu.memory_space<vmem>>, %arg9: memref<512x128xbf16, #tpu.memory_space<vmem>>, %arg10: memref<512x128xbf16, #tpu.memory_space<vmem>>, %arg11: memref<10128x128xbf16, #tpu.memory_space<vmem_shared>>, %arg12: memref<!tpu.dma_semaphore, #tpu.memory_space<semaphore_mem>>, %arg13: memref<!tpu.dma_semaphore, #tpu.memory_space<semaphore_mem>>, %arg14: memref<!tpu.dma_semaphore, #tpu.memory_space<semaphore_mem>>, %arg15: memref<!tpu.dma_semaphore, #tpu.memory_space<semaphore_mem>>) attributes {dimension_semantics = [#tpu.dimension_semantics<core_parallel>, #tpu.dimension_semantics<subcore_parallel>], iteration_bounds = array<i64: 2, 16>, scalar_prefetch = 0 : i64, scratch_operands = 9 : i64, tpu.core_type = #tpu.core_type<sc_vector_subcore>, window_params = [{transform_indices = #map}, {transform_indices = #map}, {transform_indices = #map}, {transform_indices = #map}, {transform_indices = #map}]} {
    %mul3A = arith.constant 80 : i32
    %mul3A_0 = arith.muli %arg1, %mul3A : i32
    "tpu.region"() ({
      %run_scoped3A = tpu.sem_alloc : memref<!tpu.dma_semaphore, #tpu.memory_space<semaphore_mem>>
      %dma_start3A_74 = arith.constant 0 : i32
      %dma_start3A_75 = tpu.memref_slice %arg4[%mul3A_0, %dma_start3A_74] : memref<1280x128xi32, #tpu.memory_space<hbm>> -> memref<80x128xi32, #tpu.memory_space<hbm>>
      %dma_start3A_76 = arith.constant 0 : i32
      %dma_start3A_77 = tpu.memref_slice %arg4[%mul3A_0, %dma_start3A_76] : memref<1280x128xi32, #tpu.memory_space<hbm>> -> memref<80x128xi32, #tpu.memory_space<hbm>>
      tpu.enqueue_dma source(%dma_start3A_77 : memref<80x128xi32, #tpu.memory_space<hbm>>) target(%arg8 : memref<80x128xi32, #tpu.memory_space<vmem>>) target_semaphore(%run_scoped3A : memref<!tpu.dma_semaphore, #tpu.memory_space<semaphore_mem>>)
      %dma_wait3A = arith.constant 0 : i32
      %dma_wait3A_78 = tpu.memref_slice %arg4[%mul3A_0, %dma_wait3A] : memref<1280x128xi32, #tpu.memory_space<hbm>> -> memref<80x128xi32, #tpu.memory_space<hbm>>
      %dma_wait3A_79 = arith.constant 0 : i32
      %dma_wait3A_80 = tpu.memref_slice %arg4[%mul3A_0, %dma_wait3A_79] : memref<1280x128xi32, #tpu.memory_space<hbm>> -> memref<80x128xi32, #tpu.memory_space<hbm>>
      tpu.wait_dma2 semaphore(%run_scoped3A : memref<!tpu.dma_semaphore, #tpu.memory_space<semaphore_mem>>) src(%dma_wait3A_80 : memref<80x128xi32, #tpu.memory_space<hbm>>) dst(%arg8 : memref<80x128xi32, #tpu.memory_space<vmem>>)
      tpu.yield
    }) : () -> ()
    %mul3A_1 = arith.constant 1280 : i32
    %mul3A_2 = arith.muli %arg0, %mul3A_1 : i32
    %add3A = arith.addi %mul3A_2, %mul3A_0 : i32
    "tpu.region"() ({
      %run_scoped3A = tpu.sem_alloc : memref<!tpu.dma_semaphore, #tpu.memory_space<semaphore_mem>>
      %dma_start3A_74 = arith.constant 0 : i32
      %dma_start3A_75 = tpu.memref_slice %arg3[%add3A, %dma_start3A_74] : memref<2560x128xi32, #tpu.memory_space<hbm>> -> memref<80x128xi32, #tpu.memory_space<hbm>>
      %dma_start3A_76 = arith.constant 0 : i32
      %dma_start3A_77 = tpu.memref_slice %arg3[%add3A, %dma_start3A_76] : memref<2560x128xi32, #tpu.memory_space<hbm>> -> memref<80x128xi32, #tpu.memory_space<hbm>>
      tpu.enqueue_dma source(%dma_start3A_77 : memref<80x128xi32, #tpu.memory_space<hbm>>) target(%arg7 : memref<80x128xi32, #tpu.memory_space<vmem>>) target_semaphore(%run_scoped3A : memref<!tpu.dma_semaphore, #tpu.memory_space<semaphore_mem>>)
      %dma_wait3A = arith.constant 0 : i32
      %dma_wait3A_78 = tpu.memref_slice %arg3[%add3A, %dma_wait3A] : memref<2560x128xi32, #tpu.memory_space<hbm>> -> memref<80x128xi32, #tpu.memory_space<hbm>>
      %dma_wait3A_79 = arith.constant 0 : i32
      %dma_wait3A_80 = tpu.memref_slice %arg3[%add3A, %dma_wait3A_79] : memref<2560x128xi32, #tpu.memory_space<hbm>> -> memref<80x128xi32, #tpu.memory_space<hbm>>
      tpu.wait_dma2 semaphore(%run_scoped3A : memref<!tpu.dma_semaphore, #tpu.memory_space<semaphore_mem>>) src(%dma_wait3A_80 : memref<80x128xi32, #tpu.memory_space<hbm>>) dst(%arg7 : memref<80x128xi32, #tpu.memory_space<vmem>>)
      tpu.yield
    }) : () -> ()
    %mul3A_3 = arith.constant 10000 : i32
    %mul3A_4 = arith.muli %arg0, %mul3A_3 : i32
    %mul3A_5 = arith.constant 624 : i32
    %mul3A_6 = arith.muli %arg1, %mul3A_5 : i32
    %add3A_7 = arith.addi %mul3A_4, %mul3A_6 : i32
    %mul3A_8 = arith.constant 624 : i32
    %mul3A_9 = arith.muli %arg1, %mul3A_8 : i32
    "tpu.region"() ({
      %run_scoped3A = tpu.sem_alloc : memref<!tpu.dma_semaphore, #tpu.memory_space<semaphore_mem>>
      %dma_start3A_74 = arith.constant 0 : i32
      %dma_start3A_75 = tpu.memref_slice %arg11[%mul3A_9, %dma_start3A_74] : memref<10128x128xbf16, #tpu.memory_space<vmem_shared>> -> memref<624x128xbf16, #tpu.memory_space<vmem_shared>>
      %dma_start3A_76 = arith.constant 0 : i32
      %dma_start3A_77 = tpu.memref_slice %arg2[%add3A_7, %dma_start3A_76] : memref<20000x128xbf16, #tpu.memory_space<hbm>> -> memref<624x128xbf16, #tpu.memory_space<hbm>>
      tpu.enqueue_dma source(%dma_start3A_77 : memref<624x128xbf16, #tpu.memory_space<hbm>>) target(%dma_start3A_75 : memref<624x128xbf16, #tpu.memory_space<vmem_shared>>) target_semaphore(%run_scoped3A : memref<!tpu.dma_semaphore, #tpu.memory_space<semaphore_mem>>)
      %dma_wait3A = arith.constant 0 : i32
      %dma_wait3A_78 = tpu.memref_slice %arg11[%mul3A_9, %dma_wait3A] : memref<10128x128xbf16, #tpu.memory_space<vmem_shared>> -> memref<624x128xbf16, #tpu.memory_space<vmem_shared>>
      %dma_wait3A_79 = arith.constant 0 : i32
      %dma_wait3A_80 = tpu.memref_slice %arg2[%add3A_7, %dma_wait3A_79] : memref<20000x128xbf16, #tpu.memory_space<hbm>> -> memref<624x128xbf16, #tpu.memory_space<hbm>>
      tpu.wait_dma2 semaphore(%run_scoped3A : memref<!tpu.dma_semaphore, #tpu.memory_space<semaphore_mem>>) src(%dma_wait3A_80 : memref<624x128xbf16, #tpu.memory_space<hbm>>) dst(%dma_wait3A_78 : memref<624x128xbf16, #tpu.memory_space<vmem_shared>>)
      tpu.yield
    }) : () -> ()
    %eq3A = arith.constant 15 : i32
    %eq3A_10 = arith.cmpi eq, %arg1, %eq3A : i32
    %convert_element_type3A = arith.extui %eq3A_10 : i1 to i32
    %cond3A = arith.constant 0 : i32
    %cond3A_11 = arith.cmpi ne, %convert_element_type3A, %cond3A : i32
    scf.if %cond3A_11 {
      %mul3A_74 = arith.constant 10000 : i32
      %mul3A_75 = arith.muli %arg0, %mul3A_74 : i32
      %add3A_76 = arith.constant 9984 : i32
      %add3A_77 = arith.addi %mul3A_75, %add3A_76 : i32
      "tpu.region"() ({
        %run_scoped3A = tpu.sem_alloc : memref<!tpu.dma_semaphore, #tpu.memory_space<semaphore_mem>>
        %dma_start3A_78 = arith.constant 9984 : i32
        %dma_start3A_79 = arith.constant 0 : i32
        %dma_start3A_80 = tpu.memref_slice %arg11[%dma_start3A_78, %dma_start3A_79] : memref<10128x128xbf16, #tpu.memory_space<vmem_shared>> -> memref<16x128xbf16, #tpu.memory_space<vmem_shared>>
        %dma_start3A_81 = arith.constant 0 : i32
        %dma_start3A_82 = tpu.memref_slice %arg2[%add3A_77, %dma_start3A_81] : memref<20000x128xbf16, #tpu.memory_space<hbm>> -> memref<16x128xbf16, #tpu.memory_space<hbm>>
        tpu.enqueue_dma source(%dma_start3A_82 : memref<16x128xbf16, #tpu.memory_space<hbm>>) target(%dma_start3A_80 : memref<16x128xbf16, #tpu.memory_space<vmem_shared>>) target_semaphore(%run_scoped3A : memref<!tpu.dma_semaphore, #tpu.memory_space<semaphore_mem>>)
        %dma_wait3A = arith.constant 9984 : i32
        %dma_wait3A_83 = arith.constant 0 : i32
        %dma_wait3A_84 = tpu.memref_slice %arg11[%dma_wait3A, %dma_wait3A_83] : memref<10128x128xbf16, #tpu.memory_space<vmem_shared>> -> memref<16x128xbf16, #tpu.memory_space<vmem_shared>>
        %dma_wait3A_85 = arith.constant 0 : i32
        %dma_wait3A_86 = tpu.memref_slice %arg2[%add3A_77, %dma_wait3A_85] : memref<20000x128xbf16, #tpu.memory_space<hbm>> -> memref<16x128xbf16, #tpu.memory_space<hbm>>
        tpu.wait_dma2 semaphore(%run_scoped3A : memref<!tpu.dma_semaphore, #tpu.memory_space<semaphore_mem>>) src(%dma_wait3A_86 : memref<16x128xbf16, #tpu.memory_space<hbm>>) dst(%dma_wait3A_84 : memref<16x128xbf16, #tpu.memory_space<vmem_shared>>)
        tpu.yield
      }) : () -> ()
    } else {
    }
    %eq3A_12 = arith.constant 0 : i32
    %eq3A_13 = arith.cmpi eq, %arg1, %eq3A_12 : i32
    %convert_element_type3A_14 = arith.extui %eq3A_13 : i1 to i32
    %cond3A_15 = arith.constant 0 : i32
    %cond3A_16 = arith.cmpi ne, %convert_element_type3A_14, %cond3A_15 : i32
    scf.if %cond3A_16 {
      "tpu.region"() ({
        %run_scoped3A = tpu.sem_alloc : memref<!tpu.dma_semaphore, #tpu.memory_space<semaphore_mem>>
        %dma_start3A_74 = arith.constant 10000 : i32
        %dma_start3A_75 = arith.constant 0 : i32
        %dma_start3A_76 = tpu.memref_slice %arg11[%dma_start3A_74, %dma_start3A_75] : memref<10128x128xbf16, #tpu.memory_space<vmem_shared>> -> memref<128x128xbf16, #tpu.memory_space<vmem_shared>>
        tpu.enqueue_dma source(%arg5 : memref<128x128xbf16, #tpu.memory_space<hbm>>) target(%dma_start3A_76 : memref<128x128xbf16, #tpu.memory_space<vmem_shared>>) target_semaphore(%run_scoped3A : memref<!tpu.dma_semaphore, #tpu.memory_space<semaphore_mem>>)
        %dma_wait3A = arith.constant 10000 : i32
        %dma_wait3A_77 = arith.constant 0 : i32
        %dma_wait3A_78 = tpu.memref_slice %arg11[%dma_wait3A, %dma_wait3A_77] : memref<10128x128xbf16, #tpu.memory_space<vmem_shared>> -> memref<128x128xbf16, #tpu.memory_space<vmem_shared>>
        tpu.wait_dma2 semaphore(%run_scoped3A : memref<!tpu.dma_semaphore, #tpu.memory_space<semaphore_mem>>) src(%arg5 : memref<128x128xbf16, #tpu.memory_space<hbm>>) dst(%dma_wait3A_78 : memref<128x128xbf16, #tpu.memory_space<vmem_shared>>)
        tpu.yield
      }) : () -> ()
    } else {
    }
    %barrier3A = arith.constant 0 : index
    tpu.barrier barrier_id(%barrier3A)
    %dma_start3A = arith.constant 0 : i32
    %dma_start3A_17 = arith.constant 0 : i32
    %dma_start3A_18 = arith.constant 0 : i32
    %dma_start3A_19 = tpu.memref_slice %arg9[%dma_start3A_17, %dma_start3A_18] : memref<512x128xbf16, #tpu.memory_space<vmem>> -> memref<128x128xbf16, #tpu.memory_space<vmem>>
    %dma_start3A_20 = arith.constant 0 : i32
    %dma_start3A_21 = tpu.memref_slice %arg7[%dma_start3A, %dma_start3A_20] : memref<80x128xi32, #tpu.memory_space<vmem>> -> memref<1x128xi32, #tpu.memory_space<vmem>>
    %dma_start3A_22 = tpu.memref_squeeze %dma_start3A_21 : memref<1x128xi32, #tpu.memory_space<vmem>> -> memref<128xi32, #tpu.memory_space<vmem>>
    %dma_start3A_23 = arith.constant 0 : i32
    %dma_start3A_24 = arith.constant 0 : i32
    %dma_start3A_25 = tpu.memref_slice %arg2[%dma_start3A_23, %dma_start3A_24] : memref<20000x128xbf16, #tpu.memory_space<hbm>> -> memref<20000x128xbf16, #tpu.memory_space<hbm>>
    tpu.enqueue_indirect_dma source(%dma_start3A_25 : memref<20000x128xbf16, #tpu.memory_space<hbm>>) target(%dma_start3A_19 : memref<128x128xbf16, #tpu.memory_space<vmem>>) offsets(%dma_start3A_22 : memref<128xi32, #tpu.memory_space<vmem>>) semaphore(%arg12 : memref<!tpu.dma_semaphore, #tpu.memory_space<semaphore_mem>>)
    %dma_start3A_26 = arith.constant 1 : i32
    %dma_start3A_27 = arith.constant 128 : i32
    %dma_start3A_28 = arith.constant 0 : i32
    %dma_start3A_29 = tpu.memref_slice %arg9[%dma_start3A_27, %dma_start3A_28] : memref<512x128xbf16, #tpu.memory_space<vmem>> -> memref<128x128xbf16, #tpu.memory_space<vmem>>
    %dma_start3A_30 = arith.constant 0 : i32
    %dma_start3A_31 = tpu.memref_slice %arg7[%dma_start3A_26, %dma_start3A_30] : memref<80x128xi32, #tpu.memory_space<vmem>> -> memref<1x128xi32, #tpu.memory_space<vmem>>
    %dma_start3A_32 = tpu.memref_squeeze %dma_start3A_31 : memref<1x128xi32, #tpu.memory_space<vmem>> -> memref<128xi32, #tpu.memory_space<vmem>>
    %dma_start3A_33 = arith.constant 0 : i32
    %dma_start3A_34 = arith.constant 0 : i32
    %dma_start3A_35 = tpu.memref_slice %arg2[%dma_start3A_33, %dma_start3A_34] : memref<20000x128xbf16, #tpu.memory_space<hbm>> -> memref<20000x128xbf16, #tpu.memory_space<hbm>>
    tpu.enqueue_indirect_dma source(%dma_start3A_35 : memref<20000x128xbf16, #tpu.memory_space<hbm>>) target(%dma_start3A_29 : memref<128x128xbf16, #tpu.memory_space<vmem>>) offsets(%dma_start3A_32 : memref<128xi32, #tpu.memory_space<vmem>>) semaphore(%arg12 : memref<!tpu.dma_semaphore, #tpu.memory_space<semaphore_mem>>)
    %dma_start3A_36 = arith.constant 2 : i32
    %dma_start3A_37 = arith.constant 256 : i32
    %dma_start3A_38 = arith.constant 0 : i32
    %dma_start3A_39 = tpu.memref_slice %arg9[%dma_start3A_37, %dma_start3A_38] : memref<512x128xbf16, #tpu.memory_space<vmem>> -> memref<128x128xbf16, #tpu.memory_space<vmem>>
    %dma_start3A_40 = arith.constant 0 : i32
    %dma_start3A_41 = tpu.memref_slice %arg7[%dma_start3A_36, %dma_start3A_40] : memref<80x128xi32, #tpu.memory_space<vmem>> -> memref<1x128xi32, #tpu.memory_space<vmem>>
    %dma_start3A_42 = tpu.memref_squeeze %dma_start3A_41 : memref<1x128xi32, #tpu.memory_space<vmem>> -> memref<128xi32, #tpu.memory_space<vmem>>
    %dma_start3A_43 = arith.constant 0 : i32
    %dma_start3A_44 = arith.constant 0 : i32
    %dma_start3A_45 = tpu.memref_slice %arg2[%dma_start3A_43, %dma_start3A_44] : memref<20000x128xbf16, #tpu.memory_space<hbm>> -> memref<20000x128xbf16, #tpu.memory_space<hbm>>
    tpu.enqueue_indirect_dma source(%dma_start3A_45 : memref<20000x128xbf16, #tpu.memory_space<hbm>>) target(%dma_start3A_39 : memref<128x128xbf16, #tpu.memory_space<vmem>>) offsets(%dma_start3A_42 : memref<128xi32, #tpu.memory_space<vmem>>) semaphore(%arg12 : memref<!tpu.dma_semaphore, #tpu.memory_space<semaphore_mem>>)
    %dma_start3A_46 = arith.constant 3 : i32
    %dma_start3A_47 = arith.constant 384 : i32
    %dma_start3A_48 = arith.constant 0 : i32
    %dma_start3A_49 = tpu.memref_slice %arg9[%dma_start3A_47, %dma_start3A_48] : memref<512x128xbf16, #tpu.memory_space<vmem>> -> memref<128x128xbf16, #tpu.memory_space<vmem>>
    %dma_start3A_50 = arith.constant 0 : i32
    %dma_start3A_51 = tpu.memref_slice %arg7[%dma_start3A_46, %dma_start3A_50] : memref<80x128xi32, #tpu.memory_space<vmem>> -> memref<1x128xi32, #tpu.memory_space<vmem>>
    %dma_start3A_52 = tpu.memref_squeeze %dma_start3A_51 : memref<1x128xi32, #tpu.memory_space<vmem>> -> memref<128xi32, #tpu.memory_space<vmem>>
    %dma_start3A_53 = arith.constant 0 : i32
    %dma_start3A_54 = arith.constant 0 : i32
    %dma_start3A_55 = tpu.memref_slice %arg2[%dma_start3A_53, %dma_start3A_54] : memref<20000x128xbf16, #tpu.memory_space<hbm>> -> memref<20000x128xbf16, #tpu.memory_space<hbm>>
    tpu.enqueue_indirect_dma source(%dma_start3A_55 : memref<20000x128xbf16, #tpu.memory_space<hbm>>) target(%dma_start3A_49 : memref<128x128xbf16, #tpu.memory_space<vmem>>) offsets(%dma_start3A_52 : memref<128xi32, #tpu.memory_space<vmem>>) semaphore(%arg12 : memref<!tpu.dma_semaphore, #tpu.memory_space<semaphore_mem>>)
    %scan3A = arith.constant 0 : i32
    %scan3A_56 = arith.constant 0 : i32
    %scan3A_57 = arith.constant 10 : i32
    %scan3A_58 = arith.addi %scan3A_56, %scan3A_57 : i32
    %scan3A_59 = arith.constant 1 : i32
    scf.for %scan3A_74 = %scan3A_56 to %scan3A_58 step %scan3A_59  : i32 {
      %mul3A_75 = arith.constant 2 : i32
      %mul3A_76 = arith.muli %mul3A_75, %scan3A_74 : i32
      %add3A_77 = arith.constant 1 : i32
      %add3A_78 = arith.addi %mul3A_76, %add3A_77 : i32
      %mul3A_79 = arith.constant 4 : i32
      %mul3A_80 = arith.muli %mul3A_79, %add3A_78 : i32
      %add3A_81 = arith.constant 0 : i32
      %add3A_82 = arith.addi %mul3A_80, %add3A_81 : i32
      %dma_start3A_83 = arith.constant 0 : i32
      %dma_start3A_84 = arith.constant 0 : i32
      %dma_start3A_85 = tpu.memref_slice %arg10[%dma_start3A_83, %dma_start3A_84] : memref<512x128xbf16, #tpu.memory_space<vmem>> -> memref<128x128xbf16, #tpu.memory_space<vmem>>
      %dma_start3A_86 = arith.constant 0 : i32
      %dma_start3A_87 = tpu.memref_slice %arg7[%add3A_82, %dma_start3A_86] : memref<80x128xi32, #tpu.memory_space<vmem>> -> memref<1x128xi32, #tpu.memory_space<vmem>>
      %dma_start3A_88 = tpu.memref_squeeze %dma_start3A_87 : memref<1x128xi32, #tpu.memory_space<vmem>> -> memref<128xi32, #tpu.memory_space<vmem>>
      %dma_start3A_89 = arith.constant 0 : i32
      %dma_start3A_90 = arith.constant 0 : i32
      %dma_start3A_91 = tpu.memref_slice %arg2[%dma_start3A_89, %dma_start3A_90] : memref<20000x128xbf16, #tpu.memory_space<hbm>> -> memref<20000x128xbf16, #tpu.memory_space<hbm>>
      tpu.enqueue_indirect_dma source(%dma_start3A_91 : memref<20000x128xbf16, #tpu.memory_space<hbm>>) target(%dma_start3A_85 : memref<128x128xbf16, #tpu.memory_space<vmem>>) offsets(%dma_start3A_88 : memref<128xi32, #tpu.memory_space<vmem>>) semaphore(%arg13 : memref<!tpu.dma_semaphore, #tpu.memory_space<semaphore_mem>>)
      %add3A_92 = arith.constant 1 : i32
      %add3A_93 = arith.addi %mul3A_80, %add3A_92 : i32
      %dma_start3A_94 = arith.constant 128 : i32
      %dma_start3A_95 = arith.constant 0 : i32
      %dma_start3A_96 = tpu.memref_slice %arg10[%dma_start3A_94, %dma_start3A_95] : memref<512x128xbf16, #tpu.memory_space<vmem>> -> memref<128x128xbf16, #tpu.memory_space<vmem>>
      %dma_start3A_97 = arith.constant 0 : i32
      %dma_start3A_98 = tpu.memref_slice %arg7[%add3A_93, %dma_start3A_97] : memref<80x128xi32, #tpu.memory_space<vmem>> -> memref<1x128xi32, #tpu.memory_space<vmem>>
      %dma_start3A_99 = tpu.memref_squeeze %dma_start3A_98 : memref<1x128xi32, #tpu.memory_space<vmem>> -> memref<128xi32, #tpu.memory_space<vmem>>
      %dma_start3A_100 = arith.constant 0 : i32
      %dma_start3A_101 = arith.constant 0 : i32
      %dma_start3A_102 = tpu.memref_slice %arg2[%dma_start3A_100, %dma_start3A_101] : memref<20000x128xbf16, #tpu.memory_space<hbm>> -> memref<20000x128xbf16, #tpu.memory_space<hbm>>
      tpu.enqueue_indirect_dma source(%dma_start3A_102 : memref<20000x128xbf16, #tpu.memory_space<hbm>>) target(%dma_start3A_96 : memref<128x128xbf16, #tpu.memory_space<vmem>>) offsets(%dma_start3A_99 : memref<128xi32, #tpu.memory_space<vmem>>) semaphore(%arg13 : memref<!tpu.dma_semaphore, #tpu.memory_space<semaphore_mem>>)
      %add3A_103 = arith.constant 2 : i32
      %add3A_104 = arith.addi %mul3A_80, %add3A_103 : i32
      %dma_start3A_105 = arith.constant 256 : i32
      %dma_start3A_106 = arith.constant 0 : i32
      %dma_start3A_107 = tpu.memref_slice %arg10[%dma_start3A_105, %dma_start3A_106] : memref<512x128xbf16, #tpu.memory_space<vmem>> -> memref<128x128xbf16, #tpu.memory_space<vmem>>
      %dma_start3A_108 = arith.constant 0 : i32
      %dma_start3A_109 = tpu.memref_slice %arg7[%add3A_104, %dma_start3A_108] : memref<80x128xi32, #tpu.memory_space<vmem>> -> memref<1x128xi32, #tpu.memory_space<vmem>>
      %dma_start3A_110 = tpu.memref_squeeze %dma_start3A_109 : memref<1x128xi32, #tpu.memory_space<vmem>> -> memref<128xi32, #tpu.memory_space<vmem>>
      %dma_start3A_111 = arith.constant 0 : i32
      %dma_start3A_112 = arith.constant 0 : i32
      %dma_start3A_113 = tpu.memref_slice %arg2[%dma_start3A_111, %dma_start3A_112] : memref<20000x128xbf16, #tpu.memory_space<hbm>> -> memref<20000x128xbf16, #tpu.memory_space<hbm>>
      tpu.enqueue_indirect_dma source(%dma_start3A_113 : memref<20000x128xbf16, #tpu.memory_space<hbm>>) target(%dma_start3A_107 : memref<128x128xbf16, #tpu.memory_space<vmem>>) offsets(%dma_start3A_110 : memref<128xi32, #tpu.memory_space<vmem>>) semaphore(%arg13 : memref<!tpu.dma_semaphore, #tpu.memory_space<semaphore_mem>>)
      %add3A_114 = arith.constant 3 : i32
      %add3A_115 = arith.addi %mul3A_80, %add3A_114 : i32
      %dma_start3A_116 = arith.constant 384 : i32
      %dma_start3A_117 = arith.constant 0 : i32
      %dma_start3A_118 = tpu.memref_slice %arg10[%dma_start3A_116, %dma_start3A_117] : memref<512x128xbf16, #tpu.memory_space<vmem>> -> memref<128x128xbf16, #tpu.memory_space<vmem>>
      %dma_start3A_119 = arith.constant 0 : i32
      %dma_start3A_120 = tpu.memref_slice %arg7[%add3A_115, %dma_start3A_119] : memref<80x128xi32, #tpu.memory_space<vmem>> -> memref<1x128xi32, #tpu.memory_space<vmem>>
      %dma_start3A_121 = tpu.memref_squeeze %dma_start3A_120 : memref<1x128xi32, #tpu.memory_space<vmem>> -> memref<128xi32, #tpu.memory_space<vmem>>
      %dma_start3A_122 = arith.constant 0 : i32
      %dma_start3A_123 = arith.constant 0 : i32
      %dma_start3A_124 = tpu.memref_slice %arg2[%dma_start3A_122, %dma_start3A_123] : memref<20000x128xbf16, #tpu.memory_space<hbm>> -> memref<20000x128xbf16, #tpu.memory_space<hbm>>
      tpu.enqueue_indirect_dma source(%dma_start3A_124 : memref<20000x128xbf16, #tpu.memory_space<hbm>>) target(%dma_start3A_118 : memref<128x128xbf16, #tpu.memory_space<vmem>>) offsets(%dma_start3A_121 : memref<128xi32, #tpu.memory_space<vmem>>) semaphore(%arg13 : memref<!tpu.dma_semaphore, #tpu.memory_space<semaphore_mem>>)
      %dma_wait3A = arith.constant 0 : i32
      %dma_wait3A_125 = arith.constant 0 : i32
      %dma_wait3A_126 = arith.constant 0 : i32
      %dma_wait3A_127 = tpu.memref_slice %arg9[%dma_wait3A_125, %dma_wait3A_126] : memref<512x128xbf16, #tpu.memory_space<vmem>> -> memref<128x128xbf16, #tpu.memory_space<vmem>>
      %dma_wait3A_128 = arith.constant 0 : i32
      %dma_wait3A_129 = tpu.memref_slice %arg7[%dma_wait3A, %dma_wait3A_128] : memref<80x128xi32, #tpu.memory_space<vmem>> -> memref<1x128xi32, #tpu.memory_space<vmem>>
      %dma_wait3A_130 = tpu.memref_squeeze %dma_wait3A_129 : memref<1x128xi32, #tpu.memory_space<vmem>> -> memref<128xi32, #tpu.memory_space<vmem>>
      %dma_wait3A_131 = arith.constant 0 : i32
      %dma_wait3A_132 = arith.constant 0 : i32
      %dma_wait3A_133 = tpu.memref_slice %arg2[%dma_wait3A_131, %dma_wait3A_132] : memref<20000x128xbf16, #tpu.memory_space<hbm>> -> memref<20000x128xbf16, #tpu.memory_space<hbm>>
      tpu.wait_indirect_dma semaphore(%arg12 : memref<!tpu.dma_semaphore, #tpu.memory_space<semaphore_mem>>) src(%dma_wait3A_133 : memref<20000x128xbf16, #tpu.memory_space<hbm>>) dst(%dma_wait3A_127 : memref<128x128xbf16, #tpu.memory_space<vmem>>)
      %dma_wait3A_134 = arith.constant 0 : i32
      %dma_wait3A_135 = arith.constant 128 : i32
      %dma_wait3A_136 = arith.constant 0 : i32
      %dma_wait3A_137 = tpu.memref_slice %arg9[%dma_wait3A_135, %dma_wait3A_136] : memref<512x128xbf16, #tpu.memory_space<vmem>> -> memref<128x128xbf16, #tpu.memory_space<vmem>>
      %dma_wait3A_138 = arith.constant 0 : i32
      %dma_wait3A_139 = tpu.memref_slice %arg7[%dma_wait3A_134, %dma_wait3A_138] : memref<80x128xi32, #tpu.memory_space<vmem>> -> memref<1x128xi32, #tpu.memory_space<vmem>>
      %dma_wait3A_140 = tpu.memref_squeeze %dma_wait3A_139 : memref<1x128xi32, #tpu.memory_space<vmem>> -> memref<128xi32, #tpu.memory_space<vmem>>
      %dma_wait3A_141 = arith.constant 0 : i32
      %dma_wait3A_142 = arith.constant 0 : i32
      %dma_wait3A_143 = tpu.memref_slice %arg2[%dma_wait3A_141, %dma_wait3A_142] : memref<20000x128xbf16, #tpu.memory_space<hbm>> -> memref<20000x128xbf16, #tpu.memory_space<hbm>>
      tpu.wait_indirect_dma semaphore(%arg12 : memref<!tpu.dma_semaphore, #tpu.memory_space<semaphore_mem>>) src(%dma_wait3A_143 : memref<20000x128xbf16, #tpu.memory_space<hbm>>) dst(%dma_wait3A_137 : memref<128x128xbf16, #tpu.memory_space<vmem>>)
      %dma_wait3A_144 = arith.constant 0 : i32
      %dma_wait3A_145 = arith.constant 256 : i32
      %dma_wait3A_146 = arith.constant 0 : i32
      %dma_wait3A_147 = tpu.memref_slice %arg9[%dma_wait3A_145, %dma_wait3A_146] : memref<512x128xbf16, #tpu.memory_space<vmem>> -> memref<128x128xbf16, #tpu.memory_space<vmem>>
      %dma_wait3A_148 = arith.constant 0 : i32
      %dma_wait3A_149 = tpu.memref_slice %arg7[%dma_wait3A_144, %dma_wait3A_148] : memref<80x128xi32, #tpu.memory_space<vmem>> -> memref<1x128xi32, #tpu.memory_space<vmem>>
      %dma_wait3A_150 = tpu.memref_squeeze %dma_wait3A_149 : memref<1x128xi32, #tpu.memory_space<vmem>> -> memref<128xi32, #tpu.memory_space<vmem>>
      %dma_wait3A_151 = arith.constant 0 : i32
      %dma_wait3A_152 = arith.constant 0 : i32
      %dma_wait3A_153 = tpu.memref_slice %arg2[%dma_wait3A_151, %dma_wait3A_152] : memref<20000x128xbf16, #tpu.memory_space<hbm>> -> memref<20000x128xbf16, #tpu.memory_space<hbm>>
      tpu.wait_indirect_dma semaphore(%arg12 : memref<!tpu.dma_semaphore, #tpu.memory_space<semaphore_mem>>) src(%dma_wait3A_153 : memref<20000x128xbf16, #tpu.memory_space<hbm>>) dst(%dma_wait3A_147 : memref<128x128xbf16, #tpu.memory_space<vmem>>)
      %dma_wait3A_154 = arith.constant 0 : i32
      %dma_wait3A_155 = arith.constant 384 : i32
      %dma_wait3A_156 = arith.constant 0 : i32
      %dma_wait3A_157 = tpu.memref_slice %arg9[%dma_wait3A_155, %dma_wait3A_156] : memref<512x128xbf16, #tpu.memory_space<vmem>> -> memref<128x128xbf16, #tpu.memory_space<vmem>>
      %dma_wait3A_158 = arith.constant 0 : i32
      %dma_wait3A_159 = tpu.memref_slice %arg7[%dma_wait3A_154, %dma_wait3A_158] : memref<80x128xi32, #tpu.memory_space<vmem>> -> memref<1x128xi32, #tpu.memory_space<vmem>>
      %dma_wait3A_160 = tpu.memref_squeeze %dma_wait3A_159 : memref<1x128xi32, #tpu.memory_space<vmem>> -> memref<128xi32, #tpu.memory_space<vmem>>
      %dma_wait3A_161 = arith.constant 0 : i32
      %dma_wait3A_162 = arith.constant 0 : i32
      %dma_wait3A_163 = tpu.memref_slice %arg2[%dma_wait3A_161, %dma_wait3A_162] : memref<20000x128xbf16, #tpu.memory_space<hbm>> -> memref<20000x128xbf16, #tpu.memory_space<hbm>>
      tpu.wait_indirect_dma semaphore(%arg12 : memref<!tpu.dma_semaphore, #tpu.memory_space<semaphore_mem>>) src(%dma_wait3A_163 : memref<20000x128xbf16, #tpu.memory_space<hbm>>) dst(%dma_wait3A_157 : memref<128x128xbf16, #tpu.memory_space<vmem>>)
      %mul3A_164 = arith.constant 2 : i32
      %mul3A_165 = arith.muli %mul3A_164, %scan3A_74 : i32
      %mul3A_166 = arith.constant 4 : i32
      %mul3A_167 = arith.muli %mul3A_166, %mul3A_165 : i32
      %add3A_168 = arith.constant 0 : i32
      %add3A_169 = arith.addi %mul3A_167, %add3A_168 : i32
      %dma_start3A_170 = arith.constant 0 : i32
      %dma_start3A_171 = arith.constant 0 : i32
      %dma_start3A_172 = tpu.memref_slice %arg9[%dma_start3A_170, %dma_start3A_171] : memref<512x128xbf16, #tpu.memory_space<vmem>> -> memref<128x128xbf16, #tpu.memory_space<vmem>>
      %dma_start3A_173 = arith.constant 0 : i32
      %dma_start3A_174 = tpu.memref_slice %arg8[%add3A_169, %dma_start3A_173] : memref<80x128xi32, #tpu.memory_space<vmem>> -> memref<1x128xi32, #tpu.memory_space<vmem>>
      %dma_start3A_175 = tpu.memref_squeeze %dma_start3A_174 : memref<1x128xi32, #tpu.memory_space<vmem>> -> memref<128xi32, #tpu.memory_space<vmem>>
      %dma_start3A_176 = arith.constant 0 : i32
      %dma_start3A_177 = arith.constant 0 : i32
      %dma_start3A_178 = tpu.memref_slice %arg11[%dma_start3A_176, %dma_start3A_177] : memref<10128x128xbf16, #tpu.memory_space<vmem_shared>> -> memref<10128x128xbf16, #tpu.memory_space<vmem_shared>>
      tpu.enqueue_indirect_dma source(%dma_start3A_172 : memref<128x128xbf16, #tpu.memory_space<vmem>>) target(%dma_start3A_178 : memref<10128x128xbf16, #tpu.memory_space<vmem_shared>>) offsets(%dma_start3A_175 : memref<128xi32, #tpu.memory_space<vmem>>) semaphore(%arg14 : memref<!tpu.dma_semaphore, #tpu.memory_space<semaphore_mem>>) {add = true}
      %add3A_179 = arith.constant 1 : i32
      %add3A_180 = arith.addi %mul3A_167, %add3A_179 : i32
      %dma_start3A_181 = arith.constant 128 : i32
      %dma_start3A_182 = arith.constant 0 : i32
      %dma_start3A_183 = tpu.memref_slice %arg9[%dma_start3A_181, %dma_start3A_182] : memref<512x128xbf16, #tpu.memory_space<vmem>> -> memref<128x128xbf16, #tpu.memory_space<vmem>>
      %dma_start3A_184 = arith.constant 0 : i32
      %dma_start3A_185 = tpu.memref_slice %arg8[%add3A_180, %dma_start3A_184] : memref<80x128xi32, #tpu.memory_space<vmem>> -> memref<1x128xi32, #tpu.memory_space<vmem>>
      %dma_start3A_186 = tpu.memref_squeeze %dma_start3A_185 : memref<1x128xi32, #tpu.memory_space<vmem>> -> memref<128xi32, #tpu.memory_space<vmem>>
      %dma_start3A_187 = arith.constant 0 : i32
      %dma_start3A_188 = arith.constant 0 : i32
      %dma_start3A_189 = tpu.memref_slice %arg11[%dma_start3A_187, %dma_start3A_188] : memref<10128x128xbf16, #tpu.memory_space<vmem_shared>> -> memref<10128x128xbf16, #tpu.memory_space<vmem_shared>>
      tpu.enqueue_indirect_dma source(%dma_start3A_183 : memref<128x128xbf16, #tpu.memory_space<vmem>>) target(%dma_start3A_189 : memref<10128x128xbf16, #tpu.memory_space<vmem_shared>>) offsets(%dma_start3A_186 : memref<128xi32, #tpu.memory_space<vmem>>) semaphore(%arg14 : memref<!tpu.dma_semaphore, #tpu.memory_space<semaphore_mem>>) {add = true}
      %add3A_190 = arith.constant 2 : i32
      %add3A_191 = arith.addi %mul3A_167, %add3A_190 : i32
      %dma_start3A_192 = arith.constant 256 : i32
      %dma_start3A_193 = arith.constant 0 : i32
      %dma_start3A_194 = tpu.memref_slice %arg9[%dma_start3A_192, %dma_start3A_193] : memref<512x128xbf16, #tpu.memory_space<vmem>> -> memref<128x128xbf16, #tpu.memory_space<vmem>>
      %dma_start3A_195 = arith.constant 0 : i32
      %dma_start3A_196 = tpu.memref_slice %arg8[%add3A_191, %dma_start3A_195] : memref<80x128xi32, #tpu.memory_space<vmem>> -> memref<1x128xi32, #tpu.memory_space<vmem>>
      %dma_start3A_197 = tpu.memref_squeeze %dma_start3A_196 : memref<1x128xi32, #tpu.memory_space<vmem>> -> memref<128xi32, #tpu.memory_space<vmem>>
      %dma_start3A_198 = arith.constant 0 : i32
      %dma_start3A_199 = arith.constant 0 : i32
      %dma_start3A_200 = tpu.memref_slice %arg11[%dma_start3A_198, %dma_start3A_199] : memref<10128x128xbf16, #tpu.memory_space<vmem_shared>> -> memref<10128x128xbf16, #tpu.memory_space<vmem_shared>>
      tpu.enqueue_indirect_dma source(%dma_start3A_194 : memref<128x128xbf16, #tpu.memory_space<vmem>>) target(%dma_start3A_200 : memref<10128x128xbf16, #tpu.memory_space<vmem_shared>>) offsets(%dma_start3A_197 : memref<128xi32, #tpu.memory_space<vmem>>) semaphore(%arg14 : memref<!tpu.dma_semaphore, #tpu.memory_space<semaphore_mem>>) {add = true}
      %add3A_201 = arith.constant 3 : i32
      %add3A_202 = arith.addi %mul3A_167, %add3A_201 : i32
      %dma_start3A_203 = arith.constant 384 : i32
      %dma_start3A_204 = arith.constant 0 : i32
      %dma_start3A_205 = tpu.memref_slice %arg9[%dma_start3A_203, %dma_start3A_204] : memref<512x128xbf16, #tpu.memory_space<vmem>> -> memref<128x128xbf16, #tpu.memory_space<vmem>>
      %dma_start3A_206 = arith.constant 0 : i32
      %dma_start3A_207 = tpu.memref_slice %arg8[%add3A_202, %dma_start3A_206] : memref<80x128xi32, #tpu.memory_space<vmem>> -> memref<1x128xi32, #tpu.memory_space<vmem>>
      %dma_start3A_208 = tpu.memref_squeeze %dma_start3A_207 : memref<1x128xi32, #tpu.memory_space<vmem>> -> memref<128xi32, #tpu.memory_space<vmem>>
      %dma_start3A_209 = arith.constant 0 : i32
      %dma_start3A_210 = arith.constant 0 : i32
      %dma_start3A_211 = tpu.memref_slice %arg11[%dma_start3A_209, %dma_start3A_210] : memref<10128x128xbf16, #tpu.memory_space<vmem_shared>> -> memref<10128x128xbf16, #tpu.memory_space<vmem_shared>>
      tpu.enqueue_indirect_dma source(%dma_start3A_205 : memref<128x128xbf16, #tpu.memory_space<vmem>>) target(%dma_start3A_211 : memref<10128x128xbf16, #tpu.memory_space<vmem_shared>>) offsets(%dma_start3A_208 : memref<128xi32, #tpu.memory_space<vmem>>) semaphore(%arg14 : memref<!tpu.dma_semaphore, #tpu.memory_space<semaphore_mem>>) {add = true}
      %dma_wait3A_212 = arith.constant 0 : i32
      %dma_wait3A_213 = arith.constant 0 : i32
      %dma_wait3A_214 = tpu.memref_slice %arg9[%dma_wait3A_212, %dma_wait3A_213] : memref<512x128xbf16, #tpu.memory_space<vmem>> -> memref<128x128xbf16, #tpu.memory_space<vmem>>
      %dma_wait3A_215 = arith.constant 0 : i32
      %dma_wait3A_216 = tpu.memref_slice %arg8[%add3A_169, %dma_wait3A_215] : memref<80x128xi32, #tpu.memory_space<vmem>> -> memref<1x128xi32, #tpu.memory_space<vmem>>
      %dma_wait3A_217 = tpu.memref_squeeze %dma_wait3A_216 : memref<1x128xi32, #tpu.memory_space<vmem>> -> memref<128xi32, #tpu.memory_space<vmem>>
      %dma_wait3A_218 = arith.constant 0 : i32
      %dma_wait3A_219 = arith.constant 0 : i32
      %dma_wait3A_220 = tpu.memref_slice %arg11[%dma_wait3A_218, %dma_wait3A_219] : memref<10128x128xbf16, #tpu.memory_space<vmem_shared>> -> memref<10128x128xbf16, #tpu.memory_space<vmem_shared>>
      tpu.wait_indirect_dma semaphore(%arg14 : memref<!tpu.dma_semaphore, #tpu.memory_space<semaphore_mem>>) src(%dma_wait3A_214 : memref<128x128xbf16, #tpu.memory_space<vmem>>) dst(%dma_wait3A_220 : memref<10128x128xbf16, #tpu.memory_space<vmem_shared>>)
      %dma_wait3A_221 = arith.constant 128 : i32
      %dma_wait3A_222 = arith.constant 0 : i32
      %dma_wait3A_223 = tpu.memref_slice %arg9[%dma_wait3A_221, %dma_wait3A_222] : memref<512x128xbf16, #tpu.memory_space<vmem>> -> memref<128x128xbf16, #tpu.memory_space<vmem>>
      %dma_wait3A_224 = arith.constant 0 : i32
      %dma_wait3A_225 = tpu.memref_slice %arg8[%add3A_180, %dma_wait3A_224] : memref<80x128xi32, #tpu.memory_space<vmem>> -> memref<1x128xi32, #tpu.memory_space<vmem>>
      %dma_wait3A_226 = tpu.memref_squeeze %dma_wait3A_225 : memref<1x128xi32, #tpu.memory_space<vmem>> -> memref<128xi32, #tpu.memory_space<vmem>>
      %dma_wait3A_227 = arith.constant 0 : i32
      %dma_wait3A_228 = arith.constant 0 : i32
      %dma_wait3A_229 = tpu.memref_slice %arg11[%dma_wait3A_227, %dma_wait3A_228] : memref<10128x128xbf16, #tpu.memory_space<vmem_shared>> -> memref<10128x128xbf16, #tpu.memory_space<vmem_shared>>
      tpu.wait_indirect_dma semaphore(%arg14 : memref<!tpu.dma_semaphore, #tpu.memory_space<semaphore_mem>>) src(%dma_wait3A_223 : memref<128x128xbf16, #tpu.memory_space<vmem>>) dst(%dma_wait3A_229 : memref<10128x128xbf16, #tpu.memory_space<vmem_shared>>)
      %dma_wait3A_230 = arith.constant 256 : i32
      %dma_wait3A_231 = arith.constant 0 : i32
      %dma_wait3A_232 = tpu.memref_slice %arg9[%dma_wait3A_230, %dma_wait3A_231] : memref<512x128xbf16, #tpu.memory_space<vmem>> -> memref<128x128xbf16, #tpu.memory_space<vmem>>
      %dma_wait3A_233 = arith.constant 0 : i32
      %dma_wait3A_234 = tpu.memref_slice %arg8[%add3A_191, %dma_wait3A_233] : memref<80x128xi32, #tpu.memory_space<vmem>> -> memref<1x128xi32, #tpu.memory_space<vmem>>
      %dma_wait3A_235 = tpu.memref_squeeze %dma_wait3A_234 : memref<1x128xi32, #tpu.memory_space<vmem>> -> memref<128xi32, #tpu.memory_space<vmem>>
      %dma_wait3A_236 = arith.constant 0 : i32
      %dma_wait3A_237 = arith.constant 0 : i32
      %dma_wait3A_238 = tpu.memref_slice %arg11[%dma_wait3A_236, %dma_wait3A_237] : memref<10128x128xbf16, #tpu.memory_space<vmem_shared>> -> memref<10128x128xbf16, #tpu.memory_space<vmem_shared>>
      tpu.wait_indirect_dma semaphore(%arg14 : memref<!tpu.dma_semaphore, #tpu.memory_space<semaphore_mem>>) src(%dma_wait3A_232 : memref<128x128xbf16, #tpu.memory_space<vmem>>) dst(%dma_wait3A_238 : memref<10128x128xbf16, #tpu.memory_space<vmem_shared>>)
      %dma_wait3A_239 = arith.constant 384 : i32
      %dma_wait3A_240 = arith.constant 0 : i32
      %dma_wait3A_241 = tpu.memref_slice %arg9[%dma_wait3A_239, %dma_wait3A_240] : memref<512x128xbf16, #tpu.memory_space<vmem>> -> memref<128x128xbf16, #tpu.memory_space<vmem>>
      %dma_wait3A_242 = arith.constant 0 : i32
      %dma_wait3A_243 = tpu.memref_slice %arg8[%add3A_202, %dma_wait3A_242] : memref<80x128xi32, #tpu.memory_space<vmem>> -> memref<1x128xi32, #tpu.memory_space<vmem>>
      %dma_wait3A_244 = tpu.memref_squeeze %dma_wait3A_243 : memref<1x128xi32, #tpu.memory_space<vmem>> -> memref<128xi32, #tpu.memory_space<vmem>>
      %dma_wait3A_245 = arith.constant 0 : i32
      %dma_wait3A_246 = arith.constant 0 : i32
      %dma_wait3A_247 = tpu.memref_slice %arg11[%dma_wait3A_245, %dma_wait3A_246] : memref<10128x128xbf16, #tpu.memory_space<vmem_shared>> -> memref<10128x128xbf16, #tpu.memory_space<vmem_shared>>
      tpu.wait_indirect_dma semaphore(%arg14 : memref<!tpu.dma_semaphore, #tpu.memory_space<semaphore_mem>>) src(%dma_wait3A_241 : memref<128x128xbf16, #tpu.memory_space<vmem>>) dst(%dma_wait3A_247 : memref<10128x128xbf16, #tpu.memory_space<vmem_shared>>)
      %lt3A = arith.constant 9 : i32
      %lt3A_248 = arith.cmpi slt, %scan3A_74, %lt3A : i32
      %convert_element_type3A_249 = arith.extui %lt3A_248 : i1 to i32
      %cond3A_250 = arith.constant 0 : i32
      %cond3A_251 = arith.cmpi ne, %convert_element_type3A_249, %cond3A_250 : i32
      scf.if %cond3A_251 {
        %mul3A_378 = arith.constant 2 : i32
        %mul3A_379 = arith.muli %mul3A_378, %scan3A_74 : i32
        %add3A_380 = arith.constant 2 : i32
        %add3A_381 = arith.addi %mul3A_379, %add3A_380 : i32
        %mul3A_382 = arith.constant 4 : i32
        %mul3A_383 = arith.muli %mul3A_382, %add3A_381 : i32
        %add3A_384 = arith.constant 0 : i32
        %add3A_385 = arith.addi %mul3A_383, %add3A_384 : i32
        %dma_start3A_386 = arith.constant 0 : i32
        %dma_start3A_387 = arith.constant 0 : i32
        %dma_start3A_388 = tpu.memref_slice %arg9[%dma_start3A_386, %dma_start3A_387] : memref<512x128xbf16, #tpu.memory_space<vmem>> -> memref<128x128xbf16, #tpu.memory_space<vmem>>
        %dma_start3A_389 = arith.constant 0 : i32
        %dma_start3A_390 = tpu.memref_slice %arg7[%add3A_385, %dma_start3A_389] : memref<80x128xi32, #tpu.memory_space<vmem>> -> memref<1x128xi32, #tpu.memory_space<vmem>>
        %dma_start3A_391 = tpu.memref_squeeze %dma_start3A_390 : memref<1x128xi32, #tpu.memory_space<vmem>> -> memref<128xi32, #tpu.memory_space<vmem>>
        %dma_start3A_392 = arith.constant 0 : i32
        %dma_start3A_393 = arith.constant 0 : i32
        %dma_start3A_394 = tpu.memref_slice %arg2[%dma_start3A_392, %dma_start3A_393] : memref<20000x128xbf16, #tpu.memory_space<hbm>> -> memref<20000x128xbf16, #tpu.memory_space<hbm>>
        tpu.enqueue_indirect_dma source(%dma_start3A_394 : memref<20000x128xbf16, #tpu.memory_space<hbm>>) target(%dma_start3A_388 : memref<128x128xbf16, #tpu.memory_space<vmem>>) offsets(%dma_start3A_391 : memref<128xi32, #tpu.memory_space<vmem>>) semaphore(%arg12 : memref<!tpu.dma_semaphore, #tpu.memory_space<semaphore_mem>>)
        %add3A_395 = arith.constant 1 : i32
        %add3A_396 = arith.addi %mul3A_383, %add3A_395 : i32
        %dma_start3A_397 = arith.constant 128 : i32
        %dma_start3A_398 = arith.constant 0 : i32
        %dma_start3A_399 = tpu.memref_slice %arg9[%dma_start3A_397, %dma_start3A_398] : memref<512x128xbf16, #tpu.memory_space<vmem>> -> memref<128x128xbf16, #tpu.memory_space<vmem>>
        %dma_start3A_400 = arith.constant 0 : i32
        %dma_start3A_401 = tpu.memref_slice %arg7[%add3A_396, %dma_start3A_400] : memref<80x128xi32, #tpu.memory_space<vmem>> -> memref<1x128xi32, #tpu.memory_space<vmem>>
        %dma_start3A_402 = tpu.memref_squeeze %dma_start3A_401 : memref<1x128xi32, #tpu.memory_space<vmem>> -> memref<128xi32, #tpu.memory_space<vmem>>
        %dma_start3A_403 = arith.constant 0 : i32
        %dma_start3A_404 = arith.constant 0 : i32
        %dma_start3A_405 = tpu.memref_slice %arg2[%dma_start3A_403, %dma_start3A_404] : memref<20000x128xbf16, #tpu.memory_space<hbm>> -> memref<20000x128xbf16, #tpu.memory_space<hbm>>
        tpu.enqueue_indirect_dma source(%dma_start3A_405 : memref<20000x128xbf16, #tpu.memory_space<hbm>>) target(%dma_start3A_399 : memref<128x128xbf16, #tpu.memory_space<vmem>>) offsets(%dma_start3A_402 : memref<128xi32, #tpu.memory_space<vmem>>) semaphore(%arg12 : memref<!tpu.dma_semaphore, #tpu.memory_space<semaphore_mem>>)
        %add3A_406 = arith.constant 2 : i32
        %add3A_407 = arith.addi %mul3A_383, %add3A_406 : i32
        %dma_start3A_408 = arith.constant 256 : i32
        %dma_start3A_409 = arith.constant 0 : i32
        %dma_start3A_410 = tpu.memref_slice %arg9[%dma_start3A_408, %dma_start3A_409] : memref<512x128xbf16, #tpu.memory_space<vmem>> -> memref<128x128xbf16, #tpu.memory_space<vmem>>
        %dma_start3A_411 = arith.constant 0 : i32
        %dma_start3A_412 = tpu.memref_slice %arg7[%add3A_407, %dma_start3A_411] : memref<80x128xi32, #tpu.memory_space<vmem>> -> memref<1x128xi32, #tpu.memory_space<vmem>>
        %dma_start3A_413 = tpu.memref_squeeze %dma_start3A_412 : memref<1x128xi32, #tpu.memory_space<vmem>> -> memref<128xi32, #tpu.memory_space<vmem>>
        %dma_start3A_414 = arith.constant 0 : i32
        %dma_start3A_415 = arith.constant 0 : i32
        %dma_start3A_416 = tpu.memref_slice %arg2[%dma_start3A_414, %dma_start3A_415] : memref<20000x128xbf16, #tpu.memory_space<hbm>> -> memref<20000x128xbf16, #tpu.memory_space<hbm>>
        tpu.enqueue_indirect_dma source(%dma_start3A_416 : memref<20000x128xbf16, #tpu.memory_space<hbm>>) target(%dma_start3A_410 : memref<128x128xbf16, #tpu.memory_space<vmem>>) offsets(%dma_start3A_413 : memref<128xi32, #tpu.memory_space<vmem>>) semaphore(%arg12 : memref<!tpu.dma_semaphore, #tpu.memory_space<semaphore_mem>>)
        %add3A_417 = arith.constant 3 : i32
        %add3A_418 = arith.addi %mul3A_383, %add3A_417 : i32
        %dma_start3A_419 = arith.constant 384 : i32
        %dma_start3A_420 = arith.constant 0 : i32
        %dma_start3A_421 = tpu.memref_slice %arg9[%dma_start3A_419, %dma_start3A_420] : memref<512x128xbf16, #tpu.memory_space<vmem>> -> memref<128x128xbf16, #tpu.memory_space<vmem>>
        %dma_start3A_422 = arith.constant 0 : i32
        %dma_start3A_423 = tpu.memref_slice %arg7[%add3A_418, %dma_start3A_422] : memref<80x128xi32, #tpu.memory_space<vmem>> -> memref<1x128xi32, #tpu.memory_space<vmem>>
        %dma_start3A_424 = tpu.memref_squeeze %dma_start3A_423 : memref<1x128xi32, #tpu.memory_space<vmem>> -> memref<128xi32, #tpu.memory_space<vmem>>
        %dma_start3A_425 = arith.constant 0 : i32
        %dma_start3A_426 = arith.constant 0 : i32
        %dma_start3A_427 = tpu.memref_slice %arg2[%dma_start3A_425, %dma_start3A_426] : memref<20000x128xbf16, #tpu.memory_space<hbm>> -> memref<20000x128xbf16, #tpu.memory_space<hbm>>
        tpu.enqueue_indirect_dma source(%dma_start3A_427 : memref<20000x128xbf16, #tpu.memory_space<hbm>>) target(%dma_start3A_421 : memref<128x128xbf16, #tpu.memory_space<vmem>>) offsets(%dma_start3A_424 : memref<128xi32, #tpu.memory_space<vmem>>) semaphore(%arg12 : memref<!tpu.dma_semaphore, #tpu.memory_space<semaphore_mem>>)
      } else {
      }
      %dma_wait3A_252 = arith.constant 0 : i32
      %dma_wait3A_253 = arith.constant 0 : i32
      %dma_wait3A_254 = arith.constant 0 : i32
      %dma_wait3A_255 = tpu.memref_slice %arg10[%dma_wait3A_253, %dma_wait3A_254] : memref<512x128xbf16, #tpu.memory_space<vmem>> -> memref<128x128xbf16, #tpu.memory_space<vmem>>
      %dma_wait3A_256 = arith.constant 0 : i32
      %dma_wait3A_257 = tpu.memref_slice %arg7[%dma_wait3A_252, %dma_wait3A_256] : memref<80x128xi32, #tpu.memory_space<vmem>> -> memref<1x128xi32, #tpu.memory_space<vmem>>
      %dma_wait3A_258 = tpu.memref_squeeze %dma_wait3A_257 : memref<1x128xi32, #tpu.memory_space<vmem>> -> memref<128xi32, #tpu.memory_space<vmem>>
      %dma_wait3A_259 = arith.constant 0 : i32
      %dma_wait3A_260 = arith.constant 0 : i32
      %dma_wait3A_261 = tpu.memref_slice %arg2[%dma_wait3A_259, %dma_wait3A_260] : memref<20000x128xbf16, #tpu.memory_space<hbm>> -> memref<20000x128xbf16, #tpu.memory_space<hbm>>
      tpu.wait_indirect_dma semaphore(%arg13 : memref<!tpu.dma_semaphore, #tpu.memory_space<semaphore_mem>>) src(%dma_wait3A_261 : memref<20000x128xbf16, #tpu.memory_space<hbm>>) dst(%dma_wait3A_255 : memref<128x128xbf16, #tpu.memory_space<vmem>>)
      %dma_wait3A_262 = arith.constant 0 : i32
      %dma_wait3A_263 = arith.constant 128 : i32
      %dma_wait3A_264 = arith.constant 0 : i32
      %dma_wait3A_265 = tpu.memref_slice %arg10[%dma_wait3A_263, %dma_wait3A_264] : memref<512x128xbf16, #tpu.memory_space<vmem>> -> memref<128x128xbf16, #tpu.memory_space<vmem>>
      %dma_wait3A_266 = arith.constant 0 : i32
      %dma_wait3A_267 = tpu.memref_slice %arg7[%dma_wait3A_262, %dma_wait3A_266] : memref<80x128xi32, #tpu.memory_space<vmem>> -> memref<1x128xi32, #tpu.memory_space<vmem>>
      %dma_wait3A_268 = tpu.memref_squeeze %dma_wait3A_267 : memref<1x128xi32, #tpu.memory_space<vmem>> -> memref<128xi32, #tpu.memory_space<vmem>>
      %dma_wait3A_269 = arith.constant 0 : i32
      %dma_wait3A_270 = arith.constant 0 : i32
      %dma_wait3A_271 = tpu.memref_slice %arg2[%dma_wait3A_269, %dma_wait3A_270] : memref<20000x128xbf16, #tpu.memory_space<hbm>> -> memref<20000x128xbf16, #tpu.memory_space<hbm>>
      tpu.wait_indirect_dma semaphore(%arg13 : memref<!tpu.dma_semaphore, #tpu.memory_space<semaphore_mem>>) src(%dma_wait3A_271 : memref<20000x128xbf16, #tpu.memory_space<hbm>>) dst(%dma_wait3A_265 : memref<128x128xbf16, #tpu.memory_space<vmem>>)
      %dma_wait3A_272 = arith.constant 0 : i32
      %dma_wait3A_273 = arith.constant 256 : i32
      %dma_wait3A_274 = arith.constant 0 : i32
      %dma_wait3A_275 = tpu.memref_slice %arg10[%dma_wait3A_273, %dma_wait3A_274] : memref<512x128xbf16, #tpu.memory_space<vmem>> -> memref<128x128xbf16, #tpu.memory_space<vmem>>
      %dma_wait3A_276 = arith.constant 0 : i32
      %dma_wait3A_277 = tpu.memref_slice %arg7[%dma_wait3A_272, %dma_wait3A_276] : memref<80x128xi32, #tpu.memory_space<vmem>> -> memref<1x128xi32, #tpu.memory_space<vmem>>
      %dma_wait3A_278 = tpu.memref_squeeze %dma_wait3A_277 : memref<1x128xi32, #tpu.memory_space<vmem>> -> memref<128xi32, #tpu.memory_space<vmem>>
      %dma_wait3A_279 = arith.constant 0 : i32
      %dma_wait3A_280 = arith.constant 0 : i32
      %dma_wait3A_281 = tpu.memref_slice %arg2[%dma_wait3A_279, %dma_wait3A_280] : memref<20000x128xbf16, #tpu.memory_space<hbm>> -> memref<20000x128xbf16, #tpu.memory_space<hbm>>
      tpu.wait_indirect_dma semaphore(%arg13 : memref<!tpu.dma_semaphore, #tpu.memory_space<semaphore_mem>>) src(%dma_wait3A_281 : memref<20000x128xbf16, #tpu.memory_space<hbm>>) dst(%dma_wait3A_275 : memref<128x128xbf16, #tpu.memory_space<vmem>>)
      %dma_wait3A_282 = arith.constant 0 : i32
      %dma_wait3A_283 = arith.constant 384 : i32
      %dma_wait3A_284 = arith.constant 0 : i32
      %dma_wait3A_285 = tpu.memref_slice %arg10[%dma_wait3A_283, %dma_wait3A_284] : memref<512x128xbf16, #tpu.memory_space<vmem>> -> memref<128x128xbf16, #tpu.memory_space<vmem>>
      %dma_wait3A_286 = arith.constant 0 : i32
      %dma_wait3A_287 = tpu.memref_slice %arg7[%dma_wait3A_282, %dma_wait3A_286] : memref<80x128xi32, #tpu.memory_space<vmem>> -> memref<1x128xi32, #tpu.memory_space<vmem>>
      %dma_wait3A_288 = tpu.memref_squeeze %dma_wait3A_287 : memref<1x128xi32, #tpu.memory_space<vmem>> -> memref<128xi32, #tpu.memory_space<vmem>>
      %dma_wait3A_289 = arith.constant 0 : i32
      %dma_wait3A_290 = arith.constant 0 : i32
      %dma_wait3A_291 = tpu.memref_slice %arg2[%dma_wait3A_289, %dma_wait3A_290] : memref<20000x128xbf16, #tpu.memory_space<hbm>> -> memref<20000x128xbf16, #tpu.memory_space<hbm>>
      tpu.wait_indirect_dma semaphore(%arg13 : memref<!tpu.dma_semaphore, #tpu.memory_space<semaphore_mem>>) src(%dma_wait3A_291 : memref<20000x128xbf16, #tpu.memory_space<hbm>>) dst(%dma_wait3A_285 : memref<128x128xbf16, #tpu.memory_space<vmem>>)
      %mul3A_292 = arith.constant 2 : i32
      %mul3A_293 = arith.muli %mul3A_292, %scan3A_74 : i32
      %add3A_294 = arith.constant 1 : i32
      %add3A_295 = arith.addi %mul3A_293, %add3A_294 : i32
      %mul3A_296 = arith.constant 4 : i32
      %mul3A_297 = arith.muli %mul3A_296, %add3A_295 : i32
      %add3A_298 = arith.constant 0 : i32
      %add3A_299 = arith.addi %mul3A_297, %add3A_298 : i32
      %dma_start3A_300 = arith.constant 0 : i32
      %dma_start3A_301 = arith.constant 0 : i32
      %dma_start3A_302 = tpu.memref_slice %arg10[%dma_start3A_300, %dma_start3A_301] : memref<512x128xbf16, #tpu.memory_space<vmem>> -> memref<128x128xbf16, #tpu.memory_space<vmem>>
      %dma_start3A_303 = arith.constant 0 : i32
      %dma_start3A_304 = tpu.memref_slice %arg8[%add3A_299, %dma_start3A_303] : memref<80x128xi32, #tpu.memory_space<vmem>> -> memref<1x128xi32, #tpu.memory_space<vmem>>
      %dma_start3A_305 = tpu.memref_squeeze %dma_start3A_304 : memref<1x128xi32, #tpu.memory_space<vmem>> -> memref<128xi32, #tpu.memory_space<vmem>>
      %dma_start3A_306 = arith.constant 0 : i32
      %dma_start3A_307 = arith.constant 0 : i32
      %dma_start3A_308 = tpu.memref_slice %arg11[%dma_start3A_306, %dma_start3A_307] : memref<10128x128xbf16, #tpu.memory_space<vmem_shared>> -> memref<10128x128xbf16, #tpu.memory_space<vmem_shared>>
      tpu.enqueue_indirect_dma source(%dma_start3A_302 : memref<128x128xbf16, #tpu.memory_space<vmem>>) target(%dma_start3A_308 : memref<10128x128xbf16, #tpu.memory_space<vmem_shared>>) offsets(%dma_start3A_305 : memref<128xi32, #tpu.memory_space<vmem>>) semaphore(%arg15 : memref<!tpu.dma_semaphore, #tpu.memory_space<semaphore_mem>>) {add = true}
      %add3A_309 = arith.constant 1 : i32
      %add3A_310 = arith.addi %mul3A_297, %add3A_309 : i32
      %dma_start3A_311 = arith.constant 128 : i32
      %dma_start3A_312 = arith.constant 0 : i32
      %dma_start3A_313 = tpu.memref_slice %arg10[%dma_start3A_311, %dma_start3A_312] : memref<512x128xbf16, #tpu.memory_space<vmem>> -> memref<128x128xbf16, #tpu.memory_space<vmem>>
      %dma_start3A_314 = arith.constant 0 : i32
      %dma_start3A_315 = tpu.memref_slice %arg8[%add3A_310, %dma_start3A_314] : memref<80x128xi32, #tpu.memory_space<vmem>> -> memref<1x128xi32, #tpu.memory_space<vmem>>
      %dma_start3A_316 = tpu.memref_squeeze %dma_start3A_315 : memref<1x128xi32, #tpu.memory_space<vmem>> -> memref<128xi32, #tpu.memory_space<vmem>>
      %dma_start3A_317 = arith.constant 0 : i32
      %dma_start3A_318 = arith.constant 0 : i32
      %dma_start3A_319 = tpu.memref_slice %arg11[%dma_start3A_317, %dma_start3A_318] : memref<10128x128xbf16, #tpu.memory_space<vmem_shared>> -> memref<10128x128xbf16, #tpu.memory_space<vmem_shared>>
      tpu.enqueue_indirect_dma source(%dma_start3A_313 : memref<128x128xbf16, #tpu.memory_space<vmem>>) target(%dma_start3A_319 : memref<10128x128xbf16, #tpu.memory_space<vmem_shared>>) offsets(%dma_start3A_316 : memref<128xi32, #tpu.memory_space<vmem>>) semaphore(%arg15 : memref<!tpu.dma_semaphore, #tpu.memory_space<semaphore_mem>>) {add = true}
      %add3A_320 = arith.constant 2 : i32
      %add3A_321 = arith.addi %mul3A_297, %add3A_320 : i32
      %dma_start3A_322 = arith.constant 256 : i32
      %dma_start3A_323 = arith.constant 0 : i32
      %dma_start3A_324 = tpu.memref_slice %arg10[%dma_start3A_322, %dma_start3A_323] : memref<512x128xbf16, #tpu.memory_space<vmem>> -> memref<128x128xbf16, #tpu.memory_space<vmem>>
      %dma_start3A_325 = arith.constant 0 : i32
      %dma_start3A_326 = tpu.memref_slice %arg8[%add3A_321, %dma_start3A_325] : memref<80x128xi32, #tpu.memory_space<vmem>> -> memref<1x128xi32, #tpu.memory_space<vmem>>
      %dma_start3A_327 = tpu.memref_squeeze %dma_start3A_326 : memref<1x128xi32, #tpu.memory_space<vmem>> -> memref<128xi32, #tpu.memory_space<vmem>>
      %dma_start3A_328 = arith.constant 0 : i32
      %dma_start3A_329 = arith.constant 0 : i32
      %dma_start3A_330 = tpu.memref_slice %arg11[%dma_start3A_328, %dma_start3A_329] : memref<10128x128xbf16, #tpu.memory_space<vmem_shared>> -> memref<10128x128xbf16, #tpu.memory_space<vmem_shared>>
      tpu.enqueue_indirect_dma source(%dma_start3A_324 : memref<128x128xbf16, #tpu.memory_space<vmem>>) target(%dma_start3A_330 : memref<10128x128xbf16, #tpu.memory_space<vmem_shared>>) offsets(%dma_start3A_327 : memref<128xi32, #tpu.memory_space<vmem>>) semaphore(%arg15 : memref<!tpu.dma_semaphore, #tpu.memory_space<semaphore_mem>>) {add = true}
      %add3A_331 = arith.constant 3 : i32
      %add3A_332 = arith.addi %mul3A_297, %add3A_331 : i32
      %dma_start3A_333 = arith.constant 384 : i32
      %dma_start3A_334 = arith.constant 0 : i32
      %dma_start3A_335 = tpu.memref_slice %arg10[%dma_start3A_333, %dma_start3A_334] : memref<512x128xbf16, #tpu.memory_space<vmem>> -> memref<128x128xbf16, #tpu.memory_space<vmem>>
      %dma_start3A_336 = arith.constant 0 : i32
      %dma_start3A_337 = tpu.memref_slice %arg8[%add3A_332, %dma_start3A_336] : memref<80x128xi32, #tpu.memory_space<vmem>> -> memref<1x128xi32, #tpu.memory_space<vmem>>
      %dma_start3A_338 = tpu.memref_squeeze %dma_start3A_337 : memref<1x128xi32, #tpu.memory_space<vmem>> -> memref<128xi32, #tpu.memory_space<vmem>>
      %dma_start3A_339 = arith.constant 0 : i32
      %dma_start3A_340 = arith.constant 0 : i32
      %dma_start3A_341 = tpu.memref_slice %arg11[%dma_start3A_339, %dma_start3A_340] : memref<10128x128xbf16, #tpu.memory_space<vmem_shared>> -> memref<10128x128xbf16, #tpu.memory_space<vmem_shared>>
      tpu.enqueue_indirect_dma source(%dma_start3A_335 : memref<128x128xbf16, #tpu.memory_space<vmem>>) target(%dma_start3A_341 : memref<10128x128xbf16, #tpu.memory_space<vmem_shared>>) offsets(%dma_start3A_338 : memref<128xi32, #tpu.memory_space<vmem>>) semaphore(%arg15 : memref<!tpu.dma_semaphore, #tpu.memory_space<semaphore_mem>>) {add = true}
      %dma_wait3A_342 = arith.constant 0 : i32
      %dma_wait3A_343 = arith.constant 0 : i32
      %dma_wait3A_344 = tpu.memref_slice %arg10[%dma_wait3A_342, %dma_wait3A_343] : memref<512x128xbf16, #tpu.memory_space<vmem>> -> memref<128x128xbf16, #tpu.memory_space<vmem>>
      %dma_wait3A_345 = arith.constant 0 : i32
      %dma_wait3A_346 = tpu.memref_slice %arg8[%add3A_299, %dma_wait3A_345] : memref<80x128xi32, #tpu.memory_space<vmem>> -> memref<1x128xi32, #tpu.memory_space<vmem>>
      %dma_wait3A_347 = tpu.memref_squeeze %dma_wait3A_346 : memref<1x128xi32, #tpu.memory_space<vmem>> -> memref<128xi32, #tpu.memory_space<vmem>>
      %dma_wait3A_348 = arith.constant 0 : i32
      %dma_wait3A_349 = arith.constant 0 : i32
      %dma_wait3A_350 = tpu.memref_slice %arg11[%dma_wait3A_348, %dma_wait3A_349] : memref<10128x128xbf16, #tpu.memory_space<vmem_shared>> -> memref<10128x128xbf16, #tpu.memory_space<vmem_shared>>
      tpu.wait_indirect_dma semaphore(%arg15 : memref<!tpu.dma_semaphore, #tpu.memory_space<semaphore_mem>>) src(%dma_wait3A_344 : memref<128x128xbf16, #tpu.memory_space<vmem>>) dst(%dma_wait3A_350 : memref<10128x128xbf16, #tpu.memory_space<vmem_shared>>)
      %dma_wait3A_351 = arith.constant 128 : i32
      %dma_wait3A_352 = arith.constant 0 : i32
      %dma_wait3A_353 = tpu.memref_slice %arg10[%dma_wait3A_351, %dma_wait3A_352] : memref<512x128xbf16, #tpu.memory_space<vmem>> -> memref<128x128xbf16, #tpu.memory_space<vmem>>
      %dma_wait3A_354 = arith.constant 0 : i32
      %dma_wait3A_355 = tpu.memref_slice %arg8[%add3A_310, %dma_wait3A_354] : memref<80x128xi32, #tpu.memory_space<vmem>> -> memref<1x128xi32, #tpu.memory_space<vmem>>
      %dma_wait3A_356 = tpu.memref_squeeze %dma_wait3A_355 : memref<1x128xi32, #tpu.memory_space<vmem>> -> memref<128xi32, #tpu.memory_space<vmem>>
      %dma_wait3A_357 = arith.constant 0 : i32
      %dma_wait3A_358 = arith.constant 0 : i32
      %dma_wait3A_359 = tpu.memref_slice %arg11[%dma_wait3A_357, %dma_wait3A_358] : memref<10128x128xbf16, #tpu.memory_space<vmem_shared>> -> memref<10128x128xbf16, #tpu.memory_space<vmem_shared>>
      tpu.wait_indirect_dma semaphore(%arg15 : memref<!tpu.dma_semaphore, #tpu.memory_space<semaphore_mem>>) src(%dma_wait3A_353 : memref<128x128xbf16, #tpu.memory_space<vmem>>) dst(%dma_wait3A_359 : memref<10128x128xbf16, #tpu.memory_space<vmem_shared>>)
      %dma_wait3A_360 = arith.constant 256 : i32
      %dma_wait3A_361 = arith.constant 0 : i32
      %dma_wait3A_362 = tpu.memref_slice %arg10[%dma_wait3A_360, %dma_wait3A_361] : memref<512x128xbf16, #tpu.memory_space<vmem>> -> memref<128x128xbf16, #tpu.memory_space<vmem>>
      %dma_wait3A_363 = arith.constant 0 : i32
      %dma_wait3A_364 = tpu.memref_slice %arg8[%add3A_321, %dma_wait3A_363] : memref<80x128xi32, #tpu.memory_space<vmem>> -> memref<1x128xi32, #tpu.memory_space<vmem>>
      %dma_wait3A_365 = tpu.memref_squeeze %dma_wait3A_364 : memref<1x128xi32, #tpu.memory_space<vmem>> -> memref<128xi32, #tpu.memory_space<vmem>>
      %dma_wait3A_366 = arith.constant 0 : i32
      %dma_wait3A_367 = arith.constant 0 : i32
      %dma_wait3A_368 = tpu.memref_slice %arg11[%dma_wait3A_366, %dma_wait3A_367] : memref<10128x128xbf16, #tpu.memory_space<vmem_shared>> -> memref<10128x128xbf16, #tpu.memory_space<vmem_shared>>
      tpu.wait_indirect_dma semaphore(%arg15 : memref<!tpu.dma_semaphore, #tpu.memory_space<semaphore_mem>>) src(%dma_wait3A_362 : memref<128x128xbf16, #tpu.memory_space<vmem>>) dst(%dma_wait3A_368 : memref<10128x128xbf16, #tpu.memory_space<vmem_shared>>)
      %dma_wait3A_369 = arith.constant 384 : i32
      %dma_wait3A_370 = arith.constant 0 : i32
      %dma_wait3A_371 = tpu.memref_slice %arg10[%dma_wait3A_369, %dma_wait3A_370] : memref<512x128xbf16, #tpu.memory_space<vmem>> -> memref<128x128xbf16, #tpu.memory_space<vmem>>
      %dma_wait3A_372 = arith.constant 0 : i32
      %dma_wait3A_373 = tpu.memref_slice %arg8[%add3A_332, %dma_wait3A_372] : memref<80x128xi32, #tpu.memory_space<vmem>> -> memref<1x128xi32, #tpu.memory_space<vmem>>
      %dma_wait3A_374 = tpu.memref_squeeze %dma_wait3A_373 : memref<1x128xi32, #tpu.memory_space<vmem>> -> memref<128xi32, #tpu.memory_space<vmem>>
      %dma_wait3A_375 = arith.constant 0 : i32
      %dma_wait3A_376 = arith.constant 0 : i32
      %dma_wait3A_377 = tpu.memref_slice %arg11[%dma_wait3A_375, %dma_wait3A_376] : memref<10128x128xbf16, #tpu.memory_space<vmem_shared>> -> memref<10128x128xbf16, #tpu.memory_space<vmem_shared>>
      tpu.wait_indirect_dma semaphore(%arg15 : memref<!tpu.dma_semaphore, #tpu.memory_space<semaphore_mem>>) src(%dma_wait3A_371 : memref<128x128xbf16, #tpu.memory_space<vmem>>) dst(%dma_wait3A_377 : memref<10128x128xbf16, #tpu.memory_space<vmem_shared>>)
    }
    %scan3A_60 = arith.constant 10 : i32
    %barrier3A_61 = arith.constant 0 : index
    tpu.barrier barrier_id(%barrier3A_61)
    %mul3A_62 = arith.constant 624 : i32
    %mul3A_63 = arith.muli %arg1, %mul3A_62 : i32
    %mul3A_64 = arith.constant 10000 : i32
    %mul3A_65 = arith.muli %arg0, %mul3A_64 : i32
    %mul3A_66 = arith.constant 624 : i32
    %mul3A_67 = arith.muli %arg1, %mul3A_66 : i32
    %add3A_68 = arith.addi %mul3A_65, %mul3A_67 : i32
    "tpu.region"() ({
      %run_scoped3A = tpu.sem_alloc : memref<!tpu.dma_semaphore, #tpu.memory_space<semaphore_mem>>
      %dma_start3A_74 = arith.constant 0 : i32
      %dma_start3A_75 = tpu.memref_slice %arg6[%add3A_68, %dma_start3A_74] : memref<20000x128xbf16, #tpu.memory_space<hbm>> -> memref<624x128xbf16, #tpu.memory_space<hbm>>
      %dma_start3A_76 = arith.constant 0 : i32
      %dma_start3A_77 = tpu.memref_slice %arg11[%mul3A_63, %dma_start3A_76] : memref<10128x128xbf16, #tpu.memory_space<vmem_shared>> -> memref<624x128xbf16, #tpu.memory_space<vmem_shared>>
      tpu.enqueue_dma source(%dma_start3A_77 : memref<624x128xbf16, #tpu.memory_space<vmem_shared>>) target(%dma_start3A_75 : memref<624x128xbf16, #tpu.memory_space<hbm>>) target_semaphore(%run_scoped3A : memref<!tpu.dma_semaphore, #tpu.memory_space<semaphore_mem>>)
      %dma_wait3A = arith.constant 0 : i32
      %dma_wait3A_78 = tpu.memref_slice %arg6[%add3A_68, %dma_wait3A] : memref<20000x128xbf16, #tpu.memory_space<hbm>> -> memref<624x128xbf16, #tpu.memory_space<hbm>>
      %dma_wait3A_79 = arith.constant 0 : i32
      %dma_wait3A_80 = tpu.memref_slice %arg11[%mul3A_63, %dma_wait3A_79] : memref<10128x128xbf16, #tpu.memory_space<vmem_shared>> -> memref<624x128xbf16, #tpu.memory_space<vmem_shared>>
      tpu.wait_dma2 semaphore(%run_scoped3A : memref<!tpu.dma_semaphore, #tpu.memory_space<semaphore_mem>>) src(%dma_wait3A_80 : memref<624x128xbf16, #tpu.memory_space<vmem_shared>>) dst(%dma_wait3A_78 : memref<624x128xbf16, #tpu.memory_space<hbm>>)
      tpu.yield
    }) : () -> ()
    %eq3A_69 = arith.constant 15 : i32
    %eq3A_70 = arith.cmpi eq, %arg1, %eq3A_69 : i32
    %convert_element_type3A_71 = arith.extui %eq3A_70 : i1 to i32
    %cond3A_72 = arith.constant 0 : i32
    %cond3A_73 = arith.cmpi ne, %convert_element_type3A_71, %cond3A_72 : i32
    scf.if %cond3A_73 {
      %mul3A_74 = arith.constant 10000 : i32
      %mul3A_75 = arith.muli %arg0, %mul3A_74 : i32
      %add3A_76 = arith.constant 9984 : i32
      %add3A_77 = arith.addi %mul3A_75, %add3A_76 : i32
      "tpu.region"() ({
        %run_scoped3A = tpu.sem_alloc : memref<!tpu.dma_semaphore, #tpu.memory_space<semaphore_mem>>
        %dma_start3A_78 = arith.constant 0 : i32
        %dma_start3A_79 = tpu.memref_slice %arg6[%add3A_77, %dma_start3A_78] : memref<20000x128xbf16, #tpu.memory_space<hbm>> -> memref<16x128xbf16, #tpu.memory_space<hbm>>
        %dma_start3A_80 = arith.constant 9984 : i32
        %dma_start3A_81 = arith.constant 0 : i32
        %dma_start3A_82 = tpu.memref_slice %arg11[%dma_start3A_80, %dma_start3A_81] : memref<10128x128xbf16, #tpu.memory_space<vmem_shared>> -> memref<16x128xbf16, #tpu.memory_space<vmem_shared>>
        tpu.enqueue_dma source(%dma_start3A_82 : memref<16x128xbf16, #tpu.memory_space<vmem_shared>>) target(%dma_start3A_79 : memref<16x128xbf16, #tpu.memory_space<hbm>>) target_semaphore(%run_scoped3A : memref<!tpu.dma_semaphore, #tpu.memory_space<semaphore_mem>>)
        %dma_wait3A = arith.constant 0 : i32
        %dma_wait3A_83 = tpu.memref_slice %arg6[%add3A_77, %dma_wait3A] : memref<20000x128xbf16, #tpu.memory_space<hbm>> -> memref<16x128xbf16, #tpu.memory_space<hbm>>
        %dma_wait3A_84 = arith.constant 9984 : i32
        %dma_wait3A_85 = arith.constant 0 : i32
        %dma_wait3A_86 = tpu.memref_slice %arg11[%dma_wait3A_84, %dma_wait3A_85] : memref<10128x128xbf16, #tpu.memory_space<vmem_shared>> -> memref<16x128xbf16, #tpu.memory_space<vmem_shared>>
        tpu.wait_dma2 semaphore(%run_scoped3A : memref<!tpu.dma_semaphore, #tpu.memory_space<semaphore_mem>>) src(%dma_wait3A_86 : memref<16x128xbf16, #tpu.memory_space<vmem_shared>>) dst(%dma_wait3A_83 : memref<16x128xbf16, #tpu.memory_space<hbm>>)
        tpu.yield
      }) : () -> ()
    } else {
    }
    return
  }
}

#map = affine_map<(d0, d1) -> (0, 0)>
module attributes {stable_mosaic.version = 14 : i64} {
  func.func @_spmm_kernel(%arg0: i32, %arg1: i32, %arg2: memref<20000x128xbf16, #tpu.memory_space<hbm>>, %arg3: memref<2560x128xi32, #tpu.memory_space<hbm>>, %arg4: memref<1280x128xi32, #tpu.memory_space<hbm>>, %arg5: memref<128x128xbf16, #tpu.memory_space<hbm>>, %arg6: memref<20000x128xbf16, #tpu.memory_space<hbm>>, %arg7: memref<80x128xi32, #tpu.memory_space<vmem>>, %arg8: memref<80x128xi32, #tpu.memory_space<vmem>>, %arg9: memref<512x128xbf16, #tpu.memory_space<vmem>>, %arg10: memref<512x128xbf16, #tpu.memory_space<vmem>>, %arg11: memref<10128x128xbf16, #tpu.memory_space<vmem_shared>>, %arg12: memref<!tpu.dma_semaphore, #tpu.memory_space<semaphore_mem>>, %arg13: memref<!tpu.dma_semaphore, #tpu.memory_space<semaphore_mem>>, %arg14: memref<!tpu.dma_semaphore, #tpu.memory_space<semaphore_mem>>, %arg15: memref<!tpu.dma_semaphore, #tpu.memory_space<semaphore_mem>>) attributes {dimension_semantics = [#tpu.dimension_semantics<core_parallel>, #tpu.dimension_semantics<subcore_parallel>], iteration_bounds = array<i64: 2, 16>, scalar_prefetch = 0 : i64, scratch_operands = 9 : i64, tpu.core_type = #tpu.core_type<sc_vector_subcore>, window_params = [{transform_indices = #map}, {transform_indices = #map}, {transform_indices = #map}, {transform_indices = #map}, {transform_indices = #map}]} {
    %mul3A = arith.constant 80 : i32
    %mul3A_0 = arith.muli %arg1, %mul3A : i32
    "tpu.region"() ({
      %run_scoped3A = tpu.sem_alloc : memref<!tpu.dma_semaphore, #tpu.memory_space<semaphore_mem>>
      %dma_start3A_74 = arith.constant 0 : i32
      %dma_start3A_75 = tpu.memref_slice %arg4[%mul3A_0, %dma_start3A_74] : memref<1280x128xi32, #tpu.memory_space<hbm>> -> memref<80x128xi32, #tpu.memory_space<hbm>>
      %dma_start3A_76 = arith.constant 0 : i32
      %dma_start3A_77 = tpu.memref_slice %arg4[%mul3A_0, %dma_start3A_76] : memref<1280x128xi32, #tpu.memory_space<hbm>> -> memref<80x128xi32, #tpu.memory_space<hbm>>
      tpu.enqueue_dma source(%dma_start3A_77 : memref<80x128xi32, #tpu.memory_space<hbm>>) target(%arg8 : memref<80x128xi32, #tpu.memory_space<vmem>>) target_semaphore(%run_scoped3A : memref<!tpu.dma_semaphore, #tpu.memory_space<semaphore_mem>>)
      %dma_wait3A = arith.constant 0 : i32
      %dma_wait3A_78 = tpu.memref_slice %arg4[%mul3A_0, %dma_wait3A] : memref<1280x128xi32, #tpu.memory_space<hbm>> -> memref<80x128xi32, #tpu.memory_space<hbm>>
      %dma_wait3A_79 = arith.constant 0 : i32
      %dma_wait3A_80 = tpu.memref_slice %arg4[%mul3A_0, %dma_wait3A_79] : memref<1280x128xi32, #tpu.memory_space<hbm>> -> memref<80x128xi32, #tpu.memory_space<hbm>>
      tpu.wait_dma2 semaphore(%run_scoped3A : memref<!tpu.dma_semaphore, #tpu.memory_space<semaphore_mem>>) src(%dma_wait3A_80 : memref<80x128xi32, #tpu.memory_space<hbm>>) dst(%arg8 : memref<80x128xi32, #tpu.memory_space<vmem>>)
      tpu.yield
    }) : () -> ()
    %mul3A_1 = arith.constant 1280 : i32
    %mul3A_2 = arith.muli %arg0, %mul3A_1 : i32
    %add3A = arith.addi %mul3A_2, %mul3A_0 : i32
    "tpu.region"() ({
      %run_scoped3A = tpu.sem_alloc : memref<!tpu.dma_semaphore, #tpu.memory_space<semaphore_mem>>
      %dma_start3A_74 = arith.constant 0 : i32
      %dma_start3A_75 = tpu.memref_slice %arg3[%add3A, %dma_start3A_74] : memref<2560x128xi32, #tpu.memory_space<hbm>> -> memref<80x128xi32, #tpu.memory_space<hbm>>
      %dma_start3A_76 = arith.constant 0 : i32
      %dma_start3A_77 = tpu.memref_slice %arg3[%add3A, %dma_start3A_76] : memref<2560x128xi32, #tpu.memory_space<hbm>> -> memref<80x128xi32, #tpu.memory_space<hbm>>
      tpu.enqueue_dma source(%dma_start3A_77 : memref<80x128xi32, #tpu.memory_space<hbm>>) target(%arg7 : memref<80x128xi32, #tpu.memory_space<vmem>>) target_semaphore(%run_scoped3A : memref<!tpu.dma_semaphore, #tpu.memory_space<semaphore_mem>>)
      %dma_wait3A = arith.constant 0 : i32
      %dma_wait3A_78 = tpu.memref_slice %arg3[%add3A, %dma_wait3A] : memref<2560x128xi32, #tpu.memory_space<hbm>> -> memref<80x128xi32, #tpu.memory_space<hbm>>
      %dma_wait3A_79 = arith.constant 0 : i32
      %dma_wait3A_80 = tpu.memref_slice %arg3[%add3A, %dma_wait3A_79] : memref<2560x128xi32, #tpu.memory_space<hbm>> -> memref<80x128xi32, #tpu.memory_space<hbm>>
      tpu.wait_dma2 semaphore(%run_scoped3A : memref<!tpu.dma_semaphore, #tpu.memory_space<semaphore_mem>>) src(%dma_wait3A_80 : memref<80x128xi32, #tpu.memory_space<hbm>>) dst(%arg7 : memref<80x128xi32, #tpu.memory_space<vmem>>)
      tpu.yield
    }) : () -> ()
    %mul3A_3 = arith.constant 10000 : i32
    %mul3A_4 = arith.muli %arg0, %mul3A_3 : i32
    %mul3A_5 = arith.constant 624 : i32
    %mul3A_6 = arith.muli %arg1, %mul3A_5 : i32
    %add3A_7 = arith.addi %mul3A_4, %mul3A_6 : i32
    %mul3A_8 = arith.constant 624 : i32
    %mul3A_9 = arith.muli %arg1, %mul3A_8 : i32
    "tpu.region"() ({
      %run_scoped3A = tpu.sem_alloc : memref<!tpu.dma_semaphore, #tpu.memory_space<semaphore_mem>>
      %dma_start3A_74 = arith.constant 0 : i32
      %dma_start3A_75 = tpu.memref_slice %arg11[%mul3A_9, %dma_start3A_74] : memref<10128x128xbf16, #tpu.memory_space<vmem_shared>> -> memref<624x128xbf16, #tpu.memory_space<vmem_shared>>
      %dma_start3A_76 = arith.constant 0 : i32
      %dma_start3A_77 = tpu.memref_slice %arg2[%add3A_7, %dma_start3A_76] : memref<20000x128xbf16, #tpu.memory_space<hbm>> -> memref<624x128xbf16, #tpu.memory_space<hbm>>
      tpu.enqueue_dma source(%dma_start3A_77 : memref<624x128xbf16, #tpu.memory_space<hbm>>) target(%dma_start3A_75 : memref<624x128xbf16, #tpu.memory_space<vmem_shared>>) target_semaphore(%run_scoped3A : memref<!tpu.dma_semaphore, #tpu.memory_space<semaphore_mem>>)
      %dma_wait3A = arith.constant 0 : i32
      %dma_wait3A_78 = tpu.memref_slice %arg11[%mul3A_9, %dma_wait3A] : memref<10128x128xbf16, #tpu.memory_space<vmem_shared>> -> memref<624x128xbf16, #tpu.memory_space<vmem_shared>>
      %dma_wait3A_79 = arith.constant 0 : i32
      %dma_wait3A_80 = tpu.memref_slice %arg2[%add3A_7, %dma_wait3A_79] : memref<20000x128xbf16, #tpu.memory_space<hbm>> -> memref<624x128xbf16, #tpu.memory_space<hbm>>
      tpu.wait_dma2 semaphore(%run_scoped3A : memref<!tpu.dma_semaphore, #tpu.memory_space<semaphore_mem>>) src(%dma_wait3A_80 : memref<624x128xbf16, #tpu.memory_space<hbm>>) dst(%dma_wait3A_78 : memref<624x128xbf16, #tpu.memory_space<vmem_shared>>)
      tpu.yield
    }) : () -> ()
    %eq3A = arith.constant 15 : i32
    %eq3A_10 = arith.cmpi eq, %arg1, %eq3A : i32
    %convert_element_type3A = arith.extui %eq3A_10 : i1 to i32
    %cond3A = arith.constant 0 : i32
    %cond3A_11 = arith.cmpi ne, %convert_element_type3A, %cond3A : i32
    scf.if %cond3A_11 {
      %mul3A_74 = arith.constant 10000 : i32
      %mul3A_75 = arith.muli %arg0, %mul3A_74 : i32
      %add3A_76 = arith.constant 9984 : i32
      %add3A_77 = arith.addi %mul3A_75, %add3A_76 : i32
      "tpu.region"() ({
        %run_scoped3A = tpu.sem_alloc : memref<!tpu.dma_semaphore, #tpu.memory_space<semaphore_mem>>
        %dma_start3A_78 = arith.constant 9984 : i32
        %dma_start3A_79 = arith.constant 0 : i32
        %dma_start3A_80 = tpu.memref_slice %arg11[%dma_start3A_78, %dma_start3A_79] : memref<10128x128xbf16, #tpu.memory_space<vmem_shared>> -> memref<16x128xbf16, #tpu.memory_space<vmem_shared>>
        %dma_start3A_81 = arith.constant 0 : i32
        %dma_start3A_82 = tpu.memref_slice %arg2[%add3A_77, %dma_start3A_81] : memref<20000x128xbf16, #tpu.memory_space<hbm>> -> memref<16x128xbf16, #tpu.memory_space<hbm>>
        tpu.enqueue_dma source(%dma_start3A_82 : memref<16x128xbf16, #tpu.memory_space<hbm>>) target(%dma_start3A_80 : memref<16x128xbf16, #tpu.memory_space<vmem_shared>>) target_semaphore(%run_scoped3A : memref<!tpu.dma_semaphore, #tpu.memory_space<semaphore_mem>>)
        %dma_wait3A = arith.constant 9984 : i32
        %dma_wait3A_83 = arith.constant 0 : i32
        %dma_wait3A_84 = tpu.memref_slice %arg11[%dma_wait3A, %dma_wait3A_83] : memref<10128x128xbf16, #tpu.memory_space<vmem_shared>> -> memref<16x128xbf16, #tpu.memory_space<vmem_shared>>
        %dma_wait3A_85 = arith.constant 0 : i32
        %dma_wait3A_86 = tpu.memref_slice %arg2[%add3A_77, %dma_wait3A_85] : memref<20000x128xbf16, #tpu.memory_space<hbm>> -> memref<16x128xbf16, #tpu.memory_space<hbm>>
        tpu.wait_dma2 semaphore(%run_scoped3A : memref<!tpu.dma_semaphore, #tpu.memory_space<semaphore_mem>>) src(%dma_wait3A_86 : memref<16x128xbf16, #tpu.memory_space<hbm>>) dst(%dma_wait3A_84 : memref<16x128xbf16, #tpu.memory_space<vmem_shared>>)
        tpu.yield
      }) : () -> ()
    } else {
    }
    %eq3A_12 = arith.constant 0 : i32
    %eq3A_13 = arith.cmpi eq, %arg1, %eq3A_12 : i32
    %convert_element_type3A_14 = arith.extui %eq3A_13 : i1 to i32
    %cond3A_15 = arith.constant 0 : i32
    %cond3A_16 = arith.cmpi ne, %convert_element_type3A_14, %cond3A_15 : i32
    scf.if %cond3A_16 {
      "tpu.region"() ({
        %run_scoped3A = tpu.sem_alloc : memref<!tpu.dma_semaphore, #tpu.memory_space<semaphore_mem>>
        %dma_start3A_74 = arith.constant 10000 : i32
        %dma_start3A_75 = arith.constant 0 : i32
        %dma_start3A_76 = tpu.memref_slice %arg11[%dma_start3A_74, %dma_start3A_75] : memref<10128x128xbf16, #tpu.memory_space<vmem_shared>> -> memref<128x128xbf16, #tpu.memory_space<vmem_shared>>
        tpu.enqueue_dma source(%arg5 : memref<128x128xbf16, #tpu.memory_space<hbm>>) target(%dma_start3A_76 : memref<128x128xbf16, #tpu.memory_space<vmem_shared>>) target_semaphore(%run_scoped3A : memref<!tpu.dma_semaphore, #tpu.memory_space<semaphore_mem>>)
        %dma_wait3A = arith.constant 10000 : i32
        %dma_wait3A_77 = arith.constant 0 : i32
        %dma_wait3A_78 = tpu.memref_slice %arg11[%dma_wait3A, %dma_wait3A_77] : memref<10128x128xbf16, #tpu.memory_space<vmem_shared>> -> memref<128x128xbf16, #tpu.memory_space<vmem_shared>>
        tpu.wait_dma2 semaphore(%run_scoped3A : memref<!tpu.dma_semaphore, #tpu.memory_space<semaphore_mem>>) src(%arg5 : memref<128x128xbf16, #tpu.memory_space<hbm>>) dst(%dma_wait3A_78 : memref<128x128xbf16, #tpu.memory_space<vmem_shared>>)
        tpu.yield
      }) : () -> ()
    } else {
    }
    %barrier3A = arith.constant 0 : index
    tpu.barrier barrier_id(%barrier3A)
    %dma_start3A = arith.constant 0 : i32
    %dma_start3A_17 = arith.constant 0 : i32
    %dma_start3A_18 = arith.constant 0 : i32
    %dma_start3A_19 = tpu.memref_slice %arg9[%dma_start3A_17, %dma_start3A_18] : memref<512x128xbf16, #tpu.memory_space<vmem>> -> memref<128x128xbf16, #tpu.memory_space<vmem>>
    %dma_start3A_20 = arith.constant 0 : i32
    %dma_start3A_21 = tpu.memref_slice %arg7[%dma_start3A, %dma_start3A_20] : memref<80x128xi32, #tpu.memory_space<vmem>> -> memref<1x128xi32, #tpu.memory_space<vmem>>
    %dma_start3A_22 = tpu.memref_squeeze %dma_start3A_21 : memref<1x128xi32, #tpu.memory_space<vmem>> -> memref<128xi32, #tpu.memory_space<vmem>>
    %dma_start3A_23 = arith.constant 0 : i32
    %dma_start3A_24 = arith.constant 0 : i32
    %dma_start3A_25 = tpu.memref_slice %arg2[%dma_start3A_23, %dma_start3A_24] : memref<20000x128xbf16, #tpu.memory_space<hbm>> -> memref<20000x128xbf16, #tpu.memory_space<hbm>>
    tpu.enqueue_indirect_dma source(%dma_start3A_25 : memref<20000x128xbf16, #tpu.memory_space<hbm>>) target(%dma_start3A_19 : memref<128x128xbf16, #tpu.memory_space<vmem>>) offsets(%dma_start3A_22 : memref<128xi32, #tpu.memory_space<vmem>>) semaphore(%arg12 : memref<!tpu.dma_semaphore, #tpu.memory_space<semaphore_mem>>)
    %dma_start3A_26 = arith.constant 1 : i32
    %dma_start3A_27 = arith.constant 128 : i32
    %dma_start3A_28 = arith.constant 0 : i32
    %dma_start3A_29 = tpu.memref_slice %arg9[%dma_start3A_27, %dma_start3A_28] : memref<512x128xbf16, #tpu.memory_space<vmem>> -> memref<128x128xbf16, #tpu.memory_space<vmem>>
    %dma_start3A_30 = arith.constant 0 : i32
    %dma_start3A_31 = tpu.memref_slice %arg7[%dma_start3A_26, %dma_start3A_30] : memref<80x128xi32, #tpu.memory_space<vmem>> -> memref<1x128xi32, #tpu.memory_space<vmem>>
    %dma_start3A_32 = tpu.memref_squeeze %dma_start3A_31 : memref<1x128xi32, #tpu.memory_space<vmem>> -> memref<128xi32, #tpu.memory_space<vmem>>
    %dma_start3A_33 = arith.constant 0 : i32
    %dma_start3A_34 = arith.constant 0 : i32
    %dma_start3A_35 = tpu.memref_slice %arg2[%dma_start3A_33, %dma_start3A_34] : memref<20000x128xbf16, #tpu.memory_space<hbm>> -> memref<20000x128xbf16, #tpu.memory_space<hbm>>
    tpu.enqueue_indirect_dma source(%dma_start3A_35 : memref<20000x128xbf16, #tpu.memory_space<hbm>>) target(%dma_start3A_29 : memref<128x128xbf16, #tpu.memory_space<vmem>>) offsets(%dma_start3A_32 : memref<128xi32, #tpu.memory_space<vmem>>) semaphore(%arg12 : memref<!tpu.dma_semaphore, #tpu.memory_space<semaphore_mem>>)
    %dma_start3A_36 = arith.constant 2 : i32
    %dma_start3A_37 = arith.constant 256 : i32
    %dma_start3A_38 = arith.constant 0 : i32
    %dma_start3A_39 = tpu.memref_slice %arg9[%dma_start3A_37, %dma_start3A_38] : memref<512x128xbf16, #tpu.memory_space<vmem>> -> memref<128x128xbf16, #tpu.memory_space<vmem>>
    %dma_start3A_40 = arith.constant 0 : i32
    %dma_start3A_41 = tpu.memref_slice %arg7[%dma_start3A_36, %dma_start3A_40] : memref<80x128xi32, #tpu.memory_space<vmem>> -> memref<1x128xi32, #tpu.memory_space<vmem>>
    %dma_start3A_42 = tpu.memref_squeeze %dma_start3A_41 : memref<1x128xi32, #tpu.memory_space<vmem>> -> memref<128xi32, #tpu.memory_space<vmem>>
    %dma_start3A_43 = arith.constant 0 : i32
    %dma_start3A_44 = arith.constant 0 : i32
    %dma_start3A_45 = tpu.memref_slice %arg2[%dma_start3A_43, %dma_start3A_44] : memref<20000x128xbf16, #tpu.memory_space<hbm>> -> memref<20000x128xbf16, #tpu.memory_space<hbm>>
    tpu.enqueue_indirect_dma source(%dma_start3A_45 : memref<20000x128xbf16, #tpu.memory_space<hbm>>) target(%dma_start3A_39 : memref<128x128xbf16, #tpu.memory_space<vmem>>) offsets(%dma_start3A_42 : memref<128xi32, #tpu.memory_space<vmem>>) semaphore(%arg12 : memref<!tpu.dma_semaphore, #tpu.memory_space<semaphore_mem>>)
    %dma_start3A_46 = arith.constant 3 : i32
    %dma_start3A_47 = arith.constant 384 : i32
    %dma_start3A_48 = arith.constant 0 : i32
    %dma_start3A_49 = tpu.memref_slice %arg9[%dma_start3A_47, %dma_start3A_48] : memref<512x128xbf16, #tpu.memory_space<vmem>> -> memref<128x128xbf16, #tpu.memory_space<vmem>>
    %dma_start3A_50 = arith.constant 0 : i32
    %dma_start3A_51 = tpu.memref_slice %arg7[%dma_start3A_46, %dma_start3A_50] : memref<80x128xi32, #tpu.memory_space<vmem>> -> memref<1x128xi32, #tpu.memory_space<vmem>>
    %dma_start3A_52 = tpu.memref_squeeze %dma_start3A_51 : memref<1x128xi32, #tpu.memory_space<vmem>> -> memref<128xi32, #tpu.memory_space<vmem>>
    %dma_start3A_53 = arith.constant 0 : i32
    %dma_start3A_54 = arith.constant 0 : i32
    %dma_start3A_55 = tpu.memref_slice %arg2[%dma_start3A_53, %dma_start3A_54] : memref<20000x128xbf16, #tpu.memory_space<hbm>> -> memref<20000x128xbf16, #tpu.memory_space<hbm>>
    tpu.enqueue_indirect_dma source(%dma_start3A_55 : memref<20000x128xbf16, #tpu.memory_space<hbm>>) target(%dma_start3A_49 : memref<128x128xbf16, #tpu.memory_space<vmem>>) offsets(%dma_start3A_52 : memref<128xi32, #tpu.memory_space<vmem>>) semaphore(%arg12 : memref<!tpu.dma_semaphore, #tpu.memory_space<semaphore_mem>>)
    %scan3A = arith.constant 0 : i32
    %scan3A_56 = arith.constant 0 : i32
    %scan3A_57 = arith.constant 10 : i32
    %scan3A_58 = arith.addi %scan3A_56, %scan3A_57 : i32
    %scan3A_59 = arith.constant 1 : i32
    scf.for %scan3A_74 = %scan3A_56 to %scan3A_58 step %scan3A_59  : i32 {
      %mul3A_75 = arith.constant 2 : i32
      %mul3A_76 = arith.muli %mul3A_75, %scan3A_74 : i32
      %add3A_77 = arith.constant 1 : i32
      %add3A_78 = arith.addi %mul3A_76, %add3A_77 : i32
      %mul3A_79 = arith.constant 4 : i32
      %mul3A_80 = arith.muli %mul3A_79, %add3A_78 : i32
      %add3A_81 = arith.constant 0 : i32
      %add3A_82 = arith.addi %mul3A_80, %add3A_81 : i32
      %dma_start3A_83 = arith.constant 0 : i32
      %dma_start3A_84 = arith.constant 0 : i32
      %dma_start3A_85 = tpu.memref_slice %arg10[%dma_start3A_83, %dma_start3A_84] : memref<512x128xbf16, #tpu.memory_space<vmem>> -> memref<128x128xbf16, #tpu.memory_space<vmem>>
      %dma_start3A_86 = arith.constant 0 : i32
      %dma_start3A_87 = tpu.memref_slice %arg7[%add3A_82, %dma_start3A_86] : memref<80x128xi32, #tpu.memory_space<vmem>> -> memref<1x128xi32, #tpu.memory_space<vmem>>
      %dma_start3A_88 = tpu.memref_squeeze %dma_start3A_87 : memref<1x128xi32, #tpu.memory_space<vmem>> -> memref<128xi32, #tpu.memory_space<vmem>>
      %dma_start3A_89 = arith.constant 0 : i32
      %dma_start3A_90 = arith.constant 0 : i32
      %dma_start3A_91 = tpu.memref_slice %arg2[%dma_start3A_89, %dma_start3A_90] : memref<20000x128xbf16, #tpu.memory_space<hbm>> -> memref<20000x128xbf16, #tpu.memory_space<hbm>>
      tpu.enqueue_indirect_dma source(%dma_start3A_91 : memref<20000x128xbf16, #tpu.memory_space<hbm>>) target(%dma_start3A_85 : memref<128x128xbf16, #tpu.memory_space<vmem>>) offsets(%dma_start3A_88 : memref<128xi32, #tpu.memory_space<vmem>>) semaphore(%arg13 : memref<!tpu.dma_semaphore, #tpu.memory_space<semaphore_mem>>)
      %add3A_92 = arith.constant 1 : i32
      %add3A_93 = arith.addi %mul3A_80, %add3A_92 : i32
      %dma_start3A_94 = arith.constant 128 : i32
      %dma_start3A_95 = arith.constant 0 : i32
      %dma_start3A_96 = tpu.memref_slice %arg10[%dma_start3A_94, %dma_start3A_95] : memref<512x128xbf16, #tpu.memory_space<vmem>> -> memref<128x128xbf16, #tpu.memory_space<vmem>>
      %dma_start3A_97 = arith.constant 0 : i32
      %dma_start3A_98 = tpu.memref_slice %arg7[%add3A_93, %dma_start3A_97] : memref<80x128xi32, #tpu.memory_space<vmem>> -> memref<1x128xi32, #tpu.memory_space<vmem>>
      %dma_start3A_99 = tpu.memref_squeeze %dma_start3A_98 : memref<1x128xi32, #tpu.memory_space<vmem>> -> memref<128xi32, #tpu.memory_space<vmem>>
      %dma_start3A_100 = arith.constant 0 : i32
      %dma_start3A_101 = arith.constant 0 : i32
      %dma_start3A_102 = tpu.memref_slice %arg2[%dma_start3A_100, %dma_start3A_101] : memref<20000x128xbf16, #tpu.memory_space<hbm>> -> memref<20000x128xbf16, #tpu.memory_space<hbm>>
      tpu.enqueue_indirect_dma source(%dma_start3A_102 : memref<20000x128xbf16, #tpu.memory_space<hbm>>) target(%dma_start3A_96 : memref<128x128xbf16, #tpu.memory_space<vmem>>) offsets(%dma_start3A_99 : memref<128xi32, #tpu.memory_space<vmem>>) semaphore(%arg13 : memref<!tpu.dma_semaphore, #tpu.memory_space<semaphore_mem>>)
      %add3A_103 = arith.constant 2 : i32
      %add3A_104 = arith.addi %mul3A_80, %add3A_103 : i32
      %dma_start3A_105 = arith.constant 256 : i32
      %dma_start3A_106 = arith.constant 0 : i32
      %dma_start3A_107 = tpu.memref_slice %arg10[%dma_start3A_105, %dma_start3A_106] : memref<512x128xbf16, #tpu.memory_space<vmem>> -> memref<128x128xbf16, #tpu.memory_space<vmem>>
      %dma_start3A_108 = arith.constant 0 : i32
      %dma_start3A_109 = tpu.memref_slice %arg7[%add3A_104, %dma_start3A_108] : memref<80x128xi32, #tpu.memory_space<vmem>> -> memref<1x128xi32, #tpu.memory_space<vmem>>
      %dma_start3A_110 = tpu.memref_squeeze %dma_start3A_109 : memref<1x128xi32, #tpu.memory_space<vmem>> -> memref<128xi32, #tpu.memory_space<vmem>>
      %dma_start3A_111 = arith.constant 0 : i32
      %dma_start3A_112 = arith.constant 0 : i32
      %dma_start3A_113 = tpu.memref_slice %arg2[%dma_start3A_111, %dma_start3A_112] : memref<20000x128xbf16, #tpu.memory_space<hbm>> -> memref<20000x128xbf16, #tpu.memory_space<hbm>>
      tpu.enqueue_indirect_dma source(%dma_start3A_113 : memref<20000x128xbf16, #tpu.memory_space<hbm>>) target(%dma_start3A_107 : memref<128x128xbf16, #tpu.memory_space<vmem>>) offsets(%dma_start3A_110 : memref<128xi32, #tpu.memory_space<vmem>>) semaphore(%arg13 : memref<!tpu.dma_semaphore, #tpu.memory_space<semaphore_mem>>)
      %add3A_114 = arith.constant 3 : i32
      %add3A_115 = arith.addi %mul3A_80, %add3A_114 : i32
      %dma_start3A_116 = arith.constant 384 : i32
      %dma_start3A_117 = arith.constant 0 : i32
      %dma_start3A_118 = tpu.memref_slice %arg10[%dma_start3A_116, %dma_start3A_117] : memref<512x128xbf16, #tpu.memory_space<vmem>> -> memref<128x128xbf16, #tpu.memory_space<vmem>>
      %dma_start3A_119 = arith.constant 0 : i32
      %dma_start3A_120 = tpu.memref_slice %arg7[%add3A_115, %dma_start3A_119] : memref<80x128xi32, #tpu.memory_space<vmem>> -> memref<1x128xi32, #tpu.memory_space<vmem>>
      %dma_start3A_121 = tpu.memref_squeeze %dma_start3A_120 : memref<1x128xi32, #tpu.memory_space<vmem>> -> memref<128xi32, #tpu.memory_space<vmem>>
      %dma_start3A_122 = arith.constant 0 : i32
      %dma_start3A_123 = arith.constant 0 : i32
      %dma_start3A_124 = tpu.memref_slice %arg2[%dma_start3A_122, %dma_start3A_123] : memref<20000x128xbf16, #tpu.memory_space<hbm>> -> memref<20000x128xbf16, #tpu.memory_space<hbm>>
      tpu.enqueue_indirect_dma source(%dma_start3A_124 : memref<20000x128xbf16, #tpu.memory_space<hbm>>) target(%dma_start3A_118 : memref<128x128xbf16, #tpu.memory_space<vmem>>) offsets(%dma_start3A_121 : memref<128xi32, #tpu.memory_space<vmem>>) semaphore(%arg13 : memref<!tpu.dma_semaphore, #tpu.memory_space<semaphore_mem>>)
      %dma_wait3A = arith.constant 0 : i32
      %dma_wait3A_125 = arith.constant 0 : i32
      %dma_wait3A_126 = arith.constant 0 : i32
      %dma_wait3A_127 = tpu.memref_slice %arg9[%dma_wait3A_125, %dma_wait3A_126] : memref<512x128xbf16, #tpu.memory_space<vmem>> -> memref<128x128xbf16, #tpu.memory_space<vmem>>
      %dma_wait3A_128 = arith.constant 0 : i32
      %dma_wait3A_129 = tpu.memref_slice %arg7[%dma_wait3A, %dma_wait3A_128] : memref<80x128xi32, #tpu.memory_space<vmem>> -> memref<1x128xi32, #tpu.memory_space<vmem>>
      %dma_wait3A_130 = tpu.memref_squeeze %dma_wait3A_129 : memref<1x128xi32, #tpu.memory_space<vmem>> -> memref<128xi32, #tpu.memory_space<vmem>>
      %dma_wait3A_131 = arith.constant 0 : i32
      %dma_wait3A_132 = arith.constant 0 : i32
      %dma_wait3A_133 = tpu.memref_slice %arg2[%dma_wait3A_131, %dma_wait3A_132] : memref<20000x128xbf16, #tpu.memory_space<hbm>> -> memref<20000x128xbf16, #tpu.memory_space<hbm>>
      tpu.wait_indirect_dma semaphore(%arg12 : memref<!tpu.dma_semaphore, #tpu.memory_space<semaphore_mem>>) src(%dma_wait3A_133 : memref<20000x128xbf16, #tpu.memory_space<hbm>>) dst(%dma_wait3A_127 : memref<128x128xbf16, #tpu.memory_space<vmem>>)
      %dma_wait3A_134 = arith.constant 0 : i32
      %dma_wait3A_135 = arith.constant 128 : i32
      %dma_wait3A_136 = arith.constant 0 : i32
      %dma_wait3A_137 = tpu.memref_slice %arg9[%dma_wait3A_135, %dma_wait3A_136] : memref<512x128xbf16, #tpu.memory_space<vmem>> -> memref<128x128xbf16, #tpu.memory_space<vmem>>
      %dma_wait3A_138 = arith.constant 0 : i32
      %dma_wait3A_139 = tpu.memref_slice %arg7[%dma_wait3A_134, %dma_wait3A_138] : memref<80x128xi32, #tpu.memory_space<vmem>> -> memref<1x128xi32, #tpu.memory_space<vmem>>
      %dma_wait3A_140 = tpu.memref_squeeze %dma_wait3A_139 : memref<1x128xi32, #tpu.memory_space<vmem>> -> memref<128xi32, #tpu.memory_space<vmem>>
      %dma_wait3A_141 = arith.constant 0 : i32
      %dma_wait3A_142 = arith.constant 0 : i32
      %dma_wait3A_143 = tpu.memref_slice %arg2[%dma_wait3A_141, %dma_wait3A_142] : memref<20000x128xbf16, #tpu.memory_space<hbm>> -> memref<20000x128xbf16, #tpu.memory_space<hbm>>
      tpu.wait_indirect_dma semaphore(%arg12 : memref<!tpu.dma_semaphore, #tpu.memory_space<semaphore_mem>>) src(%dma_wait3A_143 : memref<20000x128xbf16, #tpu.memory_space<hbm>>) dst(%dma_wait3A_137 : memref<128x128xbf16, #tpu.memory_space<vmem>>)
      %dma_wait3A_144 = arith.constant 0 : i32
      %dma_wait3A_145 = arith.constant 256 : i32
      %dma_wait3A_146 = arith.constant 0 : i32
      %dma_wait3A_147 = tpu.memref_slice %arg9[%dma_wait3A_145, %dma_wait3A_146] : memref<512x128xbf16, #tpu.memory_space<vmem>> -> memref<128x128xbf16, #tpu.memory_space<vmem>>
      %dma_wait3A_148 = arith.constant 0 : i32
      %dma_wait3A_149 = tpu.memref_slice %arg7[%dma_wait3A_144, %dma_wait3A_148] : memref<80x128xi32, #tpu.memory_space<vmem>> -> memref<1x128xi32, #tpu.memory_space<vmem>>
      %dma_wait3A_150 = tpu.memref_squeeze %dma_wait3A_149 : memref<1x128xi32, #tpu.memory_space<vmem>> -> memref<128xi32, #tpu.memory_space<vmem>>
      %dma_wait3A_151 = arith.constant 0 : i32
      %dma_wait3A_152 = arith.constant 0 : i32
      %dma_wait3A_153 = tpu.memref_slice %arg2[%dma_wait3A_151, %dma_wait3A_152] : memref<20000x128xbf16, #tpu.memory_space<hbm>> -> memref<20000x128xbf16, #tpu.memory_space<hbm>>
      tpu.wait_indirect_dma semaphore(%arg12 : memref<!tpu.dma_semaphore, #tpu.memory_space<semaphore_mem>>) src(%dma_wait3A_153 : memref<20000x128xbf16, #tpu.memory_space<hbm>>) dst(%dma_wait3A_147 : memref<128x128xbf16, #tpu.memory_space<vmem>>)
      %dma_wait3A_154 = arith.constant 0 : i32
      %dma_wait3A_155 = arith.constant 384 : i32
      %dma_wait3A_156 = arith.constant 0 : i32
      %dma_wait3A_157 = tpu.memref_slice %arg9[%dma_wait3A_155, %dma_wait3A_156] : memref<512x128xbf16, #tpu.memory_space<vmem>> -> memref<128x128xbf16, #tpu.memory_space<vmem>>
      %dma_wait3A_158 = arith.constant 0 : i32
      %dma_wait3A_159 = tpu.memref_slice %arg7[%dma_wait3A_154, %dma_wait3A_158] : memref<80x128xi32, #tpu.memory_space<vmem>> -> memref<1x128xi32, #tpu.memory_space<vmem>>
      %dma_wait3A_160 = tpu.memref_squeeze %dma_wait3A_159 : memref<1x128xi32, #tpu.memory_space<vmem>> -> memref<128xi32, #tpu.memory_space<vmem>>
      %dma_wait3A_161 = arith.constant 0 : i32
      %dma_wait3A_162 = arith.constant 0 : i32
      %dma_wait3A_163 = tpu.memref_slice %arg2[%dma_wait3A_161, %dma_wait3A_162] : memref<20000x128xbf16, #tpu.memory_space<hbm>> -> memref<20000x128xbf16, #tpu.memory_space<hbm>>
      tpu.wait_indirect_dma semaphore(%arg12 : memref<!tpu.dma_semaphore, #tpu.memory_space<semaphore_mem>>) src(%dma_wait3A_163 : memref<20000x128xbf16, #tpu.memory_space<hbm>>) dst(%dma_wait3A_157 : memref<128x128xbf16, #tpu.memory_space<vmem>>)
      %mul3A_164 = arith.constant 2 : i32
      %mul3A_165 = arith.muli %mul3A_164, %scan3A_74 : i32
      %mul3A_166 = arith.constant 4 : i32
      %mul3A_167 = arith.muli %mul3A_166, %mul3A_165 : i32
      %add3A_168 = arith.constant 0 : i32
      %add3A_169 = arith.addi %mul3A_167, %add3A_168 : i32
      %dma_start3A_170 = arith.constant 0 : i32
      %dma_start3A_171 = arith.constant 0 : i32
      %dma_start3A_172 = tpu.memref_slice %arg9[%dma_start3A_170, %dma_start3A_171] : memref<512x128xbf16, #tpu.memory_space<vmem>> -> memref<128x128xbf16, #tpu.memory_space<vmem>>
      %dma_start3A_173 = arith.constant 0 : i32
      %dma_start3A_174 = tpu.memref_slice %arg8[%add3A_169, %dma_start3A_173] : memref<80x128xi32, #tpu.memory_space<vmem>> -> memref<1x128xi32, #tpu.memory_space<vmem>>
      %dma_start3A_175 = tpu.memref_squeeze %dma_start3A_174 : memref<1x128xi32, #tpu.memory_space<vmem>> -> memref<128xi32, #tpu.memory_space<vmem>>
      %dma_start3A_176 = arith.constant 0 : i32
      %dma_start3A_177 = arith.constant 0 : i32
      %dma_start3A_178 = tpu.memref_slice %arg11[%dma_start3A_176, %dma_start3A_177] : memref<10128x128xbf16, #tpu.memory_space<vmem_shared>> -> memref<10128x128xbf16, #tpu.memory_space<vmem_shared>>
      tpu.enqueue_indirect_dma source(%dma_start3A_172 : memref<128x128xbf16, #tpu.memory_space<vmem>>) target(%dma_start3A_178 : memref<10128x128xbf16, #tpu.memory_space<vmem_shared>>) offsets(%dma_start3A_175 : memref<128xi32, #tpu.memory_space<vmem>>) semaphore(%arg14 : memref<!tpu.dma_semaphore, #tpu.memory_space<semaphore_mem>>) {add = true}
      %add3A_179 = arith.constant 1 : i32
      %add3A_180 = arith.addi %mul3A_167, %add3A_179 : i32
      %dma_start3A_181 = arith.constant 128 : i32
      %dma_start3A_182 = arith.constant 0 : i32
      %dma_start3A_183 = tpu.memref_slice %arg9[%dma_start3A_181, %dma_start3A_182] : memref<512x128xbf16, #tpu.memory_space<vmem>> -> memref<128x128xbf16, #tpu.memory_space<vmem>>
      %dma_start3A_184 = arith.constant 0 : i32
      %dma_start3A_185 = tpu.memref_slice %arg8[%add3A_180, %dma_start3A_184] : memref<80x128xi32, #tpu.memory_space<vmem>> -> memref<1x128xi32, #tpu.memory_space<vmem>>
      %dma_start3A_186 = tpu.memref_squeeze %dma_start3A_185 : memref<1x128xi32, #tpu.memory_space<vmem>> -> memref<128xi32, #tpu.memory_space<vmem>>
      %dma_start3A_187 = arith.constant 0 : i32
      %dma_start3A_188 = arith.constant 0 : i32
      %dma_start3A_189 = tpu.memref_slice %arg11[%dma_start3A_187, %dma_start3A_188] : memref<10128x128xbf16, #tpu.memory_space<vmem_shared>> -> memref<10128x128xbf16, #tpu.memory_space<vmem_shared>>
      tpu.enqueue_indirect_dma source(%dma_start3A_183 : memref<128x128xbf16, #tpu.memory_space<vmem>>) target(%dma_start3A_189 : memref<10128x128xbf16, #tpu.memory_space<vmem_shared>>) offsets(%dma_start3A_186 : memref<128xi32, #tpu.memory_space<vmem>>) semaphore(%arg14 : memref<!tpu.dma_semaphore, #tpu.memory_space<semaphore_mem>>) {add = true}
      %add3A_190 = arith.constant 2 : i32
      %add3A_191 = arith.addi %mul3A_167, %add3A_190 : i32
      %dma_start3A_192 = arith.constant 256 : i32
      %dma_start3A_193 = arith.constant 0 : i32
      %dma_start3A_194 = tpu.memref_slice %arg9[%dma_start3A_192, %dma_start3A_193] : memref<512x128xbf16, #tpu.memory_space<vmem>> -> memref<128x128xbf16, #tpu.memory_space<vmem>>
      %dma_start3A_195 = arith.constant 0 : i32
      %dma_start3A_196 = tpu.memref_slice %arg8[%add3A_191, %dma_start3A_195] : memref<80x128xi32, #tpu.memory_space<vmem>> -> memref<1x128xi32, #tpu.memory_space<vmem>>
      %dma_start3A_197 = tpu.memref_squeeze %dma_start3A_196 : memref<1x128xi32, #tpu.memory_space<vmem>> -> memref<128xi32, #tpu.memory_space<vmem>>
      %dma_start3A_198 = arith.constant 0 : i32
      %dma_start3A_199 = arith.constant 0 : i32
      %dma_start3A_200 = tpu.memref_slice %arg11[%dma_start3A_198, %dma_start3A_199] : memref<10128x128xbf16, #tpu.memory_space<vmem_shared>> -> memref<10128x128xbf16, #tpu.memory_space<vmem_shared>>
      tpu.enqueue_indirect_dma source(%dma_start3A_194 : memref<128x128xbf16, #tpu.memory_space<vmem>>) target(%dma_start3A_200 : memref<10128x128xbf16, #tpu.memory_space<vmem_shared>>) offsets(%dma_start3A_197 : memref<128xi32, #tpu.memory_space<vmem>>) semaphore(%arg14 : memref<!tpu.dma_semaphore, #tpu.memory_space<semaphore_mem>>) {add = true}
      %add3A_201 = arith.constant 3 : i32
      %add3A_202 = arith.addi %mul3A_167, %add3A_201 : i32
      %dma_start3A_203 = arith.constant 384 : i32
      %dma_start3A_204 = arith.constant 0 : i32
      %dma_start3A_205 = tpu.memref_slice %arg9[%dma_start3A_203, %dma_start3A_204] : memref<512x128xbf16, #tpu.memory_space<vmem>> -> memref<128x128xbf16, #tpu.memory_space<vmem>>
      %dma_start3A_206 = arith.constant 0 : i32
      %dma_start3A_207 = tpu.memref_slice %arg8[%add3A_202, %dma_start3A_206] : memref<80x128xi32, #tpu.memory_space<vmem>> -> memref<1x128xi32, #tpu.memory_space<vmem>>
      %dma_start3A_208 = tpu.memref_squeeze %dma_start3A_207 : memref<1x128xi32, #tpu.memory_space<vmem>> -> memref<128xi32, #tpu.memory_space<vmem>>
      %dma_start3A_209 = arith.constant 0 : i32
      %dma_start3A_210 = arith.constant 0 : i32
      %dma_start3A_211 = tpu.memref_slice %arg11[%dma_start3A_209, %dma_start3A_210] : memref<10128x128xbf16, #tpu.memory_space<vmem_shared>> -> memref<10128x128xbf16, #tpu.memory_space<vmem_shared>>
      tpu.enqueue_indirect_dma source(%dma_start3A_205 : memref<128x128xbf16, #tpu.memory_space<vmem>>) target(%dma_start3A_211 : memref<10128x128xbf16, #tpu.memory_space<vmem_shared>>) offsets(%dma_start3A_208 : memref<128xi32, #tpu.memory_space<vmem>>) semaphore(%arg14 : memref<!tpu.dma_semaphore, #tpu.memory_space<semaphore_mem>>) {add = true}
      %dma_wait3A_212 = arith.constant 0 : i32
      %dma_wait3A_213 = arith.constant 0 : i32
      %dma_wait3A_214 = tpu.memref_slice %arg9[%dma_wait3A_212, %dma_wait3A_213] : memref<512x128xbf16, #tpu.memory_space<vmem>> -> memref<128x128xbf16, #tpu.memory_space<vmem>>
      %dma_wait3A_215 = arith.constant 0 : i32
      %dma_wait3A_216 = tpu.memref_slice %arg8[%add3A_169, %dma_wait3A_215] : memref<80x128xi32, #tpu.memory_space<vmem>> -> memref<1x128xi32, #tpu.memory_space<vmem>>
      %dma_wait3A_217 = tpu.memref_squeeze %dma_wait3A_216 : memref<1x128xi32, #tpu.memory_space<vmem>> -> memref<128xi32, #tpu.memory_space<vmem>>
      %dma_wait3A_218 = arith.constant 0 : i32
      %dma_wait3A_219 = arith.constant 0 : i32
      %dma_wait3A_220 = tpu.memref_slice %arg11[%dma_wait3A_218, %dma_wait3A_219] : memref<10128x128xbf16, #tpu.memory_space<vmem_shared>> -> memref<10128x128xbf16, #tpu.memory_space<vmem_shared>>
      tpu.wait_indirect_dma semaphore(%arg14 : memref<!tpu.dma_semaphore, #tpu.memory_space<semaphore_mem>>) src(%dma_wait3A_214 : memref<128x128xbf16, #tpu.memory_space<vmem>>) dst(%dma_wait3A_220 : memref<10128x128xbf16, #tpu.memory_space<vmem_shared>>)
      %dma_wait3A_221 = arith.constant 128 : i32
      %dma_wait3A_222 = arith.constant 0 : i32
      %dma_wait3A_223 = tpu.memref_slice %arg9[%dma_wait3A_221, %dma_wait3A_222] : memref<512x128xbf16, #tpu.memory_space<vmem>> -> memref<128x128xbf16, #tpu.memory_space<vmem>>
      %dma_wait3A_224 = arith.constant 0 : i32
      %dma_wait3A_225 = tpu.memref_slice %arg8[%add3A_180, %dma_wait3A_224] : memref<80x128xi32, #tpu.memory_space<vmem>> -> memref<1x128xi32, #tpu.memory_space<vmem>>
      %dma_wait3A_226 = tpu.memref_squeeze %dma_wait3A_225 : memref<1x128xi32, #tpu.memory_space<vmem>> -> memref<128xi32, #tpu.memory_space<vmem>>
      %dma_wait3A_227 = arith.constant 0 : i32
      %dma_wait3A_228 = arith.constant 0 : i32
      %dma_wait3A_229 = tpu.memref_slice %arg11[%dma_wait3A_227, %dma_wait3A_228] : memref<10128x128xbf16, #tpu.memory_space<vmem_shared>> -> memref<10128x128xbf16, #tpu.memory_space<vmem_shared>>
      tpu.wait_indirect_dma semaphore(%arg14 : memref<!tpu.dma_semaphore, #tpu.memory_space<semaphore_mem>>) src(%dma_wait3A_223 : memref<128x128xbf16, #tpu.memory_space<vmem>>) dst(%dma_wait3A_229 : memref<10128x128xbf16, #tpu.memory_space<vmem_shared>>)
      %dma_wait3A_230 = arith.constant 256 : i32
      %dma_wait3A_231 = arith.constant 0 : i32
      %dma_wait3A_232 = tpu.memref_slice %arg9[%dma_wait3A_230, %dma_wait3A_231] : memref<512x128xbf16, #tpu.memory_space<vmem>> -> memref<128x128xbf16, #tpu.memory_space<vmem>>
      %dma_wait3A_233 = arith.constant 0 : i32
      %dma_wait3A_234 = tpu.memref_slice %arg8[%add3A_191, %dma_wait3A_233] : memref<80x128xi32, #tpu.memory_space<vmem>> -> memref<1x128xi32, #tpu.memory_space<vmem>>
      %dma_wait3A_235 = tpu.memref_squeeze %dma_wait3A_234 : memref<1x128xi32, #tpu.memory_space<vmem>> -> memref<128xi32, #tpu.memory_space<vmem>>
      %dma_wait3A_236 = arith.constant 0 : i32
      %dma_wait3A_237 = arith.constant 0 : i32
      %dma_wait3A_238 = tpu.memref_slice %arg11[%dma_wait3A_236, %dma_wait3A_237] : memref<10128x128xbf16, #tpu.memory_space<vmem_shared>> -> memref<10128x128xbf16, #tpu.memory_space<vmem_shared>>
      tpu.wait_indirect_dma semaphore(%arg14 : memref<!tpu.dma_semaphore, #tpu.memory_space<semaphore_mem>>) src(%dma_wait3A_232 : memref<128x128xbf16, #tpu.memory_space<vmem>>) dst(%dma_wait3A_238 : memref<10128x128xbf16, #tpu.memory_space<vmem_shared>>)
      %dma_wait3A_239 = arith.constant 384 : i32
      %dma_wait3A_240 = arith.constant 0 : i32
      %dma_wait3A_241 = tpu.memref_slice %arg9[%dma_wait3A_239, %dma_wait3A_240] : memref<512x128xbf16, #tpu.memory_space<vmem>> -> memref<128x128xbf16, #tpu.memory_space<vmem>>
      %dma_wait3A_242 = arith.constant 0 : i32
      %dma_wait3A_243 = tpu.memref_slice %arg8[%add3A_202, %dma_wait3A_242] : memref<80x128xi32, #tpu.memory_space<vmem>> -> memref<1x128xi32, #tpu.memory_space<vmem>>
      %dma_wait3A_244 = tpu.memref_squeeze %dma_wait3A_243 : memref<1x128xi32, #tpu.memory_space<vmem>> -> memref<128xi32, #tpu.memory_space<vmem>>
      %dma_wait3A_245 = arith.constant 0 : i32
      %dma_wait3A_246 = arith.constant 0 : i32
      %dma_wait3A_247 = tpu.memref_slice %arg11[%dma_wait3A_245, %dma_wait3A_246] : memref<10128x128xbf16, #tpu.memory_space<vmem_shared>> -> memref<10128x128xbf16, #tpu.memory_space<vmem_shared>>
      tpu.wait_indirect_dma semaphore(%arg14 : memref<!tpu.dma_semaphore, #tpu.memory_space<semaphore_mem>>) src(%dma_wait3A_241 : memref<128x128xbf16, #tpu.memory_space<vmem>>) dst(%dma_wait3A_247 : memref<10128x128xbf16, #tpu.memory_space<vmem_shared>>)
      %lt3A = arith.constant 9 : i32
      %lt3A_248 = arith.cmpi slt, %scan3A_74, %lt3A : i32
      %convert_element_type3A_249 = arith.extui %lt3A_248 : i1 to i32
      %cond3A_250 = arith.constant 0 : i32
      %cond3A_251 = arith.cmpi ne, %convert_element_type3A_249, %cond3A_250 : i32
      scf.if %cond3A_251 {
        %mul3A_378 = arith.constant 2 : i32
        %mul3A_379 = arith.muli %mul3A_378, %scan3A_74 : i32
        %add3A_380 = arith.constant 2 : i32
        %add3A_381 = arith.addi %mul3A_379, %add3A_380 : i32
        %mul3A_382 = arith.constant 4 : i32
        %mul3A_383 = arith.muli %mul3A_382, %add3A_381 : i32
        %add3A_384 = arith.constant 0 : i32
        %add3A_385 = arith.addi %mul3A_383, %add3A_384 : i32
        %dma_start3A_386 = arith.constant 0 : i32
        %dma_start3A_387 = arith.constant 0 : i32
        %dma_start3A_388 = tpu.memref_slice %arg9[%dma_start3A_386, %dma_start3A_387] : memref<512x128xbf16, #tpu.memory_space<vmem>> -> memref<128x128xbf16, #tpu.memory_space<vmem>>
        %dma_start3A_389 = arith.constant 0 : i32
        %dma_start3A_390 = tpu.memref_slice %arg7[%add3A_385, %dma_start3A_389] : memref<80x128xi32, #tpu.memory_space<vmem>> -> memref<1x128xi32, #tpu.memory_space<vmem>>
        %dma_start3A_391 = tpu.memref_squeeze %dma_start3A_390 : memref<1x128xi32, #tpu.memory_space<vmem>> -> memref<128xi32, #tpu.memory_space<vmem>>
        %dma_start3A_392 = arith.constant 0 : i32
        %dma_start3A_393 = arith.constant 0 : i32
        %dma_start3A_394 = tpu.memref_slice %arg2[%dma_start3A_392, %dma_start3A_393] : memref<20000x128xbf16, #tpu.memory_space<hbm>> -> memref<20000x128xbf16, #tpu.memory_space<hbm>>
        tpu.enqueue_indirect_dma source(%dma_start3A_394 : memref<20000x128xbf16, #tpu.memory_space<hbm>>) target(%dma_start3A_388 : memref<128x128xbf16, #tpu.memory_space<vmem>>) offsets(%dma_start3A_391 : memref<128xi32, #tpu.memory_space<vmem>>) semaphore(%arg12 : memref<!tpu.dma_semaphore, #tpu.memory_space<semaphore_mem>>)
        %add3A_395 = arith.constant 1 : i32
        %add3A_396 = arith.addi %mul3A_383, %add3A_395 : i32
        %dma_start3A_397 = arith.constant 128 : i32
        %dma_start3A_398 = arith.constant 0 : i32
        %dma_start3A_399 = tpu.memref_slice %arg9[%dma_start3A_397, %dma_start3A_398] : memref<512x128xbf16, #tpu.memory_space<vmem>> -> memref<128x128xbf16, #tpu.memory_space<vmem>>
        %dma_start3A_400 = arith.constant 0 : i32
        %dma_start3A_401 = tpu.memref_slice %arg7[%add3A_396, %dma_start3A_400] : memref<80x128xi32, #tpu.memory_space<vmem>> -> memref<1x128xi32, #tpu.memory_space<vmem>>
        %dma_start3A_402 = tpu.memref_squeeze %dma_start3A_401 : memref<1x128xi32, #tpu.memory_space<vmem>> -> memref<128xi32, #tpu.memory_space<vmem>>
        %dma_start3A_403 = arith.constant 0 : i32
        %dma_start3A_404 = arith.constant 0 : i32
        %dma_start3A_405 = tpu.memref_slice %arg2[%dma_start3A_403, %dma_start3A_404] : memref<20000x128xbf16, #tpu.memory_space<hbm>> -> memref<20000x128xbf16, #tpu.memory_space<hbm>>
        tpu.enqueue_indirect_dma source(%dma_start3A_405 : memref<20000x128xbf16, #tpu.memory_space<hbm>>) target(%dma_start3A_399 : memref<128x128xbf16, #tpu.memory_space<vmem>>) offsets(%dma_start3A_402 : memref<128xi32, #tpu.memory_space<vmem>>) semaphore(%arg12 : memref<!tpu.dma_semaphore, #tpu.memory_space<semaphore_mem>>)
        %add3A_406 = arith.constant 2 : i32
        %add3A_407 = arith.addi %mul3A_383, %add3A_406 : i32
        %dma_start3A_408 = arith.constant 256 : i32
        %dma_start3A_409 = arith.constant 0 : i32
        %dma_start3A_410 = tpu.memref_slice %arg9[%dma_start3A_408, %dma_start3A_409] : memref<512x128xbf16, #tpu.memory_space<vmem>> -> memref<128x128xbf16, #tpu.memory_space<vmem>>
        %dma_start3A_411 = arith.constant 0 : i32
        %dma_start3A_412 = tpu.memref_slice %arg7[%add3A_407, %dma_start3A_411] : memref<80x128xi32, #tpu.memory_space<vmem>> -> memref<1x128xi32, #tpu.memory_space<vmem>>
        %dma_start3A_413 = tpu.memref_squeeze %dma_start3A_412 : memref<1x128xi32, #tpu.memory_space<vmem>> -> memref<128xi32, #tpu.memory_space<vmem>>
        %dma_start3A_414 = arith.constant 0 : i32
        %dma_start3A_415 = arith.constant 0 : i32
        %dma_start3A_416 = tpu.memref_slice %arg2[%dma_start3A_414, %dma_start3A_415] : memref<20000x128xbf16, #tpu.memory_space<hbm>> -> memref<20000x128xbf16, #tpu.memory_space<hbm>>
        tpu.enqueue_indirect_dma source(%dma_start3A_416 : memref<20000x128xbf16, #tpu.memory_space<hbm>>) target(%dma_start3A_410 : memref<128x128xbf16, #tpu.memory_space<vmem>>) offsets(%dma_start3A_413 : memref<128xi32, #tpu.memory_space<vmem>>) semaphore(%arg12 : memref<!tpu.dma_semaphore, #tpu.memory_space<semaphore_mem>>)
        %add3A_417 = arith.constant 3 : i32
        %add3A_418 = arith.addi %mul3A_383, %add3A_417 : i32
        %dma_start3A_419 = arith.constant 384 : i32
        %dma_start3A_420 = arith.constant 0 : i32
        %dma_start3A_421 = tpu.memref_slice %arg9[%dma_start3A_419, %dma_start3A_420] : memref<512x128xbf16, #tpu.memory_space<vmem>> -> memref<128x128xbf16, #tpu.memory_space<vmem>>
        %dma_start3A_422 = arith.constant 0 : i32
        %dma_start3A_423 = tpu.memref_slice %arg7[%add3A_418, %dma_start3A_422] : memref<80x128xi32, #tpu.memory_space<vmem>> -> memref<1x128xi32, #tpu.memory_space<vmem>>
        %dma_start3A_424 = tpu.memref_squeeze %dma_start3A_423 : memref<1x128xi32, #tpu.memory_space<vmem>> -> memref<128xi32, #tpu.memory_space<vmem>>
        %dma_start3A_425 = arith.constant 0 : i32
        %dma_start3A_426 = arith.constant 0 : i32
        %dma_start3A_427 = tpu.memref_slice %arg2[%dma_start3A_425, %dma_start3A_426] : memref<20000x128xbf16, #tpu.memory_space<hbm>> -> memref<20000x128xbf16, #tpu.memory_space<hbm>>
        tpu.enqueue_indirect_dma source(%dma_start3A_427 : memref<20000x128xbf16, #tpu.memory_space<hbm>>) target(%dma_start3A_421 : memref<128x128xbf16, #tpu.memory_space<vmem>>) offsets(%dma_start3A_424 : memref<128xi32, #tpu.memory_space<vmem>>) semaphore(%arg12 : memref<!tpu.dma_semaphore, #tpu.memory_space<semaphore_mem>>)
      } else {
      }
      %dma_wait3A_252 = arith.constant 0 : i32
      %dma_wait3A_253 = arith.constant 0 : i32
      %dma_wait3A_254 = arith.constant 0 : i32
      %dma_wait3A_255 = tpu.memref_slice %arg10[%dma_wait3A_253, %dma_wait3A_254] : memref<512x128xbf16, #tpu.memory_space<vmem>> -> memref<128x128xbf16, #tpu.memory_space<vmem>>
      %dma_wait3A_256 = arith.constant 0 : i32
      %dma_wait3A_257 = tpu.memref_slice %arg7[%dma_wait3A_252, %dma_wait3A_256] : memref<80x128xi32, #tpu.memory_space<vmem>> -> memref<1x128xi32, #tpu.memory_space<vmem>>
      %dma_wait3A_258 = tpu.memref_squeeze %dma_wait3A_257 : memref<1x128xi32, #tpu.memory_space<vmem>> -> memref<128xi32, #tpu.memory_space<vmem>>
      %dma_wait3A_259 = arith.constant 0 : i32
      %dma_wait3A_260 = arith.constant 0 : i32
      %dma_wait3A_261 = tpu.memref_slice %arg2[%dma_wait3A_259, %dma_wait3A_260] : memref<20000x128xbf16, #tpu.memory_space<hbm>> -> memref<20000x128xbf16, #tpu.memory_space<hbm>>
      tpu.wait_indirect_dma semaphore(%arg13 : memref<!tpu.dma_semaphore, #tpu.memory_space<semaphore_mem>>) src(%dma_wait3A_261 : memref<20000x128xbf16, #tpu.memory_space<hbm>>) dst(%dma_wait3A_255 : memref<128x128xbf16, #tpu.memory_space<vmem>>)
      %dma_wait3A_262 = arith.constant 0 : i32
      %dma_wait3A_263 = arith.constant 128 : i32
      %dma_wait3A_264 = arith.constant 0 : i32
      %dma_wait3A_265 = tpu.memref_slice %arg10[%dma_wait3A_263, %dma_wait3A_264] : memref<512x128xbf16, #tpu.memory_space<vmem>> -> memref<128x128xbf16, #tpu.memory_space<vmem>>
      %dma_wait3A_266 = arith.constant 0 : i32
      %dma_wait3A_267 = tpu.memref_slice %arg7[%dma_wait3A_262, %dma_wait3A_266] : memref<80x128xi32, #tpu.memory_space<vmem>> -> memref<1x128xi32, #tpu.memory_space<vmem>>
      %dma_wait3A_268 = tpu.memref_squeeze %dma_wait3A_267 : memref<1x128xi32, #tpu.memory_space<vmem>> -> memref<128xi32, #tpu.memory_space<vmem>>
      %dma_wait3A_269 = arith.constant 0 : i32
      %dma_wait3A_270 = arith.constant 0 : i32
      %dma_wait3A_271 = tpu.memref_slice %arg2[%dma_wait3A_269, %dma_wait3A_270] : memref<20000x128xbf16, #tpu.memory_space<hbm>> -> memref<20000x128xbf16, #tpu.memory_space<hbm>>
      tpu.wait_indirect_dma semaphore(%arg13 : memref<!tpu.dma_semaphore, #tpu.memory_space<semaphore_mem>>) src(%dma_wait3A_271 : memref<20000x128xbf16, #tpu.memory_space<hbm>>) dst(%dma_wait3A_265 : memref<128x128xbf16, #tpu.memory_space<vmem>>)
      %dma_wait3A_272 = arith.constant 0 : i32
      %dma_wait3A_273 = arith.constant 256 : i32
      %dma_wait3A_274 = arith.constant 0 : i32
      %dma_wait3A_275 = tpu.memref_slice %arg10[%dma_wait3A_273, %dma_wait3A_274] : memref<512x128xbf16, #tpu.memory_space<vmem>> -> memref<128x128xbf16, #tpu.memory_space<vmem>>
      %dma_wait3A_276 = arith.constant 0 : i32
      %dma_wait3A_277 = tpu.memref_slice %arg7[%dma_wait3A_272, %dma_wait3A_276] : memref<80x128xi32, #tpu.memory_space<vmem>> -> memref<1x128xi32, #tpu.memory_space<vmem>>
      %dma_wait3A_278 = tpu.memref_squeeze %dma_wait3A_277 : memref<1x128xi32, #tpu.memory_space<vmem>> -> memref<128xi32, #tpu.memory_space<vmem>>
      %dma_wait3A_279 = arith.constant 0 : i32
      %dma_wait3A_280 = arith.constant 0 : i32
      %dma_wait3A_281 = tpu.memref_slice %arg2[%dma_wait3A_279, %dma_wait3A_280] : memref<20000x128xbf16, #tpu.memory_space<hbm>> -> memref<20000x128xbf16, #tpu.memory_space<hbm>>
      tpu.wait_indirect_dma semaphore(%arg13 : memref<!tpu.dma_semaphore, #tpu.memory_space<semaphore_mem>>) src(%dma_wait3A_281 : memref<20000x128xbf16, #tpu.memory_space<hbm>>) dst(%dma_wait3A_275 : memref<128x128xbf16, #tpu.memory_space<vmem>>)
      %dma_wait3A_282 = arith.constant 0 : i32
      %dma_wait3A_283 = arith.constant 384 : i32
      %dma_wait3A_284 = arith.constant 0 : i32
      %dma_wait3A_285 = tpu.memref_slice %arg10[%dma_wait3A_283, %dma_wait3A_284] : memref<512x128xbf16, #tpu.memory_space<vmem>> -> memref<128x128xbf16, #tpu.memory_space<vmem>>
      %dma_wait3A_286 = arith.constant 0 : i32
      %dma_wait3A_287 = tpu.memref_slice %arg7[%dma_wait3A_282, %dma_wait3A_286] : memref<80x128xi32, #tpu.memory_space<vmem>> -> memref<1x128xi32, #tpu.memory_space<vmem>>
      %dma_wait3A_288 = tpu.memref_squeeze %dma_wait3A_287 : memref<1x128xi32, #tpu.memory_space<vmem>> -> memref<128xi32, #tpu.memory_space<vmem>>
      %dma_wait3A_289 = arith.constant 0 : i32
      %dma_wait3A_290 = arith.constant 0 : i32
      %dma_wait3A_291 = tpu.memref_slice %arg2[%dma_wait3A_289, %dma_wait3A_290] : memref<20000x128xbf16, #tpu.memory_space<hbm>> -> memref<20000x128xbf16, #tpu.memory_space<hbm>>
      tpu.wait_indirect_dma semaphore(%arg13 : memref<!tpu.dma_semaphore, #tpu.memory_space<semaphore_mem>>) src(%dma_wait3A_291 : memref<20000x128xbf16, #tpu.memory_space<hbm>>) dst(%dma_wait3A_285 : memref<128x128xbf16, #tpu.memory_space<vmem>>)
      %mul3A_292 = arith.constant 2 : i32
      %mul3A_293 = arith.muli %mul3A_292, %scan3A_74 : i32
      %add3A_294 = arith.constant 1 : i32
      %add3A_295 = arith.addi %mul3A_293, %add3A_294 : i32
      %mul3A_296 = arith.constant 4 : i32
      %mul3A_297 = arith.muli %mul3A_296, %add3A_295 : i32
      %add3A_298 = arith.constant 0 : i32
      %add3A_299 = arith.addi %mul3A_297, %add3A_298 : i32
      %dma_start3A_300 = arith.constant 0 : i32
      %dma_start3A_301 = arith.constant 0 : i32
      %dma_start3A_302 = tpu.memref_slice %arg10[%dma_start3A_300, %dma_start3A_301] : memref<512x128xbf16, #tpu.memory_space<vmem>> -> memref<128x128xbf16, #tpu.memory_space<vmem>>
      %dma_start3A_303 = arith.constant 0 : i32
      %dma_start3A_304 = tpu.memref_slice %arg8[%add3A_299, %dma_start3A_303] : memref<80x128xi32, #tpu.memory_space<vmem>> -> memref<1x128xi32, #tpu.memory_space<vmem>>
      %dma_start3A_305 = tpu.memref_squeeze %dma_start3A_304 : memref<1x128xi32, #tpu.memory_space<vmem>> -> memref<128xi32, #tpu.memory_space<vmem>>
      %dma_start3A_306 = arith.constant 0 : i32
      %dma_start3A_307 = arith.constant 0 : i32
      %dma_start3A_308 = tpu.memref_slice %arg11[%dma_start3A_306, %dma_start3A_307] : memref<10128x128xbf16, #tpu.memory_space<vmem_shared>> -> memref<10128x128xbf16, #tpu.memory_space<vmem_shared>>
      tpu.enqueue_indirect_dma source(%dma_start3A_302 : memref<128x128xbf16, #tpu.memory_space<vmem>>) target(%dma_start3A_308 : memref<10128x128xbf16, #tpu.memory_space<vmem_shared>>) offsets(%dma_start3A_305 : memref<128xi32, #tpu.memory_space<vmem>>) semaphore(%arg15 : memref<!tpu.dma_semaphore, #tpu.memory_space<semaphore_mem>>) {add = true}
      %add3A_309 = arith.constant 1 : i32
      %add3A_310 = arith.addi %mul3A_297, %add3A_309 : i32
      %dma_start3A_311 = arith.constant 128 : i32
      %dma_start3A_312 = arith.constant 0 : i32
      %dma_start3A_313 = tpu.memref_slice %arg10[%dma_start3A_311, %dma_start3A_312] : memref<512x128xbf16, #tpu.memory_space<vmem>> -> memref<128x128xbf16, #tpu.memory_space<vmem>>
      %dma_start3A_314 = arith.constant 0 : i32
      %dma_start3A_315 = tpu.memref_slice %arg8[%add3A_310, %dma_start3A_314] : memref<80x128xi32, #tpu.memory_space<vmem>> -> memref<1x128xi32, #tpu.memory_space<vmem>>
      %dma_start3A_316 = tpu.memref_squeeze %dma_start3A_315 : memref<1x128xi32, #tpu.memory_space<vmem>> -> memref<128xi32, #tpu.memory_space<vmem>>
      %dma_start3A_317 = arith.constant 0 : i32
      %dma_start3A_318 = arith.constant 0 : i32
      %dma_start3A_319 = tpu.memref_slice %arg11[%dma_start3A_317, %dma_start3A_318] : memref<10128x128xbf16, #tpu.memory_space<vmem_shared>> -> memref<10128x128xbf16, #tpu.memory_space<vmem_shared>>
      tpu.enqueue_indirect_dma source(%dma_start3A_313 : memref<128x128xbf16, #tpu.memory_space<vmem>>) target(%dma_start3A_319 : memref<10128x128xbf16, #tpu.memory_space<vmem_shared>>) offsets(%dma_start3A_316 : memref<128xi32, #tpu.memory_space<vmem>>) semaphore(%arg15 : memref<!tpu.dma_semaphore, #tpu.memory_space<semaphore_mem>>) {add = true}
      %add3A_320 = arith.constant 2 : i32
      %add3A_321 = arith.addi %mul3A_297, %add3A_320 : i32
      %dma_start3A_322 = arith.constant 256 : i32
      %dma_start3A_323 = arith.constant 0 : i32
      %dma_start3A_324 = tpu.memref_slice %arg10[%dma_start3A_322, %dma_start3A_323] : memref<512x128xbf16, #tpu.memory_space<vmem>> -> memref<128x128xbf16, #tpu.memory_space<vmem>>
      %dma_start3A_325 = arith.constant 0 : i32
      %dma_start3A_326 = tpu.memref_slice %arg8[%add3A_321, %dma_start3A_325] : memref<80x128xi32, #tpu.memory_space<vmem>> -> memref<1x128xi32, #tpu.memory_space<vmem>>
      %dma_start3A_327 = tpu.memref_squeeze %dma_start3A_326 : memref<1x128xi32, #tpu.memory_space<vmem>> -> memref<128xi32, #tpu.memory_space<vmem>>
      %dma_start3A_328 = arith.constant 0 : i32
      %dma_start3A_329 = arith.constant 0 : i32
      %dma_start3A_330 = tpu.memref_slice %arg11[%dma_start3A_328, %dma_start3A_329] : memref<10128x128xbf16, #tpu.memory_space<vmem_shared>> -> memref<10128x128xbf16, #tpu.memory_space<vmem_shared>>
      tpu.enqueue_indirect_dma source(%dma_start3A_324 : memref<128x128xbf16, #tpu.memory_space<vmem>>) target(%dma_start3A_330 : memref<10128x128xbf16, #tpu.memory_space<vmem_shared>>) offsets(%dma_start3A_327 : memref<128xi32, #tpu.memory_space<vmem>>) semaphore(%arg15 : memref<!tpu.dma_semaphore, #tpu.memory_space<semaphore_mem>>) {add = true}
      %add3A_331 = arith.constant 3 : i32
      %add3A_332 = arith.addi %mul3A_297, %add3A_331 : i32
      %dma_start3A_333 = arith.constant 384 : i32
      %dma_start3A_334 = arith.constant 0 : i32
      %dma_start3A_335 = tpu.memref_slice %arg10[%dma_start3A_333, %dma_start3A_334] : memref<512x128xbf16, #tpu.memory_space<vmem>> -> memref<128x128xbf16, #tpu.memory_space<vmem>>
      %dma_start3A_336 = arith.constant 0 : i32
      %dma_start3A_337 = tpu.memref_slice %arg8[%add3A_332, %dma_start3A_336] : memref<80x128xi32, #tpu.memory_space<vmem>> -> memref<1x128xi32, #tpu.memory_space<vmem>>
      %dma_start3A_338 = tpu.memref_squeeze %dma_start3A_337 : memref<1x128xi32, #tpu.memory_space<vmem>> -> memref<128xi32, #tpu.memory_space<vmem>>
      %dma_start3A_339 = arith.constant 0 : i32
      %dma_start3A_340 = arith.constant 0 : i32
      %dma_start3A_341 = tpu.memref_slice %arg11[%dma_start3A_339, %dma_start3A_340] : memref<10128x128xbf16, #tpu.memory_space<vmem_shared>> -> memref<10128x128xbf16, #tpu.memory_space<vmem_shared>>
      tpu.enqueue_indirect_dma source(%dma_start3A_335 : memref<128x128xbf16, #tpu.memory_space<vmem>>) target(%dma_start3A_341 : memref<10128x128xbf16, #tpu.memory_space<vmem_shared>>) offsets(%dma_start3A_338 : memref<128xi32, #tpu.memory_space<vmem>>) semaphore(%arg15 : memref<!tpu.dma_semaphore, #tpu.memory_space<semaphore_mem>>) {add = true}
      %dma_wait3A_342 = arith.constant 0 : i32
      %dma_wait3A_343 = arith.constant 0 : i32
      %dma_wait3A_344 = tpu.memref_slice %arg10[%dma_wait3A_342, %dma_wait3A_343] : memref<512x128xbf16, #tpu.memory_space<vmem>> -> memref<128x128xbf16, #tpu.memory_space<vmem>>
      %dma_wait3A_345 = arith.constant 0 : i32
      %dma_wait3A_346 = tpu.memref_slice %arg8[%add3A_299, %dma_wait3A_345] : memref<80x128xi32, #tpu.memory_space<vmem>> -> memref<1x128xi32, #tpu.memory_space<vmem>>
      %dma_wait3A_347 = tpu.memref_squeeze %dma_wait3A_346 : memref<1x128xi32, #tpu.memory_space<vmem>> -> memref<128xi32, #tpu.memory_space<vmem>>
      %dma_wait3A_348 = arith.constant 0 : i32
      %dma_wait3A_349 = arith.constant 0 : i32
      %dma_wait3A_350 = tpu.memref_slice %arg11[%dma_wait3A_348, %dma_wait3A_349] : memref<10128x128xbf16, #tpu.memory_space<vmem_shared>> -> memref<10128x128xbf16, #tpu.memory_space<vmem_shared>>
      tpu.wait_indirect_dma semaphore(%arg15 : memref<!tpu.dma_semaphore, #tpu.memory_space<semaphore_mem>>) src(%dma_wait3A_344 : memref<128x128xbf16, #tpu.memory_space<vmem>>) dst(%dma_wait3A_350 : memref<10128x128xbf16, #tpu.memory_space<vmem_shared>>)
      %dma_wait3A_351 = arith.constant 128 : i32
      %dma_wait3A_352 = arith.constant 0 : i32
      %dma_wait3A_353 = tpu.memref_slice %arg10[%dma_wait3A_351, %dma_wait3A_352] : memref<512x128xbf16, #tpu.memory_space<vmem>> -> memref<128x128xbf16, #tpu.memory_space<vmem>>
      %dma_wait3A_354 = arith.constant 0 : i32
      %dma_wait3A_355 = tpu.memref_slice %arg8[%add3A_310, %dma_wait3A_354] : memref<80x128xi32, #tpu.memory_space<vmem>> -> memref<1x128xi32, #tpu.memory_space<vmem>>
      %dma_wait3A_356 = tpu.memref_squeeze %dma_wait3A_355 : memref<1x128xi32, #tpu.memory_space<vmem>> -> memref<128xi32, #tpu.memory_space<vmem>>
      %dma_wait3A_357 = arith.constant 0 : i32
      %dma_wait3A_358 = arith.constant 0 : i32
      %dma_wait3A_359 = tpu.memref_slice %arg11[%dma_wait3A_357, %dma_wait3A_358] : memref<10128x128xbf16, #tpu.memory_space<vmem_shared>> -> memref<10128x128xbf16, #tpu.memory_space<vmem_shared>>
      tpu.wait_indirect_dma semaphore(%arg15 : memref<!tpu.dma_semaphore, #tpu.memory_space<semaphore_mem>>) src(%dma_wait3A_353 : memref<128x128xbf16, #tpu.memory_space<vmem>>) dst(%dma_wait3A_359 : memref<10128x128xbf16, #tpu.memory_space<vmem_shared>>)
      %dma_wait3A_360 = arith.constant 256 : i32
      %dma_wait3A_361 = arith.constant 0 : i32
      %dma_wait3A_362 = tpu.memref_slice %arg10[%dma_wait3A_360, %dma_wait3A_361] : memref<512x128xbf16, #tpu.memory_space<vmem>> -> memref<128x128xbf16, #tpu.memory_space<vmem>>
      %dma_wait3A_363 = arith.constant 0 : i32
      %dma_wait3A_364 = tpu.memref_slice %arg8[%add3A_321, %dma_wait3A_363] : memref<80x128xi32, #tpu.memory_space<vmem>> -> memref<1x128xi32, #tpu.memory_space<vmem>>
      %dma_wait3A_365 = tpu.memref_squeeze %dma_wait3A_364 : memref<1x128xi32, #tpu.memory_space<vmem>> -> memref<128xi32, #tpu.memory_space<vmem>>
      %dma_wait3A_366 = arith.constant 0 : i32
      %dma_wait3A_367 = arith.constant 0 : i32
      %dma_wait3A_368 = tpu.memref_slice %arg11[%dma_wait3A_366, %dma_wait3A_367] : memref<10128x128xbf16, #tpu.memory_space<vmem_shared>> -> memref<10128x128xbf16, #tpu.memory_space<vmem_shared>>
      tpu.wait_indirect_dma semaphore(%arg15 : memref<!tpu.dma_semaphore, #tpu.memory_space<semaphore_mem>>) src(%dma_wait3A_362 : memref<128x128xbf16, #tpu.memory_space<vmem>>) dst(%dma_wait3A_368 : memref<10128x128xbf16, #tpu.memory_space<vmem_shared>>)
      %dma_wait3A_369 = arith.constant 384 : i32
      %dma_wait3A_370 = arith.constant 0 : i32
      %dma_wait3A_371 = tpu.memref_slice %arg10[%dma_wait3A_369, %dma_wait3A_370] : memref<512x128xbf16, #tpu.memory_space<vmem>> -> memref<128x128xbf16, #tpu.memory_space<vmem>>
      %dma_wait3A_372 = arith.constant 0 : i32
      %dma_wait3A_373 = tpu.memref_slice %arg8[%add3A_332, %dma_wait3A_372] : memref<80x128xi32, #tpu.memory_space<vmem>> -> memref<1x128xi32, #tpu.memory_space<vmem>>
      %dma_wait3A_374 = tpu.memref_squeeze %dma_wait3A_373 : memref<1x128xi32, #tpu.memory_space<vmem>> -> memref<128xi32, #tpu.memory_space<vmem>>
      %dma_wait3A_375 = arith.constant 0 : i32
      %dma_wait3A_376 = arith.constant 0 : i32
      %dma_wait3A_377 = tpu.memref_slice %arg11[%dma_wait3A_375, %dma_wait3A_376] : memref<10128x128xbf16, #tpu.memory_space<vmem_shared>> -> memref<10128x128xbf16, #tpu.memory_space<vmem_shared>>
      tpu.wait_indirect_dma semaphore(%arg15 : memref<!tpu.dma_semaphore, #tpu.memory_space<semaphore_mem>>) src(%dma_wait3A_371 : memref<128x128xbf16, #tpu.memory_space<vmem>>) dst(%dma_wait3A_377 : memref<10128x128xbf16, #tpu.memory_space<vmem_shared>>)
    }
    %scan3A_60 = arith.constant 10 : i32
    %barrier3A_61 = arith.constant 0 : index
    tpu.barrier barrier_id(%barrier3A_61)
    %mul3A_62 = arith.constant 624 : i32
    %mul3A_63 = arith.muli %arg1, %mul3A_62 : i32
    %mul3A_64 = arith.constant 10000 : i32
    %mul3A_65 = arith.muli %arg0, %mul3A_64 : i32
    %mul3A_66 = arith.constant 624 : i32
    %mul3A_67 = arith.muli %arg1, %mul3A_66 : i32
    %add3A_68 = arith.addi %mul3A_65, %mul3A_67 : i32
    "tpu.region"() ({
      %run_scoped3A = tpu.sem_alloc : memref<!tpu.dma_semaphore, #tpu.memory_space<semaphore_mem>>
      %dma_start3A_74 = arith.constant 0 : i32
      %dma_start3A_75 = tpu.memref_slice %arg6[%add3A_68, %dma_start3A_74] : memref<20000x128xbf16, #tpu.memory_space<hbm>> -> memref<624x128xbf16, #tpu.memory_space<hbm>>
      %dma_start3A_76 = arith.constant 0 : i32
      %dma_start3A_77 = tpu.memref_slice %arg11[%mul3A_63, %dma_start3A_76] : memref<10128x128xbf16, #tpu.memory_space<vmem_shared>> -> memref<624x128xbf16, #tpu.memory_space<vmem_shared>>
      tpu.enqueue_dma source(%dma_start3A_77 : memref<624x128xbf16, #tpu.memory_space<vmem_shared>>) target(%dma_start3A_75 : memref<624x128xbf16, #tpu.memory_space<hbm>>) target_semaphore(%run_scoped3A : memref<!tpu.dma_semaphore, #tpu.memory_space<semaphore_mem>>)
      %dma_wait3A = arith.constant 0 : i32
      %dma_wait3A_78 = tpu.memref_slice %arg6[%add3A_68, %dma_wait3A] : memref<20000x128xbf16, #tpu.memory_space<hbm>> -> memref<624x128xbf16, #tpu.memory_space<hbm>>
      %dma_wait3A_79 = arith.constant 0 : i32
      %dma_wait3A_80 = tpu.memref_slice %arg11[%mul3A_63, %dma_wait3A_79] : memref<10128x128xbf16, #tpu.memory_space<vmem_shared>> -> memref<624x128xbf16, #tpu.memory_space<vmem_shared>>
      tpu.wait_dma2 semaphore(%run_scoped3A : memref<!tpu.dma_semaphore, #tpu.memory_space<semaphore_mem>>) src(%dma_wait3A_80 : memref<624x128xbf16, #tpu.memory_space<vmem_shared>>) dst(%dma_wait3A_78 : memref<624x128xbf16, #tpu.memory_space<hbm>>)
      tpu.yield
    }) : () -> ()
    %eq3A_69 = arith.constant 15 : i32
    %eq3A_70 = arith.cmpi eq, %arg1, %eq3A_69 : i32
    %convert_element_type3A_71 = arith.extui %eq3A_70 : i1 to i32
    %cond3A_72 = arith.constant 0 : i32
    %cond3A_73 = arith.cmpi ne, %convert_element_type3A_71, %cond3A_72 : i32
    scf.if %cond3A_73 {
      %mul3A_74 = arith.constant 10000 : i32
      %mul3A_75 = arith.muli %arg0, %mul3A_74 : i32
      %add3A_76 = arith.constant 9984 : i32
      %add3A_77 = arith.addi %mul3A_75, %add3A_76 : i32
      "tpu.region"() ({
        %run_scoped3A = tpu.sem_alloc : memref<!tpu.dma_semaphore, #tpu.memory_space<semaphore_mem>>
        %dma_start3A_78 = arith.constant 0 : i32
        %dma_start3A_79 = tpu.memref_slice %arg6[%add3A_77, %dma_start3A_78] : memref<20000x128xbf16, #tpu.memory_space<hbm>> -> memref<16x128xbf16, #tpu.memory_space<hbm>>
        %dma_start3A_80 = arith.constant 9984 : i32
        %dma_start3A_81 = arith.constant 0 : i32
        %dma_start3A_82 = tpu.memref_slice %arg11[%dma_start3A_80, %dma_start3A_81] : memref<10128x128xbf16, #tpu.memory_space<vmem_shared>> -> memref<16x128xbf16, #tpu.memory_space<vmem_shared>>
        tpu.enqueue_dma source(%dma_start3A_82 : memref<16x128xbf16, #tpu.memory_space<vmem_shared>>) target(%dma_start3A_79 : memref<16x128xbf16, #tpu.memory_space<hbm>>) target_semaphore(%run_scoped3A : memref<!tpu.dma_semaphore, #tpu.memory_space<semaphore_mem>>)
        %dma_wait3A = arith.constant 0 : i32
        %dma_wait3A_83 = tpu.memref_slice %arg6[%add3A_77, %dma_wait3A] : memref<20000x128xbf16, #tpu.memory_space<hbm>> -> memref<16x128xbf16, #tpu.memory_space<hbm>>
        %dma_wait3A_84 = arith.constant 9984 : i32
        %dma_wait3A_85 = arith.constant 0 : i32
        %dma_wait3A_86 = tpu.memref_slice %arg11[%dma_wait3A_84, %dma_wait3A_85] : memref<10128x128xbf16, #tpu.memory_space<vmem_shared>> -> memref<16x128xbf16, #tpu.memory_space<vmem_shared>>
        tpu.wait_dma2 semaphore(%run_scoped3A : memref<!tpu.dma_semaphore, #tpu.memory_space<semaphore_mem>>) src(%dma_wait3A_86 : memref<16x128xbf16, #tpu.memory_space<vmem_shared>>) dst(%dma_wait3A_83 : memref<16x128xbf16, #tpu.memory_space<hbm>>)
        tpu.yield
      }) : () -> ()
    } else {
    }
    return
  }
}

#map = affine_map<(d0, d1) -> (0, 0)>
module attributes {stable_mosaic.version = 14 : i64} {
  func.func @_spmm_kernel(%arg0: i32, %arg1: i32, %arg2: memref<20000x128xbf16, #tpu.memory_space<hbm>>, %arg3: memref<2560x128xi32, #tpu.memory_space<hbm>>, %arg4: memref<1280x128xi32, #tpu.memory_space<hbm>>, %arg5: memref<128x128xbf16, #tpu.memory_space<hbm>>, %arg6: memref<20000x128xbf16, #tpu.memory_space<hbm>>, %arg7: memref<80x128xi32, #tpu.memory_space<vmem>>, %arg8: memref<80x128xi32, #tpu.memory_space<vmem>>, %arg9: memref<512x128xbf16, #tpu.memory_space<vmem>>, %arg10: memref<512x128xbf16, #tpu.memory_space<vmem>>, %arg11: memref<10128x128xbf16, #tpu.memory_space<vmem_shared>>, %arg12: memref<!tpu.dma_semaphore, #tpu.memory_space<semaphore_mem>>, %arg13: memref<!tpu.dma_semaphore, #tpu.memory_space<semaphore_mem>>, %arg14: memref<!tpu.dma_semaphore, #tpu.memory_space<semaphore_mem>>, %arg15: memref<!tpu.dma_semaphore, #tpu.memory_space<semaphore_mem>>) attributes {dimension_semantics = [#tpu.dimension_semantics<core_parallel>, #tpu.dimension_semantics<subcore_parallel>], iteration_bounds = array<i64: 2, 16>, scalar_prefetch = 0 : i64, scratch_operands = 9 : i64, tpu.core_type = #tpu.core_type<sc_vector_subcore>, window_params = [{transform_indices = #map}, {transform_indices = #map}, {transform_indices = #map}, {transform_indices = #map}, {transform_indices = #map}]} {
    %mul3A = arith.constant 80 : i32
    %mul3A_0 = arith.muli %arg1, %mul3A : i32
    "tpu.region"() ({
      %run_scoped3A = tpu.sem_alloc : memref<!tpu.dma_semaphore, #tpu.memory_space<semaphore_mem>>
      %dma_start3A_74 = arith.constant 0 : i32
      %dma_start3A_75 = tpu.memref_slice %arg4[%mul3A_0, %dma_start3A_74] : memref<1280x128xi32, #tpu.memory_space<hbm>> -> memref<80x128xi32, #tpu.memory_space<hbm>>
      %dma_start3A_76 = arith.constant 0 : i32
      %dma_start3A_77 = tpu.memref_slice %arg4[%mul3A_0, %dma_start3A_76] : memref<1280x128xi32, #tpu.memory_space<hbm>> -> memref<80x128xi32, #tpu.memory_space<hbm>>
      tpu.enqueue_dma source(%dma_start3A_77 : memref<80x128xi32, #tpu.memory_space<hbm>>) target(%arg8 : memref<80x128xi32, #tpu.memory_space<vmem>>) target_semaphore(%run_scoped3A : memref<!tpu.dma_semaphore, #tpu.memory_space<semaphore_mem>>)
      %dma_wait3A = arith.constant 0 : i32
      %dma_wait3A_78 = tpu.memref_slice %arg4[%mul3A_0, %dma_wait3A] : memref<1280x128xi32, #tpu.memory_space<hbm>> -> memref<80x128xi32, #tpu.memory_space<hbm>>
      %dma_wait3A_79 = arith.constant 0 : i32
      %dma_wait3A_80 = tpu.memref_slice %arg4[%mul3A_0, %dma_wait3A_79] : memref<1280x128xi32, #tpu.memory_space<hbm>> -> memref<80x128xi32, #tpu.memory_space<hbm>>
      tpu.wait_dma2 semaphore(%run_scoped3A : memref<!tpu.dma_semaphore, #tpu.memory_space<semaphore_mem>>) src(%dma_wait3A_80 : memref<80x128xi32, #tpu.memory_space<hbm>>) dst(%arg8 : memref<80x128xi32, #tpu.memory_space<vmem>>)
      tpu.yield
    }) : () -> ()
    %mul3A_1 = arith.constant 1280 : i32
    %mul3A_2 = arith.muli %arg0, %mul3A_1 : i32
    %add3A = arith.addi %mul3A_2, %mul3A_0 : i32
    "tpu.region"() ({
      %run_scoped3A = tpu.sem_alloc : memref<!tpu.dma_semaphore, #tpu.memory_space<semaphore_mem>>
      %dma_start3A_74 = arith.constant 0 : i32
      %dma_start3A_75 = tpu.memref_slice %arg3[%add3A, %dma_start3A_74] : memref<2560x128xi32, #tpu.memory_space<hbm>> -> memref<80x128xi32, #tpu.memory_space<hbm>>
      %dma_start3A_76 = arith.constant 0 : i32
      %dma_start3A_77 = tpu.memref_slice %arg3[%add3A, %dma_start3A_76] : memref<2560x128xi32, #tpu.memory_space<hbm>> -> memref<80x128xi32, #tpu.memory_space<hbm>>
      tpu.enqueue_dma source(%dma_start3A_77 : memref<80x128xi32, #tpu.memory_space<hbm>>) target(%arg7 : memref<80x128xi32, #tpu.memory_space<vmem>>) target_semaphore(%run_scoped3A : memref<!tpu.dma_semaphore, #tpu.memory_space<semaphore_mem>>)
      %dma_wait3A = arith.constant 0 : i32
      %dma_wait3A_78 = tpu.memref_slice %arg3[%add3A, %dma_wait3A] : memref<2560x128xi32, #tpu.memory_space<hbm>> -> memref<80x128xi32, #tpu.memory_space<hbm>>
      %dma_wait3A_79 = arith.constant 0 : i32
      %dma_wait3A_80 = tpu.memref_slice %arg3[%add3A, %dma_wait3A_79] : memref<2560x128xi32, #tpu.memory_space<hbm>> -> memref<80x128xi32, #tpu.memory_space<hbm>>
      tpu.wait_dma2 semaphore(%run_scoped3A : memref<!tpu.dma_semaphore, #tpu.memory_space<semaphore_mem>>) src(%dma_wait3A_80 : memref<80x128xi32, #tpu.memory_space<hbm>>) dst(%arg7 : memref<80x128xi32, #tpu.memory_space<vmem>>)
      tpu.yield
    }) : () -> ()
    %mul3A_3 = arith.constant 10000 : i32
    %mul3A_4 = arith.muli %arg0, %mul3A_3 : i32
    %mul3A_5 = arith.constant 624 : i32
    %mul3A_6 = arith.muli %arg1, %mul3A_5 : i32
    %add3A_7 = arith.addi %mul3A_4, %mul3A_6 : i32
    %mul3A_8 = arith.constant 624 : i32
    %mul3A_9 = arith.muli %arg1, %mul3A_8 : i32
    "tpu.region"() ({
      %run_scoped3A = tpu.sem_alloc : memref<!tpu.dma_semaphore, #tpu.memory_space<semaphore_mem>>
      %dma_start3A_74 = arith.constant 0 : i32
      %dma_start3A_75 = tpu.memref_slice %arg11[%mul3A_9, %dma_start3A_74] : memref<10128x128xbf16, #tpu.memory_space<vmem_shared>> -> memref<624x128xbf16, #tpu.memory_space<vmem_shared>>
      %dma_start3A_76 = arith.constant 0 : i32
      %dma_start3A_77 = tpu.memref_slice %arg2[%add3A_7, %dma_start3A_76] : memref<20000x128xbf16, #tpu.memory_space<hbm>> -> memref<624x128xbf16, #tpu.memory_space<hbm>>
      tpu.enqueue_dma source(%dma_start3A_77 : memref<624x128xbf16, #tpu.memory_space<hbm>>) target(%dma_start3A_75 : memref<624x128xbf16, #tpu.memory_space<vmem_shared>>) target_semaphore(%run_scoped3A : memref<!tpu.dma_semaphore, #tpu.memory_space<semaphore_mem>>)
      %dma_wait3A = arith.constant 0 : i32
      %dma_wait3A_78 = tpu.memref_slice %arg11[%mul3A_9, %dma_wait3A] : memref<10128x128xbf16, #tpu.memory_space<vmem_shared>> -> memref<624x128xbf16, #tpu.memory_space<vmem_shared>>
      %dma_wait3A_79 = arith.constant 0 : i32
      %dma_wait3A_80 = tpu.memref_slice %arg2[%add3A_7, %dma_wait3A_79] : memref<20000x128xbf16, #tpu.memory_space<hbm>> -> memref<624x128xbf16, #tpu.memory_space<hbm>>
      tpu.wait_dma2 semaphore(%run_scoped3A : memref<!tpu.dma_semaphore, #tpu.memory_space<semaphore_mem>>) src(%dma_wait3A_80 : memref<624x128xbf16, #tpu.memory_space<hbm>>) dst(%dma_wait3A_78 : memref<624x128xbf16, #tpu.memory_space<vmem_shared>>)
      tpu.yield
    }) : () -> ()
    %eq3A = arith.constant 15 : i32
    %eq3A_10 = arith.cmpi eq, %arg1, %eq3A : i32
    %convert_element_type3A = arith.extui %eq3A_10 : i1 to i32
    %cond3A = arith.constant 0 : i32
    %cond3A_11 = arith.cmpi ne, %convert_element_type3A, %cond3A : i32
    scf.if %cond3A_11 {
      %mul3A_74 = arith.constant 10000 : i32
      %mul3A_75 = arith.muli %arg0, %mul3A_74 : i32
      %add3A_76 = arith.constant 9984 : i32
      %add3A_77 = arith.addi %mul3A_75, %add3A_76 : i32
      "tpu.region"() ({
        %run_scoped3A = tpu.sem_alloc : memref<!tpu.dma_semaphore, #tpu.memory_space<semaphore_mem>>
        %dma_start3A_78 = arith.constant 9984 : i32
        %dma_start3A_79 = arith.constant 0 : i32
        %dma_start3A_80 = tpu.memref_slice %arg11[%dma_start3A_78, %dma_start3A_79] : memref<10128x128xbf16, #tpu.memory_space<vmem_shared>> -> memref<16x128xbf16, #tpu.memory_space<vmem_shared>>
        %dma_start3A_81 = arith.constant 0 : i32
        %dma_start3A_82 = tpu.memref_slice %arg2[%add3A_77, %dma_start3A_81] : memref<20000x128xbf16, #tpu.memory_space<hbm>> -> memref<16x128xbf16, #tpu.memory_space<hbm>>
        tpu.enqueue_dma source(%dma_start3A_82 : memref<16x128xbf16, #tpu.memory_space<hbm>>) target(%dma_start3A_80 : memref<16x128xbf16, #tpu.memory_space<vmem_shared>>) target_semaphore(%run_scoped3A : memref<!tpu.dma_semaphore, #tpu.memory_space<semaphore_mem>>)
        %dma_wait3A = arith.constant 9984 : i32
        %dma_wait3A_83 = arith.constant 0 : i32
        %dma_wait3A_84 = tpu.memref_slice %arg11[%dma_wait3A, %dma_wait3A_83] : memref<10128x128xbf16, #tpu.memory_space<vmem_shared>> -> memref<16x128xbf16, #tpu.memory_space<vmem_shared>>
        %dma_wait3A_85 = arith.constant 0 : i32
        %dma_wait3A_86 = tpu.memref_slice %arg2[%add3A_77, %dma_wait3A_85] : memref<20000x128xbf16, #tpu.memory_space<hbm>> -> memref<16x128xbf16, #tpu.memory_space<hbm>>
        tpu.wait_dma2 semaphore(%run_scoped3A : memref<!tpu.dma_semaphore, #tpu.memory_space<semaphore_mem>>) src(%dma_wait3A_86 : memref<16x128xbf16, #tpu.memory_space<hbm>>) dst(%dma_wait3A_84 : memref<16x128xbf16, #tpu.memory_space<vmem_shared>>)
        tpu.yield
      }) : () -> ()
    } else {
    }
    %eq3A_12 = arith.constant 0 : i32
    %eq3A_13 = arith.cmpi eq, %arg1, %eq3A_12 : i32
    %convert_element_type3A_14 = arith.extui %eq3A_13 : i1 to i32
    %cond3A_15 = arith.constant 0 : i32
    %cond3A_16 = arith.cmpi ne, %convert_element_type3A_14, %cond3A_15 : i32
    scf.if %cond3A_16 {
      "tpu.region"() ({
        %run_scoped3A = tpu.sem_alloc : memref<!tpu.dma_semaphore, #tpu.memory_space<semaphore_mem>>
        %dma_start3A_74 = arith.constant 10000 : i32
        %dma_start3A_75 = arith.constant 0 : i32
        %dma_start3A_76 = tpu.memref_slice %arg11[%dma_start3A_74, %dma_start3A_75] : memref<10128x128xbf16, #tpu.memory_space<vmem_shared>> -> memref<128x128xbf16, #tpu.memory_space<vmem_shared>>
        tpu.enqueue_dma source(%arg5 : memref<128x128xbf16, #tpu.memory_space<hbm>>) target(%dma_start3A_76 : memref<128x128xbf16, #tpu.memory_space<vmem_shared>>) target_semaphore(%run_scoped3A : memref<!tpu.dma_semaphore, #tpu.memory_space<semaphore_mem>>)
        %dma_wait3A = arith.constant 10000 : i32
        %dma_wait3A_77 = arith.constant 0 : i32
        %dma_wait3A_78 = tpu.memref_slice %arg11[%dma_wait3A, %dma_wait3A_77] : memref<10128x128xbf16, #tpu.memory_space<vmem_shared>> -> memref<128x128xbf16, #tpu.memory_space<vmem_shared>>
        tpu.wait_dma2 semaphore(%run_scoped3A : memref<!tpu.dma_semaphore, #tpu.memory_space<semaphore_mem>>) src(%arg5 : memref<128x128xbf16, #tpu.memory_space<hbm>>) dst(%dma_wait3A_78 : memref<128x128xbf16, #tpu.memory_space<vmem_shared>>)
        tpu.yield
      }) : () -> ()
    } else {
    }
    %barrier3A = arith.constant 0 : index
    tpu.barrier barrier_id(%barrier3A)
    %dma_start3A = arith.constant 0 : i32
    %dma_start3A_17 = arith.constant 0 : i32
    %dma_start3A_18 = arith.constant 0 : i32
    %dma_start3A_19 = tpu.memref_slice %arg9[%dma_start3A_17, %dma_start3A_18] : memref<512x128xbf16, #tpu.memory_space<vmem>> -> memref<128x128xbf16, #tpu.memory_space<vmem>>
    %dma_start3A_20 = arith.constant 0 : i32
    %dma_start3A_21 = tpu.memref_slice %arg7[%dma_start3A, %dma_start3A_20] : memref<80x128xi32, #tpu.memory_space<vmem>> -> memref<1x128xi32, #tpu.memory_space<vmem>>
    %dma_start3A_22 = tpu.memref_squeeze %dma_start3A_21 : memref<1x128xi32, #tpu.memory_space<vmem>> -> memref<128xi32, #tpu.memory_space<vmem>>
    %dma_start3A_23 = arith.constant 0 : i32
    %dma_start3A_24 = arith.constant 0 : i32
    %dma_start3A_25 = tpu.memref_slice %arg2[%dma_start3A_23, %dma_start3A_24] : memref<20000x128xbf16, #tpu.memory_space<hbm>> -> memref<20000x128xbf16, #tpu.memory_space<hbm>>
    tpu.enqueue_indirect_dma source(%dma_start3A_25 : memref<20000x128xbf16, #tpu.memory_space<hbm>>) target(%dma_start3A_19 : memref<128x128xbf16, #tpu.memory_space<vmem>>) offsets(%dma_start3A_22 : memref<128xi32, #tpu.memory_space<vmem>>) semaphore(%arg12 : memref<!tpu.dma_semaphore, #tpu.memory_space<semaphore_mem>>)
    %dma_start3A_26 = arith.constant 1 : i32
    %dma_start3A_27 = arith.constant 128 : i32
    %dma_start3A_28 = arith.constant 0 : i32
    %dma_start3A_29 = tpu.memref_slice %arg9[%dma_start3A_27, %dma_start3A_28] : memref<512x128xbf16, #tpu.memory_space<vmem>> -> memref<128x128xbf16, #tpu.memory_space<vmem>>
    %dma_start3A_30 = arith.constant 0 : i32
    %dma_start3A_31 = tpu.memref_slice %arg7[%dma_start3A_26, %dma_start3A_30] : memref<80x128xi32, #tpu.memory_space<vmem>> -> memref<1x128xi32, #tpu.memory_space<vmem>>
    %dma_start3A_32 = tpu.memref_squeeze %dma_start3A_31 : memref<1x128xi32, #tpu.memory_space<vmem>> -> memref<128xi32, #tpu.memory_space<vmem>>
    %dma_start3A_33 = arith.constant 0 : i32
    %dma_start3A_34 = arith.constant 0 : i32
    %dma_start3A_35 = tpu.memref_slice %arg2[%dma_start3A_33, %dma_start3A_34] : memref<20000x128xbf16, #tpu.memory_space<hbm>> -> memref<20000x128xbf16, #tpu.memory_space<hbm>>
    tpu.enqueue_indirect_dma source(%dma_start3A_35 : memref<20000x128xbf16, #tpu.memory_space<hbm>>) target(%dma_start3A_29 : memref<128x128xbf16, #tpu.memory_space<vmem>>) offsets(%dma_start3A_32 : memref<128xi32, #tpu.memory_space<vmem>>) semaphore(%arg12 : memref<!tpu.dma_semaphore, #tpu.memory_space<semaphore_mem>>)
    %dma_start3A_36 = arith.constant 2 : i32
    %dma_start3A_37 = arith.constant 256 : i32
    %dma_start3A_38 = arith.constant 0 : i32
    %dma_start3A_39 = tpu.memref_slice %arg9[%dma_start3A_37, %dma_start3A_38] : memref<512x128xbf16, #tpu.memory_space<vmem>> -> memref<128x128xbf16, #tpu.memory_space<vmem>>
    %dma_start3A_40 = arith.constant 0 : i32
    %dma_start3A_41 = tpu.memref_slice %arg7[%dma_start3A_36, %dma_start3A_40] : memref<80x128xi32, #tpu.memory_space<vmem>> -> memref<1x128xi32, #tpu.memory_space<vmem>>
    %dma_start3A_42 = tpu.memref_squeeze %dma_start3A_41 : memref<1x128xi32, #tpu.memory_space<vmem>> -> memref<128xi32, #tpu.memory_space<vmem>>
    %dma_start3A_43 = arith.constant 0 : i32
    %dma_start3A_44 = arith.constant 0 : i32
    %dma_start3A_45 = tpu.memref_slice %arg2[%dma_start3A_43, %dma_start3A_44] : memref<20000x128xbf16, #tpu.memory_space<hbm>> -> memref<20000x128xbf16, #tpu.memory_space<hbm>>
    tpu.enqueue_indirect_dma source(%dma_start3A_45 : memref<20000x128xbf16, #tpu.memory_space<hbm>>) target(%dma_start3A_39 : memref<128x128xbf16, #tpu.memory_space<vmem>>) offsets(%dma_start3A_42 : memref<128xi32, #tpu.memory_space<vmem>>) semaphore(%arg12 : memref<!tpu.dma_semaphore, #tpu.memory_space<semaphore_mem>>)
    %dma_start3A_46 = arith.constant 3 : i32
    %dma_start3A_47 = arith.constant 384 : i32
    %dma_start3A_48 = arith.constant 0 : i32
    %dma_start3A_49 = tpu.memref_slice %arg9[%dma_start3A_47, %dma_start3A_48] : memref<512x128xbf16, #tpu.memory_space<vmem>> -> memref<128x128xbf16, #tpu.memory_space<vmem>>
    %dma_start3A_50 = arith.constant 0 : i32
    %dma_start3A_51 = tpu.memref_slice %arg7[%dma_start3A_46, %dma_start3A_50] : memref<80x128xi32, #tpu.memory_space<vmem>> -> memref<1x128xi32, #tpu.memory_space<vmem>>
    %dma_start3A_52 = tpu.memref_squeeze %dma_start3A_51 : memref<1x128xi32, #tpu.memory_space<vmem>> -> memref<128xi32, #tpu.memory_space<vmem>>
    %dma_start3A_53 = arith.constant 0 : i32
    %dma_start3A_54 = arith.constant 0 : i32
    %dma_start3A_55 = tpu.memref_slice %arg2[%dma_start3A_53, %dma_start3A_54] : memref<20000x128xbf16, #tpu.memory_space<hbm>> -> memref<20000x128xbf16, #tpu.memory_space<hbm>>
    tpu.enqueue_indirect_dma source(%dma_start3A_55 : memref<20000x128xbf16, #tpu.memory_space<hbm>>) target(%dma_start3A_49 : memref<128x128xbf16, #tpu.memory_space<vmem>>) offsets(%dma_start3A_52 : memref<128xi32, #tpu.memory_space<vmem>>) semaphore(%arg12 : memref<!tpu.dma_semaphore, #tpu.memory_space<semaphore_mem>>)
    %scan3A = arith.constant 0 : i32
    %scan3A_56 = arith.constant 0 : i32
    %scan3A_57 = arith.constant 10 : i32
    %scan3A_58 = arith.addi %scan3A_56, %scan3A_57 : i32
    %scan3A_59 = arith.constant 1 : i32
    scf.for %scan3A_74 = %scan3A_56 to %scan3A_58 step %scan3A_59  : i32 {
      %mul3A_75 = arith.constant 2 : i32
      %mul3A_76 = arith.muli %mul3A_75, %scan3A_74 : i32
      %add3A_77 = arith.constant 1 : i32
      %add3A_78 = arith.addi %mul3A_76, %add3A_77 : i32
      %mul3A_79 = arith.constant 4 : i32
      %mul3A_80 = arith.muli %mul3A_79, %add3A_78 : i32
      %add3A_81 = arith.constant 0 : i32
      %add3A_82 = arith.addi %mul3A_80, %add3A_81 : i32
      %dma_start3A_83 = arith.constant 0 : i32
      %dma_start3A_84 = arith.constant 0 : i32
      %dma_start3A_85 = tpu.memref_slice %arg10[%dma_start3A_83, %dma_start3A_84] : memref<512x128xbf16, #tpu.memory_space<vmem>> -> memref<128x128xbf16, #tpu.memory_space<vmem>>
      %dma_start3A_86 = arith.constant 0 : i32
      %dma_start3A_87 = tpu.memref_slice %arg7[%add3A_82, %dma_start3A_86] : memref<80x128xi32, #tpu.memory_space<vmem>> -> memref<1x128xi32, #tpu.memory_space<vmem>>
      %dma_start3A_88 = tpu.memref_squeeze %dma_start3A_87 : memref<1x128xi32, #tpu.memory_space<vmem>> -> memref<128xi32, #tpu.memory_space<vmem>>
      %dma_start3A_89 = arith.constant 0 : i32
      %dma_start3A_90 = arith.constant 0 : i32
      %dma_start3A_91 = tpu.memref_slice %arg2[%dma_start3A_89, %dma_start3A_90] : memref<20000x128xbf16, #tpu.memory_space<hbm>> -> memref<20000x128xbf16, #tpu.memory_space<hbm>>
      tpu.enqueue_indirect_dma source(%dma_start3A_91 : memref<20000x128xbf16, #tpu.memory_space<hbm>>) target(%dma_start3A_85 : memref<128x128xbf16, #tpu.memory_space<vmem>>) offsets(%dma_start3A_88 : memref<128xi32, #tpu.memory_space<vmem>>) semaphore(%arg13 : memref<!tpu.dma_semaphore, #tpu.memory_space<semaphore_mem>>)
      %add3A_92 = arith.constant 1 : i32
      %add3A_93 = arith.addi %mul3A_80, %add3A_92 : i32
      %dma_start3A_94 = arith.constant 128 : i32
      %dma_start3A_95 = arith.constant 0 : i32
      %dma_start3A_96 = tpu.memref_slice %arg10[%dma_start3A_94, %dma_start3A_95] : memref<512x128xbf16, #tpu.memory_space<vmem>> -> memref<128x128xbf16, #tpu.memory_space<vmem>>
      %dma_start3A_97 = arith.constant 0 : i32
      %dma_start3A_98 = tpu.memref_slice %arg7[%add3A_93, %dma_start3A_97] : memref<80x128xi32, #tpu.memory_space<vmem>> -> memref<1x128xi32, #tpu.memory_space<vmem>>
      %dma_start3A_99 = tpu.memref_squeeze %dma_start3A_98 : memref<1x128xi32, #tpu.memory_space<vmem>> -> memref<128xi32, #tpu.memory_space<vmem>>
      %dma_start3A_100 = arith.constant 0 : i32
      %dma_start3A_101 = arith.constant 0 : i32
      %dma_start3A_102 = tpu.memref_slice %arg2[%dma_start3A_100, %dma_start3A_101] : memref<20000x128xbf16, #tpu.memory_space<hbm>> -> memref<20000x128xbf16, #tpu.memory_space<hbm>>
      tpu.enqueue_indirect_dma source(%dma_start3A_102 : memref<20000x128xbf16, #tpu.memory_space<hbm>>) target(%dma_start3A_96 : memref<128x128xbf16, #tpu.memory_space<vmem>>) offsets(%dma_start3A_99 : memref<128xi32, #tpu.memory_space<vmem>>) semaphore(%arg13 : memref<!tpu.dma_semaphore, #tpu.memory_space<semaphore_mem>>)
      %add3A_103 = arith.constant 2 : i32
      %add3A_104 = arith.addi %mul3A_80, %add3A_103 : i32
      %dma_start3A_105 = arith.constant 256 : i32
      %dma_start3A_106 = arith.constant 0 : i32
      %dma_start3A_107 = tpu.memref_slice %arg10[%dma_start3A_105, %dma_start3A_106] : memref<512x128xbf16, #tpu.memory_space<vmem>> -> memref<128x128xbf16, #tpu.memory_space<vmem>>
      %dma_start3A_108 = arith.constant 0 : i32
      %dma_start3A_109 = tpu.memref_slice %arg7[%add3A_104, %dma_start3A_108] : memref<80x128xi32, #tpu.memory_space<vmem>> -> memref<1x128xi32, #tpu.memory_space<vmem>>
      %dma_start3A_110 = tpu.memref_squeeze %dma_start3A_109 : memref<1x128xi32, #tpu.memory_space<vmem>> -> memref<128xi32, #tpu.memory_space<vmem>>
      %dma_start3A_111 = arith.constant 0 : i32
      %dma_start3A_112 = arith.constant 0 : i32
      %dma_start3A_113 = tpu.memref_slice %arg2[%dma_start3A_111, %dma_start3A_112] : memref<20000x128xbf16, #tpu.memory_space<hbm>> -> memref<20000x128xbf16, #tpu.memory_space<hbm>>
      tpu.enqueue_indirect_dma source(%dma_start3A_113 : memref<20000x128xbf16, #tpu.memory_space<hbm>>) target(%dma_start3A_107 : memref<128x128xbf16, #tpu.memory_space<vmem>>) offsets(%dma_start3A_110 : memref<128xi32, #tpu.memory_space<vmem>>) semaphore(%arg13 : memref<!tpu.dma_semaphore, #tpu.memory_space<semaphore_mem>>)
      %add3A_114 = arith.constant 3 : i32
      %add3A_115 = arith.addi %mul3A_80, %add3A_114 : i32
      %dma_start3A_116 = arith.constant 384 : i32
      %dma_start3A_117 = arith.constant 0 : i32
      %dma_start3A_118 = tpu.memref_slice %arg10[%dma_start3A_116, %dma_start3A_117] : memref<512x128xbf16, #tpu.memory_space<vmem>> -> memref<128x128xbf16, #tpu.memory_space<vmem>>
      %dma_start3A_119 = arith.constant 0 : i32
      %dma_start3A_120 = tpu.memref_slice %arg7[%add3A_115, %dma_start3A_119] : memref<80x128xi32, #tpu.memory_space<vmem>> -> memref<1x128xi32, #tpu.memory_space<vmem>>
      %dma_start3A_121 = tpu.memref_squeeze %dma_start3A_120 : memref<1x128xi32, #tpu.memory_space<vmem>> -> memref<128xi32, #tpu.memory_space<vmem>>
      %dma_start3A_122 = arith.constant 0 : i32
      %dma_start3A_123 = arith.constant 0 : i32
      %dma_start3A_124 = tpu.memref_slice %arg2[%dma_start3A_122, %dma_start3A_123] : memref<20000x128xbf16, #tpu.memory_space<hbm>> -> memref<20000x128xbf16, #tpu.memory_space<hbm>>
      tpu.enqueue_indirect_dma source(%dma_start3A_124 : memref<20000x128xbf16, #tpu.memory_space<hbm>>) target(%dma_start3A_118 : memref<128x128xbf16, #tpu.memory_space<vmem>>) offsets(%dma_start3A_121 : memref<128xi32, #tpu.memory_space<vmem>>) semaphore(%arg13 : memref<!tpu.dma_semaphore, #tpu.memory_space<semaphore_mem>>)
      %dma_wait3A = arith.constant 0 : i32
      %dma_wait3A_125 = arith.constant 0 : i32
      %dma_wait3A_126 = arith.constant 0 : i32
      %dma_wait3A_127 = tpu.memref_slice %arg9[%dma_wait3A_125, %dma_wait3A_126] : memref<512x128xbf16, #tpu.memory_space<vmem>> -> memref<128x128xbf16, #tpu.memory_space<vmem>>
      %dma_wait3A_128 = arith.constant 0 : i32
      %dma_wait3A_129 = tpu.memref_slice %arg7[%dma_wait3A, %dma_wait3A_128] : memref<80x128xi32, #tpu.memory_space<vmem>> -> memref<1x128xi32, #tpu.memory_space<vmem>>
      %dma_wait3A_130 = tpu.memref_squeeze %dma_wait3A_129 : memref<1x128xi32, #tpu.memory_space<vmem>> -> memref<128xi32, #tpu.memory_space<vmem>>
      %dma_wait3A_131 = arith.constant 0 : i32
      %dma_wait3A_132 = arith.constant 0 : i32
      %dma_wait3A_133 = tpu.memref_slice %arg2[%dma_wait3A_131, %dma_wait3A_132] : memref<20000x128xbf16, #tpu.memory_space<hbm>> -> memref<20000x128xbf16, #tpu.memory_space<hbm>>
      tpu.wait_indirect_dma semaphore(%arg12 : memref<!tpu.dma_semaphore, #tpu.memory_space<semaphore_mem>>) src(%dma_wait3A_133 : memref<20000x128xbf16, #tpu.memory_space<hbm>>) dst(%dma_wait3A_127 : memref<128x128xbf16, #tpu.memory_space<vmem>>)
      %dma_wait3A_134 = arith.constant 0 : i32
      %dma_wait3A_135 = arith.constant 128 : i32
      %dma_wait3A_136 = arith.constant 0 : i32
      %dma_wait3A_137 = tpu.memref_slice %arg9[%dma_wait3A_135, %dma_wait3A_136] : memref<512x128xbf16, #tpu.memory_space<vmem>> -> memref<128x128xbf16, #tpu.memory_space<vmem>>
      %dma_wait3A_138 = arith.constant 0 : i32
      %dma_wait3A_139 = tpu.memref_slice %arg7[%dma_wait3A_134, %dma_wait3A_138] : memref<80x128xi32, #tpu.memory_space<vmem>> -> memref<1x128xi32, #tpu.memory_space<vmem>>
      %dma_wait3A_140 = tpu.memref_squeeze %dma_wait3A_139 : memref<1x128xi32, #tpu.memory_space<vmem>> -> memref<128xi32, #tpu.memory_space<vmem>>
      %dma_wait3A_141 = arith.constant 0 : i32
      %dma_wait3A_142 = arith.constant 0 : i32
      %dma_wait3A_143 = tpu.memref_slice %arg2[%dma_wait3A_141, %dma_wait3A_142] : memref<20000x128xbf16, #tpu.memory_space<hbm>> -> memref<20000x128xbf16, #tpu.memory_space<hbm>>
      tpu.wait_indirect_dma semaphore(%arg12 : memref<!tpu.dma_semaphore, #tpu.memory_space<semaphore_mem>>) src(%dma_wait3A_143 : memref<20000x128xbf16, #tpu.memory_space<hbm>>) dst(%dma_wait3A_137 : memref<128x128xbf16, #tpu.memory_space<vmem>>)
      %dma_wait3A_144 = arith.constant 0 : i32
      %dma_wait3A_145 = arith.constant 256 : i32
      %dma_wait3A_146 = arith.constant 0 : i32
      %dma_wait3A_147 = tpu.memref_slice %arg9[%dma_wait3A_145, %dma_wait3A_146] : memref<512x128xbf16, #tpu.memory_space<vmem>> -> memref<128x128xbf16, #tpu.memory_space<vmem>>
      %dma_wait3A_148 = arith.constant 0 : i32
      %dma_wait3A_149 = tpu.memref_slice %arg7[%dma_wait3A_144, %dma_wait3A_148] : memref<80x128xi32, #tpu.memory_space<vmem>> -> memref<1x128xi32, #tpu.memory_space<vmem>>
      %dma_wait3A_150 = tpu.memref_squeeze %dma_wait3A_149 : memref<1x128xi32, #tpu.memory_space<vmem>> -> memref<128xi32, #tpu.memory_space<vmem>>
      %dma_wait3A_151 = arith.constant 0 : i32
      %dma_wait3A_152 = arith.constant 0 : i32
      %dma_wait3A_153 = tpu.memref_slice %arg2[%dma_wait3A_151, %dma_wait3A_152] : memref<20000x128xbf16, #tpu.memory_space<hbm>> -> memref<20000x128xbf16, #tpu.memory_space<hbm>>
      tpu.wait_indirect_dma semaphore(%arg12 : memref<!tpu.dma_semaphore, #tpu.memory_space<semaphore_mem>>) src(%dma_wait3A_153 : memref<20000x128xbf16, #tpu.memory_space<hbm>>) dst(%dma_wait3A_147 : memref<128x128xbf16, #tpu.memory_space<vmem>>)
      %dma_wait3A_154 = arith.constant 0 : i32
      %dma_wait3A_155 = arith.constant 384 : i32
      %dma_wait3A_156 = arith.constant 0 : i32
      %dma_wait3A_157 = tpu.memref_slice %arg9[%dma_wait3A_155, %dma_wait3A_156] : memref<512x128xbf16, #tpu.memory_space<vmem>> -> memref<128x128xbf16, #tpu.memory_space<vmem>>
      %dma_wait3A_158 = arith.constant 0 : i32
      %dma_wait3A_159 = tpu.memref_slice %arg7[%dma_wait3A_154, %dma_wait3A_158] : memref<80x128xi32, #tpu.memory_space<vmem>> -> memref<1x128xi32, #tpu.memory_space<vmem>>
      %dma_wait3A_160 = tpu.memref_squeeze %dma_wait3A_159 : memref<1x128xi32, #tpu.memory_space<vmem>> -> memref<128xi32, #tpu.memory_space<vmem>>
      %dma_wait3A_161 = arith.constant 0 : i32
      %dma_wait3A_162 = arith.constant 0 : i32
      %dma_wait3A_163 = tpu.memref_slice %arg2[%dma_wait3A_161, %dma_wait3A_162] : memref<20000x128xbf16, #tpu.memory_space<hbm>> -> memref<20000x128xbf16, #tpu.memory_space<hbm>>
      tpu.wait_indirect_dma semaphore(%arg12 : memref<!tpu.dma_semaphore, #tpu.memory_space<semaphore_mem>>) src(%dma_wait3A_163 : memref<20000x128xbf16, #tpu.memory_space<hbm>>) dst(%dma_wait3A_157 : memref<128x128xbf16, #tpu.memory_space<vmem>>)
      %mul3A_164 = arith.constant 2 : i32
      %mul3A_165 = arith.muli %mul3A_164, %scan3A_74 : i32
      %mul3A_166 = arith.constant 4 : i32
      %mul3A_167 = arith.muli %mul3A_166, %mul3A_165 : i32
      %add3A_168 = arith.constant 0 : i32
      %add3A_169 = arith.addi %mul3A_167, %add3A_168 : i32
      %dma_start3A_170 = arith.constant 0 : i32
      %dma_start3A_171 = arith.constant 0 : i32
      %dma_start3A_172 = tpu.memref_slice %arg9[%dma_start3A_170, %dma_start3A_171] : memref<512x128xbf16, #tpu.memory_space<vmem>> -> memref<128x128xbf16, #tpu.memory_space<vmem>>
      %dma_start3A_173 = arith.constant 0 : i32
      %dma_start3A_174 = tpu.memref_slice %arg8[%add3A_169, %dma_start3A_173] : memref<80x128xi32, #tpu.memory_space<vmem>> -> memref<1x128xi32, #tpu.memory_space<vmem>>
      %dma_start3A_175 = tpu.memref_squeeze %dma_start3A_174 : memref<1x128xi32, #tpu.memory_space<vmem>> -> memref<128xi32, #tpu.memory_space<vmem>>
      %dma_start3A_176 = arith.constant 0 : i32
      %dma_start3A_177 = arith.constant 0 : i32
      %dma_start3A_178 = tpu.memref_slice %arg11[%dma_start3A_176, %dma_start3A_177] : memref<10128x128xbf16, #tpu.memory_space<vmem_shared>> -> memref<10128x128xbf16, #tpu.memory_space<vmem_shared>>
      tpu.enqueue_indirect_dma source(%dma_start3A_172 : memref<128x128xbf16, #tpu.memory_space<vmem>>) target(%dma_start3A_178 : memref<10128x128xbf16, #tpu.memory_space<vmem_shared>>) offsets(%dma_start3A_175 : memref<128xi32, #tpu.memory_space<vmem>>) semaphore(%arg14 : memref<!tpu.dma_semaphore, #tpu.memory_space<semaphore_mem>>) {add = true}
      %add3A_179 = arith.constant 1 : i32
      %add3A_180 = arith.addi %mul3A_167, %add3A_179 : i32
      %dma_start3A_181 = arith.constant 128 : i32
      %dma_start3A_182 = arith.constant 0 : i32
      %dma_start3A_183 = tpu.memref_slice %arg9[%dma_start3A_181, %dma_start3A_182] : memref<512x128xbf16, #tpu.memory_space<vmem>> -> memref<128x128xbf16, #tpu.memory_space<vmem>>
      %dma_start3A_184 = arith.constant 0 : i32
      %dma_start3A_185 = tpu.memref_slice %arg8[%add3A_180, %dma_start3A_184] : memref<80x128xi32, #tpu.memory_space<vmem>> -> memref<1x128xi32, #tpu.memory_space<vmem>>
      %dma_start3A_186 = tpu.memref_squeeze %dma_start3A_185 : memref<1x128xi32, #tpu.memory_space<vmem>> -> memref<128xi32, #tpu.memory_space<vmem>>
      %dma_start3A_187 = arith.constant 0 : i32
      %dma_start3A_188 = arith.constant 0 : i32
      %dma_start3A_189 = tpu.memref_slice %arg11[%dma_start3A_187, %dma_start3A_188] : memref<10128x128xbf16, #tpu.memory_space<vmem_shared>> -> memref<10128x128xbf16, #tpu.memory_space<vmem_shared>>
      tpu.enqueue_indirect_dma source(%dma_start3A_183 : memref<128x128xbf16, #tpu.memory_space<vmem>>) target(%dma_start3A_189 : memref<10128x128xbf16, #tpu.memory_space<vmem_shared>>) offsets(%dma_start3A_186 : memref<128xi32, #tpu.memory_space<vmem>>) semaphore(%arg14 : memref<!tpu.dma_semaphore, #tpu.memory_space<semaphore_mem>>) {add = true}
      %add3A_190 = arith.constant 2 : i32
      %add3A_191 = arith.addi %mul3A_167, %add3A_190 : i32
      %dma_start3A_192 = arith.constant 256 : i32
      %dma_start3A_193 = arith.constant 0 : i32
      %dma_start3A_194 = tpu.memref_slice %arg9[%dma_start3A_192, %dma_start3A_193] : memref<512x128xbf16, #tpu.memory_space<vmem>> -> memref<128x128xbf16, #tpu.memory_space<vmem>>
      %dma_start3A_195 = arith.constant 0 : i32
      %dma_start3A_196 = tpu.memref_slice %arg8[%add3A_191, %dma_start3A_195] : memref<80x128xi32, #tpu.memory_space<vmem>> -> memref<1x128xi32, #tpu.memory_space<vmem>>
      %dma_start3A_197 = tpu.memref_squeeze %dma_start3A_196 : memref<1x128xi32, #tpu.memory_space<vmem>> -> memref<128xi32, #tpu.memory_space<vmem>>
      %dma_start3A_198 = arith.constant 0 : i32
      %dma_start3A_199 = arith.constant 0 : i32
      %dma_start3A_200 = tpu.memref_slice %arg11[%dma_start3A_198, %dma_start3A_199] : memref<10128x128xbf16, #tpu.memory_space<vmem_shared>> -> memref<10128x128xbf16, #tpu.memory_space<vmem_shared>>
      tpu.enqueue_indirect_dma source(%dma_start3A_194 : memref<128x128xbf16, #tpu.memory_space<vmem>>) target(%dma_start3A_200 : memref<10128x128xbf16, #tpu.memory_space<vmem_shared>>) offsets(%dma_start3A_197 : memref<128xi32, #tpu.memory_space<vmem>>) semaphore(%arg14 : memref<!tpu.dma_semaphore, #tpu.memory_space<semaphore_mem>>) {add = true}
      %add3A_201 = arith.constant 3 : i32
      %add3A_202 = arith.addi %mul3A_167, %add3A_201 : i32
      %dma_start3A_203 = arith.constant 384 : i32
      %dma_start3A_204 = arith.constant 0 : i32
      %dma_start3A_205 = tpu.memref_slice %arg9[%dma_start3A_203, %dma_start3A_204] : memref<512x128xbf16, #tpu.memory_space<vmem>> -> memref<128x128xbf16, #tpu.memory_space<vmem>>
      %dma_start3A_206 = arith.constant 0 : i32
      %dma_start3A_207 = tpu.memref_slice %arg8[%add3A_202, %dma_start3A_206] : memref<80x128xi32, #tpu.memory_space<vmem>> -> memref<1x128xi32, #tpu.memory_space<vmem>>
      %dma_start3A_208 = tpu.memref_squeeze %dma_start3A_207 : memref<1x128xi32, #tpu.memory_space<vmem>> -> memref<128xi32, #tpu.memory_space<vmem>>
      %dma_start3A_209 = arith.constant 0 : i32
      %dma_start3A_210 = arith.constant 0 : i32
      %dma_start3A_211 = tpu.memref_slice %arg11[%dma_start3A_209, %dma_start3A_210] : memref<10128x128xbf16, #tpu.memory_space<vmem_shared>> -> memref<10128x128xbf16, #tpu.memory_space<vmem_shared>>
      tpu.enqueue_indirect_dma source(%dma_start3A_205 : memref<128x128xbf16, #tpu.memory_space<vmem>>) target(%dma_start3A_211 : memref<10128x128xbf16, #tpu.memory_space<vmem_shared>>) offsets(%dma_start3A_208 : memref<128xi32, #tpu.memory_space<vmem>>) semaphore(%arg14 : memref<!tpu.dma_semaphore, #tpu.memory_space<semaphore_mem>>) {add = true}
      %dma_wait3A_212 = arith.constant 0 : i32
      %dma_wait3A_213 = arith.constant 0 : i32
      %dma_wait3A_214 = tpu.memref_slice %arg9[%dma_wait3A_212, %dma_wait3A_213] : memref<512x128xbf16, #tpu.memory_space<vmem>> -> memref<128x128xbf16, #tpu.memory_space<vmem>>
      %dma_wait3A_215 = arith.constant 0 : i32
      %dma_wait3A_216 = tpu.memref_slice %arg8[%add3A_169, %dma_wait3A_215] : memref<80x128xi32, #tpu.memory_space<vmem>> -> memref<1x128xi32, #tpu.memory_space<vmem>>
      %dma_wait3A_217 = tpu.memref_squeeze %dma_wait3A_216 : memref<1x128xi32, #tpu.memory_space<vmem>> -> memref<128xi32, #tpu.memory_space<vmem>>
      %dma_wait3A_218 = arith.constant 0 : i32
      %dma_wait3A_219 = arith.constant 0 : i32
      %dma_wait3A_220 = tpu.memref_slice %arg11[%dma_wait3A_218, %dma_wait3A_219] : memref<10128x128xbf16, #tpu.memory_space<vmem_shared>> -> memref<10128x128xbf16, #tpu.memory_space<vmem_shared>>
      tpu.wait_indirect_dma semaphore(%arg14 : memref<!tpu.dma_semaphore, #tpu.memory_space<semaphore_mem>>) src(%dma_wait3A_214 : memref<128x128xbf16, #tpu.memory_space<vmem>>) dst(%dma_wait3A_220 : memref<10128x128xbf16, #tpu.memory_space<vmem_shared>>)
      %dma_wait3A_221 = arith.constant 128 : i32
      %dma_wait3A_222 = arith.constant 0 : i32
      %dma_wait3A_223 = tpu.memref_slice %arg9[%dma_wait3A_221, %dma_wait3A_222] : memref<512x128xbf16, #tpu.memory_space<vmem>> -> memref<128x128xbf16, #tpu.memory_space<vmem>>
      %dma_wait3A_224 = arith.constant 0 : i32
      %dma_wait3A_225 = tpu.memref_slice %arg8[%add3A_180, %dma_wait3A_224] : memref<80x128xi32, #tpu.memory_space<vmem>> -> memref<1x128xi32, #tpu.memory_space<vmem>>
      %dma_wait3A_226 = tpu.memref_squeeze %dma_wait3A_225 : memref<1x128xi32, #tpu.memory_space<vmem>> -> memref<128xi32, #tpu.memory_space<vmem>>
      %dma_wait3A_227 = arith.constant 0 : i32
      %dma_wait3A_228 = arith.constant 0 : i32
      %dma_wait3A_229 = tpu.memref_slice %arg11[%dma_wait3A_227, %dma_wait3A_228] : memref<10128x128xbf16, #tpu.memory_space<vmem_shared>> -> memref<10128x128xbf16, #tpu.memory_space<vmem_shared>>
      tpu.wait_indirect_dma semaphore(%arg14 : memref<!tpu.dma_semaphore, #tpu.memory_space<semaphore_mem>>) src(%dma_wait3A_223 : memref<128x128xbf16, #tpu.memory_space<vmem>>) dst(%dma_wait3A_229 : memref<10128x128xbf16, #tpu.memory_space<vmem_shared>>)
      %dma_wait3A_230 = arith.constant 256 : i32
      %dma_wait3A_231 = arith.constant 0 : i32
      %dma_wait3A_232 = tpu.memref_slice %arg9[%dma_wait3A_230, %dma_wait3A_231] : memref<512x128xbf16, #tpu.memory_space<vmem>> -> memref<128x128xbf16, #tpu.memory_space<vmem>>
      %dma_wait3A_233 = arith.constant 0 : i32
      %dma_wait3A_234 = tpu.memref_slice %arg8[%add3A_191, %dma_wait3A_233] : memref<80x128xi32, #tpu.memory_space<vmem>> -> memref<1x128xi32, #tpu.memory_space<vmem>>
      %dma_wait3A_235 = tpu.memref_squeeze %dma_wait3A_234 : memref<1x128xi32, #tpu.memory_space<vmem>> -> memref<128xi32, #tpu.memory_space<vmem>>
      %dma_wait3A_236 = arith.constant 0 : i32
      %dma_wait3A_237 = arith.constant 0 : i32
      %dma_wait3A_238 = tpu.memref_slice %arg11[%dma_wait3A_236, %dma_wait3A_237] : memref<10128x128xbf16, #tpu.memory_space<vmem_shared>> -> memref<10128x128xbf16, #tpu.memory_space<vmem_shared>>
      tpu.wait_indirect_dma semaphore(%arg14 : memref<!tpu.dma_semaphore, #tpu.memory_space<semaphore_mem>>) src(%dma_wait3A_232 : memref<128x128xbf16, #tpu.memory_space<vmem>>) dst(%dma_wait3A_238 : memref<10128x128xbf16, #tpu.memory_space<vmem_shared>>)
      %dma_wait3A_239 = arith.constant 384 : i32
      %dma_wait3A_240 = arith.constant 0 : i32
      %dma_wait3A_241 = tpu.memref_slice %arg9[%dma_wait3A_239, %dma_wait3A_240] : memref<512x128xbf16, #tpu.memory_space<vmem>> -> memref<128x128xbf16, #tpu.memory_space<vmem>>
      %dma_wait3A_242 = arith.constant 0 : i32
      %dma_wait3A_243 = tpu.memref_slice %arg8[%add3A_202, %dma_wait3A_242] : memref<80x128xi32, #tpu.memory_space<vmem>> -> memref<1x128xi32, #tpu.memory_space<vmem>>
      %dma_wait3A_244 = tpu.memref_squeeze %dma_wait3A_243 : memref<1x128xi32, #tpu.memory_space<vmem>> -> memref<128xi32, #tpu.memory_space<vmem>>
      %dma_wait3A_245 = arith.constant 0 : i32
      %dma_wait3A_246 = arith.constant 0 : i32
      %dma_wait3A_247 = tpu.memref_slice %arg11[%dma_wait3A_245, %dma_wait3A_246] : memref<10128x128xbf16, #tpu.memory_space<vmem_shared>> -> memref<10128x128xbf16, #tpu.memory_space<vmem_shared>>
      tpu.wait_indirect_dma semaphore(%arg14 : memref<!tpu.dma_semaphore, #tpu.memory_space<semaphore_mem>>) src(%dma_wait3A_241 : memref<128x128xbf16, #tpu.memory_space<vmem>>) dst(%dma_wait3A_247 : memref<10128x128xbf16, #tpu.memory_space<vmem_shared>>)
      %lt3A = arith.constant 9 : i32
      %lt3A_248 = arith.cmpi slt, %scan3A_74, %lt3A : i32
      %convert_element_type3A_249 = arith.extui %lt3A_248 : i1 to i32
      %cond3A_250 = arith.constant 0 : i32
      %cond3A_251 = arith.cmpi ne, %convert_element_type3A_249, %cond3A_250 : i32
      scf.if %cond3A_251 {
        %mul3A_378 = arith.constant 2 : i32
        %mul3A_379 = arith.muli %mul3A_378, %scan3A_74 : i32
        %add3A_380 = arith.constant 2 : i32
        %add3A_381 = arith.addi %mul3A_379, %add3A_380 : i32
        %mul3A_382 = arith.constant 4 : i32
        %mul3A_383 = arith.muli %mul3A_382, %add3A_381 : i32
        %add3A_384 = arith.constant 0 : i32
        %add3A_385 = arith.addi %mul3A_383, %add3A_384 : i32
        %dma_start3A_386 = arith.constant 0 : i32
        %dma_start3A_387 = arith.constant 0 : i32
        %dma_start3A_388 = tpu.memref_slice %arg9[%dma_start3A_386, %dma_start3A_387] : memref<512x128xbf16, #tpu.memory_space<vmem>> -> memref<128x128xbf16, #tpu.memory_space<vmem>>
        %dma_start3A_389 = arith.constant 0 : i32
        %dma_start3A_390 = tpu.memref_slice %arg7[%add3A_385, %dma_start3A_389] : memref<80x128xi32, #tpu.memory_space<vmem>> -> memref<1x128xi32, #tpu.memory_space<vmem>>
        %dma_start3A_391 = tpu.memref_squeeze %dma_start3A_390 : memref<1x128xi32, #tpu.memory_space<vmem>> -> memref<128xi32, #tpu.memory_space<vmem>>
        %dma_start3A_392 = arith.constant 0 : i32
        %dma_start3A_393 = arith.constant 0 : i32
        %dma_start3A_394 = tpu.memref_slice %arg2[%dma_start3A_392, %dma_start3A_393] : memref<20000x128xbf16, #tpu.memory_space<hbm>> -> memref<20000x128xbf16, #tpu.memory_space<hbm>>
        tpu.enqueue_indirect_dma source(%dma_start3A_394 : memref<20000x128xbf16, #tpu.memory_space<hbm>>) target(%dma_start3A_388 : memref<128x128xbf16, #tpu.memory_space<vmem>>) offsets(%dma_start3A_391 : memref<128xi32, #tpu.memory_space<vmem>>) semaphore(%arg12 : memref<!tpu.dma_semaphore, #tpu.memory_space<semaphore_mem>>)
        %add3A_395 = arith.constant 1 : i32
        %add3A_396 = arith.addi %mul3A_383, %add3A_395 : i32
        %dma_start3A_397 = arith.constant 128 : i32
        %dma_start3A_398 = arith.constant 0 : i32
        %dma_start3A_399 = tpu.memref_slice %arg9[%dma_start3A_397, %dma_start3A_398] : memref<512x128xbf16, #tpu.memory_space<vmem>> -> memref<128x128xbf16, #tpu.memory_space<vmem>>
        %dma_start3A_400 = arith.constant 0 : i32
        %dma_start3A_401 = tpu.memref_slice %arg7[%add3A_396, %dma_start3A_400] : memref<80x128xi32, #tpu.memory_space<vmem>> -> memref<1x128xi32, #tpu.memory_space<vmem>>
        %dma_start3A_402 = tpu.memref_squeeze %dma_start3A_401 : memref<1x128xi32, #tpu.memory_space<vmem>> -> memref<128xi32, #tpu.memory_space<vmem>>
        %dma_start3A_403 = arith.constant 0 : i32
        %dma_start3A_404 = arith.constant 0 : i32
        %dma_start3A_405 = tpu.memref_slice %arg2[%dma_start3A_403, %dma_start3A_404] : memref<20000x128xbf16, #tpu.memory_space<hbm>> -> memref<20000x128xbf16, #tpu.memory_space<hbm>>
        tpu.enqueue_indirect_dma source(%dma_start3A_405 : memref<20000x128xbf16, #tpu.memory_space<hbm>>) target(%dma_start3A_399 : memref<128x128xbf16, #tpu.memory_space<vmem>>) offsets(%dma_start3A_402 : memref<128xi32, #tpu.memory_space<vmem>>) semaphore(%arg12 : memref<!tpu.dma_semaphore, #tpu.memory_space<semaphore_mem>>)
        %add3A_406 = arith.constant 2 : i32
        %add3A_407 = arith.addi %mul3A_383, %add3A_406 : i32
        %dma_start3A_408 = arith.constant 256 : i32
        %dma_start3A_409 = arith.constant 0 : i32
        %dma_start3A_410 = tpu.memref_slice %arg9[%dma_start3A_408, %dma_start3A_409] : memref<512x128xbf16, #tpu.memory_space<vmem>> -> memref<128x128xbf16, #tpu.memory_space<vmem>>
        %dma_start3A_411 = arith.constant 0 : i32
        %dma_start3A_412 = tpu.memref_slice %arg7[%add3A_407, %dma_start3A_411] : memref<80x128xi32, #tpu.memory_space<vmem>> -> memref<1x128xi32, #tpu.memory_space<vmem>>
        %dma_start3A_413 = tpu.memref_squeeze %dma_start3A_412 : memref<1x128xi32, #tpu.memory_space<vmem>> -> memref<128xi32, #tpu.memory_space<vmem>>
        %dma_start3A_414 = arith.constant 0 : i32
        %dma_start3A_415 = arith.constant 0 : i32
        %dma_start3A_416 = tpu.memref_slice %arg2[%dma_start3A_414, %dma_start3A_415] : memref<20000x128xbf16, #tpu.memory_space<hbm>> -> memref<20000x128xbf16, #tpu.memory_space<hbm>>
        tpu.enqueue_indirect_dma source(%dma_start3A_416 : memref<20000x128xbf16, #tpu.memory_space<hbm>>) target(%dma_start3A_410 : memref<128x128xbf16, #tpu.memory_space<vmem>>) offsets(%dma_start3A_413 : memref<128xi32, #tpu.memory_space<vmem>>) semaphore(%arg12 : memref<!tpu.dma_semaphore, #tpu.memory_space<semaphore_mem>>)
        %add3A_417 = arith.constant 3 : i32
        %add3A_418 = arith.addi %mul3A_383, %add3A_417 : i32
        %dma_start3A_419 = arith.constant 384 : i32
        %dma_start3A_420 = arith.constant 0 : i32
        %dma_start3A_421 = tpu.memref_slice %arg9[%dma_start3A_419, %dma_start3A_420] : memref<512x128xbf16, #tpu.memory_space<vmem>> -> memref<128x128xbf16, #tpu.memory_space<vmem>>
        %dma_start3A_422 = arith.constant 0 : i32
        %dma_start3A_423 = tpu.memref_slice %arg7[%add3A_418, %dma_start3A_422] : memref<80x128xi32, #tpu.memory_space<vmem>> -> memref<1x128xi32, #tpu.memory_space<vmem>>
        %dma_start3A_424 = tpu.memref_squeeze %dma_start3A_423 : memref<1x128xi32, #tpu.memory_space<vmem>> -> memref<128xi32, #tpu.memory_space<vmem>>
        %dma_start3A_425 = arith.constant 0 : i32
        %dma_start3A_426 = arith.constant 0 : i32
        %dma_start3A_427 = tpu.memref_slice %arg2[%dma_start3A_425, %dma_start3A_426] : memref<20000x128xbf16, #tpu.memory_space<hbm>> -> memref<20000x128xbf16, #tpu.memory_space<hbm>>
        tpu.enqueue_indirect_dma source(%dma_start3A_427 : memref<20000x128xbf16, #tpu.memory_space<hbm>>) target(%dma_start3A_421 : memref<128x128xbf16, #tpu.memory_space<vmem>>) offsets(%dma_start3A_424 : memref<128xi32, #tpu.memory_space<vmem>>) semaphore(%arg12 : memref<!tpu.dma_semaphore, #tpu.memory_space<semaphore_mem>>)
      } else {
      }
      %dma_wait3A_252 = arith.constant 0 : i32
      %dma_wait3A_253 = arith.constant 0 : i32
      %dma_wait3A_254 = arith.constant 0 : i32
      %dma_wait3A_255 = tpu.memref_slice %arg10[%dma_wait3A_253, %dma_wait3A_254] : memref<512x128xbf16, #tpu.memory_space<vmem>> -> memref<128x128xbf16, #tpu.memory_space<vmem>>
      %dma_wait3A_256 = arith.constant 0 : i32
      %dma_wait3A_257 = tpu.memref_slice %arg7[%dma_wait3A_252, %dma_wait3A_256] : memref<80x128xi32, #tpu.memory_space<vmem>> -> memref<1x128xi32, #tpu.memory_space<vmem>>
      %dma_wait3A_258 = tpu.memref_squeeze %dma_wait3A_257 : memref<1x128xi32, #tpu.memory_space<vmem>> -> memref<128xi32, #tpu.memory_space<vmem>>
      %dma_wait3A_259 = arith.constant 0 : i32
      %dma_wait3A_260 = arith.constant 0 : i32
      %dma_wait3A_261 = tpu.memref_slice %arg2[%dma_wait3A_259, %dma_wait3A_260] : memref<20000x128xbf16, #tpu.memory_space<hbm>> -> memref<20000x128xbf16, #tpu.memory_space<hbm>>
      tpu.wait_indirect_dma semaphore(%arg13 : memref<!tpu.dma_semaphore, #tpu.memory_space<semaphore_mem>>) src(%dma_wait3A_261 : memref<20000x128xbf16, #tpu.memory_space<hbm>>) dst(%dma_wait3A_255 : memref<128x128xbf16, #tpu.memory_space<vmem>>)
      %dma_wait3A_262 = arith.constant 0 : i32
      %dma_wait3A_263 = arith.constant 128 : i32
      %dma_wait3A_264 = arith.constant 0 : i32
      %dma_wait3A_265 = tpu.memref_slice %arg10[%dma_wait3A_263, %dma_wait3A_264] : memref<512x128xbf16, #tpu.memory_space<vmem>> -> memref<128x128xbf16, #tpu.memory_space<vmem>>
      %dma_wait3A_266 = arith.constant 0 : i32
      %dma_wait3A_267 = tpu.memref_slice %arg7[%dma_wait3A_262, %dma_wait3A_266] : memref<80x128xi32, #tpu.memory_space<vmem>> -> memref<1x128xi32, #tpu.memory_space<vmem>>
      %dma_wait3A_268 = tpu.memref_squeeze %dma_wait3A_267 : memref<1x128xi32, #tpu.memory_space<vmem>> -> memref<128xi32, #tpu.memory_space<vmem>>
      %dma_wait3A_269 = arith.constant 0 : i32
      %dma_wait3A_270 = arith.constant 0 : i32
      %dma_wait3A_271 = tpu.memref_slice %arg2[%dma_wait3A_269, %dma_wait3A_270] : memref<20000x128xbf16, #tpu.memory_space<hbm>> -> memref<20000x128xbf16, #tpu.memory_space<hbm>>
      tpu.wait_indirect_dma semaphore(%arg13 : memref<!tpu.dma_semaphore, #tpu.memory_space<semaphore_mem>>) src(%dma_wait3A_271 : memref<20000x128xbf16, #tpu.memory_space<hbm>>) dst(%dma_wait3A_265 : memref<128x128xbf16, #tpu.memory_space<vmem>>)
      %dma_wait3A_272 = arith.constant 0 : i32
      %dma_wait3A_273 = arith.constant 256 : i32
      %dma_wait3A_274 = arith.constant 0 : i32
      %dma_wait3A_275 = tpu.memref_slice %arg10[%dma_wait3A_273, %dma_wait3A_274] : memref<512x128xbf16, #tpu.memory_space<vmem>> -> memref<128x128xbf16, #tpu.memory_space<vmem>>
      %dma_wait3A_276 = arith.constant 0 : i32
      %dma_wait3A_277 = tpu.memref_slice %arg7[%dma_wait3A_272, %dma_wait3A_276] : memref<80x128xi32, #tpu.memory_space<vmem>> -> memref<1x128xi32, #tpu.memory_space<vmem>>
      %dma_wait3A_278 = tpu.memref_squeeze %dma_wait3A_277 : memref<1x128xi32, #tpu.memory_space<vmem>> -> memref<128xi32, #tpu.memory_space<vmem>>
      %dma_wait3A_279 = arith.constant 0 : i32
      %dma_wait3A_280 = arith.constant 0 : i32
      %dma_wait3A_281 = tpu.memref_slice %arg2[%dma_wait3A_279, %dma_wait3A_280] : memref<20000x128xbf16, #tpu.memory_space<hbm>> -> memref<20000x128xbf16, #tpu.memory_space<hbm>>
      tpu.wait_indirect_dma semaphore(%arg13 : memref<!tpu.dma_semaphore, #tpu.memory_space<semaphore_mem>>) src(%dma_wait3A_281 : memref<20000x128xbf16, #tpu.memory_space<hbm>>) dst(%dma_wait3A_275 : memref<128x128xbf16, #tpu.memory_space<vmem>>)
      %dma_wait3A_282 = arith.constant 0 : i32
      %dma_wait3A_283 = arith.constant 384 : i32
      %dma_wait3A_284 = arith.constant 0 : i32
      %dma_wait3A_285 = tpu.memref_slice %arg10[%dma_wait3A_283, %dma_wait3A_284] : memref<512x128xbf16, #tpu.memory_space<vmem>> -> memref<128x128xbf16, #tpu.memory_space<vmem>>
      %dma_wait3A_286 = arith.constant 0 : i32
      %dma_wait3A_287 = tpu.memref_slice %arg7[%dma_wait3A_282, %dma_wait3A_286] : memref<80x128xi32, #tpu.memory_space<vmem>> -> memref<1x128xi32, #tpu.memory_space<vmem>>
      %dma_wait3A_288 = tpu.memref_squeeze %dma_wait3A_287 : memref<1x128xi32, #tpu.memory_space<vmem>> -> memref<128xi32, #tpu.memory_space<vmem>>
      %dma_wait3A_289 = arith.constant 0 : i32
      %dma_wait3A_290 = arith.constant 0 : i32
      %dma_wait3A_291 = tpu.memref_slice %arg2[%dma_wait3A_289, %dma_wait3A_290] : memref<20000x128xbf16, #tpu.memory_space<hbm>> -> memref<20000x128xbf16, #tpu.memory_space<hbm>>
      tpu.wait_indirect_dma semaphore(%arg13 : memref<!tpu.dma_semaphore, #tpu.memory_space<semaphore_mem>>) src(%dma_wait3A_291 : memref<20000x128xbf16, #tpu.memory_space<hbm>>) dst(%dma_wait3A_285 : memref<128x128xbf16, #tpu.memory_space<vmem>>)
      %mul3A_292 = arith.constant 2 : i32
      %mul3A_293 = arith.muli %mul3A_292, %scan3A_74 : i32
      %add3A_294 = arith.constant 1 : i32
      %add3A_295 = arith.addi %mul3A_293, %add3A_294 : i32
      %mul3A_296 = arith.constant 4 : i32
      %mul3A_297 = arith.muli %mul3A_296, %add3A_295 : i32
      %add3A_298 = arith.constant 0 : i32
      %add3A_299 = arith.addi %mul3A_297, %add3A_298 : i32
      %dma_start3A_300 = arith.constant 0 : i32
      %dma_start3A_301 = arith.constant 0 : i32
      %dma_start3A_302 = tpu.memref_slice %arg10[%dma_start3A_300, %dma_start3A_301] : memref<512x128xbf16, #tpu.memory_space<vmem>> -> memref<128x128xbf16, #tpu.memory_space<vmem>>
      %dma_start3A_303 = arith.constant 0 : i32
      %dma_start3A_304 = tpu.memref_slice %arg8[%add3A_299, %dma_start3A_303] : memref<80x128xi32, #tpu.memory_space<vmem>> -> memref<1x128xi32, #tpu.memory_space<vmem>>
      %dma_start3A_305 = tpu.memref_squeeze %dma_start3A_304 : memref<1x128xi32, #tpu.memory_space<vmem>> -> memref<128xi32, #tpu.memory_space<vmem>>
      %dma_start3A_306 = arith.constant 0 : i32
      %dma_start3A_307 = arith.constant 0 : i32
      %dma_start3A_308 = tpu.memref_slice %arg11[%dma_start3A_306, %dma_start3A_307] : memref<10128x128xbf16, #tpu.memory_space<vmem_shared>> -> memref<10128x128xbf16, #tpu.memory_space<vmem_shared>>
      tpu.enqueue_indirect_dma source(%dma_start3A_302 : memref<128x128xbf16, #tpu.memory_space<vmem>>) target(%dma_start3A_308 : memref<10128x128xbf16, #tpu.memory_space<vmem_shared>>) offsets(%dma_start3A_305 : memref<128xi32, #tpu.memory_space<vmem>>) semaphore(%arg15 : memref<!tpu.dma_semaphore, #tpu.memory_space<semaphore_mem>>) {add = true}
      %add3A_309 = arith.constant 1 : i32
      %add3A_310 = arith.addi %mul3A_297, %add3A_309 : i32
      %dma_start3A_311 = arith.constant 128 : i32
      %dma_start3A_312 = arith.constant 0 : i32
      %dma_start3A_313 = tpu.memref_slice %arg10[%dma_start3A_311, %dma_start3A_312] : memref<512x128xbf16, #tpu.memory_space<vmem>> -> memref<128x128xbf16, #tpu.memory_space<vmem>>
      %dma_start3A_314 = arith.constant 0 : i32
      %dma_start3A_315 = tpu.memref_slice %arg8[%add3A_310, %dma_start3A_314] : memref<80x128xi32, #tpu.memory_space<vmem>> -> memref<1x128xi32, #tpu.memory_space<vmem>>
      %dma_start3A_316 = tpu.memref_squeeze %dma_start3A_315 : memref<1x128xi32, #tpu.memory_space<vmem>> -> memref<128xi32, #tpu.memory_space<vmem>>
      %dma_start3A_317 = arith.constant 0 : i32
      %dma_start3A_318 = arith.constant 0 : i32
      %dma_start3A_319 = tpu.memref_slice %arg11[%dma_start3A_317, %dma_start3A_318] : memref<10128x128xbf16, #tpu.memory_space<vmem_shared>> -> memref<10128x128xbf16, #tpu.memory_space<vmem_shared>>
      tpu.enqueue_indirect_dma source(%dma_start3A_313 : memref<128x128xbf16, #tpu.memory_space<vmem>>) target(%dma_start3A_319 : memref<10128x128xbf16, #tpu.memory_space<vmem_shared>>) offsets(%dma_start3A_316 : memref<128xi32, #tpu.memory_space<vmem>>) semaphore(%arg15 : memref<!tpu.dma_semaphore, #tpu.memory_space<semaphore_mem>>) {add = true}
      %add3A_320 = arith.constant 2 : i32
      %add3A_321 = arith.addi %mul3A_297, %add3A_320 : i32
      %dma_start3A_322 = arith.constant 256 : i32
      %dma_start3A_323 = arith.constant 0 : i32
      %dma_start3A_324 = tpu.memref_slice %arg10[%dma_start3A_322, %dma_start3A_323] : memref<512x128xbf16, #tpu.memory_space<vmem>> -> memref<128x128xbf16, #tpu.memory_space<vmem>>
      %dma_start3A_325 = arith.constant 0 : i32
      %dma_start3A_326 = tpu.memref_slice %arg8[%add3A_321, %dma_start3A_325] : memref<80x128xi32, #tpu.memory_space<vmem>> -> memref<1x128xi32, #tpu.memory_space<vmem>>
      %dma_start3A_327 = tpu.memref_squeeze %dma_start3A_326 : memref<1x128xi32, #tpu.memory_space<vmem>> -> memref<128xi32, #tpu.memory_space<vmem>>
      %dma_start3A_328 = arith.constant 0 : i32
      %dma_start3A_329 = arith.constant 0 : i32
      %dma_start3A_330 = tpu.memref_slice %arg11[%dma_start3A_328, %dma_start3A_329] : memref<10128x128xbf16, #tpu.memory_space<vmem_shared>> -> memref<10128x128xbf16, #tpu.memory_space<vmem_shared>>
      tpu.enqueue_indirect_dma source(%dma_start3A_324 : memref<128x128xbf16, #tpu.memory_space<vmem>>) target(%dma_start3A_330 : memref<10128x128xbf16, #tpu.memory_space<vmem_shared>>) offsets(%dma_start3A_327 : memref<128xi32, #tpu.memory_space<vmem>>) semaphore(%arg15 : memref<!tpu.dma_semaphore, #tpu.memory_space<semaphore_mem>>) {add = true}
      %add3A_331 = arith.constant 3 : i32
      %add3A_332 = arith.addi %mul3A_297, %add3A_331 : i32
      %dma_start3A_333 = arith.constant 384 : i32
      %dma_start3A_334 = arith.constant 0 : i32
      %dma_start3A_335 = tpu.memref_slice %arg10[%dma_start3A_333, %dma_start3A_334] : memref<512x128xbf16, #tpu.memory_space<vmem>> -> memref<128x128xbf16, #tpu.memory_space<vmem>>
      %dma_start3A_336 = arith.constant 0 : i32
      %dma_start3A_337 = tpu.memref_slice %arg8[%add3A_332, %dma_start3A_336] : memref<80x128xi32, #tpu.memory_space<vmem>> -> memref<1x128xi32, #tpu.memory_space<vmem>>
      %dma_start3A_338 = tpu.memref_squeeze %dma_start3A_337 : memref<1x128xi32, #tpu.memory_space<vmem>> -> memref<128xi32, #tpu.memory_space<vmem>>
      %dma_start3A_339 = arith.constant 0 : i32
      %dma_start3A_340 = arith.constant 0 : i32
      %dma_start3A_341 = tpu.memref_slice %arg11[%dma_start3A_339, %dma_start3A_340] : memref<10128x128xbf16, #tpu.memory_space<vmem_shared>> -> memref<10128x128xbf16, #tpu.memory_space<vmem_shared>>
      tpu.enqueue_indirect_dma source(%dma_start3A_335 : memref<128x128xbf16, #tpu.memory_space<vmem>>) target(%dma_start3A_341 : memref<10128x128xbf16, #tpu.memory_space<vmem_shared>>) offsets(%dma_start3A_338 : memref<128xi32, #tpu.memory_space<vmem>>) semaphore(%arg15 : memref<!tpu.dma_semaphore, #tpu.memory_space<semaphore_mem>>) {add = true}
      %dma_wait3A_342 = arith.constant 0 : i32
      %dma_wait3A_343 = arith.constant 0 : i32
      %dma_wait3A_344 = tpu.memref_slice %arg10[%dma_wait3A_342, %dma_wait3A_343] : memref<512x128xbf16, #tpu.memory_space<vmem>> -> memref<128x128xbf16, #tpu.memory_space<vmem>>
      %dma_wait3A_345 = arith.constant 0 : i32
      %dma_wait3A_346 = tpu.memref_slice %arg8[%add3A_299, %dma_wait3A_345] : memref<80x128xi32, #tpu.memory_space<vmem>> -> memref<1x128xi32, #tpu.memory_space<vmem>>
      %dma_wait3A_347 = tpu.memref_squeeze %dma_wait3A_346 : memref<1x128xi32, #tpu.memory_space<vmem>> -> memref<128xi32, #tpu.memory_space<vmem>>
      %dma_wait3A_348 = arith.constant 0 : i32
      %dma_wait3A_349 = arith.constant 0 : i32
      %dma_wait3A_350 = tpu.memref_slice %arg11[%dma_wait3A_348, %dma_wait3A_349] : memref<10128x128xbf16, #tpu.memory_space<vmem_shared>> -> memref<10128x128xbf16, #tpu.memory_space<vmem_shared>>
      tpu.wait_indirect_dma semaphore(%arg15 : memref<!tpu.dma_semaphore, #tpu.memory_space<semaphore_mem>>) src(%dma_wait3A_344 : memref<128x128xbf16, #tpu.memory_space<vmem>>) dst(%dma_wait3A_350 : memref<10128x128xbf16, #tpu.memory_space<vmem_shared>>)
      %dma_wait3A_351 = arith.constant 128 : i32
      %dma_wait3A_352 = arith.constant 0 : i32
      %dma_wait3A_353 = tpu.memref_slice %arg10[%dma_wait3A_351, %dma_wait3A_352] : memref<512x128xbf16, #tpu.memory_space<vmem>> -> memref<128x128xbf16, #tpu.memory_space<vmem>>
      %dma_wait3A_354 = arith.constant 0 : i32
      %dma_wait3A_355 = tpu.memref_slice %arg8[%add3A_310, %dma_wait3A_354] : memref<80x128xi32, #tpu.memory_space<vmem>> -> memref<1x128xi32, #tpu.memory_space<vmem>>
      %dma_wait3A_356 = tpu.memref_squeeze %dma_wait3A_355 : memref<1x128xi32, #tpu.memory_space<vmem>> -> memref<128xi32, #tpu.memory_space<vmem>>
      %dma_wait3A_357 = arith.constant 0 : i32
      %dma_wait3A_358 = arith.constant 0 : i32
      %dma_wait3A_359 = tpu.memref_slice %arg11[%dma_wait3A_357, %dma_wait3A_358] : memref<10128x128xbf16, #tpu.memory_space<vmem_shared>> -> memref<10128x128xbf16, #tpu.memory_space<vmem_shared>>
      tpu.wait_indirect_dma semaphore(%arg15 : memref<!tpu.dma_semaphore, #tpu.memory_space<semaphore_mem>>) src(%dma_wait3A_353 : memref<128x128xbf16, #tpu.memory_space<vmem>>) dst(%dma_wait3A_359 : memref<10128x128xbf16, #tpu.memory_space<vmem_shared>>)
      %dma_wait3A_360 = arith.constant 256 : i32
      %dma_wait3A_361 = arith.constant 0 : i32
      %dma_wait3A_362 = tpu.memref_slice %arg10[%dma_wait3A_360, %dma_wait3A_361] : memref<512x128xbf16, #tpu.memory_space<vmem>> -> memref<128x128xbf16, #tpu.memory_space<vmem>>
      %dma_wait3A_363 = arith.constant 0 : i32
      %dma_wait3A_364 = tpu.memref_slice %arg8[%add3A_321, %dma_wait3A_363] : memref<80x128xi32, #tpu.memory_space<vmem>> -> memref<1x128xi32, #tpu.memory_space<vmem>>
      %dma_wait3A_365 = tpu.memref_squeeze %dma_wait3A_364 : memref<1x128xi32, #tpu.memory_space<vmem>> -> memref<128xi32, #tpu.memory_space<vmem>>
      %dma_wait3A_366 = arith.constant 0 : i32
      %dma_wait3A_367 = arith.constant 0 : i32
      %dma_wait3A_368 = tpu.memref_slice %arg11[%dma_wait3A_366, %dma_wait3A_367] : memref<10128x128xbf16, #tpu.memory_space<vmem_shared>> -> memref<10128x128xbf16, #tpu.memory_space<vmem_shared>>
      tpu.wait_indirect_dma semaphore(%arg15 : memref<!tpu.dma_semaphore, #tpu.memory_space<semaphore_mem>>) src(%dma_wait3A_362 : memref<128x128xbf16, #tpu.memory_space<vmem>>) dst(%dma_wait3A_368 : memref<10128x128xbf16, #tpu.memory_space<vmem_shared>>)
      %dma_wait3A_369 = arith.constant 384 : i32
      %dma_wait3A_370 = arith.constant 0 : i32
      %dma_wait3A_371 = tpu.memref_slice %arg10[%dma_wait3A_369, %dma_wait3A_370] : memref<512x128xbf16, #tpu.memory_space<vmem>> -> memref<128x128xbf16, #tpu.memory_space<vmem>>
      %dma_wait3A_372 = arith.constant 0 : i32
      %dma_wait3A_373 = tpu.memref_slice %arg8[%add3A_332, %dma_wait3A_372] : memref<80x128xi32, #tpu.memory_space<vmem>> -> memref<1x128xi32, #tpu.memory_space<vmem>>
      %dma_wait3A_374 = tpu.memref_squeeze %dma_wait3A_373 : memref<1x128xi32, #tpu.memory_space<vmem>> -> memref<128xi32, #tpu.memory_space<vmem>>
      %dma_wait3A_375 = arith.constant 0 : i32
      %dma_wait3A_376 = arith.constant 0 : i32
      %dma_wait3A_377 = tpu.memref_slice %arg11[%dma_wait3A_375, %dma_wait3A_376] : memref<10128x128xbf16, #tpu.memory_space<vmem_shared>> -> memref<10128x128xbf16, #tpu.memory_space<vmem_shared>>
      tpu.wait_indirect_dma semaphore(%arg15 : memref<!tpu.dma_semaphore, #tpu.memory_space<semaphore_mem>>) src(%dma_wait3A_371 : memref<128x128xbf16, #tpu.memory_space<vmem>>) dst(%dma_wait3A_377 : memref<10128x128xbf16, #tpu.memory_space<vmem_shared>>)
    }
    %scan3A_60 = arith.constant 10 : i32
    %barrier3A_61 = arith.constant 0 : index
    tpu.barrier barrier_id(%barrier3A_61)
    %mul3A_62 = arith.constant 624 : i32
    %mul3A_63 = arith.muli %arg1, %mul3A_62 : i32
    %mul3A_64 = arith.constant 10000 : i32
    %mul3A_65 = arith.muli %arg0, %mul3A_64 : i32
    %mul3A_66 = arith.constant 624 : i32
    %mul3A_67 = arith.muli %arg1, %mul3A_66 : i32
    %add3A_68 = arith.addi %mul3A_65, %mul3A_67 : i32
    "tpu.region"() ({
      %run_scoped3A = tpu.sem_alloc : memref<!tpu.dma_semaphore, #tpu.memory_space<semaphore_mem>>
      %dma_start3A_74 = arith.constant 0 : i32
      %dma_start3A_75 = tpu.memref_slice %arg6[%add3A_68, %dma_start3A_74] : memref<20000x128xbf16, #tpu.memory_space<hbm>> -> memref<624x128xbf16, #tpu.memory_space<hbm>>
      %dma_start3A_76 = arith.constant 0 : i32
      %dma_start3A_77 = tpu.memref_slice %arg11[%mul3A_63, %dma_start3A_76] : memref<10128x128xbf16, #tpu.memory_space<vmem_shared>> -> memref<624x128xbf16, #tpu.memory_space<vmem_shared>>
      tpu.enqueue_dma source(%dma_start3A_77 : memref<624x128xbf16, #tpu.memory_space<vmem_shared>>) target(%dma_start3A_75 : memref<624x128xbf16, #tpu.memory_space<hbm>>) target_semaphore(%run_scoped3A : memref<!tpu.dma_semaphore, #tpu.memory_space<semaphore_mem>>)
      %dma_wait3A = arith.constant 0 : i32
      %dma_wait3A_78 = tpu.memref_slice %arg6[%add3A_68, %dma_wait3A] : memref<20000x128xbf16, #tpu.memory_space<hbm>> -> memref<624x128xbf16, #tpu.memory_space<hbm>>
      %dma_wait3A_79 = arith.constant 0 : i32
      %dma_wait3A_80 = tpu.memref_slice %arg11[%mul3A_63, %dma_wait3A_79] : memref<10128x128xbf16, #tpu.memory_space<vmem_shared>> -> memref<624x128xbf16, #tpu.memory_space<vmem_shared>>
      tpu.wait_dma2 semaphore(%run_scoped3A : memref<!tpu.dma_semaphore, #tpu.memory_space<semaphore_mem>>) src(%dma_wait3A_80 : memref<624x128xbf16, #tpu.memory_space<vmem_shared>>) dst(%dma_wait3A_78 : memref<624x128xbf16, #tpu.memory_space<hbm>>)
      tpu.yield
    }) : () -> ()
    %eq3A_69 = arith.constant 15 : i32
    %eq3A_70 = arith.cmpi eq, %arg1, %eq3A_69 : i32
    %convert_element_type3A_71 = arith.extui %eq3A_70 : i1 to i32
    %cond3A_72 = arith.constant 0 : i32
    %cond3A_73 = arith.cmpi ne, %convert_element_type3A_71, %cond3A_72 : i32
    scf.if %cond3A_73 {
      %mul3A_74 = arith.constant 10000 : i32
      %mul3A_75 = arith.muli %arg0, %mul3A_74 : i32
      %add3A_76 = arith.constant 9984 : i32
      %add3A_77 = arith.addi %mul3A_75, %add3A_76 : i32
      "tpu.region"() ({
        %run_scoped3A = tpu.sem_alloc : memref<!tpu.dma_semaphore, #tpu.memory_space<semaphore_mem>>
        %dma_start3A_78 = arith.constant 0 : i32
        %dma_start3A_79 = tpu.memref_slice %arg6[%add3A_77, %dma_start3A_78] : memref<20000x128xbf16, #tpu.memory_space<hbm>> -> memref<16x128xbf16, #tpu.memory_space<hbm>>
        %dma_start3A_80 = arith.constant 9984 : i32
        %dma_start3A_81 = arith.constant 0 : i32
        %dma_start3A_82 = tpu.memref_slice %arg11[%dma_start3A_80, %dma_start3A_81] : memref<10128x128xbf16, #tpu.memory_space<vmem_shared>> -> memref<16x128xbf16, #tpu.memory_space<vmem_shared>>
        tpu.enqueue_dma source(%dma_start3A_82 : memref<16x128xbf16, #tpu.memory_space<vmem_shared>>) target(%dma_start3A_79 : memref<16x128xbf16, #tpu.memory_space<hbm>>) target_semaphore(%run_scoped3A : memref<!tpu.dma_semaphore, #tpu.memory_space<semaphore_mem>>)
        %dma_wait3A = arith.constant 0 : i32
        %dma_wait3A_83 = tpu.memref_slice %arg6[%add3A_77, %dma_wait3A] : memref<20000x128xbf16, #tpu.memory_space<hbm>> -> memref<16x128xbf16, #tpu.memory_space<hbm>>
        %dma_wait3A_84 = arith.constant 9984 : i32
        %dma_wait3A_85 = arith.constant 0 : i32
        %dma_wait3A_86 = tpu.memref_slice %arg11[%dma_wait3A_84, %dma_wait3A_85] : memref<10128x128xbf16, #tpu.memory_space<vmem_shared>> -> memref<16x128xbf16, #tpu.memory_space<vmem_shared>>
        tpu.wait_dma2 semaphore(%run_scoped3A : memref<!tpu.dma_semaphore, #tpu.memory_space<semaphore_mem>>) src(%dma_wait3A_86 : memref<16x128xbf16, #tpu.memory_space<vmem_shared>>) dst(%dma_wait3A_83 : memref<16x128xbf16, #tpu.memory_space<hbm>>)
        tpu.yield
      }) : () -> ()
    } else {
    }
    return
  }
}

#map = affine_map<(d0, d1) -> (0, 0)>
module attributes {stable_mosaic.version = 14 : i64} {
  func.func @_spmm_kernel(%arg0: i32, %arg1: i32, %arg2: memref<20000x128xbf16, #tpu.memory_space<hbm>>, %arg3: memref<2560x128xi32, #tpu.memory_space<hbm>>, %arg4: memref<1280x128xi32, #tpu.memory_space<hbm>>, %arg5: memref<128x128xbf16, #tpu.memory_space<hbm>>, %arg6: memref<20000x128xbf16, #tpu.memory_space<hbm>>, %arg7: memref<80x128xi32, #tpu.memory_space<vmem>>, %arg8: memref<80x128xi32, #tpu.memory_space<vmem>>, %arg9: memref<512x128xbf16, #tpu.memory_space<vmem>>, %arg10: memref<512x128xbf16, #tpu.memory_space<vmem>>, %arg11: memref<10128x128xbf16, #tpu.memory_space<vmem_shared>>, %arg12: memref<!tpu.dma_semaphore, #tpu.memory_space<semaphore_mem>>, %arg13: memref<!tpu.dma_semaphore, #tpu.memory_space<semaphore_mem>>, %arg14: memref<!tpu.dma_semaphore, #tpu.memory_space<semaphore_mem>>, %arg15: memref<!tpu.dma_semaphore, #tpu.memory_space<semaphore_mem>>) attributes {dimension_semantics = [#tpu.dimension_semantics<core_parallel>, #tpu.dimension_semantics<subcore_parallel>], iteration_bounds = array<i64: 2, 16>, scalar_prefetch = 0 : i64, scratch_operands = 9 : i64, tpu.core_type = #tpu.core_type<sc_vector_subcore>, window_params = [{transform_indices = #map}, {transform_indices = #map}, {transform_indices = #map}, {transform_indices = #map}, {transform_indices = #map}]} {
    %mul3A = arith.constant 80 : i32
    %mul3A_0 = arith.muli %arg1, %mul3A : i32
    "tpu.region"() ({
      %run_scoped3A = tpu.sem_alloc : memref<!tpu.dma_semaphore, #tpu.memory_space<semaphore_mem>>
      %dma_start3A_74 = arith.constant 0 : i32
      %dma_start3A_75 = tpu.memref_slice %arg4[%mul3A_0, %dma_start3A_74] : memref<1280x128xi32, #tpu.memory_space<hbm>> -> memref<80x128xi32, #tpu.memory_space<hbm>>
      %dma_start3A_76 = arith.constant 0 : i32
      %dma_start3A_77 = tpu.memref_slice %arg4[%mul3A_0, %dma_start3A_76] : memref<1280x128xi32, #tpu.memory_space<hbm>> -> memref<80x128xi32, #tpu.memory_space<hbm>>
      tpu.enqueue_dma source(%dma_start3A_77 : memref<80x128xi32, #tpu.memory_space<hbm>>) target(%arg8 : memref<80x128xi32, #tpu.memory_space<vmem>>) target_semaphore(%run_scoped3A : memref<!tpu.dma_semaphore, #tpu.memory_space<semaphore_mem>>)
      %dma_wait3A = arith.constant 0 : i32
      %dma_wait3A_78 = tpu.memref_slice %arg4[%mul3A_0, %dma_wait3A] : memref<1280x128xi32, #tpu.memory_space<hbm>> -> memref<80x128xi32, #tpu.memory_space<hbm>>
      %dma_wait3A_79 = arith.constant 0 : i32
      %dma_wait3A_80 = tpu.memref_slice %arg4[%mul3A_0, %dma_wait3A_79] : memref<1280x128xi32, #tpu.memory_space<hbm>> -> memref<80x128xi32, #tpu.memory_space<hbm>>
      tpu.wait_dma2 semaphore(%run_scoped3A : memref<!tpu.dma_semaphore, #tpu.memory_space<semaphore_mem>>) src(%dma_wait3A_80 : memref<80x128xi32, #tpu.memory_space<hbm>>) dst(%arg8 : memref<80x128xi32, #tpu.memory_space<vmem>>)
      tpu.yield
    }) : () -> ()
    %mul3A_1 = arith.constant 1280 : i32
    %mul3A_2 = arith.muli %arg0, %mul3A_1 : i32
    %add3A = arith.addi %mul3A_2, %mul3A_0 : i32
    "tpu.region"() ({
      %run_scoped3A = tpu.sem_alloc : memref<!tpu.dma_semaphore, #tpu.memory_space<semaphore_mem>>
      %dma_start3A_74 = arith.constant 0 : i32
      %dma_start3A_75 = tpu.memref_slice %arg3[%add3A, %dma_start3A_74] : memref<2560x128xi32, #tpu.memory_space<hbm>> -> memref<80x128xi32, #tpu.memory_space<hbm>>
      %dma_start3A_76 = arith.constant 0 : i32
      %dma_start3A_77 = tpu.memref_slice %arg3[%add3A, %dma_start3A_76] : memref<2560x128xi32, #tpu.memory_space<hbm>> -> memref<80x128xi32, #tpu.memory_space<hbm>>
      tpu.enqueue_dma source(%dma_start3A_77 : memref<80x128xi32, #tpu.memory_space<hbm>>) target(%arg7 : memref<80x128xi32, #tpu.memory_space<vmem>>) target_semaphore(%run_scoped3A : memref<!tpu.dma_semaphore, #tpu.memory_space<semaphore_mem>>)
      %dma_wait3A = arith.constant 0 : i32
      %dma_wait3A_78 = tpu.memref_slice %arg3[%add3A, %dma_wait3A] : memref<2560x128xi32, #tpu.memory_space<hbm>> -> memref<80x128xi32, #tpu.memory_space<hbm>>
      %dma_wait3A_79 = arith.constant 0 : i32
      %dma_wait3A_80 = tpu.memref_slice %arg3[%add3A, %dma_wait3A_79] : memref<2560x128xi32, #tpu.memory_space<hbm>> -> memref<80x128xi32, #tpu.memory_space<hbm>>
      tpu.wait_dma2 semaphore(%run_scoped3A : memref<!tpu.dma_semaphore, #tpu.memory_space<semaphore_mem>>) src(%dma_wait3A_80 : memref<80x128xi32, #tpu.memory_space<hbm>>) dst(%arg7 : memref<80x128xi32, #tpu.memory_space<vmem>>)
      tpu.yield
    }) : () -> ()
    %mul3A_3 = arith.constant 10000 : i32
    %mul3A_4 = arith.muli %arg0, %mul3A_3 : i32
    %mul3A_5 = arith.constant 624 : i32
    %mul3A_6 = arith.muli %arg1, %mul3A_5 : i32
    %add3A_7 = arith.addi %mul3A_4, %mul3A_6 : i32
    %mul3A_8 = arith.constant 624 : i32
    %mul3A_9 = arith.muli %arg1, %mul3A_8 : i32
    "tpu.region"() ({
      %run_scoped3A = tpu.sem_alloc : memref<!tpu.dma_semaphore, #tpu.memory_space<semaphore_mem>>
      %dma_start3A_74 = arith.constant 0 : i32
      %dma_start3A_75 = tpu.memref_slice %arg11[%mul3A_9, %dma_start3A_74] : memref<10128x128xbf16, #tpu.memory_space<vmem_shared>> -> memref<624x128xbf16, #tpu.memory_space<vmem_shared>>
      %dma_start3A_76 = arith.constant 0 : i32
      %dma_start3A_77 = tpu.memref_slice %arg2[%add3A_7, %dma_start3A_76] : memref<20000x128xbf16, #tpu.memory_space<hbm>> -> memref<624x128xbf16, #tpu.memory_space<hbm>>
      tpu.enqueue_dma source(%dma_start3A_77 : memref<624x128xbf16, #tpu.memory_space<hbm>>) target(%dma_start3A_75 : memref<624x128xbf16, #tpu.memory_space<vmem_shared>>) target_semaphore(%run_scoped3A : memref<!tpu.dma_semaphore, #tpu.memory_space<semaphore_mem>>)
      %dma_wait3A = arith.constant 0 : i32
      %dma_wait3A_78 = tpu.memref_slice %arg11[%mul3A_9, %dma_wait3A] : memref<10128x128xbf16, #tpu.memory_space<vmem_shared>> -> memref<624x128xbf16, #tpu.memory_space<vmem_shared>>
      %dma_wait3A_79 = arith.constant 0 : i32
      %dma_wait3A_80 = tpu.memref_slice %arg2[%add3A_7, %dma_wait3A_79] : memref<20000x128xbf16, #tpu.memory_space<hbm>> -> memref<624x128xbf16, #tpu.memory_space<hbm>>
      tpu.wait_dma2 semaphore(%run_scoped3A : memref<!tpu.dma_semaphore, #tpu.memory_space<semaphore_mem>>) src(%dma_wait3A_80 : memref<624x128xbf16, #tpu.memory_space<hbm>>) dst(%dma_wait3A_78 : memref<624x128xbf16, #tpu.memory_space<vmem_shared>>)
      tpu.yield
    }) : () -> ()
    %eq3A = arith.constant 15 : i32
    %eq3A_10 = arith.cmpi eq, %arg1, %eq3A : i32
    %convert_element_type3A = arith.extui %eq3A_10 : i1 to i32
    %cond3A = arith.constant 0 : i32
    %cond3A_11 = arith.cmpi ne, %convert_element_type3A, %cond3A : i32
    scf.if %cond3A_11 {
      %mul3A_74 = arith.constant 10000 : i32
      %mul3A_75 = arith.muli %arg0, %mul3A_74 : i32
      %add3A_76 = arith.constant 9984 : i32
      %add3A_77 = arith.addi %mul3A_75, %add3A_76 : i32
      "tpu.region"() ({
        %run_scoped3A = tpu.sem_alloc : memref<!tpu.dma_semaphore, #tpu.memory_space<semaphore_mem>>
        %dma_start3A_78 = arith.constant 9984 : i32
        %dma_start3A_79 = arith.constant 0 : i32
        %dma_start3A_80 = tpu.memref_slice %arg11[%dma_start3A_78, %dma_start3A_79] : memref<10128x128xbf16, #tpu.memory_space<vmem_shared>> -> memref<16x128xbf16, #tpu.memory_space<vmem_shared>>
        %dma_start3A_81 = arith.constant 0 : i32
        %dma_start3A_82 = tpu.memref_slice %arg2[%add3A_77, %dma_start3A_81] : memref<20000x128xbf16, #tpu.memory_space<hbm>> -> memref<16x128xbf16, #tpu.memory_space<hbm>>
        tpu.enqueue_dma source(%dma_start3A_82 : memref<16x128xbf16, #tpu.memory_space<hbm>>) target(%dma_start3A_80 : memref<16x128xbf16, #tpu.memory_space<vmem_shared>>) target_semaphore(%run_scoped3A : memref<!tpu.dma_semaphore, #tpu.memory_space<semaphore_mem>>)
        %dma_wait3A = arith.constant 9984 : i32
        %dma_wait3A_83 = arith.constant 0 : i32
        %dma_wait3A_84 = tpu.memref_slice %arg11[%dma_wait3A, %dma_wait3A_83] : memref<10128x128xbf16, #tpu.memory_space<vmem_shared>> -> memref<16x128xbf16, #tpu.memory_space<vmem_shared>>
        %dma_wait3A_85 = arith.constant 0 : i32
        %dma_wait3A_86 = tpu.memref_slice %arg2[%add3A_77, %dma_wait3A_85] : memref<20000x128xbf16, #tpu.memory_space<hbm>> -> memref<16x128xbf16, #tpu.memory_space<hbm>>
        tpu.wait_dma2 semaphore(%run_scoped3A : memref<!tpu.dma_semaphore, #tpu.memory_space<semaphore_mem>>) src(%dma_wait3A_86 : memref<16x128xbf16, #tpu.memory_space<hbm>>) dst(%dma_wait3A_84 : memref<16x128xbf16, #tpu.memory_space<vmem_shared>>)
        tpu.yield
      }) : () -> ()
    } else {
    }
    %eq3A_12 = arith.constant 0 : i32
    %eq3A_13 = arith.cmpi eq, %arg1, %eq3A_12 : i32
    %convert_element_type3A_14 = arith.extui %eq3A_13 : i1 to i32
    %cond3A_15 = arith.constant 0 : i32
    %cond3A_16 = arith.cmpi ne, %convert_element_type3A_14, %cond3A_15 : i32
    scf.if %cond3A_16 {
      "tpu.region"() ({
        %run_scoped3A = tpu.sem_alloc : memref<!tpu.dma_semaphore, #tpu.memory_space<semaphore_mem>>
        %dma_start3A_74 = arith.constant 10000 : i32
        %dma_start3A_75 = arith.constant 0 : i32
        %dma_start3A_76 = tpu.memref_slice %arg11[%dma_start3A_74, %dma_start3A_75] : memref<10128x128xbf16, #tpu.memory_space<vmem_shared>> -> memref<128x128xbf16, #tpu.memory_space<vmem_shared>>
        tpu.enqueue_dma source(%arg5 : memref<128x128xbf16, #tpu.memory_space<hbm>>) target(%dma_start3A_76 : memref<128x128xbf16, #tpu.memory_space<vmem_shared>>) target_semaphore(%run_scoped3A : memref<!tpu.dma_semaphore, #tpu.memory_space<semaphore_mem>>)
        %dma_wait3A = arith.constant 10000 : i32
        %dma_wait3A_77 = arith.constant 0 : i32
        %dma_wait3A_78 = tpu.memref_slice %arg11[%dma_wait3A, %dma_wait3A_77] : memref<10128x128xbf16, #tpu.memory_space<vmem_shared>> -> memref<128x128xbf16, #tpu.memory_space<vmem_shared>>
        tpu.wait_dma2 semaphore(%run_scoped3A : memref<!tpu.dma_semaphore, #tpu.memory_space<semaphore_mem>>) src(%arg5 : memref<128x128xbf16, #tpu.memory_space<hbm>>) dst(%dma_wait3A_78 : memref<128x128xbf16, #tpu.memory_space<vmem_shared>>)
        tpu.yield
      }) : () -> ()
    } else {
    }
    %barrier3A = arith.constant 0 : index
    tpu.barrier barrier_id(%barrier3A)
    %dma_start3A = arith.constant 0 : i32
    %dma_start3A_17 = arith.constant 0 : i32
    %dma_start3A_18 = arith.constant 0 : i32
    %dma_start3A_19 = tpu.memref_slice %arg9[%dma_start3A_17, %dma_start3A_18] : memref<512x128xbf16, #tpu.memory_space<vmem>> -> memref<128x128xbf16, #tpu.memory_space<vmem>>
    %dma_start3A_20 = arith.constant 0 : i32
    %dma_start3A_21 = tpu.memref_slice %arg7[%dma_start3A, %dma_start3A_20] : memref<80x128xi32, #tpu.memory_space<vmem>> -> memref<1x128xi32, #tpu.memory_space<vmem>>
    %dma_start3A_22 = tpu.memref_squeeze %dma_start3A_21 : memref<1x128xi32, #tpu.memory_space<vmem>> -> memref<128xi32, #tpu.memory_space<vmem>>
    %dma_start3A_23 = arith.constant 0 : i32
    %dma_start3A_24 = arith.constant 0 : i32
    %dma_start3A_25 = tpu.memref_slice %arg2[%dma_start3A_23, %dma_start3A_24] : memref<20000x128xbf16, #tpu.memory_space<hbm>> -> memref<20000x128xbf16, #tpu.memory_space<hbm>>
    tpu.enqueue_indirect_dma source(%dma_start3A_25 : memref<20000x128xbf16, #tpu.memory_space<hbm>>) target(%dma_start3A_19 : memref<128x128xbf16, #tpu.memory_space<vmem>>) offsets(%dma_start3A_22 : memref<128xi32, #tpu.memory_space<vmem>>) semaphore(%arg12 : memref<!tpu.dma_semaphore, #tpu.memory_space<semaphore_mem>>)
    %dma_start3A_26 = arith.constant 1 : i32
    %dma_start3A_27 = arith.constant 128 : i32
    %dma_start3A_28 = arith.constant 0 : i32
    %dma_start3A_29 = tpu.memref_slice %arg9[%dma_start3A_27, %dma_start3A_28] : memref<512x128xbf16, #tpu.memory_space<vmem>> -> memref<128x128xbf16, #tpu.memory_space<vmem>>
    %dma_start3A_30 = arith.constant 0 : i32
    %dma_start3A_31 = tpu.memref_slice %arg7[%dma_start3A_26, %dma_start3A_30] : memref<80x128xi32, #tpu.memory_space<vmem>> -> memref<1x128xi32, #tpu.memory_space<vmem>>
    %dma_start3A_32 = tpu.memref_squeeze %dma_start3A_31 : memref<1x128xi32, #tpu.memory_space<vmem>> -> memref<128xi32, #tpu.memory_space<vmem>>
    %dma_start3A_33 = arith.constant 0 : i32
    %dma_start3A_34 = arith.constant 0 : i32
    %dma_start3A_35 = tpu.memref_slice %arg2[%dma_start3A_33, %dma_start3A_34] : memref<20000x128xbf16, #tpu.memory_space<hbm>> -> memref<20000x128xbf16, #tpu.memory_space<hbm>>
    tpu.enqueue_indirect_dma source(%dma_start3A_35 : memref<20000x128xbf16, #tpu.memory_space<hbm>>) target(%dma_start3A_29 : memref<128x128xbf16, #tpu.memory_space<vmem>>) offsets(%dma_start3A_32 : memref<128xi32, #tpu.memory_space<vmem>>) semaphore(%arg12 : memref<!tpu.dma_semaphore, #tpu.memory_space<semaphore_mem>>)
    %dma_start3A_36 = arith.constant 2 : i32
    %dma_start3A_37 = arith.constant 256 : i32
    %dma_start3A_38 = arith.constant 0 : i32
    %dma_start3A_39 = tpu.memref_slice %arg9[%dma_start3A_37, %dma_start3A_38] : memref<512x128xbf16, #tpu.memory_space<vmem>> -> memref<128x128xbf16, #tpu.memory_space<vmem>>
    %dma_start3A_40 = arith.constant 0 : i32
    %dma_start3A_41 = tpu.memref_slice %arg7[%dma_start3A_36, %dma_start3A_40] : memref<80x128xi32, #tpu.memory_space<vmem>> -> memref<1x128xi32, #tpu.memory_space<vmem>>
    %dma_start3A_42 = tpu.memref_squeeze %dma_start3A_41 : memref<1x128xi32, #tpu.memory_space<vmem>> -> memref<128xi32, #tpu.memory_space<vmem>>
    %dma_start3A_43 = arith.constant 0 : i32
    %dma_start3A_44 = arith.constant 0 : i32
    %dma_start3A_45 = tpu.memref_slice %arg2[%dma_start3A_43, %dma_start3A_44] : memref<20000x128xbf16, #tpu.memory_space<hbm>> -> memref<20000x128xbf16, #tpu.memory_space<hbm>>
    tpu.enqueue_indirect_dma source(%dma_start3A_45 : memref<20000x128xbf16, #tpu.memory_space<hbm>>) target(%dma_start3A_39 : memref<128x128xbf16, #tpu.memory_space<vmem>>) offsets(%dma_start3A_42 : memref<128xi32, #tpu.memory_space<vmem>>) semaphore(%arg12 : memref<!tpu.dma_semaphore, #tpu.memory_space<semaphore_mem>>)
    %dma_start3A_46 = arith.constant 3 : i32
    %dma_start3A_47 = arith.constant 384 : i32
    %dma_start3A_48 = arith.constant 0 : i32
    %dma_start3A_49 = tpu.memref_slice %arg9[%dma_start3A_47, %dma_start3A_48] : memref<512x128xbf16, #tpu.memory_space<vmem>> -> memref<128x128xbf16, #tpu.memory_space<vmem>>
    %dma_start3A_50 = arith.constant 0 : i32
    %dma_start3A_51 = tpu.memref_slice %arg7[%dma_start3A_46, %dma_start3A_50] : memref<80x128xi32, #tpu.memory_space<vmem>> -> memref<1x128xi32, #tpu.memory_space<vmem>>
    %dma_start3A_52 = tpu.memref_squeeze %dma_start3A_51 : memref<1x128xi32, #tpu.memory_space<vmem>> -> memref<128xi32, #tpu.memory_space<vmem>>
    %dma_start3A_53 = arith.constant 0 : i32
    %dma_start3A_54 = arith.constant 0 : i32
    %dma_start3A_55 = tpu.memref_slice %arg2[%dma_start3A_53, %dma_start3A_54] : memref<20000x128xbf16, #tpu.memory_space<hbm>> -> memref<20000x128xbf16, #tpu.memory_space<hbm>>
    tpu.enqueue_indirect_dma source(%dma_start3A_55 : memref<20000x128xbf16, #tpu.memory_space<hbm>>) target(%dma_start3A_49 : memref<128x128xbf16, #tpu.memory_space<vmem>>) offsets(%dma_start3A_52 : memref<128xi32, #tpu.memory_space<vmem>>) semaphore(%arg12 : memref<!tpu.dma_semaphore, #tpu.memory_space<semaphore_mem>>)
    %scan3A = arith.constant 0 : i32
    %scan3A_56 = arith.constant 0 : i32
    %scan3A_57 = arith.constant 10 : i32
    %scan3A_58 = arith.addi %scan3A_56, %scan3A_57 : i32
    %scan3A_59 = arith.constant 1 : i32
    scf.for %scan3A_74 = %scan3A_56 to %scan3A_58 step %scan3A_59  : i32 {
      %mul3A_75 = arith.constant 2 : i32
      %mul3A_76 = arith.muli %mul3A_75, %scan3A_74 : i32
      %add3A_77 = arith.constant 1 : i32
      %add3A_78 = arith.addi %mul3A_76, %add3A_77 : i32
      %mul3A_79 = arith.constant 4 : i32
      %mul3A_80 = arith.muli %mul3A_79, %add3A_78 : i32
      %add3A_81 = arith.constant 0 : i32
      %add3A_82 = arith.addi %mul3A_80, %add3A_81 : i32
      %dma_start3A_83 = arith.constant 0 : i32
      %dma_start3A_84 = arith.constant 0 : i32
      %dma_start3A_85 = tpu.memref_slice %arg10[%dma_start3A_83, %dma_start3A_84] : memref<512x128xbf16, #tpu.memory_space<vmem>> -> memref<128x128xbf16, #tpu.memory_space<vmem>>
      %dma_start3A_86 = arith.constant 0 : i32
      %dma_start3A_87 = tpu.memref_slice %arg7[%add3A_82, %dma_start3A_86] : memref<80x128xi32, #tpu.memory_space<vmem>> -> memref<1x128xi32, #tpu.memory_space<vmem>>
      %dma_start3A_88 = tpu.memref_squeeze %dma_start3A_87 : memref<1x128xi32, #tpu.memory_space<vmem>> -> memref<128xi32, #tpu.memory_space<vmem>>
      %dma_start3A_89 = arith.constant 0 : i32
      %dma_start3A_90 = arith.constant 0 : i32
      %dma_start3A_91 = tpu.memref_slice %arg2[%dma_start3A_89, %dma_start3A_90] : memref<20000x128xbf16, #tpu.memory_space<hbm>> -> memref<20000x128xbf16, #tpu.memory_space<hbm>>
      tpu.enqueue_indirect_dma source(%dma_start3A_91 : memref<20000x128xbf16, #tpu.memory_space<hbm>>) target(%dma_start3A_85 : memref<128x128xbf16, #tpu.memory_space<vmem>>) offsets(%dma_start3A_88 : memref<128xi32, #tpu.memory_space<vmem>>) semaphore(%arg13 : memref<!tpu.dma_semaphore, #tpu.memory_space<semaphore_mem>>)
      %add3A_92 = arith.constant 1 : i32
      %add3A_93 = arith.addi %mul3A_80, %add3A_92 : i32
      %dma_start3A_94 = arith.constant 128 : i32
      %dma_start3A_95 = arith.constant 0 : i32
      %dma_start3A_96 = tpu.memref_slice %arg10[%dma_start3A_94, %dma_start3A_95] : memref<512x128xbf16, #tpu.memory_space<vmem>> -> memref<128x128xbf16, #tpu.memory_space<vmem>>
      %dma_start3A_97 = arith.constant 0 : i32
      %dma_start3A_98 = tpu.memref_slice %arg7[%add3A_93, %dma_start3A_97] : memref<80x128xi32, #tpu.memory_space<vmem>> -> memref<1x128xi32, #tpu.memory_space<vmem>>
      %dma_start3A_99 = tpu.memref_squeeze %dma_start3A_98 : memref<1x128xi32, #tpu.memory_space<vmem>> -> memref<128xi32, #tpu.memory_space<vmem>>
      %dma_start3A_100 = arith.constant 0 : i32
      %dma_start3A_101 = arith.constant 0 : i32
      %dma_start3A_102 = tpu.memref_slice %arg2[%dma_start3A_100, %dma_start3A_101] : memref<20000x128xbf16, #tpu.memory_space<hbm>> -> memref<20000x128xbf16, #tpu.memory_space<hbm>>
      tpu.enqueue_indirect_dma source(%dma_start3A_102 : memref<20000x128xbf16, #tpu.memory_space<hbm>>) target(%dma_start3A_96 : memref<128x128xbf16, #tpu.memory_space<vmem>>) offsets(%dma_start3A_99 : memref<128xi32, #tpu.memory_space<vmem>>) semaphore(%arg13 : memref<!tpu.dma_semaphore, #tpu.memory_space<semaphore_mem>>)
      %add3A_103 = arith.constant 2 : i32
      %add3A_104 = arith.addi %mul3A_80, %add3A_103 : i32
      %dma_start3A_105 = arith.constant 256 : i32
      %dma_start3A_106 = arith.constant 0 : i32
      %dma_start3A_107 = tpu.memref_slice %arg10[%dma_start3A_105, %dma_start3A_106] : memref<512x128xbf16, #tpu.memory_space<vmem>> -> memref<128x128xbf16, #tpu.memory_space<vmem>>
      %dma_start3A_108 = arith.constant 0 : i32
      %dma_start3A_109 = tpu.memref_slice %arg7[%add3A_104, %dma_start3A_108] : memref<80x128xi32, #tpu.memory_space<vmem>> -> memref<1x128xi32, #tpu.memory_space<vmem>>
      %dma_start3A_110 = tpu.memref_squeeze %dma_start3A_109 : memref<1x128xi32, #tpu.memory_space<vmem>> -> memref<128xi32, #tpu.memory_space<vmem>>
      %dma_start3A_111 = arith.constant 0 : i32
      %dma_start3A_112 = arith.constant 0 : i32
      %dma_start3A_113 = tpu.memref_slice %arg2[%dma_start3A_111, %dma_start3A_112] : memref<20000x128xbf16, #tpu.memory_space<hbm>> -> memref<20000x128xbf16, #tpu.memory_space<hbm>>
      tpu.enqueue_indirect_dma source(%dma_start3A_113 : memref<20000x128xbf16, #tpu.memory_space<hbm>>) target(%dma_start3A_107 : memref<128x128xbf16, #tpu.memory_space<vmem>>) offsets(%dma_start3A_110 : memref<128xi32, #tpu.memory_space<vmem>>) semaphore(%arg13 : memref<!tpu.dma_semaphore, #tpu.memory_space<semaphore_mem>>)
      %add3A_114 = arith.constant 3 : i32
      %add3A_115 = arith.addi %mul3A_80, %add3A_114 : i32
      %dma_start3A_116 = arith.constant 384 : i32
      %dma_start3A_117 = arith.constant 0 : i32
      %dma_start3A_118 = tpu.memref_slice %arg10[%dma_start3A_116, %dma_start3A_117] : memref<512x128xbf16, #tpu.memory_space<vmem>> -> memref<128x128xbf16, #tpu.memory_space<vmem>>
      %dma_start3A_119 = arith.constant 0 : i32
      %dma_start3A_120 = tpu.memref_slice %arg7[%add3A_115, %dma_start3A_119] : memref<80x128xi32, #tpu.memory_space<vmem>> -> memref<1x128xi32, #tpu.memory_space<vmem>>
      %dma_start3A_121 = tpu.memref_squeeze %dma_start3A_120 : memref<1x128xi32, #tpu.memory_space<vmem>> -> memref<128xi32, #tpu.memory_space<vmem>>
      %dma_start3A_122 = arith.constant 0 : i32
      %dma_start3A_123 = arith.constant 0 : i32
      %dma_start3A_124 = tpu.memref_slice %arg2[%dma_start3A_122, %dma_start3A_123] : memref<20000x128xbf16, #tpu.memory_space<hbm>> -> memref<20000x128xbf16, #tpu.memory_space<hbm>>
      tpu.enqueue_indirect_dma source(%dma_start3A_124 : memref<20000x128xbf16, #tpu.memory_space<hbm>>) target(%dma_start3A_118 : memref<128x128xbf16, #tpu.memory_space<vmem>>) offsets(%dma_start3A_121 : memref<128xi32, #tpu.memory_space<vmem>>) semaphore(%arg13 : memref<!tpu.dma_semaphore, #tpu.memory_space<semaphore_mem>>)
      %dma_wait3A = arith.constant 0 : i32
      %dma_wait3A_125 = arith.constant 0 : i32
      %dma_wait3A_126 = arith.constant 0 : i32
      %dma_wait3A_127 = tpu.memref_slice %arg9[%dma_wait3A_125, %dma_wait3A_126] : memref<512x128xbf16, #tpu.memory_space<vmem>> -> memref<128x128xbf16, #tpu.memory_space<vmem>>
      %dma_wait3A_128 = arith.constant 0 : i32
      %dma_wait3A_129 = tpu.memref_slice %arg7[%dma_wait3A, %dma_wait3A_128] : memref<80x128xi32, #tpu.memory_space<vmem>> -> memref<1x128xi32, #tpu.memory_space<vmem>>
      %dma_wait3A_130 = tpu.memref_squeeze %dma_wait3A_129 : memref<1x128xi32, #tpu.memory_space<vmem>> -> memref<128xi32, #tpu.memory_space<vmem>>
      %dma_wait3A_131 = arith.constant 0 : i32
      %dma_wait3A_132 = arith.constant 0 : i32
      %dma_wait3A_133 = tpu.memref_slice %arg2[%dma_wait3A_131, %dma_wait3A_132] : memref<20000x128xbf16, #tpu.memory_space<hbm>> -> memref<20000x128xbf16, #tpu.memory_space<hbm>>
      tpu.wait_indirect_dma semaphore(%arg12 : memref<!tpu.dma_semaphore, #tpu.memory_space<semaphore_mem>>) src(%dma_wait3A_133 : memref<20000x128xbf16, #tpu.memory_space<hbm>>) dst(%dma_wait3A_127 : memref<128x128xbf16, #tpu.memory_space<vmem>>)
      %dma_wait3A_134 = arith.constant 0 : i32
      %dma_wait3A_135 = arith.constant 128 : i32
      %dma_wait3A_136 = arith.constant 0 : i32
      %dma_wait3A_137 = tpu.memref_slice %arg9[%dma_wait3A_135, %dma_wait3A_136] : memref<512x128xbf16, #tpu.memory_space<vmem>> -> memref<128x128xbf16, #tpu.memory_space<vmem>>
      %dma_wait3A_138 = arith.constant 0 : i32
      %dma_wait3A_139 = tpu.memref_slice %arg7[%dma_wait3A_134, %dma_wait3A_138] : memref<80x128xi32, #tpu.memory_space<vmem>> -> memref<1x128xi32, #tpu.memory_space<vmem>>
      %dma_wait3A_140 = tpu.memref_squeeze %dma_wait3A_139 : memref<1x128xi32, #tpu.memory_space<vmem>> -> memref<128xi32, #tpu.memory_space<vmem>>
      %dma_wait3A_141 = arith.constant 0 : i32
      %dma_wait3A_142 = arith.constant 0 : i32
      %dma_wait3A_143 = tpu.memref_slice %arg2[%dma_wait3A_141, %dma_wait3A_142] : memref<20000x128xbf16, #tpu.memory_space<hbm>> -> memref<20000x128xbf16, #tpu.memory_space<hbm>>
      tpu.wait_indirect_dma semaphore(%arg12 : memref<!tpu.dma_semaphore, #tpu.memory_space<semaphore_mem>>) src(%dma_wait3A_143 : memref<20000x128xbf16, #tpu.memory_space<hbm>>) dst(%dma_wait3A_137 : memref<128x128xbf16, #tpu.memory_space<vmem>>)
      %dma_wait3A_144 = arith.constant 0 : i32
      %dma_wait3A_145 = arith.constant 256 : i32
      %dma_wait3A_146 = arith.constant 0 : i32
      %dma_wait3A_147 = tpu.memref_slice %arg9[%dma_wait3A_145, %dma_wait3A_146] : memref<512x128xbf16, #tpu.memory_space<vmem>> -> memref<128x128xbf16, #tpu.memory_space<vmem>>
      %dma_wait3A_148 = arith.constant 0 : i32
      %dma_wait3A_149 = tpu.memref_slice %arg7[%dma_wait3A_144, %dma_wait3A_148] : memref<80x128xi32, #tpu.memory_space<vmem>> -> memref<1x128xi32, #tpu.memory_space<vmem>>
      %dma_wait3A_150 = tpu.memref_squeeze %dma_wait3A_149 : memref<1x128xi32, #tpu.memory_space<vmem>> -> memref<128xi32, #tpu.memory_space<vmem>>
      %dma_wait3A_151 = arith.constant 0 : i32
      %dma_wait3A_152 = arith.constant 0 : i32
      %dma_wait3A_153 = tpu.memref_slice %arg2[%dma_wait3A_151, %dma_wait3A_152] : memref<20000x128xbf16, #tpu.memory_space<hbm>> -> memref<20000x128xbf16, #tpu.memory_space<hbm>>
      tpu.wait_indirect_dma semaphore(%arg12 : memref<!tpu.dma_semaphore, #tpu.memory_space<semaphore_mem>>) src(%dma_wait3A_153 : memref<20000x128xbf16, #tpu.memory_space<hbm>>) dst(%dma_wait3A_147 : memref<128x128xbf16, #tpu.memory_space<vmem>>)
      %dma_wait3A_154 = arith.constant 0 : i32
      %dma_wait3A_155 = arith.constant 384 : i32
      %dma_wait3A_156 = arith.constant 0 : i32
      %dma_wait3A_157 = tpu.memref_slice %arg9[%dma_wait3A_155, %dma_wait3A_156] : memref<512x128xbf16, #tpu.memory_space<vmem>> -> memref<128x128xbf16, #tpu.memory_space<vmem>>
      %dma_wait3A_158 = arith.constant 0 : i32
      %dma_wait3A_159 = tpu.memref_slice %arg7[%dma_wait3A_154, %dma_wait3A_158] : memref<80x128xi32, #tpu.memory_space<vmem>> -> memref<1x128xi32, #tpu.memory_space<vmem>>
      %dma_wait3A_160 = tpu.memref_squeeze %dma_wait3A_159 : memref<1x128xi32, #tpu.memory_space<vmem>> -> memref<128xi32, #tpu.memory_space<vmem>>
      %dma_wait3A_161 = arith.constant 0 : i32
      %dma_wait3A_162 = arith.constant 0 : i32
      %dma_wait3A_163 = tpu.memref_slice %arg2[%dma_wait3A_161, %dma_wait3A_162] : memref<20000x128xbf16, #tpu.memory_space<hbm>> -> memref<20000x128xbf16, #tpu.memory_space<hbm>>
      tpu.wait_indirect_dma semaphore(%arg12 : memref<!tpu.dma_semaphore, #tpu.memory_space<semaphore_mem>>) src(%dma_wait3A_163 : memref<20000x128xbf16, #tpu.memory_space<hbm>>) dst(%dma_wait3A_157 : memref<128x128xbf16, #tpu.memory_space<vmem>>)
      %mul3A_164 = arith.constant 2 : i32
      %mul3A_165 = arith.muli %mul3A_164, %scan3A_74 : i32
      %mul3A_166 = arith.constant 4 : i32
      %mul3A_167 = arith.muli %mul3A_166, %mul3A_165 : i32
      %add3A_168 = arith.constant 0 : i32
      %add3A_169 = arith.addi %mul3A_167, %add3A_168 : i32
      %dma_start3A_170 = arith.constant 0 : i32
      %dma_start3A_171 = arith.constant 0 : i32
      %dma_start3A_172 = tpu.memref_slice %arg9[%dma_start3A_170, %dma_start3A_171] : memref<512x128xbf16, #tpu.memory_space<vmem>> -> memref<128x128xbf16, #tpu.memory_space<vmem>>
      %dma_start3A_173 = arith.constant 0 : i32
      %dma_start3A_174 = tpu.memref_slice %arg8[%add3A_169, %dma_start3A_173] : memref<80x128xi32, #tpu.memory_space<vmem>> -> memref<1x128xi32, #tpu.memory_space<vmem>>
      %dma_start3A_175 = tpu.memref_squeeze %dma_start3A_174 : memref<1x128xi32, #tpu.memory_space<vmem>> -> memref<128xi32, #tpu.memory_space<vmem>>
      %dma_start3A_176 = arith.constant 0 : i32
      %dma_start3A_177 = arith.constant 0 : i32
      %dma_start3A_178 = tpu.memref_slice %arg11[%dma_start3A_176, %dma_start3A_177] : memref<10128x128xbf16, #tpu.memory_space<vmem_shared>> -> memref<10128x128xbf16, #tpu.memory_space<vmem_shared>>
      tpu.enqueue_indirect_dma source(%dma_start3A_172 : memref<128x128xbf16, #tpu.memory_space<vmem>>) target(%dma_start3A_178 : memref<10128x128xbf16, #tpu.memory_space<vmem_shared>>) offsets(%dma_start3A_175 : memref<128xi32, #tpu.memory_space<vmem>>) semaphore(%arg14 : memref<!tpu.dma_semaphore, #tpu.memory_space<semaphore_mem>>) {add = true}
      %add3A_179 = arith.constant 1 : i32
      %add3A_180 = arith.addi %mul3A_167, %add3A_179 : i32
      %dma_start3A_181 = arith.constant 128 : i32
      %dma_start3A_182 = arith.constant 0 : i32
      %dma_start3A_183 = tpu.memref_slice %arg9[%dma_start3A_181, %dma_start3A_182] : memref<512x128xbf16, #tpu.memory_space<vmem>> -> memref<128x128xbf16, #tpu.memory_space<vmem>>
      %dma_start3A_184 = arith.constant 0 : i32
      %dma_start3A_185 = tpu.memref_slice %arg8[%add3A_180, %dma_start3A_184] : memref<80x128xi32, #tpu.memory_space<vmem>> -> memref<1x128xi32, #tpu.memory_space<vmem>>
      %dma_start3A_186 = tpu.memref_squeeze %dma_start3A_185 : memref<1x128xi32, #tpu.memory_space<vmem>> -> memref<128xi32, #tpu.memory_space<vmem>>
      %dma_start3A_187 = arith.constant 0 : i32
      %dma_start3A_188 = arith.constant 0 : i32
      %dma_start3A_189 = tpu.memref_slice %arg11[%dma_start3A_187, %dma_start3A_188] : memref<10128x128xbf16, #tpu.memory_space<vmem_shared>> -> memref<10128x128xbf16, #tpu.memory_space<vmem_shared>>
      tpu.enqueue_indirect_dma source(%dma_start3A_183 : memref<128x128xbf16, #tpu.memory_space<vmem>>) target(%dma_start3A_189 : memref<10128x128xbf16, #tpu.memory_space<vmem_shared>>) offsets(%dma_start3A_186 : memref<128xi32, #tpu.memory_space<vmem>>) semaphore(%arg14 : memref<!tpu.dma_semaphore, #tpu.memory_space<semaphore_mem>>) {add = true}
      %add3A_190 = arith.constant 2 : i32
      %add3A_191 = arith.addi %mul3A_167, %add3A_190 : i32
      %dma_start3A_192 = arith.constant 256 : i32
      %dma_start3A_193 = arith.constant 0 : i32
      %dma_start3A_194 = tpu.memref_slice %arg9[%dma_start3A_192, %dma_start3A_193] : memref<512x128xbf16, #tpu.memory_space<vmem>> -> memref<128x128xbf16, #tpu.memory_space<vmem>>
      %dma_start3A_195 = arith.constant 0 : i32
      %dma_start3A_196 = tpu.memref_slice %arg8[%add3A_191, %dma_start3A_195] : memref<80x128xi32, #tpu.memory_space<vmem>> -> memref<1x128xi32, #tpu.memory_space<vmem>>
      %dma_start3A_197 = tpu.memref_squeeze %dma_start3A_196 : memref<1x128xi32, #tpu.memory_space<vmem>> -> memref<128xi32, #tpu.memory_space<vmem>>
      %dma_start3A_198 = arith.constant 0 : i32
      %dma_start3A_199 = arith.constant 0 : i32
      %dma_start3A_200 = tpu.memref_slice %arg11[%dma_start3A_198, %dma_start3A_199] : memref<10128x128xbf16, #tpu.memory_space<vmem_shared>> -> memref<10128x128xbf16, #tpu.memory_space<vmem_shared>>
      tpu.enqueue_indirect_dma source(%dma_start3A_194 : memref<128x128xbf16, #tpu.memory_space<vmem>>) target(%dma_start3A_200 : memref<10128x128xbf16, #tpu.memory_space<vmem_shared>>) offsets(%dma_start3A_197 : memref<128xi32, #tpu.memory_space<vmem>>) semaphore(%arg14 : memref<!tpu.dma_semaphore, #tpu.memory_space<semaphore_mem>>) {add = true}
      %add3A_201 = arith.constant 3 : i32
      %add3A_202 = arith.addi %mul3A_167, %add3A_201 : i32
      %dma_start3A_203 = arith.constant 384 : i32
      %dma_start3A_204 = arith.constant 0 : i32
      %dma_start3A_205 = tpu.memref_slice %arg9[%dma_start3A_203, %dma_start3A_204] : memref<512x128xbf16, #tpu.memory_space<vmem>> -> memref<128x128xbf16, #tpu.memory_space<vmem>>
      %dma_start3A_206 = arith.constant 0 : i32
      %dma_start3A_207 = tpu.memref_slice %arg8[%add3A_202, %dma_start3A_206] : memref<80x128xi32, #tpu.memory_space<vmem>> -> memref<1x128xi32, #tpu.memory_space<vmem>>
      %dma_start3A_208 = tpu.memref_squeeze %dma_start3A_207 : memref<1x128xi32, #tpu.memory_space<vmem>> -> memref<128xi32, #tpu.memory_space<vmem>>
      %dma_start3A_209 = arith.constant 0 : i32
      %dma_start3A_210 = arith.constant 0 : i32
      %dma_start3A_211 = tpu.memref_slice %arg11[%dma_start3A_209, %dma_start3A_210] : memref<10128x128xbf16, #tpu.memory_space<vmem_shared>> -> memref<10128x128xbf16, #tpu.memory_space<vmem_shared>>
      tpu.enqueue_indirect_dma source(%dma_start3A_205 : memref<128x128xbf16, #tpu.memory_space<vmem>>) target(%dma_start3A_211 : memref<10128x128xbf16, #tpu.memory_space<vmem_shared>>) offsets(%dma_start3A_208 : memref<128xi32, #tpu.memory_space<vmem>>) semaphore(%arg14 : memref<!tpu.dma_semaphore, #tpu.memory_space<semaphore_mem>>) {add = true}
      %dma_wait3A_212 = arith.constant 0 : i32
      %dma_wait3A_213 = arith.constant 0 : i32
      %dma_wait3A_214 = tpu.memref_slice %arg9[%dma_wait3A_212, %dma_wait3A_213] : memref<512x128xbf16, #tpu.memory_space<vmem>> -> memref<128x128xbf16, #tpu.memory_space<vmem>>
      %dma_wait3A_215 = arith.constant 0 : i32
      %dma_wait3A_216 = tpu.memref_slice %arg8[%add3A_169, %dma_wait3A_215] : memref<80x128xi32, #tpu.memory_space<vmem>> -> memref<1x128xi32, #tpu.memory_space<vmem>>
      %dma_wait3A_217 = tpu.memref_squeeze %dma_wait3A_216 : memref<1x128xi32, #tpu.memory_space<vmem>> -> memref<128xi32, #tpu.memory_space<vmem>>
      %dma_wait3A_218 = arith.constant 0 : i32
      %dma_wait3A_219 = arith.constant 0 : i32
      %dma_wait3A_220 = tpu.memref_slice %arg11[%dma_wait3A_218, %dma_wait3A_219] : memref<10128x128xbf16, #tpu.memory_space<vmem_shared>> -> memref<10128x128xbf16, #tpu.memory_space<vmem_shared>>
      tpu.wait_indirect_dma semaphore(%arg14 : memref<!tpu.dma_semaphore, #tpu.memory_space<semaphore_mem>>) src(%dma_wait3A_214 : memref<128x128xbf16, #tpu.memory_space<vmem>>) dst(%dma_wait3A_220 : memref<10128x128xbf16, #tpu.memory_space<vmem_shared>>)
      %dma_wait3A_221 = arith.constant 128 : i32
      %dma_wait3A_222 = arith.constant 0 : i32
      %dma_wait3A_223 = tpu.memref_slice %arg9[%dma_wait3A_221, %dma_wait3A_222] : memref<512x128xbf16, #tpu.memory_space<vmem>> -> memref<128x128xbf16, #tpu.memory_space<vmem>>
      %dma_wait3A_224 = arith.constant 0 : i32
      %dma_wait3A_225 = tpu.memref_slice %arg8[%add3A_180, %dma_wait3A_224] : memref<80x128xi32, #tpu.memory_space<vmem>> -> memref<1x128xi32, #tpu.memory_space<vmem>>
      %dma_wait3A_226 = tpu.memref_squeeze %dma_wait3A_225 : memref<1x128xi32, #tpu.memory_space<vmem>> -> memref<128xi32, #tpu.memory_space<vmem>>
      %dma_wait3A_227 = arith.constant 0 : i32
      %dma_wait3A_228 = arith.constant 0 : i32
      %dma_wait3A_229 = tpu.memref_slice %arg11[%dma_wait3A_227, %dma_wait3A_228] : memref<10128x128xbf16, #tpu.memory_space<vmem_shared>> -> memref<10128x128xbf16, #tpu.memory_space<vmem_shared>>
      tpu.wait_indirect_dma semaphore(%arg14 : memref<!tpu.dma_semaphore, #tpu.memory_space<semaphore_mem>>) src(%dma_wait3A_223 : memref<128x128xbf16, #tpu.memory_space<vmem>>) dst(%dma_wait3A_229 : memref<10128x128xbf16, #tpu.memory_space<vmem_shared>>)
      %dma_wait3A_230 = arith.constant 256 : i32
      %dma_wait3A_231 = arith.constant 0 : i32
      %dma_wait3A_232 = tpu.memref_slice %arg9[%dma_wait3A_230, %dma_wait3A_231] : memref<512x128xbf16, #tpu.memory_space<vmem>> -> memref<128x128xbf16, #tpu.memory_space<vmem>>
      %dma_wait3A_233 = arith.constant 0 : i32
      %dma_wait3A_234 = tpu.memref_slice %arg8[%add3A_191, %dma_wait3A_233] : memref<80x128xi32, #tpu.memory_space<vmem>> -> memref<1x128xi32, #tpu.memory_space<vmem>>
      %dma_wait3A_235 = tpu.memref_squeeze %dma_wait3A_234 : memref<1x128xi32, #tpu.memory_space<vmem>> -> memref<128xi32, #tpu.memory_space<vmem>>
      %dma_wait3A_236 = arith.constant 0 : i32
      %dma_wait3A_237 = arith.constant 0 : i32
      %dma_wait3A_238 = tpu.memref_slice %arg11[%dma_wait3A_236, %dma_wait3A_237] : memref<10128x128xbf16, #tpu.memory_space<vmem_shared>> -> memref<10128x128xbf16, #tpu.memory_space<vmem_shared>>
      tpu.wait_indirect_dma semaphore(%arg14 : memref<!tpu.dma_semaphore, #tpu.memory_space<semaphore_mem>>) src(%dma_wait3A_232 : memref<128x128xbf16, #tpu.memory_space<vmem>>) dst(%dma_wait3A_238 : memref<10128x128xbf16, #tpu.memory_space<vmem_shared>>)
      %dma_wait3A_239 = arith.constant 384 : i32
      %dma_wait3A_240 = arith.constant 0 : i32
      %dma_wait3A_241 = tpu.memref_slice %arg9[%dma_wait3A_239, %dma_wait3A_240] : memref<512x128xbf16, #tpu.memory_space<vmem>> -> memref<128x128xbf16, #tpu.memory_space<vmem>>
      %dma_wait3A_242 = arith.constant 0 : i32
      %dma_wait3A_243 = tpu.memref_slice %arg8[%add3A_202, %dma_wait3A_242] : memref<80x128xi32, #tpu.memory_space<vmem>> -> memref<1x128xi32, #tpu.memory_space<vmem>>
      %dma_wait3A_244 = tpu.memref_squeeze %dma_wait3A_243 : memref<1x128xi32, #tpu.memory_space<vmem>> -> memref<128xi32, #tpu.memory_space<vmem>>
      %dma_wait3A_245 = arith.constant 0 : i32
      %dma_wait3A_246 = arith.constant 0 : i32
      %dma_wait3A_247 = tpu.memref_slice %arg11[%dma_wait3A_245, %dma_wait3A_246] : memref<10128x128xbf16, #tpu.memory_space<vmem_shared>> -> memref<10128x128xbf16, #tpu.memory_space<vmem_shared>>
      tpu.wait_indirect_dma semaphore(%arg14 : memref<!tpu.dma_semaphore, #tpu.memory_space<semaphore_mem>>) src(%dma_wait3A_241 : memref<128x128xbf16, #tpu.memory_space<vmem>>) dst(%dma_wait3A_247 : memref<10128x128xbf16, #tpu.memory_space<vmem_shared>>)
      %lt3A = arith.constant 9 : i32
      %lt3A_248 = arith.cmpi slt, %scan3A_74, %lt3A : i32
      %convert_element_type3A_249 = arith.extui %lt3A_248 : i1 to i32
      %cond3A_250 = arith.constant 0 : i32
      %cond3A_251 = arith.cmpi ne, %convert_element_type3A_249, %cond3A_250 : i32
      scf.if %cond3A_251 {
        %mul3A_378 = arith.constant 2 : i32
        %mul3A_379 = arith.muli %mul3A_378, %scan3A_74 : i32
        %add3A_380 = arith.constant 2 : i32
        %add3A_381 = arith.addi %mul3A_379, %add3A_380 : i32
        %mul3A_382 = arith.constant 4 : i32
        %mul3A_383 = arith.muli %mul3A_382, %add3A_381 : i32
        %add3A_384 = arith.constant 0 : i32
        %add3A_385 = arith.addi %mul3A_383, %add3A_384 : i32
        %dma_start3A_386 = arith.constant 0 : i32
        %dma_start3A_387 = arith.constant 0 : i32
        %dma_start3A_388 = tpu.memref_slice %arg9[%dma_start3A_386, %dma_start3A_387] : memref<512x128xbf16, #tpu.memory_space<vmem>> -> memref<128x128xbf16, #tpu.memory_space<vmem>>
        %dma_start3A_389 = arith.constant 0 : i32
        %dma_start3A_390 = tpu.memref_slice %arg7[%add3A_385, %dma_start3A_389] : memref<80x128xi32, #tpu.memory_space<vmem>> -> memref<1x128xi32, #tpu.memory_space<vmem>>
        %dma_start3A_391 = tpu.memref_squeeze %dma_start3A_390 : memref<1x128xi32, #tpu.memory_space<vmem>> -> memref<128xi32, #tpu.memory_space<vmem>>
        %dma_start3A_392 = arith.constant 0 : i32
        %dma_start3A_393 = arith.constant 0 : i32
        %dma_start3A_394 = tpu.memref_slice %arg2[%dma_start3A_392, %dma_start3A_393] : memref<20000x128xbf16, #tpu.memory_space<hbm>> -> memref<20000x128xbf16, #tpu.memory_space<hbm>>
        tpu.enqueue_indirect_dma source(%dma_start3A_394 : memref<20000x128xbf16, #tpu.memory_space<hbm>>) target(%dma_start3A_388 : memref<128x128xbf16, #tpu.memory_space<vmem>>) offsets(%dma_start3A_391 : memref<128xi32, #tpu.memory_space<vmem>>) semaphore(%arg12 : memref<!tpu.dma_semaphore, #tpu.memory_space<semaphore_mem>>)
        %add3A_395 = arith.constant 1 : i32
        %add3A_396 = arith.addi %mul3A_383, %add3A_395 : i32
        %dma_start3A_397 = arith.constant 128 : i32
        %dma_start3A_398 = arith.constant 0 : i32
        %dma_start3A_399 = tpu.memref_slice %arg9[%dma_start3A_397, %dma_start3A_398] : memref<512x128xbf16, #tpu.memory_space<vmem>> -> memref<128x128xbf16, #tpu.memory_space<vmem>>
        %dma_start3A_400 = arith.constant 0 : i32
        %dma_start3A_401 = tpu.memref_slice %arg7[%add3A_396, %dma_start3A_400] : memref<80x128xi32, #tpu.memory_space<vmem>> -> memref<1x128xi32, #tpu.memory_space<vmem>>
        %dma_start3A_402 = tpu.memref_squeeze %dma_start3A_401 : memref<1x128xi32, #tpu.memory_space<vmem>> -> memref<128xi32, #tpu.memory_space<vmem>>
        %dma_start3A_403 = arith.constant 0 : i32
        %dma_start3A_404 = arith.constant 0 : i32
        %dma_start3A_405 = tpu.memref_slice %arg2[%dma_start3A_403, %dma_start3A_404] : memref<20000x128xbf16, #tpu.memory_space<hbm>> -> memref<20000x128xbf16, #tpu.memory_space<hbm>>
        tpu.enqueue_indirect_dma source(%dma_start3A_405 : memref<20000x128xbf16, #tpu.memory_space<hbm>>) target(%dma_start3A_399 : memref<128x128xbf16, #tpu.memory_space<vmem>>) offsets(%dma_start3A_402 : memref<128xi32, #tpu.memory_space<vmem>>) semaphore(%arg12 : memref<!tpu.dma_semaphore, #tpu.memory_space<semaphore_mem>>)
        %add3A_406 = arith.constant 2 : i32
        %add3A_407 = arith.addi %mul3A_383, %add3A_406 : i32
        %dma_start3A_408 = arith.constant 256 : i32
        %dma_start3A_409 = arith.constant 0 : i32
        %dma_start3A_410 = tpu.memref_slice %arg9[%dma_start3A_408, %dma_start3A_409] : memref<512x128xbf16, #tpu.memory_space<vmem>> -> memref<128x128xbf16, #tpu.memory_space<vmem>>
        %dma_start3A_411 = arith.constant 0 : i32
        %dma_start3A_412 = tpu.memref_slice %arg7[%add3A_407, %dma_start3A_411] : memref<80x128xi32, #tpu.memory_space<vmem>> -> memref<1x128xi32, #tpu.memory_space<vmem>>
        %dma_start3A_413 = tpu.memref_squeeze %dma_start3A_412 : memref<1x128xi32, #tpu.memory_space<vmem>> -> memref<128xi32, #tpu.memory_space<vmem>>
        %dma_start3A_414 = arith.constant 0 : i32
        %dma_start3A_415 = arith.constant 0 : i32
        %dma_start3A_416 = tpu.memref_slice %arg2[%dma_start3A_414, %dma_start3A_415] : memref<20000x128xbf16, #tpu.memory_space<hbm>> -> memref<20000x128xbf16, #tpu.memory_space<hbm>>
        tpu.enqueue_indirect_dma source(%dma_start3A_416 : memref<20000x128xbf16, #tpu.memory_space<hbm>>) target(%dma_start3A_410 : memref<128x128xbf16, #tpu.memory_space<vmem>>) offsets(%dma_start3A_413 : memref<128xi32, #tpu.memory_space<vmem>>) semaphore(%arg12 : memref<!tpu.dma_semaphore, #tpu.memory_space<semaphore_mem>>)
        %add3A_417 = arith.constant 3 : i32
        %add3A_418 = arith.addi %mul3A_383, %add3A_417 : i32
        %dma_start3A_419 = arith.constant 384 : i32
        %dma_start3A_420 = arith.constant 0 : i32
        %dma_start3A_421 = tpu.memref_slice %arg9[%dma_start3A_419, %dma_start3A_420] : memref<512x128xbf16, #tpu.memory_space<vmem>> -> memref<128x128xbf16, #tpu.memory_space<vmem>>
        %dma_start3A_422 = arith.constant 0 : i32
        %dma_start3A_423 = tpu.memref_slice %arg7[%add3A_418, %dma_start3A_422] : memref<80x128xi32, #tpu.memory_space<vmem>> -> memref<1x128xi32, #tpu.memory_space<vmem>>
        %dma_start3A_424 = tpu.memref_squeeze %dma_start3A_423 : memref<1x128xi32, #tpu.memory_space<vmem>> -> memref<128xi32, #tpu.memory_space<vmem>>
        %dma_start3A_425 = arith.constant 0 : i32
        %dma_start3A_426 = arith.constant 0 : i32
        %dma_start3A_427 = tpu.memref_slice %arg2[%dma_start3A_425, %dma_start3A_426] : memref<20000x128xbf16, #tpu.memory_space<hbm>> -> memref<20000x128xbf16, #tpu.memory_space<hbm>>
        tpu.enqueue_indirect_dma source(%dma_start3A_427 : memref<20000x128xbf16, #tpu.memory_space<hbm>>) target(%dma_start3A_421 : memref<128x128xbf16, #tpu.memory_space<vmem>>) offsets(%dma_start3A_424 : memref<128xi32, #tpu.memory_space<vmem>>) semaphore(%arg12 : memref<!tpu.dma_semaphore, #tpu.memory_space<semaphore_mem>>)
      } else {
      }
      %dma_wait3A_252 = arith.constant 0 : i32
      %dma_wait3A_253 = arith.constant 0 : i32
      %dma_wait3A_254 = arith.constant 0 : i32
      %dma_wait3A_255 = tpu.memref_slice %arg10[%dma_wait3A_253, %dma_wait3A_254] : memref<512x128xbf16, #tpu.memory_space<vmem>> -> memref<128x128xbf16, #tpu.memory_space<vmem>>
      %dma_wait3A_256 = arith.constant 0 : i32
      %dma_wait3A_257 = tpu.memref_slice %arg7[%dma_wait3A_252, %dma_wait3A_256] : memref<80x128xi32, #tpu.memory_space<vmem>> -> memref<1x128xi32, #tpu.memory_space<vmem>>
      %dma_wait3A_258 = tpu.memref_squeeze %dma_wait3A_257 : memref<1x128xi32, #tpu.memory_space<vmem>> -> memref<128xi32, #tpu.memory_space<vmem>>
      %dma_wait3A_259 = arith.constant 0 : i32
      %dma_wait3A_260 = arith.constant 0 : i32
      %dma_wait3A_261 = tpu.memref_slice %arg2[%dma_wait3A_259, %dma_wait3A_260] : memref<20000x128xbf16, #tpu.memory_space<hbm>> -> memref<20000x128xbf16, #tpu.memory_space<hbm>>
      tpu.wait_indirect_dma semaphore(%arg13 : memref<!tpu.dma_semaphore, #tpu.memory_space<semaphore_mem>>) src(%dma_wait3A_261 : memref<20000x128xbf16, #tpu.memory_space<hbm>>) dst(%dma_wait3A_255 : memref<128x128xbf16, #tpu.memory_space<vmem>>)
      %dma_wait3A_262 = arith.constant 0 : i32
      %dma_wait3A_263 = arith.constant 128 : i32
      %dma_wait3A_264 = arith.constant 0 : i32
      %dma_wait3A_265 = tpu.memref_slice %arg10[%dma_wait3A_263, %dma_wait3A_264] : memref<512x128xbf16, #tpu.memory_space<vmem>> -> memref<128x128xbf16, #tpu.memory_space<vmem>>
      %dma_wait3A_266 = arith.constant 0 : i32
      %dma_wait3A_267 = tpu.memref_slice %arg7[%dma_wait3A_262, %dma_wait3A_266] : memref<80x128xi32, #tpu.memory_space<vmem>> -> memref<1x128xi32, #tpu.memory_space<vmem>>
      %dma_wait3A_268 = tpu.memref_squeeze %dma_wait3A_267 : memref<1x128xi32, #tpu.memory_space<vmem>> -> memref<128xi32, #tpu.memory_space<vmem>>
      %dma_wait3A_269 = arith.constant 0 : i32
      %dma_wait3A_270 = arith.constant 0 : i32
      %dma_wait3A_271 = tpu.memref_slice %arg2[%dma_wait3A_269, %dma_wait3A_270] : memref<20000x128xbf16, #tpu.memory_space<hbm>> -> memref<20000x128xbf16, #tpu.memory_space<hbm>>
      tpu.wait_indirect_dma semaphore(%arg13 : memref<!tpu.dma_semaphore, #tpu.memory_space<semaphore_mem>>) src(%dma_wait3A_271 : memref<20000x128xbf16, #tpu.memory_space<hbm>>) dst(%dma_wait3A_265 : memref<128x128xbf16, #tpu.memory_space<vmem>>)
      %dma_wait3A_272 = arith.constant 0 : i32
      %dma_wait3A_273 = arith.constant 256 : i32
      %dma_wait3A_274 = arith.constant 0 : i32
      %dma_wait3A_275 = tpu.memref_slice %arg10[%dma_wait3A_273, %dma_wait3A_274] : memref<512x128xbf16, #tpu.memory_space<vmem>> -> memref<128x128xbf16, #tpu.memory_space<vmem>>
      %dma_wait3A_276 = arith.constant 0 : i32
      %dma_wait3A_277 = tpu.memref_slice %arg7[%dma_wait3A_272, %dma_wait3A_276] : memref<80x128xi32, #tpu.memory_space<vmem>> -> memref<1x128xi32, #tpu.memory_space<vmem>>
      %dma_wait3A_278 = tpu.memref_squeeze %dma_wait3A_277 : memref<1x128xi32, #tpu.memory_space<vmem>> -> memref<128xi32, #tpu.memory_space<vmem>>
      %dma_wait3A_279 = arith.constant 0 : i32
      %dma_wait3A_280 = arith.constant 0 : i32
      %dma_wait3A_281 = tpu.memref_slice %arg2[%dma_wait3A_279, %dma_wait3A_280] : memref<20000x128xbf16, #tpu.memory_space<hbm>> -> memref<20000x128xbf16, #tpu.memory_space<hbm>>
      tpu.wait_indirect_dma semaphore(%arg13 : memref<!tpu.dma_semaphore, #tpu.memory_space<semaphore_mem>>) src(%dma_wait3A_281 : memref<20000x128xbf16, #tpu.memory_space<hbm>>) dst(%dma_wait3A_275 : memref<128x128xbf16, #tpu.memory_space<vmem>>)
      %dma_wait3A_282 = arith.constant 0 : i32
      %dma_wait3A_283 = arith.constant 384 : i32
      %dma_wait3A_284 = arith.constant 0 : i32
      %dma_wait3A_285 = tpu.memref_slice %arg10[%dma_wait3A_283, %dma_wait3A_284] : memref<512x128xbf16, #tpu.memory_space<vmem>> -> memref<128x128xbf16, #tpu.memory_space<vmem>>
      %dma_wait3A_286 = arith.constant 0 : i32
      %dma_wait3A_287 = tpu.memref_slice %arg7[%dma_wait3A_282, %dma_wait3A_286] : memref<80x128xi32, #tpu.memory_space<vmem>> -> memref<1x128xi32, #tpu.memory_space<vmem>>
      %dma_wait3A_288 = tpu.memref_squeeze %dma_wait3A_287 : memref<1x128xi32, #tpu.memory_space<vmem>> -> memref<128xi32, #tpu.memory_space<vmem>>
      %dma_wait3A_289 = arith.constant 0 : i32
      %dma_wait3A_290 = arith.constant 0 : i32
      %dma_wait3A_291 = tpu.memref_slice %arg2[%dma_wait3A_289, %dma_wait3A_290] : memref<20000x128xbf16, #tpu.memory_space<hbm>> -> memref<20000x128xbf16, #tpu.memory_space<hbm>>
      tpu.wait_indirect_dma semaphore(%arg13 : memref<!tpu.dma_semaphore, #tpu.memory_space<semaphore_mem>>) src(%dma_wait3A_291 : memref<20000x128xbf16, #tpu.memory_space<hbm>>) dst(%dma_wait3A_285 : memref<128x128xbf16, #tpu.memory_space<vmem>>)
      %mul3A_292 = arith.constant 2 : i32
      %mul3A_293 = arith.muli %mul3A_292, %scan3A_74 : i32
      %add3A_294 = arith.constant 1 : i32
      %add3A_295 = arith.addi %mul3A_293, %add3A_294 : i32
      %mul3A_296 = arith.constant 4 : i32
      %mul3A_297 = arith.muli %mul3A_296, %add3A_295 : i32
      %add3A_298 = arith.constant 0 : i32
      %add3A_299 = arith.addi %mul3A_297, %add3A_298 : i32
      %dma_start3A_300 = arith.constant 0 : i32
      %dma_start3A_301 = arith.constant 0 : i32
      %dma_start3A_302 = tpu.memref_slice %arg10[%dma_start3A_300, %dma_start3A_301] : memref<512x128xbf16, #tpu.memory_space<vmem>> -> memref<128x128xbf16, #tpu.memory_space<vmem>>
      %dma_start3A_303 = arith.constant 0 : i32
      %dma_start3A_304 = tpu.memref_slice %arg8[%add3A_299, %dma_start3A_303] : memref<80x128xi32, #tpu.memory_space<vmem>> -> memref<1x128xi32, #tpu.memory_space<vmem>>
      %dma_start3A_305 = tpu.memref_squeeze %dma_start3A_304 : memref<1x128xi32, #tpu.memory_space<vmem>> -> memref<128xi32, #tpu.memory_space<vmem>>
      %dma_start3A_306 = arith.constant 0 : i32
      %dma_start3A_307 = arith.constant 0 : i32
      %dma_start3A_308 = tpu.memref_slice %arg11[%dma_start3A_306, %dma_start3A_307] : memref<10128x128xbf16, #tpu.memory_space<vmem_shared>> -> memref<10128x128xbf16, #tpu.memory_space<vmem_shared>>
      tpu.enqueue_indirect_dma source(%dma_start3A_302 : memref<128x128xbf16, #tpu.memory_space<vmem>>) target(%dma_start3A_308 : memref<10128x128xbf16, #tpu.memory_space<vmem_shared>>) offsets(%dma_start3A_305 : memref<128xi32, #tpu.memory_space<vmem>>) semaphore(%arg15 : memref<!tpu.dma_semaphore, #tpu.memory_space<semaphore_mem>>) {add = true}
      %add3A_309 = arith.constant 1 : i32
      %add3A_310 = arith.addi %mul3A_297, %add3A_309 : i32
      %dma_start3A_311 = arith.constant 128 : i32
      %dma_start3A_312 = arith.constant 0 : i32
      %dma_start3A_313 = tpu.memref_slice %arg10[%dma_start3A_311, %dma_start3A_312] : memref<512x128xbf16, #tpu.memory_space<vmem>> -> memref<128x128xbf16, #tpu.memory_space<vmem>>
      %dma_start3A_314 = arith.constant 0 : i32
      %dma_start3A_315 = tpu.memref_slice %arg8[%add3A_310, %dma_start3A_314] : memref<80x128xi32, #tpu.memory_space<vmem>> -> memref<1x128xi32, #tpu.memory_space<vmem>>
      %dma_start3A_316 = tpu.memref_squeeze %dma_start3A_315 : memref<1x128xi32, #tpu.memory_space<vmem>> -> memref<128xi32, #tpu.memory_space<vmem>>
      %dma_start3A_317 = arith.constant 0 : i32
      %dma_start3A_318 = arith.constant 0 : i32
      %dma_start3A_319 = tpu.memref_slice %arg11[%dma_start3A_317, %dma_start3A_318] : memref<10128x128xbf16, #tpu.memory_space<vmem_shared>> -> memref<10128x128xbf16, #tpu.memory_space<vmem_shared>>
      tpu.enqueue_indirect_dma source(%dma_start3A_313 : memref<128x128xbf16, #tpu.memory_space<vmem>>) target(%dma_start3A_319 : memref<10128x128xbf16, #tpu.memory_space<vmem_shared>>) offsets(%dma_start3A_316 : memref<128xi32, #tpu.memory_space<vmem>>) semaphore(%arg15 : memref<!tpu.dma_semaphore, #tpu.memory_space<semaphore_mem>>) {add = true}
      %add3A_320 = arith.constant 2 : i32
      %add3A_321 = arith.addi %mul3A_297, %add3A_320 : i32
      %dma_start3A_322 = arith.constant 256 : i32
      %dma_start3A_323 = arith.constant 0 : i32
      %dma_start3A_324 = tpu.memref_slice %arg10[%dma_start3A_322, %dma_start3A_323] : memref<512x128xbf16, #tpu.memory_space<vmem>> -> memref<128x128xbf16, #tpu.memory_space<vmem>>
      %dma_start3A_325 = arith.constant 0 : i32
      %dma_start3A_326 = tpu.memref_slice %arg8[%add3A_321, %dma_start3A_325] : memref<80x128xi32, #tpu.memory_space<vmem>> -> memref<1x128xi32, #tpu.memory_space<vmem>>
      %dma_start3A_327 = tpu.memref_squeeze %dma_start3A_326 : memref<1x128xi32, #tpu.memory_space<vmem>> -> memref<128xi32, #tpu.memory_space<vmem>>
      %dma_start3A_328 = arith.constant 0 : i32
      %dma_start3A_329 = arith.constant 0 : i32
      %dma_start3A_330 = tpu.memref_slice %arg11[%dma_start3A_328, %dma_start3A_329] : memref<10128x128xbf16, #tpu.memory_space<vmem_shared>> -> memref<10128x128xbf16, #tpu.memory_space<vmem_shared>>
      tpu.enqueue_indirect_dma source(%dma_start3A_324 : memref<128x128xbf16, #tpu.memory_space<vmem>>) target(%dma_start3A_330 : memref<10128x128xbf16, #tpu.memory_space<vmem_shared>>) offsets(%dma_start3A_327 : memref<128xi32, #tpu.memory_space<vmem>>) semaphore(%arg15 : memref<!tpu.dma_semaphore, #tpu.memory_space<semaphore_mem>>) {add = true}
      %add3A_331 = arith.constant 3 : i32
      %add3A_332 = arith.addi %mul3A_297, %add3A_331 : i32
      %dma_start3A_333 = arith.constant 384 : i32
      %dma_start3A_334 = arith.constant 0 : i32
      %dma_start3A_335 = tpu.memref_slice %arg10[%dma_start3A_333, %dma_start3A_334] : memref<512x128xbf16, #tpu.memory_space<vmem>> -> memref<128x128xbf16, #tpu.memory_space<vmem>>
      %dma_start3A_336 = arith.constant 0 : i32
      %dma_start3A_337 = tpu.memref_slice %arg8[%add3A_332, %dma_start3A_336] : memref<80x128xi32, #tpu.memory_space<vmem>> -> memref<1x128xi32, #tpu.memory_space<vmem>>
      %dma_start3A_338 = tpu.memref_squeeze %dma_start3A_337 : memref<1x128xi32, #tpu.memory_space<vmem>> -> memref<128xi32, #tpu.memory_space<vmem>>
      %dma_start3A_339 = arith.constant 0 : i32
      %dma_start3A_340 = arith.constant 0 : i32
      %dma_start3A_341 = tpu.memref_slice %arg11[%dma_start3A_339, %dma_start3A_340] : memref<10128x128xbf16, #tpu.memory_space<vmem_shared>> -> memref<10128x128xbf16, #tpu.memory_space<vmem_shared>>
      tpu.enqueue_indirect_dma source(%dma_start3A_335 : memref<128x128xbf16, #tpu.memory_space<vmem>>) target(%dma_start3A_341 : memref<10128x128xbf16, #tpu.memory_space<vmem_shared>>) offsets(%dma_start3A_338 : memref<128xi32, #tpu.memory_space<vmem>>) semaphore(%arg15 : memref<!tpu.dma_semaphore, #tpu.memory_space<semaphore_mem>>) {add = true}
      %dma_wait3A_342 = arith.constant 0 : i32
      %dma_wait3A_343 = arith.constant 0 : i32
      %dma_wait3A_344 = tpu.memref_slice %arg10[%dma_wait3A_342, %dma_wait3A_343] : memref<512x128xbf16, #tpu.memory_space<vmem>> -> memref<128x128xbf16, #tpu.memory_space<vmem>>
      %dma_wait3A_345 = arith.constant 0 : i32
      %dma_wait3A_346 = tpu.memref_slice %arg8[%add3A_299, %dma_wait3A_345] : memref<80x128xi32, #tpu.memory_space<vmem>> -> memref<1x128xi32, #tpu.memory_space<vmem>>
      %dma_wait3A_347 = tpu.memref_squeeze %dma_wait3A_346 : memref<1x128xi32, #tpu.memory_space<vmem>> -> memref<128xi32, #tpu.memory_space<vmem>>
      %dma_wait3A_348 = arith.constant 0 : i32
      %dma_wait3A_349 = arith.constant 0 : i32
      %dma_wait3A_350 = tpu.memref_slice %arg11[%dma_wait3A_348, %dma_wait3A_349] : memref<10128x128xbf16, #tpu.memory_space<vmem_shared>> -> memref<10128x128xbf16, #tpu.memory_space<vmem_shared>>
      tpu.wait_indirect_dma semaphore(%arg15 : memref<!tpu.dma_semaphore, #tpu.memory_space<semaphore_mem>>) src(%dma_wait3A_344 : memref<128x128xbf16, #tpu.memory_space<vmem>>) dst(%dma_wait3A_350 : memref<10128x128xbf16, #tpu.memory_space<vmem_shared>>)
      %dma_wait3A_351 = arith.constant 128 : i32
      %dma_wait3A_352 = arith.constant 0 : i32
      %dma_wait3A_353 = tpu.memref_slice %arg10[%dma_wait3A_351, %dma_wait3A_352] : memref<512x128xbf16, #tpu.memory_space<vmem>> -> memref<128x128xbf16, #tpu.memory_space<vmem>>
      %dma_wait3A_354 = arith.constant 0 : i32
      %dma_wait3A_355 = tpu.memref_slice %arg8[%add3A_310, %dma_wait3A_354] : memref<80x128xi32, #tpu.memory_space<vmem>> -> memref<1x128xi32, #tpu.memory_space<vmem>>
      %dma_wait3A_356 = tpu.memref_squeeze %dma_wait3A_355 : memref<1x128xi32, #tpu.memory_space<vmem>> -> memref<128xi32, #tpu.memory_space<vmem>>
      %dma_wait3A_357 = arith.constant 0 : i32
      %dma_wait3A_358 = arith.constant 0 : i32
      %dma_wait3A_359 = tpu.memref_slice %arg11[%dma_wait3A_357, %dma_wait3A_358] : memref<10128x128xbf16, #tpu.memory_space<vmem_shared>> -> memref<10128x128xbf16, #tpu.memory_space<vmem_shared>>
      tpu.wait_indirect_dma semaphore(%arg15 : memref<!tpu.dma_semaphore, #tpu.memory_space<semaphore_mem>>) src(%dma_wait3A_353 : memref<128x128xbf16, #tpu.memory_space<vmem>>) dst(%dma_wait3A_359 : memref<10128x128xbf16, #tpu.memory_space<vmem_shared>>)
      %dma_wait3A_360 = arith.constant 256 : i32
      %dma_wait3A_361 = arith.constant 0 : i32
      %dma_wait3A_362 = tpu.memref_slice %arg10[%dma_wait3A_360, %dma_wait3A_361] : memref<512x128xbf16, #tpu.memory_space<vmem>> -> memref<128x128xbf16, #tpu.memory_space<vmem>>
      %dma_wait3A_363 = arith.constant 0 : i32
      %dma_wait3A_364 = tpu.memref_slice %arg8[%add3A_321, %dma_wait3A_363] : memref<80x128xi32, #tpu.memory_space<vmem>> -> memref<1x128xi32, #tpu.memory_space<vmem>>
      %dma_wait3A_365 = tpu.memref_squeeze %dma_wait3A_364 : memref<1x128xi32, #tpu.memory_space<vmem>> -> memref<128xi32, #tpu.memory_space<vmem>>
      %dma_wait3A_366 = arith.constant 0 : i32
      %dma_wait3A_367 = arith.constant 0 : i32
      %dma_wait3A_368 = tpu.memref_slice %arg11[%dma_wait3A_366, %dma_wait3A_367] : memref<10128x128xbf16, #tpu.memory_space<vmem_shared>> -> memref<10128x128xbf16, #tpu.memory_space<vmem_shared>>
      tpu.wait_indirect_dma semaphore(%arg15 : memref<!tpu.dma_semaphore, #tpu.memory_space<semaphore_mem>>) src(%dma_wait3A_362 : memref<128x128xbf16, #tpu.memory_space<vmem>>) dst(%dma_wait3A_368 : memref<10128x128xbf16, #tpu.memory_space<vmem_shared>>)
      %dma_wait3A_369 = arith.constant 384 : i32
      %dma_wait3A_370 = arith.constant 0 : i32
      %dma_wait3A_371 = tpu.memref_slice %arg10[%dma_wait3A_369, %dma_wait3A_370] : memref<512x128xbf16, #tpu.memory_space<vmem>> -> memref<128x128xbf16, #tpu.memory_space<vmem>>
      %dma_wait3A_372 = arith.constant 0 : i32
      %dma_wait3A_373 = tpu.memref_slice %arg8[%add3A_332, %dma_wait3A_372] : memref<80x128xi32, #tpu.memory_space<vmem>> -> memref<1x128xi32, #tpu.memory_space<vmem>>
      %dma_wait3A_374 = tpu.memref_squeeze %dma_wait3A_373 : memref<1x128xi32, #tpu.memory_space<vmem>> -> memref<128xi32, #tpu.memory_space<vmem>>
      %dma_wait3A_375 = arith.constant 0 : i32
      %dma_wait3A_376 = arith.constant 0 : i32
      %dma_wait3A_377 = tpu.memref_slice %arg11[%dma_wait3A_375, %dma_wait3A_376] : memref<10128x128xbf16, #tpu.memory_space<vmem_shared>> -> memref<10128x128xbf16, #tpu.memory_space<vmem_shared>>
      tpu.wait_indirect_dma semaphore(%arg15 : memref<!tpu.dma_semaphore, #tpu.memory_space<semaphore_mem>>) src(%dma_wait3A_371 : memref<128x128xbf16, #tpu.memory_space<vmem>>) dst(%dma_wait3A_377 : memref<10128x128xbf16, #tpu.memory_space<vmem_shared>>)
    }
    %scan3A_60 = arith.constant 10 : i32
    %barrier3A_61 = arith.constant 0 : index
    tpu.barrier barrier_id(%barrier3A_61)
    %mul3A_62 = arith.constant 624 : i32
    %mul3A_63 = arith.muli %arg1, %mul3A_62 : i32
    %mul3A_64 = arith.constant 10000 : i32
    %mul3A_65 = arith.muli %arg0, %mul3A_64 : i32
    %mul3A_66 = arith.constant 624 : i32
    %mul3A_67 = arith.muli %arg1, %mul3A_66 : i32
    %add3A_68 = arith.addi %mul3A_65, %mul3A_67 : i32
    "tpu.region"() ({
      %run_scoped3A = tpu.sem_alloc : memref<!tpu.dma_semaphore, #tpu.memory_space<semaphore_mem>>
      %dma_start3A_74 = arith.constant 0 : i32
      %dma_start3A_75 = tpu.memref_slice %arg6[%add3A_68, %dma_start3A_74] : memref<20000x128xbf16, #tpu.memory_space<hbm>> -> memref<624x128xbf16, #tpu.memory_space<hbm>>
      %dma_start3A_76 = arith.constant 0 : i32
      %dma_start3A_77 = tpu.memref_slice %arg11[%mul3A_63, %dma_start3A_76] : memref<10128x128xbf16, #tpu.memory_space<vmem_shared>> -> memref<624x128xbf16, #tpu.memory_space<vmem_shared>>
      tpu.enqueue_dma source(%dma_start3A_77 : memref<624x128xbf16, #tpu.memory_space<vmem_shared>>) target(%dma_start3A_75 : memref<624x128xbf16, #tpu.memory_space<hbm>>) target_semaphore(%run_scoped3A : memref<!tpu.dma_semaphore, #tpu.memory_space<semaphore_mem>>)
      %dma_wait3A = arith.constant 0 : i32
      %dma_wait3A_78 = tpu.memref_slice %arg6[%add3A_68, %dma_wait3A] : memref<20000x128xbf16, #tpu.memory_space<hbm>> -> memref<624x128xbf16, #tpu.memory_space<hbm>>
      %dma_wait3A_79 = arith.constant 0 : i32
      %dma_wait3A_80 = tpu.memref_slice %arg11[%mul3A_63, %dma_wait3A_79] : memref<10128x128xbf16, #tpu.memory_space<vmem_shared>> -> memref<624x128xbf16, #tpu.memory_space<vmem_shared>>
      tpu.wait_dma2 semaphore(%run_scoped3A : memref<!tpu.dma_semaphore, #tpu.memory_space<semaphore_mem>>) src(%dma_wait3A_80 : memref<624x128xbf16, #tpu.memory_space<vmem_shared>>) dst(%dma_wait3A_78 : memref<624x128xbf16, #tpu.memory_space<hbm>>)
      tpu.yield
    }) : () -> ()
    %eq3A_69 = arith.constant 15 : i32
    %eq3A_70 = arith.cmpi eq, %arg1, %eq3A_69 : i32
    %convert_element_type3A_71 = arith.extui %eq3A_70 : i1 to i32
    %cond3A_72 = arith.constant 0 : i32
    %cond3A_73 = arith.cmpi ne, %convert_element_type3A_71, %cond3A_72 : i32
    scf.if %cond3A_73 {
      %mul3A_74 = arith.constant 10000 : i32
      %mul3A_75 = arith.muli %arg0, %mul3A_74 : i32
      %add3A_76 = arith.constant 9984 : i32
      %add3A_77 = arith.addi %mul3A_75, %add3A_76 : i32
      "tpu.region"() ({
        %run_scoped3A = tpu.sem_alloc : memref<!tpu.dma_semaphore, #tpu.memory_space<semaphore_mem>>
        %dma_start3A_78 = arith.constant 0 : i32
        %dma_start3A_79 = tpu.memref_slice %arg6[%add3A_77, %dma_start3A_78] : memref<20000x128xbf16, #tpu.memory_space<hbm>> -> memref<16x128xbf16, #tpu.memory_space<hbm>>
        %dma_start3A_80 = arith.constant 9984 : i32
        %dma_start3A_81 = arith.constant 0 : i32
        %dma_start3A_82 = tpu.memref_slice %arg11[%dma_start3A_80, %dma_start3A_81] : memref<10128x128xbf16, #tpu.memory_space<vmem_shared>> -> memref<16x128xbf16, #tpu.memory_space<vmem_shared>>
        tpu.enqueue_dma source(%dma_start3A_82 : memref<16x128xbf16, #tpu.memory_space<vmem_shared>>) target(%dma_start3A_79 : memref<16x128xbf16, #tpu.memory_space<hbm>>) target_semaphore(%run_scoped3A : memref<!tpu.dma_semaphore, #tpu.memory_space<semaphore_mem>>)
        %dma_wait3A = arith.constant 0 : i32
        %dma_wait3A_83 = tpu.memref_slice %arg6[%add3A_77, %dma_wait3A] : memref<20000x128xbf16, #tpu.memory_space<hbm>> -> memref<16x128xbf16, #tpu.memory_space<hbm>>
        %dma_wait3A_84 = arith.constant 9984 : i32
        %dma_wait3A_85 = arith.constant 0 : i32
        %dma_wait3A_86 = tpu.memref_slice %arg11[%dma_wait3A_84, %dma_wait3A_85] : memref<10128x128xbf16, #tpu.memory_space<vmem_shared>> -> memref<16x128xbf16, #tpu.memory_space<vmem_shared>>
        tpu.wait_dma2 semaphore(%run_scoped3A : memref<!tpu.dma_semaphore, #tpu.memory_space<semaphore_mem>>) src(%dma_wait3A_86 : memref<16x128xbf16, #tpu.memory_space<vmem_shared>>) dst(%dma_wait3A_83 : memref<16x128xbf16, #tpu.memory_space<hbm>>)
        tpu.yield
      }) : () -> ()
    } else {
    }
    return
  }
}

module attributes {stable_mosaic.version = 14 : i64} {
  func.func @_tc_pre_body(%arg0: i32, %arg1: memref<2000x256xf32, #tpu.memory_space<vmem>>, %arg2: memref<2000x256xf32, #tpu.memory_space<vmem>>, %arg3: memref<2x2000x16xf32, #tpu.memory_space<vmem>>, %arg4: memref<256x256xf32, #tpu.memory_space<vmem>>, %arg5: memref<2x2000x128xbf16, #tpu.memory_space<vmem>>, %arg6: memref<2000x256xf32, #tpu.memory_space<vmem>>) attributes {dimension_semantics = [#tpu.dimension_semantics<arbitrary>], iteration_bounds = array<i64: 5>, scalar_prefetch = 0 : i64, scratch_operands = 0 : i64, tpu.core_type = #tpu.core_type<tc>, window_params = [{transform_indices = @transform_0, window_bounds = array<i64: 2000, 256>}, {transform_indices = @transform_1, window_bounds = array<i64: 2000, 256>}, {transform_indices = @transform_2, window_bounds = array<i64: 2, 2000, 16>}, {pipeline_mode = #tpu.pipeline_mode<synchronous>, transform_indices = @transform_3, window_bounds = array<i64: 256, 256>}, {transform_indices = @transform_4, window_bounds = array<i64: 2, 2000, 128>}, {transform_indices = @transform_5, window_bounds = array<i64: 2000, 256>}]} {
    %get3A = arith.constant 0 : index
    %get3A_0 = arith.constant 0 : index
    %get3A_1 = vector.load %arg2[%get3A, %get3A_0] : memref<2000x256xf32, #tpu.memory_space<vmem>>, vector<2000x256xf32>
    %get3A_2 = arith.constant 0 : index
    %get3A_3 = arith.constant 0 : index
    %get3A_4 = vector.load %arg1[%get3A_2, %get3A_3] : memref<2000x256xf32, #tpu.memory_space<vmem>>, vector<2000x256xf32>
    %mul3A = arith.mulf %get3A_1, %get3A_4 : vector<2000x256xf32>
    %get3A_5 = arith.constant 0 : index
    %get3A_6 = arith.constant 0 : index
    %get3A_7 = arith.constant 0 : index
    %get3A_8 = vector.load %arg3[%get3A_5, %get3A_6, %get3A_7] : memref<2x2000x16xf32, #tpu.memory_space<vmem>>, vector<1x2000x1xf32>
    %get3A_9 = vector.shape_cast %get3A_8 : vector<1x2000x1xf32> to vector<2000x1xf32>
    %get3A_10 = arith.constant 1 : index
    %get3A_11 = arith.constant 0 : index
    %get3A_12 = arith.constant 0 : index
    %get3A_13 = vector.load %arg3[%get3A_10, %get3A_11, %get3A_12] : memref<2x2000x16xf32, #tpu.memory_space<vmem>>, vector<1x2000x1xf32>
    %get3A_14 = vector.shape_cast %get3A_13 : vector<1x2000x1xf32> to vector<2000x1xf32>
    %add3A = arith.addf %get3A_9, %get3A_14 : vector<2000x1xf32>
    %add3A_15 = arith.constant 1.000000e+00 : f32
    %add3A_16 = vector.broadcast %add3A_15 : f32 to vector<2000x1xf32>
    %add3A_17 = arith.addf %add3A, %add3A_16 : vector<2000x1xf32>
    %rsqrt3A = math.rsqrt %add3A_17 : vector<2000x1xf32>
    %get3A_18 = arith.constant 0 : index
    %get3A_19 = arith.constant 0 : index
    %get3A_20 = vector.load %arg4[%get3A_18, %get3A_19] : memref<256x256xf32, #tpu.memory_space<vmem>>, vector<256x256xf32>
    %dot_general3A = arith.constant dense<0.000000e+00> : vector<2000x256xf32>
    %dot_general3A_21 = tpu.matmul %mul3A, %get3A_20, %dot_general3A {dimension_numbers = #tpu.dot_dimension_numbers<[1], [0], [0], [1], [0, 0, 1, 1], [], []>, transpose_lhs_hint = false} : vector<2000x256xf32>, vector<256x256xf32>, vector<2000x256xf32> -> vector<2000x256xf32>
    %mul3A_22 = vector.broadcast %rsqrt3A : vector<2000x1xf32> to vector<2000x256xf32>
    %mul3A_23 = arith.mulf %mul3A_22, %dot_general3A_21 : vector<2000x256xf32>
    %convert_element_type3A = arith.truncf %mul3A_23 : vector<2000x256xf32> to vector<2000x256xbf16>
    %slice3A = vector.extract_strided_slice %convert_element_type3A {offsets = [0, 0], sizes = [2000, 128], strides = [1, 1]} : vector<2000x256xbf16> to vector<2000x128xbf16>
    %swap3A = arith.constant 0 : index
    %swap3A_24 = arith.constant 0 : index
    %swap3A_25 = arith.constant 0 : index
    %swap3A_26 = vector.load %arg5[%swap3A, %swap3A_24, %swap3A_25] : memref<2x2000x128xbf16, #tpu.memory_space<vmem>>, vector<1x2000x128xbf16>
    %swap3A_27 = vector.shape_cast %swap3A_26 : vector<1x2000x128xbf16> to vector<2000x128xbf16>
    %swap3A_28 = vector.shape_cast %slice3A : vector<2000x128xbf16> to vector<1x2000x128xbf16>
    tpu.vector_store %arg5[%swap3A, %swap3A_24, %swap3A_25], %swap3A_28 {strides = array<i32>} : memref<2x2000x128xbf16, #tpu.memory_space<vmem>>, vector<1x2000x128xbf16>,
    %slice3A_29 = vector.extract_strided_slice %convert_element_type3A {offsets = [0, 128], sizes = [2000, 128], strides = [1, 1]} : vector<2000x256xbf16> to vector<2000x128xbf16>
    %swap3A_30 = arith.constant 1 : index
    %swap3A_31 = arith.constant 0 : index
    %swap3A_32 = arith.constant 0 : index
    %swap3A_33 = vector.load %arg5[%swap3A_30, %swap3A_31, %swap3A_32] : memref<2x2000x128xbf16, #tpu.memory_space<vmem>>, vector<1x2000x128xbf16>
    %swap3A_34 = vector.shape_cast %swap3A_33 : vector<1x2000x128xbf16> to vector<2000x128xbf16>
    %swap3A_35 = vector.shape_cast %slice3A_29 : vector<2000x128xbf16> to vector<1x2000x128xbf16>
    tpu.vector_store %arg5[%swap3A_30, %swap3A_31, %swap3A_32], %swap3A_35 {strides = array<i32>} : memref<2x2000x128xbf16, #tpu.memory_space<vmem>>, vector<1x2000x128xbf16>,
    %swap3A_36 = arith.constant 0 : index
    %swap3A_37 = arith.constant 0 : index
    %swap3A_38 = vector.load %arg6[%swap3A_36, %swap3A_37] : memref<2000x256xf32, #tpu.memory_space<vmem>>, vector<2000x256xf32>
    tpu.vector_store %arg6[%swap3A_36, %swap3A_37], %mul3A {strides = array<i32>} : memref<2000x256xf32, #tpu.memory_space<vmem>>, vector<2000x256xf32>,
    return
  }
  func.func @transform_0(%arg0: i32) -> (i32, i32) {
    %c0_i32 = arith.constant 0 : i32
    %c0_i32_0 = arith.constant 0 : i32
    return %arg0, %c0_i32 : i32, i32
  }
  func.func @transform_1(%arg0: i32) -> (i32, i32) {
    %c0_i32 = arith.constant 0 : i32
    %c0_i32_0 = arith.constant 0 : i32
    return %arg0, %c0_i32 : i32, i32
  }
  func.func @transform_2(%arg0: i32) -> (i32, i32, i32) {
    %c0_i32 = arith.constant 0 : i32
    %c0_i32_0 = arith.constant 0 : i32
    %c0_i32_1 = arith.constant 0 : i32
    return %c0_i32, %arg0, %c0_i32_0 : i32, i32, i32
  }
  func.func @transform_3(%arg0: i32) -> (i32, i32) {
    %c0_i32 = arith.constant 0 : i32
    %c0_i32_0 = arith.constant 0 : i32
    %c0_i32_1 = arith.constant 0 : i32
    return %c0_i32, %c0_i32_0 : i32, i32
  }
  func.func @transform_4(%arg0: i32) -> (i32, i32, i32) {
    %c0_i32 = arith.constant 0 : i32
    %c0_i32_0 = arith.constant 0 : i32
    %c0_i32_1 = arith.constant 0 : i32
    return %c0_i32, %arg0, %c0_i32_0 : i32, i32, i32
  }
  func.func @transform_5(%arg0: i32) -> (i32, i32) {
    %c0_i32 = arith.constant 0 : i32
    %c0_i32_0 = arith.constant 0 : i32
    return %arg0, %c0_i32 : i32, i32
  }
}

module attributes {stable_mosaic.version = 14 : i64} {
  func.func @_tc_mid_body(%arg0: i32, %arg1: memref<2000x128xbf16, #tpu.memory_space<vmem>>, %arg2: memref<2000x128xbf16, #tpu.memory_space<vmem>>, %arg3: memref<2x2000x16xf32, #tpu.memory_space<vmem>>, %arg4: memref<2000x256xf32, #tpu.memory_space<vmem>>, %arg5: memref<1x256xf32, #tpu.memory_space<vmem>>, %arg6: memref<256x256xf32, #tpu.memory_space<vmem>>, %arg7: memref<2x2000x128xbf16, #tpu.memory_space<vmem>>, %arg8: memref<2000x256xf32, #tpu.memory_space<vmem>>) attributes {dimension_semantics = [#tpu.dimension_semantics<arbitrary>], iteration_bounds = array<i64: 5>, scalar_prefetch = 0 : i64, scratch_operands = 0 : i64, tpu.core_type = #tpu.core_type<tc>, window_params = [{transform_indices = @transform_0, window_bounds = array<i64: 2000, 128>}, {transform_indices = @transform_1, window_bounds = array<i64: 2000, 128>}, {transform_indices = @transform_2, window_bounds = array<i64: 2, 2000, 16>}, {transform_indices = @transform_3, window_bounds = array<i64: 2000, 256>}, {pipeline_mode = #tpu.pipeline_mode<synchronous>, transform_indices = @transform_4, window_bounds = array<i64: 1, 256>}, {pipeline_mode = #tpu.pipeline_mode<synchronous>, transform_indices = @transform_5, window_bounds = array<i64: 256, 256>}, {transform_indices = @transform_6, window_bounds = array<i64: 2, 2000, 128>}, {transform_indices = @transform_7, window_bounds = array<i64: 2000, 256>}]} {
    %get3A = arith.constant 0 : index
    %get3A_0 = arith.constant 0 : index
    %get3A_1 = arith.constant 0 : index
    %get3A_2 = vector.load %arg3[%get3A, %get3A_0, %get3A_1] : memref<2x2000x16xf32, #tpu.memory_space<vmem>>, vector<1x2000x1xf32>
    %get3A_3 = vector.shape_cast %get3A_2 : vector<1x2000x1xf32> to vector<2000x1xf32>
    %get3A_4 = arith.constant 1 : index
    %get3A_5 = arith.constant 0 : index
    %get3A_6 = arith.constant 0 : index
    %get3A_7 = vector.load %arg3[%get3A_4, %get3A_5, %get3A_6] : memref<2x2000x16xf32, #tpu.memory_space<vmem>>, vector<1x2000x1xf32>
    %get3A_8 = vector.shape_cast %get3A_7 : vector<1x2000x1xf32> to vector<2000x1xf32>
    %add3A = arith.addf %get3A_3, %get3A_8 : vector<2000x1xf32>
    %add3A_9 = arith.constant 1.000000e+00 : f32
    %add3A_10 = vector.broadcast %add3A_9 : f32 to vector<2000x1xf32>
    %add3A_11 = arith.addf %add3A, %add3A_10 : vector<2000x1xf32>
    %rsqrt3A = math.rsqrt %add3A_11 : vector<2000x1xf32>
    %get3A_12 = arith.constant 0 : index
    %get3A_13 = arith.constant 0 : index
    %get3A_14 = vector.load %arg1[%get3A_12, %get3A_13] : memref<2000x128xbf16, #tpu.memory_space<vmem>>, vector<2000x128xbf16>
    %get3A_15 = arith.constant 0 : index
    %get3A_16 = arith.constant 0 : index
    %get3A_17 = vector.load %arg2[%get3A_15, %get3A_16] : memref<2000x128xbf16, #tpu.memory_space<vmem>>, vector<2000x128xbf16>
    %concatenate3A = tpu.concatenate %get3A_14, %get3A_17 in 1 : vector<2000x128xbf16>, vector<2000x128xbf16> -> vector<2000x256xbf16>
    %convert_element_type3A = arith.extf %concatenate3A : vector<2000x256xbf16> to vector<2000x256xf32>
    %mul3A = vector.broadcast %rsqrt3A : vector<2000x1xf32> to vector<2000x256xf32>
    %mul3A_18 = arith.mulf %mul3A, %convert_element_type3A : vector<2000x256xf32>
    %get3A_19 = arith.constant 0 : index
    %get3A_20 = arith.constant 0 : index
    %get3A_21 = vector.load %arg5[%get3A_19, %get3A_20] : memref<1x256xf32, #tpu.memory_space<vmem>>, vector<1x256xf32>
    %add3A_22 = vector.broadcast %get3A_21 : vector<1x256xf32> to vector<2000x256xf32>
    %add3A_23 = arith.addf %mul3A_18, %add3A_22 : vector<2000x256xf32>
    %get3A_24 = arith.constant 0 : index
    %get3A_25 = arith.constant 0 : index
    %get3A_26 = vector.load %arg4[%get3A_24, %get3A_25] : memref<2000x256xf32, #tpu.memory_space<vmem>>, vector<2000x256xf32>
    %add3A_27 = arith.addf %add3A_23, %get3A_26 : vector<2000x256xf32>
    %max3A = arith.constant 0.000000e+00 : f32
    %max3A_28 = vector.broadcast %max3A : f32 to vector<2000x256xf32>
    %max3A_29 = arith.maximumf %add3A_27, %max3A_28 : vector<2000x256xf32>
    %get3A_30 = arith.constant 0 : index
    %get3A_31 = arith.constant 0 : index
    %get3A_32 = vector.load %arg6[%get3A_30, %get3A_31] : memref<256x256xf32, #tpu.memory_space<vmem>>, vector<256x256xf32>
    %dot_general3A = arith.constant dense<0.000000e+00> : vector<2000x256xf32>
    %dot_general3A_33 = tpu.matmul %max3A_29, %get3A_32, %dot_general3A {dimension_numbers = #tpu.dot_dimension_numbers<[1], [0], [0], [1], [0, 0, 1, 1], [], []>, transpose_lhs_hint = false} : vector<2000x256xf32>, vector<256x256xf32>, vector<2000x256xf32> -> vector<2000x256xf32>
    %mul3A_34 = vector.broadcast %rsqrt3A : vector<2000x1xf32> to vector<2000x256xf32>
    %mul3A_35 = arith.mulf %mul3A_34, %dot_general3A_33 : vector<2000x256xf32>
    %convert_element_type3A_36 = arith.truncf %mul3A_35 : vector<2000x256xf32> to vector<2000x256xbf16>
    %slice3A = vector.extract_strided_slice %convert_element_type3A_36 {offsets = [0, 0], sizes = [2000, 128], strides = [1, 1]} : vector<2000x256xbf16> to vector<2000x128xbf16>
    %swap3A = arith.constant 0 : index
    %swap3A_37 = arith.constant 0 : index
    %swap3A_38 = arith.constant 0 : index
    %swap3A_39 = vector.load %arg7[%swap3A, %swap3A_37, %swap3A_38] : memref<2x2000x128xbf16, #tpu.memory_space<vmem>>, vector<1x2000x128xbf16>
    %swap3A_40 = vector.shape_cast %swap3A_39 : vector<1x2000x128xbf16> to vector<2000x128xbf16>
    %swap3A_41 = vector.shape_cast %slice3A : vector<2000x128xbf16> to vector<1x2000x128xbf16>
    tpu.vector_store %arg7[%swap3A, %swap3A_37, %swap3A_38], %swap3A_41 {strides = array<i32>} : memref<2x2000x128xbf16, #tpu.memory_space<vmem>>, vector<1x2000x128xbf16>,
    %slice3A_42 = vector.extract_strided_slice %convert_element_type3A_36 {offsets = [0, 128], sizes = [2000, 128], strides = [1, 1]} : vector<2000x256xbf16> to vector<2000x128xbf16>
    %swap3A_43 = arith.constant 1 : index
    %swap3A_44 = arith.constant 0 : index
    %swap3A_45 = arith.constant 0 : index
    %swap3A_46 = vector.load %arg7[%swap3A_43, %swap3A_44, %swap3A_45] : memref<2x2000x128xbf16, #tpu.memory_space<vmem>>, vector<1x2000x128xbf16>
    %swap3A_47 = vector.shape_cast %swap3A_46 : vector<1x2000x128xbf16> to vector<2000x128xbf16>
    %swap3A_48 = vector.shape_cast %slice3A_42 : vector<2000x128xbf16> to vector<1x2000x128xbf16>
    tpu.vector_store %arg7[%swap3A_43, %swap3A_44, %swap3A_45], %swap3A_48 {strides = array<i32>} : memref<2x2000x128xbf16, #tpu.memory_space<vmem>>, vector<1x2000x128xbf16>,
    %swap3A_49 = arith.constant 0 : index
    %swap3A_50 = arith.constant 0 : index
    %swap3A_51 = vector.load %arg8[%swap3A_49, %swap3A_50] : memref<2000x256xf32, #tpu.memory_space<vmem>>, vector<2000x256xf32>
    tpu.vector_store %arg8[%swap3A_49, %swap3A_50], %max3A_29 {strides = array<i32>} : memref<2000x256xf32, #tpu.memory_space<vmem>>, vector<2000x256xf32>,
    return
  }
  func.func @transform_0(%arg0: i32) -> (i32, i32) {
    %c0_i32 = arith.constant 0 : i32
    %c0_i32_0 = arith.constant 0 : i32
    return %arg0, %c0_i32 : i32, i32
  }
  func.func @transform_1(%arg0: i32) -> (i32, i32) {
    %add3A = arith.constant 5 : i32
    %add3A_0 = arith.addi %add3A, %arg0 : i32
    %c0_i32 = arith.constant 0 : i32
    %c0_i32_1 = arith.constant 0 : i32
    return %add3A_0, %c0_i32 : i32, i32
  }
  func.func @transform_2(%arg0: i32) -> (i32, i32, i32) {
    %c0_i32 = arith.constant 0 : i32
    %c0_i32_0 = arith.constant 0 : i32
    %c0_i32_1 = arith.constant 0 : i32
    return %c0_i32, %arg0, %c0_i32_0 : i32, i32, i32
  }
  func.func @transform_3(%arg0: i32) -> (i32, i32) {
    %c0_i32 = arith.constant 0 : i32
    %c0_i32_0 = arith.constant 0 : i32
    return %arg0, %c0_i32 : i32, i32
  }
  func.func @transform_4(%arg0: i32) -> (i32, i32) {
    %c0_i32 = arith.constant 0 : i32
    %c0_i32_0 = arith.constant 0 : i32
    %c0_i32_1 = arith.constant 0 : i32
    return %c0_i32, %c0_i32_0 : i32, i32
  }
  func.func @transform_5(%arg0: i32) -> (i32, i32) {
    %c0_i32 = arith.constant 0 : i32
    %c0_i32_0 = arith.constant 0 : i32
    %c0_i32_1 = arith.constant 0 : i32
    return %c0_i32, %c0_i32_0 : i32, i32
  }
  func.func @transform_6(%arg0: i32) -> (i32, i32, i32) {
    %c0_i32 = arith.constant 0 : i32
    %c0_i32_0 = arith.constant 0 : i32
    %c0_i32_1 = arith.constant 0 : i32
    return %c0_i32, %arg0, %c0_i32_0 : i32, i32, i32
  }
  func.func @transform_7(%arg0: i32) -> (i32, i32) {
    %c0_i32 = arith.constant 0 : i32
    %c0_i32_0 = arith.constant 0 : i32
    return %arg0, %c0_i32 : i32, i32
  }
}

module attributes {stable_mosaic.version = 14 : i64} {
  func.func @_tc_fin_body(%arg0: i32, %arg1: memref<2000x128xbf16, #tpu.memory_space<vmem>>, %arg2: memref<2000x128xbf16, #tpu.memory_space<vmem>>, %arg3: memref<2x2000x16xf32, #tpu.memory_space<vmem>>, %arg4: memref<2000x256xf32, #tpu.memory_space<vmem>>, %arg5: memref<1x256xf32, #tpu.memory_space<vmem>>, %arg6: memref<256x64xf32, #tpu.memory_space<vmem>>, %arg7: memref<1x64xf32, #tpu.memory_space<vmem>>, %arg8: memref<2000x64xf32, #tpu.memory_space<vmem>>) attributes {dimension_semantics = [#tpu.dimension_semantics<arbitrary>], iteration_bounds = array<i64: 5>, scalar_prefetch = 0 : i64, scratch_operands = 0 : i64, tpu.core_type = #tpu.core_type<tc>, window_params = [{transform_indices = @transform_0, window_bounds = array<i64: 2000, 128>}, {transform_indices = @transform_1, window_bounds = array<i64: 2000, 128>}, {transform_indices = @transform_2, window_bounds = array<i64: 2, 2000, 16>}, {transform_indices = @transform_3, window_bounds = array<i64: 2000, 256>}, {pipeline_mode = #tpu.pipeline_mode<synchronous>, transform_indices = @transform_4, window_bounds = array<i64: 1, 256>}, {pipeline_mode = #tpu.pipeline_mode<synchronous>, transform_indices = @transform_5, window_bounds = array<i64: 256, 64>}, {pipeline_mode = #tpu.pipeline_mode<synchronous>, transform_indices = @transform_6, window_bounds = array<i64: 1, 64>}, {transform_indices = @transform_7, window_bounds = array<i64: 2000, 64>}]} {
    %get3A = arith.constant 0 : index
    %get3A_0 = arith.constant 0 : index
    %get3A_1 = arith.constant 0 : index
    %get3A_2 = vector.load %arg3[%get3A, %get3A_0, %get3A_1] : memref<2x2000x16xf32, #tpu.memory_space<vmem>>, vector<1x2000x1xf32>
    %get3A_3 = vector.shape_cast %get3A_2 : vector<1x2000x1xf32> to vector<2000x1xf32>
    %get3A_4 = arith.constant 1 : index
    %get3A_5 = arith.constant 0 : index
    %get3A_6 = arith.constant 0 : index
    %get3A_7 = vector.load %arg3[%get3A_4, %get3A_5, %get3A_6] : memref<2x2000x16xf32, #tpu.memory_space<vmem>>, vector<1x2000x1xf32>
    %get3A_8 = vector.shape_cast %get3A_7 : vector<1x2000x1xf32> to vector<2000x1xf32>
    %add3A = arith.addf %get3A_3, %get3A_8 : vector<2000x1xf32>
    %add3A_9 = arith.constant 1.000000e+00 : f32
    %add3A_10 = vector.broadcast %add3A_9 : f32 to vector<2000x1xf32>
    %add3A_11 = arith.addf %add3A, %add3A_10 : vector<2000x1xf32>
    %rsqrt3A = math.rsqrt %add3A_11 : vector<2000x1xf32>
    %get3A_12 = arith.constant 0 : index
    %get3A_13 = arith.constant 0 : index
    %get3A_14 = vector.load %arg1[%get3A_12, %get3A_13] : memref<2000x128xbf16, #tpu.memory_space<vmem>>, vector<2000x128xbf16>
    %get3A_15 = arith.constant 0 : index
    %get3A_16 = arith.constant 0 : index
    %get3A_17 = vector.load %arg2[%get3A_15, %get3A_16] : memref<2000x128xbf16, #tpu.memory_space<vmem>>, vector<2000x128xbf16>
    %concatenate3A = tpu.concatenate %get3A_14, %get3A_17 in 1 : vector<2000x128xbf16>, vector<2000x128xbf16> -> vector<2000x256xbf16>
    %convert_element_type3A = arith.extf %concatenate3A : vector<2000x256xbf16> to vector<2000x256xf32>
    %mul3A = vector.broadcast %rsqrt3A : vector<2000x1xf32> to vector<2000x256xf32>
    %mul3A_18 = arith.mulf %mul3A, %convert_element_type3A : vector<2000x256xf32>
    %get3A_19 = arith.constant 0 : index
    %get3A_20 = arith.constant 0 : index
    %get3A_21 = vector.load %arg5[%get3A_19, %get3A_20] : memref<1x256xf32, #tpu.memory_space<vmem>>, vector<1x256xf32>
    %add3A_22 = vector.broadcast %get3A_21 : vector<1x256xf32> to vector<2000x256xf32>
    %add3A_23 = arith.addf %mul3A_18, %add3A_22 : vector<2000x256xf32>
    %get3A_24 = arith.constant 0 : index
    %get3A_25 = arith.constant 0 : index
    %get3A_26 = vector.load %arg4[%get3A_24, %get3A_25] : memref<2000x256xf32, #tpu.memory_space<vmem>>, vector<2000x256xf32>
    %add3A_27 = arith.addf %add3A_23, %get3A_26 : vector<2000x256xf32>
    %get3A_28 = arith.constant 0 : index
    %get3A_29 = arith.constant 0 : index
    %get3A_30 = vector.load %arg6[%get3A_28, %get3A_29] : memref<256x64xf32, #tpu.memory_space<vmem>>, vector<256x64xf32>
    %dot_general3A = arith.constant dense<0.000000e+00> : vector<2000x64xf32>
    %dot_general3A_31 = tpu.matmul %add3A_27, %get3A_30, %dot_general3A {dimension_numbers = #tpu.dot_dimension_numbers<[1], [0], [0], [1], [0, 0, 1, 1], [], []>, transpose_lhs_hint = false} : vector<2000x256xf32>, vector<256x64xf32>, vector<2000x64xf32> -> vector<2000x64xf32>
    %get3A_32 = arith.constant 0 : index
    %get3A_33 = arith.constant 0 : index
    %get3A_34 = vector.load %arg7[%get3A_32, %get3A_33] : memref<1x64xf32, #tpu.memory_space<vmem>>, vector<1x64xf32>
    %add3A_35 = vector.broadcast %get3A_34 : vector<1x64xf32> to vector<2000x64xf32>
    %add3A_36 = arith.addf %dot_general3A_31, %add3A_35 : vector<2000x64xf32>
    %swap3A = arith.constant 0 : index
    %swap3A_37 = arith.constant 0 : index
    %swap3A_38 = vector.load %arg8[%swap3A, %swap3A_37] : memref<2000x64xf32, #tpu.memory_space<vmem>>, vector<2000x64xf32>
    tpu.vector_store %arg8[%swap3A, %swap3A_37], %add3A_36 {strides = array<i32>} : memref<2000x64xf32, #tpu.memory_space<vmem>>, vector<2000x64xf32>,
    return
  }
  func.func @transform_0(%arg0: i32) -> (i32, i32) {
    %c0_i32 = arith.constant 0 : i32
    %c0_i32_0 = arith.constant 0 : i32
    return %arg0, %c0_i32 : i32, i32
  }
  func.func @transform_1(%arg0: i32) -> (i32, i32) {
    %add3A = arith.constant 5 : i32
    %add3A_0 = arith.addi %add3A, %arg0 : i32
    %c0_i32 = arith.constant 0 : i32
    %c0_i32_1 = arith.constant 0 : i32
    return %add3A_0, %c0_i32 : i32, i32
  }
  func.func @transform_2(%arg0: i32) -> (i32, i32, i32) {
    %c0_i32 = arith.constant 0 : i32
    %c0_i32_0 = arith.constant 0 : i32
    %c0_i32_1 = arith.constant 0 : i32
    return %c0_i32, %arg0, %c0_i32_0 : i32, i32, i32
  }
  func.func @transform_3(%arg0: i32) -> (i32, i32) {
    %c0_i32 = arith.constant 0 : i32
    %c0_i32_0 = arith.constant 0 : i32
    return %arg0, %c0_i32 : i32, i32
  }
  func.func @transform_4(%arg0: i32) -> (i32, i32) {
    %c0_i32 = arith.constant 0 : i32
    %c0_i32_0 = arith.constant 0 : i32
    %c0_i32_1 = arith.constant 0 : i32
    return %c0_i32, %c0_i32_0 : i32, i32
  }
  func.func @transform_5(%arg0: i32) -> (i32, i32) {
    %c0_i32 = arith.constant 0 : i32
    %c0_i32_0 = arith.constant 0 : i32
    %c0_i32_1 = arith.constant 0 : i32
    return %c0_i32, %c0_i32_0 : i32, i32
  }
  func.func @transform_6(%arg0: i32) -> (i32, i32) {
    %c0_i32 = arith.constant 0 : i32
    %c0_i32_0 = arith.constant 0 : i32
    %c0_i32_1 = arith.constant 0 : i32
    return %c0_i32, %c0_i32_0 : i32, i32
  }
  func.func @transform_7(%arg0: i32) -> (i32, i32) {
    %c0_i32 = arith.constant 0 : i32
    %c0_i32_0 = arith.constant 0 : i32
    return %arg0, %c0_i32 : i32, i32
  }
}

</mosaic_0001>

<sc_bundles>
// kernel: kernel.12.cloned.1.call-start
scs
__scs_entry_jumppad:
0x0: {  	(pc) =	sbr.rel $0x88, $3  }
0x1: {  	(tag) =	ssettag $0x0;
	lr =	simm.s32 $0x1  }
0x2: {  	[smem:$0x3F94] =	sst lr;
	_ =	strace $0xD0000000  }
0x3: {  	_ = 	snop  }
0x4: {  	_ = 	snop  }
0x5: {  	_ = 	snop  }
0x6: {  	_ = 	snop  }
0x7: {  	_ = 	snop  }
__scs_overlays_trampoline_lowered:
0x8: {  	[smem:$0x3FA3] =	sst s0  }
0x9: {  	[smem:$0x3FA4] =	sst s1  }
0xa: {  	[smem:$0x3FA5] =	sst s2  }
0xb: {  	[smem:$0x3FA6] =	sst s3  }
0xc: {  	[smem:$0x3FA7] =	sst s4  }
0xd: {  	[smem:$0x3FA8] =	sst s5  }
0xe: {  	[smem:$0x3FA9] =	sst s6  }
0xf: {  	[smem:$0x3FAA] =	sst s7  }
0x10: {  	[smem:$0x3FAB] =	sst s8  }
0x11: {  	[smem:$0x3FAC] =	sst s9;
	s0 =	simm.s32 @!p0 $0x0  }
0x12: {  	s1 =	sld [smem:$0x3F92];
	s0 =	simm.s32 @p0 $0x1  }
0x13: {  	[smem:$0x3FAD] =	sst s0;
	s0 =	simm.s32 @!p1 $0x0  }
0x14: {  	s2 =	sld [smem:$0x3F91];
	s0 =	simm.s32 @p1 $0x1  }
0x15: {  	[smem:$0x3FAE] =	sst s0;
	s0 =	simm.s32 @!p2 $0x0  }
0x16: {  	s3 =	sld [smem:$0x3FDB];
	s0 =	simm.s32 @p2 $0x1  }
0x17: {  	s4 =	simm.s32 $0x1BF5;
	[smem:$0x3FB0] =	sst s0  }
0x18: {  	s0 =	sld [smem:$0x3F93];
	_ =	swait.ge [sflag:s4], $0x0  }
0x19: {  	s7 =	sld [smem:$0x3F94]  }
0x1a: {  	s8 =	sadd.s32 $0xFFFFE003, lr  }
0x1b: {  	s9 =	sadd.s32 $0xFFFFFEF7, lr;
	s5 =	simm.s32 $0xFFFFFFFF;
	p2 =	slt.u32 s8, $0xFFFFF086  }
0x1c: {  	p1 =	slt.u32 s9, $0xF7A;
	s5 =	simm.s32 @!p2 $0x0  }
0x1d: {  	s5 =	simm.s32 @p1 $0x1;
	p0 =	seq.s32 s7, s2  }
0x1e: {  	s7 =	smul.u32 @!p0 $0xF7A, s2;
	p2 =	seq.s32 @!p0 s5, $0x0  }
0x1f: {  	s9 =	smul.u32 $0xF7A, s1;
	s8 =	simm.s32 @!p0 $0x1BF5;
	p2 =	por !p2, p0  }
0x20: {  	[sflag:s8] =	ssyncset.s32 @!p0 $0xFFFFF086;
	s6 =	sadd.s32 @!p0 s3, s7;
	s7 =	simm.s32 @!p0 $0x108  }
0x21: {  	s3 =	sadd.s32 s3, s9;
	s6 =	sadd.s32 @!p0 $0x88, s6;
	s7 =	simm.s32 @p2 $0x1082  }
0x22: {  	[simem:s7], [sflag:s8] =	dma.local @!p0 [hbm:s6], $0xF7A  }
0x23: {  	s9 =	sor.u32 $0xD0000000, s2;
	s6 =	simm.s32 $0x108;
	_ =	swait.ge @!p0 [sflag:s8], $0x0  }
0x24: {  	s3 =	sadd.s32 $0x88, s3;
	s6 =	simm.s32 @!p1 $0x1082;
	[sflag:s4] =	ssyncset.s32 $0xFFFFF086  }
0x25: {  	[simem:s6], [sflag:s4] =	dma.local [hbm:s3], $0xF7A  }
0x26: {  	[smem:$0x3F94] =	sst s1;
	(tag) =	ssettag s2;
	_ =	strace s9  }
0x27: {  	s1 =	sld [smem:$0x3FA4]  }
0x28: {  	s2 =	sld [smem:$0x3FA5]  }
0x29: {  	s4 =	sld [smem:$0x3FA7]  }
0x2a: {  	p0 =	seq.s32 s5, $0x0;
	s5 =	sld [smem:$0x3FA8]  }
0x2b: {  	s6 =	sld [smem:$0x3FA9]  }
0x2c: {  	s7 =	sld [smem:$0x3FAA]  }
0x2d: {  	s3 =	simm.s32 $0x108;
	s8 =	sld [smem:$0x3FAB]  }
0x2e: {  	s3 =	simm.s32 @!p0 $0x1082;
	s9 =	sld [smem:$0x3FAC]  }
0x2f: {  	lr =	sadd.s32 s0, s3;
	s0 =	sld [smem:$0x3FA3]  }
0x30: {  	s3 =	sld [smem:$0x3FA6]  }
0x31: {  	[smem:$0x3FAF] =	sst s10  }
0x32: {  	s10 =	sld [smem:$0x3FAD];
	_ =	sdelay $0x3  }
0x33: {  	p0 =	seq.s32 s10, $0x1;
	s10 =	sld [smem:$0x3FAF];
	_ =	sdelay $0x3  }
0x34: {  	[smem:$0x3FAF] =	sst s10  }
0x35: {  	s10 =	sld [smem:$0x3FAE];
	_ =	sdelay $0x3  }
0x36: {  	p1 =	seq.s32 s10, $0x1;
	s10 =	sld [smem:$0x3FAF];
	_ =	sdelay $0x3  }
0x37: {  	[smem:$0x3FAF] =	sst s10  }
0x38: {  	s10 =	sld [smem:$0x3FB0]  }
0x39: {  	_ = 	snop;
	(pc) =	sbr.ind lr, $3  }
0x3a: {  	_ = 	snop  }
0x3b: {  	_ = 	snop  }
0x3c: {  	p2 =	seq.s32 s10, $0x1;
	s10 =	sld [smem:$0x3FAF]  }
0x3d: {  	_ =	shalt  }
0x3e: {  	_ =	shalt  }
0x3f: {  	_ =	shalt  }
0x40: {  	_ =	shalt  }
0x41: {  	_ =	shalt  }
0x42: {  	_ =	shalt  }
0x43: {  	_ =	shalt  }
0x44: {  	_ =	shalt  }
0x45: {  	_ =	shalt  }
0x46: {  	_ =	shalt  }
0x47: {  	_ =	shalt  }
0x48: {  	_ =	shalt  }
0x49: {  	_ =	shalt  }
0x4a: {  	_ =	shalt  }
0x4b: {  	_ =	shalt  }
0x4c: {  	_ =	shalt  }
0x4d: {  	_ =	shalt  }
0x4e: {  	_ =	shalt  }
0x4f: {  	_ =	shalt  }
0x50: {  	_ =	shalt  }
0x51: {  	_ =	shalt  }
0x52: {  	_ =	shalt  }
0x53: {  	_ =	shalt  }
0x54: {  	_ =	shalt  }
0x55: {  	_ =	shalt  }
0x56: {  	_ =	shalt  }
0x57: {  	_ =	shalt  }
0x58: {  	_ =	shalt  }
0x59: {  	_ =	shalt  }
0x5a: {  	_ =	shalt  }
0x5b: {  	_ =	shalt  }
0x5c: {  	_ =	shalt  }
0x5d: {  	_ =	shalt  }
0x5e: {  	_ =	shalt  }
0x5f: {  	_ =	shalt  }
0x60: {  	_ =	shalt  }
0x61: {  	_ =	shalt  }
0x62: {  	_ =	shalt  }
0x63: {  	_ =	shalt  }
0x64: {  	_ =	shalt  }
0x65: {  	_ =	shalt  }
0x66: {  	_ =	shalt  }
0x67: {  	_ =	shalt  }
0x68: {  	_ =	shalt  }
0x69: {  	_ =	shalt  }
0x6a: {  	_ =	shalt  }
0x6b: {  	_ =	shalt  }
0x6c: {  	_ =	shalt  }
0x6d: {  	_ =	shalt  }
0x6e: {  	_ =	shalt  }
0x6f: {  	_ =	shalt  }
0x70: {  	_ =	shalt  }
0x71: {  	_ =	shalt  }
0x72: {  	_ =	shalt  }
0x73: {  	_ =	shalt  }
0x74: {  	_ =	shalt  }
0x75: {  	_ =	shalt  }
0x76: {  	_ =	shalt  }
0x77: {  	_ =	shalt  }
0x78: {  	_ =	shalt  }
0x79: {  	_ =	shalt  }
0x7a: {  	_ =	shalt  }
0x7b: {  	_ =	shalt  }
0x7c: {  	_ =	shalt  }
0x7d: {  	_ =	shalt  }
0x7e: {  	_ =	shalt  }
0x7f: {  	_ =	shalt  }
0x80: {  	_ =	shalt  }
0x81: {  	_ =	shalt  }
0x82: {  	_ =	shalt  }
0x83: {  	_ =	shalt  }
0x84: {  	_ =	shalt  }
0x85: {  	_ =	shalt  }
0x86: {  	_ =	shalt  }
0x87: {  	_ =	shalt  }
.Lfunc_end0:
.L_simem_size_0:
called_computation_lowered:
.L_overlay_start_0:
0x88: {  	s2 =	sld [smem:$0x3FD9]  }
0x89: {  	s3 =	sld [smem:$0x3FFE];
	_ =	sdelay $0x1  }
0x8a: {  	s1 =	srdreg.scid  }
0x8b: {  	s0 =	sand.u32 $0x1, s1  }
0x8c: {  	s16 =	sshll.u32 s0, $0xA;
	s2 =	sadd.s32 s3, s2  }
0x8d: {  	s2 =	sadd.s32 s2, s16  }
0x8e: {  	[smem:$0x3FBB] =	sst s2  }
0x8f: {  	_ = 	snop  }
0x90: {  	(tm) =	ssettm $0x1  }
0x91: {  	s17 =	sld [smem:$0x3FFB];
	_ =	sdelay $0x3  }
0x92: {  	_ =	strace s17  }
0x93: {  	s2 =	sld [smem:$0x3FFC];
	_ =	sdelay $0x3  }
0x94: {  	_ =	strace s2  }
0x95: {  	s2 =	sld [smem:$0x3FFD];
	_ =	sdelay $0x3  }
0x96: {  	_ =	strace s2  }
0x97: {  	_ =	strace $0x8FFFFFFF  }
0x98: {  	s18 =	sld [smem:$0x3FDB];
	_ =	sdelay $0x1  }
0x99: {  	s19 =	simm.s32 $_scs_section_size  }
0x9a: {  	s4 =	simm.s32 $_size__tile_overlayer_lowered;
	s5 =	simm.s32 $_tile_overlayer_lowered  }
0x9b: {  	s22 =	simm.s32 $0x1BFF;
	s21 =	sshll.u32 s5, $0x1;
	s2 =	sadd.s32 s19, s18  }
0x9c: {  	s6 =	simm.s32 $0x0;
	s20 =	sshll.u32 s4, $0x1;
	s4 =	sadd.s32 s21, s2  }
0x9d: {  	[timem:s6], [sflag:s22] =	dma.local [hbm:s4], s20  }
0x9e: {  	_ =	swait.ge [sflag:s22], s20  }
0x9f: {  	s3 =	ssub.s32 $0x0, s20;
	[sflag:s22] =	ssyncset.done $0x0  }
0xa0: {  	[sflag:s22] =	ssyncadd.s32 s3;
	_ =	sdelay $0x1  }
0xa1: {  	s23 =	simm.s32 $0x1B8B  }
0xa2: {  	_ =	swait.ge [sflag:s23], $0x1  }
0xa3: {  	[sflag:s23] =	ssyncset.done $0x0  }
0xa4: {  	s25 =	simm.s32 $0x1B8E;
	s24 =	sld [smem:$0x3FFE];
	[sflag:s23] =	ssyncadd.s32 $0xFFFFFFFF  }
0xa5: {  	s26 =	simm.s32 $execute0_lowered;
	[smem:$0x3FD2] =	sst s25  }
0xa6: {  	s4 =	sshll.u32 s26, $0x1;
	_ =	strace $0x80000046;
	[dreg:$0x1] =	wrdreg $0xFFFFFFFF  }
0xa7: {  	s28 =	simm.s32 $_size_execute0_lowered;
	s2 =	sadd.s32 s2, s4;
	[dreg:$0x0] =	wrdreg $0x0  }
0xa8: {  	s4 =	sshll.u32 s28, $0x1;
	[dreg:$0x2] =	wrdreg s2  }
0xa9: {  	[dreg:$0x3] =	wrdreg s4  }
0xaa: {  	[dreg:$0x4] =	wrdreg $0xC0  }
0xab: {  	_ =	task [dreg:s6], $0x5FFFF  }
0xac: {  	[dreg:$0x1] =	wrdreg $0xFFFFFFFF  }
0xad: {  	[dreg:$0x0] =	wrdreg $0x60  }
0xae: {  	[dreg:$0x2] =	wrdreg s24  }
0xaf: {  	[dreg:$0x3] =	wrdreg $0x1C000  }
0xb0: {  	[dreg:$0x4] =	wrdreg $0x9  }
0xb1: {  	_ =	task.clear_ibuf [dreg:s6], $0x5FFFF;
	_ =	strace $0x90000046  }
0xb2: {  	s29 =	simm.s32 $0x9;
	_ =	strace $0x80000048  }
0xb3: {  	_ =	swait.ge [sflag:s29], $0x1  }
0xb4: {  	[sflag:s29] =	ssyncadd.s32 $0xFFFFFFFF  }
0xb5: {  	_ =	strace $0x90000048  }
0xb6: {  	_ =	sfence  }
0xb7: {  	s30 =	sld [smem:$0x0];
	_ =	sdelay $0x2  }
0xb8: {  	s31 =	sshll.u32 s1, $0xD;
	s1 =	sshrl.u32 s1, $0x2  }
0xb9: {  	s3 =	sand.u32 $0x4000, s31;
	s1 =	sadd.s32 s1, s30  }
0xba: {  	s0 =	sor.u32 s3, s0;
	s1 =	sshll.u32 s1, $0x11  }
0xbb: {  	s0 =	sor.u32 s1, s0  }
0xbc: {  	s0 =	sadd.s32 $0x8F2B, s0  }
0xbd: {  	[sflag:s0] =	ssyncadd.remote.s32 $0x1  }
0xbe: {  	_ =	sfence.sel $0xFFFF  }
0xbf: {  	[dreg:$0x0] =	wrdreg $0xFFFFFFFF;
	(pc) =	sbr.abs _section_cstart, $3  }
0xc0: {  	[dreg:$0x1] =	wrdreg $0xFFFFFFFF  }
0xc1: {  	_ =	task.clear_ibuf [dreg:s6], $0x2FFFF;
	_ =	strace $0x9FFFFFFF  }
0xc2: {  	(tm) =	ssettm $0x7FFFFFFF  }
0xc3: {  	_ =	shalt  }
tec
execute0_lowered:
.L_overlay_start_1:
0x0: {  	(tag) =	ssettag $0x1  }
0x1: {  	s6 =	rddreg [dreg:$0x0]  }
0x2: {  	s0 =	srdreg.scid;
	s1 =	stileid.u32  }
0x3: {  	s2 =	rddreg [dreg:$0x1];
	s3 =	simm.s32 $0x0;
	s5 =	smul.u32 $0x280, s1  }
0x4: {  	s7 =	sand.u32 $0x1, s0;
	s0 =	rddreg [dreg:$0x2];
	s9 =	smul.u32 $0x9E00, s1  }
0x5: {  	[smem:$0x7FF] =	sst s3;
	s12 =	sadd.s32 $0x9600, s6;
	s13 =	smul.u32 $0x4E0, s1  }
0x6: {  	s26 =	smul.u32 $0x9C00, s1;
	s28 =	sshll.u32 s1, $0x6;
	s16 =	sadd.s32 $0x27800, s2  }
0x7: {  	s18 =	sadd.s32 $0x27000, s2;
	p0 =	sne.s32 s1, $0xF;
	s4 =	smul.u32 $0x2800, s7  }
0x8: {  	_ =	strace $0x80000047;
	s10 =	ssub.s32 $0x2, s7;
	s11 =	smul.u32 $0x4E20, s7  }
0x9: {  	s15 =	smul.u32 $0x27100, s7;
	s24 =	sshrl.u32 s10, $0x1;
	s25 =	sshrl.u32 s9, $0x2  }
0xa: {  	s9 =	sshrl.u32 s26, $0x2;
	s4 =	sadd.s32 s5, s4;
	s5 =	sadd.s32 $0x8E00, s6  }
0xb: {  	s10 =	ssub.s32 s10, s24;
	s14 =	sadd.s32 s25, s2;
	s29 =	sadd.s32 s13, s11  }
0xc: {  	s30 =	sshrl.u32 s15, $0x3;
	s17 =	sadd.s32 s9, s2;
	s13 =	sshrl.u32 @!p0 s16, $0x3  }
0xd: {  	s15 =	simm.s32 $0x80;
	s8 =	sadd.s32 s4, s6;
	s4 =	sadd.s32 $0x9400, s6  }
0xe: {  	s6 =	sor.u32 $0x1C01, s28;
	s31 =	sadd.s32 s12, s30;
	s10 =	smax.u32 s10, $0x1  }
0xf: {  	s11 =	sshrl.u32 s14, $0x3;
	s14 =	simm.s32 $0x1400;
	s16 =	sshrl.u32 s17, $0x3  }
0x10: {  	s17 =	sshrl.u32 @!p0 s18, $0x3;
	s18 =	simm.s32 $0x0;
	s7 =	sadd.s32 $0x3E00, s8  }
0x11: {  	s8 =	sadd.s32 s12, s29;
	s9 =	sadd.s32 $0x4E00, s31;
	s12 =	simm.s32 $0x1  }
.LBB2_1:
0x12: {  	[spmem:s11], [sflag:s6] =	dma.local [hbm:s5], $0x4F0  }
0x13: {  	_ =	swait.ge [sflag:s12], $0x4F0  }
0x14: {  	[sflag:s12] =	ssyncset.done $0x0  }
0x15: {  	s19 =	simm.s32 @!p0 $0x1;
	[sflag:s12] =	ssyncadd.s32 $0xFFFFFB10  }
0x16: {  	[spmem:s13], [sflag:s6] =	dma.local @!p0 [hbm:s5], $0x20  }
0x17: {  	_ =	swait.ge @!p0 [sflag:s19], $0x20  }
0x18: {  	[sflag:s19] =	ssyncset.done @!p0 $0x0  }
0x19: {  	[sflag:s19] =	ssyncadd.s32 @!p0 $0xFFFFFFE0  }
0x1a: {  	[tilespmem:s14], [sflag:$0x1] =	stream.linear.gather [hbm4b:s4+s3], $0x800, $0x38;
	[tilespmem:$0x4390] =	vst v63  }
0x1b: {  	_ =	swait.ge [sflag:s12], $0x800  }
0x1c: {  	[sflag:s12] =	ssyncset.done $0x0  }
0x1d: {  	[sflag:s12] =	ssyncadd.s32 $0xFFFFF800  }
0x1e: {  	[tilespmem:s3], [sflag:$0x1] =	stream.linear.gather [hbm4b:s7+s3], $0x1400, $0x38;
	[tilespmem:$0x4390] =	vst v63  }
0x1f: {  	_ =	swait.ge [sflag:s12], $0x1400  }
0x20: {  	[sflag:s12] =	ssyncset.done $0x0  }
0x21: {  	[sflag:s12] =	ssyncadd.s32 $0xFFFFEC00  }
0x22: {  	s31 =	simm.s32 $0x0;
	[bflag:$0x0] =	sbarrier.arrive $0xFFFF  }
0x23: {  	[spmem:s2] =	stream.indirect.scatter.add.f32 [tilespmem:s14], [sflag:$0x1], $0x10, s31, s15, $0xb8;
	[tilespmem:$0x4390] =	vst v63  }
0x24: {  	_ =	swait.ge [sflag:s12], $0x800  }
0x25: {  	s19 =	simm.s32 $0x200;
	[sflag:s12] =	ssyncset.done $0x0  }
.LBB2_2:
0x26: {  	s20 =	sshra.s32 s19, $0x2;
	[sflag:s12] =	ssyncadd.s32 $0xFFFFF800;
	p1 =	sne.s32 s19, $0x4E00  }
0x27: {  	[spmem:s2] =	stream.indirect.scatter.add.f32 [tilespmem:s14], [sflag:$0x1], $0x10, s20, s15, $0xb8;
	[tilespmem:$0x4390] =	vst v63  }
.Ltmp0:
0x28: {  	_ = 	snop;
	(pc) =	sbr.rel @p1 .LBB2_2-.Ltmp0, $4  }
0x29: {  	_ = 	snop  }
0x2a: {  	s19 =	sadd.s32 $0x200, s19  }
0x2b: {  	_ =	swait.ge [sflag:s12], $0x800  }
0x2c: {  	[sflag:s12] =	ssyncset.done $0x0  }
0x2d: {  	[sflag:s12] =	ssyncadd.s32 $0xFFFFF800  }
0x2e: {  	[bflag:$0x0] =	sbarrier.arrive $0xFFFF  }
0x2f: {  	[hbm:s8], [sflag:s6] =	dma.local [spmem:s16], $0x4E0  }
0x30: {  	s18 =	sadd.s32 $0x1, s18;
	_ =	swait.ge [sflag:s12], $0x4E0  }
0x31: {  	p1 =	sne.s32 s18, s10;
	[sflag:s12] =	ssyncset.done $0x0  }
.Ltmp1:
0x32: {  	s19 =	simm.s32 @!p0 $0x1;
	[sflag:s12] =	ssyncadd.s32 $0xFFFFFB20;
	(pc) =	sbr.rel @p1 .LBB2_1-.Ltmp1, $4  }
0x33: {  	[hbm:s9], [sflag:s6] =	dma.local @!p0 [spmem:s17], $0x20  }
0x34: {  	_ =	swait.ge @!p0 [sflag:s19], $0x20  }
0x35: {  	[sflag:s19] =	ssyncset.done @!p0 $0x0  }
0x36: {  	[sflag:s19] =	ssyncadd.s32 @!p0 $0xFFFFFFE0  }
0x37: {  	_ =	sfence.sel $0x180000  }
0x38: {  	[bflag:$0x0] =	sbarrier.arrive $0xFFFF  }
0x39: {  	p0 =	sne.s32 s1, $0x0;
	_ =	strace $0x90000047  }
0x3a: {  	s0 =	sadd.s32 @!p0 $0x100000, s0;
	[bflag:$0x2] =	sbarrier.arrive $0xFFFF  }
0x3b: {  	[sflag:s0] =	ssyncadd.tile.s32 @!p0 $0x1;
	_ =	shalt  }
.Lfunc_end2:
_tile_overlayer_lowered:
.L_overlay_start_2:
0x3c: {  	(tag) =	ssettag $0x2  }
0x3d: {  	s0 =	rddreg [dreg:$0x0];
	s2 =	stileid.u32  }
0x3e: {  	s1 =	rddreg [dreg:$0x1];
	p0 =	sne.s32 s2, $0x0  }
0x3f: {  	s3 =	rddreg [dreg:$0x2];
	[bflag:$0x3] =	sbarrier.arrive $0xFFFF;
	s2 =	simm.s32 @!p0 $0x1C01  }
0x40: {  	[timem:s3], [sflag:s2] =	dma.local @!p0 [hbm:s0], s1  }
0x41: {  	s0 =	simm.s32 @!p0 $0x1  }
0x42: {  	_ =	swait.ge @!p0 [sflag:s0], s1  }
0x43: {  	s1 =	ssub.s32 @!p0 $0x0, s1;
	[sflag:s0] =	ssyncset.done @!p0 $0x0  }
0x44: {  	[sflag:s0] =	ssyncadd.s32 @!p0 s1  }
0x45: {  	[bflag:$0x3] =	sbarrier.arrive $0xFFFF  }
0x46: {  	_ =	shalt  }

// kernel: kernel.15.cloned.1.call-start
scs
__scs_entry_jumppad:
0x0: {  	(pc) =	sbr.rel $0x88, $3  }
0x1: {  	(tag) =	ssettag $0x0;
	lr =	simm.s32 $0x1  }
0x2: {  	[smem:$0x3F94] =	sst lr;
	_ =	strace $0xD0000000  }
0x3: {  	_ = 	snop  }
0x4: {  	_ = 	snop  }
0x5: {  	_ = 	snop  }
0x6: {  	_ = 	snop  }
0x7: {  	_ = 	snop  }
__scs_overlays_trampoline_lowered:
0x8: {  	[smem:$0x3FA3] =	sst s0  }
0x9: {  	[smem:$0x3FA4] =	sst s1  }
0xa: {  	[smem:$0x3FA5] =	sst s2  }
0xb: {  	[smem:$0x3FA6] =	sst s3  }
0xc: {  	[smem:$0x3FA7] =	sst s4  }
0xd: {  	[smem:$0x3FA8] =	sst s5  }
0xe: {  	[smem:$0x3FA9] =	sst s6  }
0xf: {  	[smem:$0x3FAA] =	sst s7  }
0x10: {  	[smem:$0x3FAB] =	sst s8  }
0x11: {  	[smem:$0x3FAC] =	sst s9;
	s0 =	simm.s32 @!p0 $0x0  }
0x12: {  	s1 =	sld [smem:$0x3F92];
	s0 =	simm.s32 @p0 $0x1  }
0x13: {  	[smem:$0x3FAD] =	sst s0;
	s0 =	simm.s32 @!p1 $0x0  }
0x14: {  	s2 =	sld [smem:$0x3F91];
	s0 =	simm.s32 @p1 $0x1  }
0x15: {  	[smem:$0x3FAE] =	sst s0;
	s0 =	simm.s32 @!p2 $0x0  }
0x16: {  	s3 =	sld [smem:$0x3FDB];
	s0 =	simm.s32 @p2 $0x1  }
0x17: {  	s4 =	simm.s32 $0x1BF5;
	[smem:$0x3FB0] =	sst s0  }
0x18: {  	s0 =	sld [smem:$0x3F93];
	_ =	swait.ge [sflag:s4], $0x0  }
0x19: {  	s7 =	sld [smem:$0x3F94]  }
0x1a: {  	s8 =	sadd.s32 $0xFFFFE003, lr  }
0x1b: {  	s9 =	sadd.s32 $0xFFFFFEF7, lr;
	s5 =	simm.s32 $0xFFFFFFFF;
	p2 =	slt.u32 s8, $0xFFFFF086  }
0x1c: {  	p1 =	slt.u32 s9, $0xF7A;
	s5 =	simm.s32 @!p2 $0x0  }
0x1d: {  	s5 =	simm.s32 @p1 $0x1;
	p0 =	seq.s32 s7, s2  }
0x1e: {  	s7 =	smul.u32 @!p0 $0xF7A, s2;
	p2 =	seq.s32 @!p0 s5, $0x0  }
0x1f: {  	s9 =	smul.u32 $0xF7A, s1;
	s8 =	simm.s32 @!p0 $0x1BF5;
	p2 =	por !p2, p0  }
0x20: {  	[sflag:s8] =	ssyncset.s32 @!p0 $0xFFFFF086;
	s6 =	sadd.s32 @!p0 s3, s7;
	s7 =	simm.s32 @!p0 $0x108  }
0x21: {  	s3 =	sadd.s32 s3, s9;
	s6 =	sadd.s32 @!p0 $0x88, s6;
	s7 =	simm.s32 @p2 $0x1082  }
0x22: {  	[simem:s7], [sflag:s8] =	dma.local @!p0 [hbm:s6], $0xF7A  }
0x23: {  	s9 =	sor.u32 $0xD0000000, s2;
	s6 =	simm.s32 $0x108;
	_ =	swait.ge @!p0 [sflag:s8], $0x0  }
0x24: {  	s3 =	sadd.s32 $0x88, s3;
	s6 =	simm.s32 @!p1 $0x1082;
	[sflag:s4] =	ssyncset.s32 $0xFFFFF086  }
0x25: {  	[simem:s6], [sflag:s4] =	dma.local [hbm:s3], $0xF7A  }
0x26: {  	[smem:$0x3F94] =	sst s1;
	(tag) =	ssettag s2;
	_ =	strace s9  }
0x27: {  	s1 =	sld [smem:$0x3FA4]  }
0x28: {  	s2 =	sld [smem:$0x3FA5]  }
0x29: {  	s4 =	sld [smem:$0x3FA7]  }
0x2a: {  	p0 =	seq.s32 s5, $0x0;
	s5 =	sld [smem:$0x3FA8]  }
0x2b: {  	s6 =	sld [smem:$0x3FA9]  }
0x2c: {  	s7 =	sld [smem:$0x3FAA]  }
0x2d: {  	s3 =	simm.s32 $0x108;
	s8 =	sld [smem:$0x3FAB]  }
0x2e: {  	s3 =	simm.s32 @!p0 $0x1082;
	s9 =	sld [smem:$0x3FAC]  }
0x2f: {  	lr =	sadd.s32 s0, s3;
	s0 =	sld [smem:$0x3FA3]  }
0x30: {  	s3 =	sld [smem:$0x3FA6]  }
0x31: {  	[smem:$0x3FAF] =	sst s10  }
0x32: {  	s10 =	sld [smem:$0x3FAD];
	_ =	sdelay $0x3  }
0x33: {  	p0 =	seq.s32 s10, $0x1;
	s10 =	sld [smem:$0x3FAF];
	_ =	sdelay $0x3  }
0x34: {  	[smem:$0x3FAF] =	sst s10  }
0x35: {  	s10 =	sld [smem:$0x3FAE];
	_ =	sdelay $0x3  }
0x36: {  	p1 =	seq.s32 s10, $0x1;
	s10 =	sld [smem:$0x3FAF];
	_ =	sdelay $0x3  }
0x37: {  	[smem:$0x3FAF] =	sst s10  }
0x38: {  	s10 =	sld [smem:$0x3FB0]  }
0x39: {  	_ = 	snop;
	(pc) =	sbr.ind lr, $3  }
0x3a: {  	_ = 	snop  }
0x3b: {  	_ = 	snop  }
0x3c: {  	p2 =	seq.s32 s10, $0x1;
	s10 =	sld [smem:$0x3FAF]  }
0x3d: {  	_ =	shalt  }
0x3e: {  	_ =	shalt  }
0x3f: {  	_ =	shalt  }
0x40: {  	_ =	shalt  }
0x41: {  	_ =	shalt  }
0x42: {  	_ =	shalt  }
0x43: {  	_ =	shalt  }
0x44: {  	_ =	shalt  }
0x45: {  	_ =	shalt  }
0x46: {  	_ =	shalt  }
0x47: {  	_ =	shalt  }
0x48: {  	_ =	shalt  }
0x49: {  	_ =	shalt  }
0x4a: {  	_ =	shalt  }
0x4b: {  	_ =	shalt  }
0x4c: {  	_ =	shalt  }
0x4d: {  	_ =	shalt  }
0x4e: {  	_ =	shalt  }
0x4f: {  	_ =	shalt  }
0x50: {  	_ =	shalt  }
0x51: {  	_ =	shalt  }
0x52: {  	_ =	shalt  }
0x53: {  	_ =	shalt  }
0x54: {  	_ =	shalt  }
0x55: {  	_ =	shalt  }
0x56: {  	_ =	shalt  }
0x57: {  	_ =	shalt  }
0x58: {  	_ =	shalt  }
0x59: {  	_ =	shalt  }
0x5a: {  	_ =	shalt  }
0x5b: {  	_ =	shalt  }
0x5c: {  	_ =	shalt  }
0x5d: {  	_ =	shalt  }
0x5e: {  	_ =	shalt  }
0x5f: {  	_ =	shalt  }
0x60: {  	_ =	shalt  }
0x61: {  	_ =	shalt  }
0x62: {  	_ =	shalt  }
0x63: {  	_ =	shalt  }
0x64: {  	_ =	shalt  }
0x65: {  	_ =	shalt  }
0x66: {  	_ =	shalt  }
0x67: {  	_ =	shalt  }
0x68: {  	_ =	shalt  }
0x69: {  	_ =	shalt  }
0x6a: {  	_ =	shalt  }
0x6b: {  	_ =	shalt  }
0x6c: {  	_ =	shalt  }
0x6d: {  	_ =	shalt  }
0x6e: {  	_ =	shalt  }
0x6f: {  	_ =	shalt  }
0x70: {  	_ =	shalt  }
0x71: {  	_ =	shalt  }
0x72: {  	_ =	shalt  }
0x73: {  	_ =	shalt  }
0x74: {  	_ =	shalt  }
0x75: {  	_ =	shalt  }
0x76: {  	_ =	shalt  }
0x77: {  	_ =	shalt  }
0x78: {  	_ =	shalt  }
0x79: {  	_ =	shalt  }
0x7a: {  	_ =	shalt  }
0x7b: {  	_ =	shalt  }
0x7c: {  	_ =	shalt  }
0x7d: {  	_ =	shalt  }
0x7e: {  	_ =	shalt  }
0x7f: {  	_ =	shalt  }
0x80: {  	_ =	shalt  }
0x81: {  	_ =	shalt  }
0x82: {  	_ =	shalt  }
0x83: {  	_ =	shalt  }
0x84: {  	_ =	shalt  }
0x85: {  	_ =	shalt  }
0x86: {  	_ =	shalt  }
0x87: {  	_ =	shalt  }
.Lfunc_end0:
.L_simem_size_0:
called_computation.1_lowered:
.L_overlay_start_0:
0x88: {  	s2 =	sld [smem:$0x3FD9]  }
0x89: {  	s3 =	sld [smem:$0x3FFE];
	_ =	sdelay $0x1  }
0x8a: {  	s1 =	srdreg.scid  }
0x8b: {  	s0 =	sand.u32 $0x1, s1  }
0x8c: {  	s17 =	sshll.u32 s0, $0xA;
	s2 =	sadd.s32 s3, s2  }
0x8d: {  	s2 =	sadd.s32 s2, s17  }
0x8e: {  	[smem:$0x3FBB] =	sst s2  }
0x8f: {  	_ = 	snop  }
0x90: {  	s2 =	sld [smem:$0x3FD0];
	(tm) =	ssettm $0x1  }
0x91: {  	s18 =	sld [smem:$0x3FFB];
	_ =	sdelay $0x3  }
0x92: {  	_ =	strace s18  }
0x93: {  	s3 =	sld [smem:$0x3FFC];
	_ =	sdelay $0x3  }
0x94: {  	_ =	strace s3  }
0x95: {  	s3 =	sld [smem:$0x3FFD];
	_ =	sdelay $0x3  }
0x96: {  	_ =	strace s3  }
0x97: {  	_ =	strace $0x8FFFFFFF  }
0x98: {  	s19 =	sld [smem:$0x3FDB];
	_ =	sdelay $0x1  }
0x99: {  	s4 =	simm.s32 $_scs_section_size  }
0x9a: {  	s5 =	simm.s32 $_size__tile_overlayer_lowered;
	s6 =	simm.s32 $_tile_overlayer_lowered  }
0x9b: {  	s22 =	simm.s32 $0x1BFF;
	s21 =	sshll.u32 s6, $0x1;
	s3 =	sadd.s32 s4, s19  }
0x9c: {  	s7 =	simm.s32 $0x0;
	s20 =	sshll.u32 s5, $0x1;
	s5 =	sadd.s32 s21, s3  }
0x9d: {  	[timem:s7], [sflag:s22] =	dma.local [hbm:s5], s20  }
0x9e: {  	_ =	swait.ge [sflag:s22], s20  }
0x9f: {  	s4 =	ssub.s32 $0x0, s20;
	[sflag:s22] =	ssyncset.done $0x0  }
0xa0: {  	[sflag:s22] =	ssyncadd.s32 s4;
	_ =	sdelay $0x1  }
0xa1: {  	s23 =	simm.s32 $0x1B8B  }
0xa2: {  	_ =	swait.ge [sflag:s23], $0x1  }
0xa3: {  	[sflag:s23] =	ssyncset.done $0x0  }
0xa4: {  	s25 =	simm.s32 $0x1B8E;
	s24 =	sld [smem:$0x3FFE];
	[sflag:s23] =	ssyncadd.s32 $0xFFFFFFFF  }
0xa5: {  	s26 =	simm.s32 $execute0_lowered;
	[smem:$0x3FD2] =	sst s25  }
0xa6: {  	s5 =	sshll.u32 s26, $0x1;
	_ =	strace $0x80000049;
	[dreg:$0x1] =	wrdreg $0xFFFFFFFF  }
0xa7: {  	s28 =	simm.s32 $_size_execute0_lowered;
	s3 =	sadd.s32 s3, s5;
	[dreg:$0x0] =	wrdreg $0x0  }
0xa8: {  	s5 =	sshll.u32 s28, $0x1;
	[dreg:$0x2] =	wrdreg s3  }
0xa9: {  	[dreg:$0x3] =	wrdreg s5  }
0xaa: {  	[dreg:$0x4] =	wrdreg $0xC0  }
0xab: {  	_ =	task [dreg:s7], $0x5FFFF  }
0xac: {  	[dreg:$0x1] =	wrdreg $0xFFFFFFFF  }
0xad: {  	[dreg:$0x0] =	wrdreg $0x60  }
0xae: {  	[dreg:$0x2] =	wrdreg s24  }
0xaf: {  	[dreg:$0x3] =	wrdreg s2  }
0xb0: {  	[dreg:$0x4] =	wrdreg $0x150000  }
0xb1: {  	[dreg:$0x5] =	wrdreg $0x9  }
0xb2: {  	_ =	task.clear_ibuf [dreg:s7], $0x6FFFF;
	_ =	strace $0x90000049  }
0xb3: {  	s29 =	simm.s32 $0x9;
	_ =	strace $0x8000004B  }
0xb4: {  	_ =	swait.ge [sflag:s29], $0x1  }
0xb5: {  	[sflag:s29] =	ssyncadd.s32 $0xFFFFFFFF  }
0xb6: {  	_ =	strace $0x9000004B  }
0xb7: {  	_ =	sfence  }
0xb8: {  	s30 =	sld [smem:$0x0];
	_ =	sdelay $0x2  }
0xb9: {  	s31 =	sshll.u32 s1, $0xD;
	s1 =	sshrl.u32 s1, $0x2  }
0xba: {  	s3 =	sand.u32 $0x4000, s31;
	s1 =	sadd.s32 s1, s30  }
0xbb: {  	s0 =	sor.u32 s3, s0;
	s1 =	sshll.u32 s1, $0x11  }
0xbc: {  	s0 =	sor.u32 s1, s0  }
0xbd: {  	s0 =	sadd.s32 $0x8F2B, s0  }
0xbe: {  	[sflag:s0] =	ssyncadd.remote.s32 $0x1  }
0xbf: {  	_ =	sfence.sel $0xFFFF  }
0xc0: {  	[dreg:$0x0] =	wrdreg $0xFFFFFFFF;
	(pc) =	sbr.abs _section_cstart, $3  }
0xc1: {  	[dreg:$0x1] =	wrdreg $0xFFFFFFFF  }
0xc2: {  	_ =	task.clear_ibuf [dreg:s7], $0x2FFFF;
	_ =	strace $0x9FFFFFFF  }
0xc3: {  	(tm) =	ssettm $0x7FFFFFFF  }
tec
execute0_lowered:
.L_overlay_start_1:
0x0: {  	(tag) =	ssettag $0x1  }
0x1: {  	s0 =	rddreg [dreg:$0x0]  }
0x2: {  	s1 =	rddreg [dreg:$0x1]  }
0x3: {  	s2 =	rddreg [dreg:$0x2];
	s3 =	simm.s32 $0x0  }
0x4: {  	s23 =	stileid.u32;
	s4 =	srdreg.scid;
	s15 =	simm.s32 $0x5  }
0x5: {  	s28 =	simm.s32 $0xD000;
	s29 =	simm.s32 $0xF000;
	s30 =	simm.s32 $0x11000  }
0x6: {  	s31 =	simm.s32 $0x13000;
	[smem:$0x7FF] =	sst s3;
	s5 =	smul.u32 $0x500, s23  }
0x7: {  	s6 =	sand.u32 $0x1, s4;
	s4 =	sadd.s32 $0xAFC00, s0;
	s9 =	smul.u32 $0x27000, s23  }
0x8: {  	s10 =	sadd.s32 $0x13400, s0;
	s13 =	smul.u32 $0x270, s23;
	s26 =	sshll.u32 s23, $0x6  }
0x9: {  	p0 =	seq.s32 s23, $0x0;
	p2 =	sne.s32 s23, $0xF;
	s7 =	smul.u32 $0x5000, s6  }
0xa: {  	_ =	strace $0x8000004A;
	[dreg:$0x4] =	wrdreg s10;
	s11 =	smul.u32 $0x2710, s6  }
0xb: {  	s18 =	ssub.s32 $0x2, s6;
	s6 =	smul.u32 $0x138800, s6;
	s16 =	sor.u32 $0x1C05, s26  }
0xc: {  	p1 =	sne.s32 @!p0 s23, $0xF;
	s26 =	simm.s32 $0xB000;
	s23 =	simm.s32 $0x4  }
0xd: {  	s8 =	sadd.s32 s5, s0;
	s0 =	sadd.s32 $0xD6E00, s0;
	s12 =	sshrl.u32 s18, $0x1  }
0xe: {  	s21 =	sshrl.u32 s9, $0x2;
	s9 =	sadd.s32 $0x9C000, s2;
	p1 =	por p1, p0  }
0xf: {  	s14 =	ssub.s32 s18, s12;
	s5 =	sadd.s32 s5, s7;
	s19 =	sadd.s32 $0x3E00, s8  }
0x10: {  	s20 =	sadd.s32 s13, s11;
	s6 =	sshrl.u32 s6, $0x4;
	s7 =	sadd.s32 $0x9C400, s2  }
0x11: {  	[dreg:$0x5] =	wrdreg s19;
	s1 =	sadd.s32 s1, s5;
	s5 =	sadd.s32 s21, s2  }
0x12: {  	s6 =	sadd.s32 $0x13800, s6;
	s25 =	smax.u32 s14, $0x1;
	s18 =	sshrl.u32 @p0 s7, $0x3  }
0x13: {  	s19 =	sshrl.u32 @!p1 s9, $0x3;
	s21 =	simm.s32 $0x5000;
	[dreg:$0x6] =	wrdreg s1  }
0x14: {  	s1 =	sshll.u32 s20, $0x3;
	s24 =	sadd.s32 s4, s6;
	[dreg:$0xb] =	wrdreg s25  }
0x15: {  	s14 =	simm.s32 $0x2;
	s22 =	sadd.s32 s4, s1;
	[dreg:$0x8] =	wrdreg s24  }
0x16: {  	s17 =	sshrl.u32 s5, $0x3;
	s1 =	sadd.s32 s0, s1;
	[dreg:$0x7] =	wrdreg s22  }
0x17: {  	s20 =	simm.s32 $0x80;
	s0 =	sadd.s32 s0, s6;
	[dreg:$0x9] =	wrdreg s1  }
0x18: {  	s25 =	simm.s32 $0x0;
	s24 =	simm.s32 $0x9000;
	[dreg:$0xa] =	wrdreg s0  }
0x19: {  	s22 =	simm.s32 $0x7000;
	s0 =	simm.s32 $0x1;
	s1 =	simm.s32 $0x3  }
.LBB2_1:
0x1a: {  	s5 =	rddreg [dreg:$0x5];
	s6 =	simm.s32 $0x2800  }
0x1b: {  	[tilespmem:s6], [sflag:$0x5] =	stream.linear.gather [hbm4b:s5+s3], $0x2800, $0x38;
	[tilespmem:$0x1EE40] =	vst v63  }
0x1c: {  	_ =	swait.ge [sflag:s15], $0x2800  }
0x1d: {  	[sflag:s15] =	ssyncset.done $0x0  }
0x1e: {  	s12 =	rddreg [dreg:$0x6];
	[sflag:s15] =	ssyncadd.s32 $0xFFFFD800  }
0x1f: {  	[tilespmem:s3], [sflag:$0x5] =	stream.linear.gather [hbm4b:s12+s3], $0x2800, $0x38;
	[tilespmem:$0x1EE40] =	vst v63  }
0x20: {  	_ =	swait.ge [sflag:s15], $0x2800  }
0x21: {  	[sflag:s15] =	ssyncset.done $0x0  }
0x22: {  	s13 =	rddreg [dreg:$0x7];
	[sflag:s15] =	ssyncadd.s32 $0xFFFFD800  }
0x23: {  	[spmem:s17], [sflag:s16] =	dma.local [hbm:s13], $0x1380  }
0x24: {  	_ =	swait.ge [sflag:s15], $0x1380  }
0x25: {  	[sflag:s15] =	ssyncset.done $0x0  }
0x26: {  	s5 =	rddreg [dreg:$0x4];
	[sflag:s15] =	ssyncadd.s32 $0xFFFFEC80  }
0x27: {  	[spmem:s18], [sflag:s16] =	dma.local @p0 [hbm:s5], $0x400  }
0x28: {  	s5 =	simm.s32 @p0 $0x5  }
0x29: {  	_ =	swait.ge @p0 [sflag:s5], $0x400  }
0x2a: {  	[sflag:s5] =	ssyncset.done @p0 $0x0  }
0x2b: {  	[sflag:s5] =	ssyncadd.s32 @p0 $0xFFFFFC00;
	s5 =	rddreg [dreg:$0x8]  }
0x2c: {  	[spmem:s19], [sflag:s16] =	dma.local @!p1 [hbm:s5], $0x80  }
0x2d: {  	s5 =	simm.s32 @!p1 $0x5  }
0x2e: {  	_ =	swait.ge @!p1 [sflag:s5], $0x80  }
0x2f: {  	[sflag:s5] =	ssyncset.done @!p1 $0x0  }
0x30: {  	[sflag:s5] =	ssyncadd.s32 @!p1 $0xFFFFFF80  }
0x31: {  	[bflag:$0x0] =	sbarrier.arrive $0xFFFF  }
0x32: {  	[tilespmem:s21], [sflag:$0x1] =	stream.indirect.gather [hbm4b:s4+s20], $0x40, s3, s20, $0xb8;
	[tilespmem:$0x1EE40] =	vst v63  }
0x33: {  	_ = 	snop  }
0x34: {  	[tilespmem:s22], [sflag:$0x1] =	stream.indirect.gather [hbm4b:s4+s20], $0x40, s20, s20, $0xb8;
	[tilespmem:$0x1EE40] =	vst v63  }
0x35: {  	s6 =	simm.s32 $0x100  }
0x36: {  	[tilespmem:s24], [sflag:$0x1] =	stream.indirect.gather [hbm4b:s4+s20], $0x40, s6, s20, $0xb8;
	[tilespmem:$0x1EE40] =	vst v63  }
0x37: {  	s7 =	simm.s32 $0x180  }
0x38: {  	[tilespmem:s26], [sflag:$0x1] =	stream.indirect.gather [hbm4b:s4+s20], $0x40, s7, s20, $0xb8;
	[tilespmem:$0x1EE40] =	vst v63  }
0x39: {  	s8 =	simm.s32 $0x200  }
0x3a: {  	[tilespmem:s28], [sflag:$0x2] =	stream.indirect.gather [hbm4b:s4+s20], $0x40, s8, s20, $0xb8;
	[tilespmem:$0x1EE40] =	vst v63  }
0x3b: {  	s10 =	simm.s32 $0x280  }
0x3c: {  	[tilespmem:s29], [sflag:$0x2] =	stream.indirect.gather [hbm4b:s4+s20], $0x40, s10, s20, $0xb8;
	[tilespmem:$0x1EE40] =	vst v63  }
0x3d: {  	s11 =	simm.s32 $0x300  }
0x3e: {  	[tilespmem:s30], [sflag:$0x2] =	stream.indirect.gather [hbm4b:s4+s20], $0x40, s11, s20, $0xb8;
	[tilespmem:$0x1EE40] =	vst v63  }
0x3f: {  	s12 =	simm.s32 $0x380  }
0x40: {  	[tilespmem:s31], [sflag:$0x2] =	stream.indirect.gather [hbm4b:s4+s20], $0x40, s12, s20, $0xb8;
	[tilespmem:$0x1EE40] =	vst v63  }
0x41: {  	_ =	swait.ge [sflag:s0], $0x2000  }
0x42: {  	[sflag:s0] =	ssyncset.done $0x0  }
0x43: {  	[sflag:s0] =	ssyncadd.s32 $0xFFFFE000  }
0x44: {  	_ =	swait.ge [sflag:s0], $0x2000  }
0x45: {  	[sflag:s0] =	ssyncset.done $0x0  }
0x46: {  	[sflag:s0] =	ssyncadd.s32 $0xFFFFE000  }
0x47: {  	_ =	swait.ge [sflag:s0], $0x2000  }
0x48: {  	[sflag:s0] =	ssyncset.done $0x0  }
0x49: {  	[sflag:s0] =	ssyncadd.s32 $0xFFFFE000  }
0x4a: {  	_ =	swait.ge [sflag:s0], $0x2000  }
0x4b: {  	[sflag:s0] =	ssyncset.done $0x0  }
0x4c: {  	s13 =	simm.s32 $0x2800;
	[sflag:s0] =	ssyncadd.s32 $0xFFFFE000  }
0x4d: {  	[spmem:s2] =	stream.indirect.scatter.add.bf16 [tilespmem:s21], [sflag:$0x3], $0x40, s13, s20, $0xb8;
	[tilespmem:$0x1EE40] =	vst v63  }
0x4e: {  	s6 =	simm.s32 $0x2880  }
0x4f: {  	[spmem:s2] =	stream.indirect.scatter.add.bf16 [tilespmem:s22], [sflag:$0x3], $0x40, s6, s20, $0xb8;
	[tilespmem:$0x1EE40] =	vst v63  }
0x50: {  	s7 =	simm.s32 $0x2900  }
0x51: {  	[spmem:s2] =	stream.indirect.scatter.add.bf16 [tilespmem:s24], [sflag:$0x3], $0x40, s7, s20, $0xb8;
	[tilespmem:$0x1EE40] =	vst v63  }
0x52: {  	s8 =	simm.s32 $0x2980  }
0x53: {  	[spmem:s2] =	stream.indirect.scatter.add.bf16 [tilespmem:s26], [sflag:$0x3], $0x40, s8, s20, $0xb8;
	[tilespmem:$0x1EE40] =	vst v63  }
0x54: {  	_ =	swait.ge [sflag:s1], $0x2000  }
0x55: {  	[sflag:s1] =	ssyncset.done $0x0  }
0x56: {  	[sflag:s1] =	ssyncadd.s32 $0xFFFFE000  }
0x57: {  	_ =	swait.ge [sflag:s1], $0x2000  }
0x58: {  	[sflag:s1] =	ssyncset.done $0x0  }
0x59: {  	[sflag:s1] =	ssyncadd.s32 $0xFFFFE000  }
0x5a: {  	_ =	swait.ge [sflag:s1], $0x2000  }
0x5b: {  	[sflag:s1] =	ssyncset.done $0x0  }
0x5c: {  	[sflag:s1] =	ssyncadd.s32 $0xFFFFE000  }
0x5d: {  	p3 =	por $0x0, $0x0;
	_ =	swait.ge [sflag:s1], $0x2000  }
0x5e: {  	s5 =	simm.s32 @!p3 $0x5000;
	[sflag:s1] =	ssyncset.done $0x0  }
0x5f: {  	s6 =	simm.s32 @!p3 $0x400;
	s7 =	simm.s32 @!p3 $0x80;
	[sflag:s1] =	ssyncadd.s32 $0xFFFFE000  }
0x60: {  	[tilespmem:s5], [sflag:$0x1] =	stream.indirect.gather @!p3 [hbm4b:s4+s7], $0x40, s6, s7, $0xb8;
	[tilespmem:$0x1EE40] =	vst v63  }
0x61: {  	s5 =	simm.s32 @!p3 $0x480;
	s6 =	simm.s32 @!p3 $0x7000  }
0x62: {  	[tilespmem:s6], [sflag:$0x1] =	stream.indirect.gather @!p3 [hbm4b:s4+s7], $0x40, s5, s7, $0xb8;
	[tilespmem:$0x1EE40] =	vst v63  }
0x63: {  	s5 =	simm.s32 @!p3 $0x500;
	s6 =	simm.s32 @!p3 $0x9000  }
0x64: {  	[tilespmem:s6], [sflag:$0x1] =	stream.indirect.gather @!p3 [hbm4b:s4+s7], $0x40, s5, s7, $0xb8;
	[tilespmem:$0x1EE40] =	vst v63  }
0x65: {  	s5 =	simm.s32 @!p3 $0x580;
	s6 =	simm.s32 @!p3 $0xB000  }
0x66: {  	[tilespmem:s6], [sflag:$0x1] =	stream.indirect.gather @!p3 [hbm4b:s4+s7], $0x40, s5, s7, $0xb8;
	[tilespmem:$0x1EE40] =	vst v63  }
0x67: {  	_ =	swait.ge [sflag:s14], $0x2000  }
0x68: {  	[sflag:s14] =	ssyncset.done $0x0  }
0x69: {  	[sflag:s14] =	ssyncadd.s32 $0xFFFFE000  }
0x6a: {  	_ =	swait.ge [sflag:s14], $0x2000  }
0x6b: {  	[sflag:s14] =	ssyncset.done $0x0  }
0x6c: {  	[sflag:s14] =	ssyncadd.s32 $0xFFFFE000  }
0x6d: {  	_ =	swait.ge [sflag:s14], $0x2000  }
0x6e: {  	[sflag:s14] =	ssyncset.done $0x0  }
0x6f: {  	[sflag:s14] =	ssyncadd.s32 $0xFFFFE000  }
0x70: {  	_ =	swait.ge [sflag:s14], $0x2000  }
0x71: {  	[sflag:s14] =	ssyncset.done $0x0  }
0x72: {  	s10 =	simm.s32 $0x2A00;
	[sflag:s14] =	ssyncadd.s32 $0xFFFFE000  }
0x73: {  	[spmem:s2] =	stream.indirect.scatter.add.bf16 [tilespmem:s28], [sflag:$0x4], $0x40, s10, s20, $0xb8;
	[tilespmem:$0x1EE40] =	vst v63  }
0x74: {  	s11 =	simm.s32 $0x2A80  }
0x75: {  	[spmem:s2] =	stream.indirect.scatter.add.bf16 [tilespmem:s29], [sflag:$0x4], $0x40, s11, s20, $0xb8;
	[tilespmem:$0x1EE40] =	vst v63  }
0x76: {  	s12 =	simm.s32 $0x2B00  }
0x77: {  	[spmem:s2] =	stream.indirect.scatter.add.bf16 [tilespmem:s30], [sflag:$0x4], $0x40, s12, s20, $0xb8;
	[tilespmem:$0x1EE40] =	vst v63  }
0x78: {  	s13 =	simm.s32 $0x2B80  }
0x79: {  	[spmem:s2] =	stream.indirect.scatter.add.bf16 [tilespmem:s31], [sflag:$0x4], $0x40, s13, s20, $0xb8;
	[tilespmem:$0x1EE40] =	vst v63  }
0x7a: {  	_ =	swait.ge [sflag:s23], $0x2000  }
0x7b: {  	[sflag:s23] =	ssyncset.done $0x0  }
0x7c: {  	[sflag:s23] =	ssyncadd.s32 $0xFFFFE000  }
0x7d: {  	_ =	swait.ge [sflag:s23], $0x2000  }
0x7e: {  	[sflag:s23] =	ssyncset.done $0x0  }
0x7f: {  	[sflag:s23] =	ssyncadd.s32 $0xFFFFE000  }
0x80: {  	_ =	swait.ge [sflag:s23], $0x2000  }
0x81: {  	[sflag:s23] =	ssyncset.done $0x0  }
0x82: {  	[sflag:s23] =	ssyncadd.s32 $0xFFFFE000  }
0x83: {  	s6 =	simm.s32 $0x1000;
	_ =	swait.ge [sflag:s23], $0x2000  }
0x84: {  	s7 =	simm.s32 $0x2000;
	s5 =	simm.s32 $0x400;
	[sflag:s23] =	ssyncset.done $0x0  }
.LBB2_2:
0x85: {  	s10 =	sadd.s32 $0x200, s5  }
0x86: {  	[sflag:s23] =	ssyncadd.s32 $0xFFFFE000;
	s8 =	smov.u32 s7;
	s7 =	sadd.s32 $0x1000, s7  }
0x87: {  	[tilespmem:s28], [sflag:$0x2] =	stream.indirect.gather [hbm4b:s4+s20], $0x40, s10, s20, $0xb8;
	[tilespmem:$0x1EE40] =	vst v63  }
0x88: {  	p3 =	sne.s32 s7, $0xA000;
	s10 =	sadd.s32 $0x280, s5  }
0x89: {  	[tilespmem:s29], [sflag:$0x2] =	stream.indirect.gather [hbm4b:s4+s20], $0x40, s10, s20, $0xb8;
	[tilespmem:$0x1EE40] =	vst v63  }
0x8a: {  	s10 =	sadd.s32 $0x300, s5  }
0x8b: {  	[tilespmem:s30], [sflag:$0x2] =	stream.indirect.gather [hbm4b:s4+s20], $0x40, s10, s20, $0xb8;
	[tilespmem:$0x1EE40] =	vst v63  }
0x8c: {  	s10 =	sadd.s32 $0x380, s5  }
0x8d: {  	[tilespmem:s31], [sflag:$0x2] =	stream.indirect.gather [hbm4b:s4+s20], $0x40, s10, s20, $0xb8;
	[tilespmem:$0x1EE40] =	vst v63  }
0x8e: {  	_ =	swait.ge [sflag:s0], $0x2000  }
0x8f: {  	[sflag:s0] =	ssyncset.done $0x0  }
0x90: {  	[sflag:s0] =	ssyncadd.s32 $0xFFFFE000  }
0x91: {  	_ =	swait.ge [sflag:s0], $0x2000  }
0x92: {  	[sflag:s0] =	ssyncset.done $0x0  }
0x93: {  	[sflag:s0] =	ssyncadd.s32 $0xFFFFE000  }
0x94: {  	_ =	swait.ge [sflag:s0], $0x2000  }
0x95: {  	[sflag:s0] =	ssyncset.done $0x0  }
0x96: {  	[sflag:s0] =	ssyncadd.s32 $0xFFFFE000  }
0x97: {  	_ =	swait.ge [sflag:s0], $0x2000  }
0x98: {  	[sflag:s0] =	ssyncset.done $0x0  }
0x99: {  	s10 =	sadd.s32 $0x2800, s5;
	[sflag:s0] =	ssyncadd.s32 $0xFFFFE000  }
0x9a: {  	[spmem:s2] =	stream.indirect.scatter.add.bf16 [tilespmem:s21], [sflag:$0x3], $0x40, s10, s20, $0xb8;
	[tilespmem:$0x1EE40] =	vst v63  }
0x9b: {  	s10 =	sadd.s32 $0x2880, s5  }
0x9c: {  	[spmem:s2] =	stream.indirect.scatter.add.bf16 [tilespmem:s22], [sflag:$0x3], $0x40, s10, s20, $0xb8;
	[tilespmem:$0x1EE40] =	vst v63  }
0x9d: {  	s10 =	sadd.s32 $0x2900, s5  }
0x9e: {  	[spmem:s2] =	stream.indirect.scatter.add.bf16 [tilespmem:s24], [sflag:$0x3], $0x40, s10, s20, $0xb8;
	[tilespmem:$0x1EE40] =	vst v63  }
0x9f: {  	s10 =	sadd.s32 $0x2980, s5  }
0xa0: {  	[spmem:s2] =	stream.indirect.scatter.add.bf16 [tilespmem:s26], [sflag:$0x3], $0x40, s10, s20, $0xb8;
	[tilespmem:$0x1EE40] =	vst v63  }
0xa1: {  	_ =	swait.ge [sflag:s1], $0x2000  }
0xa2: {  	[sflag:s1] =	ssyncset.done $0x0  }
0xa3: {  	[sflag:s1] =	ssyncadd.s32 $0xFFFFE000  }
0xa4: {  	_ =	swait.ge [sflag:s1], $0x2000  }
0xa5: {  	[sflag:s1] =	ssyncset.done $0x0  }
0xa6: {  	[sflag:s1] =	ssyncadd.s32 $0xFFFFE000  }
0xa7: {  	_ =	swait.ge [sflag:s1], $0x2000  }
0xa8: {  	[sflag:s1] =	ssyncset.done $0x0  }
0xa9: {  	[sflag:s1] =	ssyncadd.s32 $0xFFFFE000  }
0xaa: {  	p4 =	seq.s32 s6, $0x9000;
	_ =	swait.ge [sflag:s1], $0x2000  }
0xab: {  	s6 =	sshra.s32 @!p4 s6, $0x2;
	s10 =	simm.s32 @!p4 $0x5000;
	[sflag:s1] =	ssyncset.done $0x0  }
0xac: {  	s12 =	simm.s32 @!p4 $0x80;
	s11 =	sadd.s32 @!p4 $0x400, s6;
	[sflag:s1] =	ssyncadd.s32 $0xFFFFE000  }
0xad: {  	[tilespmem:s10], [sflag:$0x1] =	stream.indirect.gather @!p4 [hbm4b:s4+s12], $0x40, s11, s12, $0xb8;
	[tilespmem:$0x1EE40] =	vst v63  }
0xae: {  	s13 =	sadd.s32 @!p4 $0x500, s6;
	s10 =	sadd.s32 @!p4 $0x480, s6;
	s11 =	simm.s32 @!p4 $0x7000  }
0xaf: {  	[tilespmem:s11], [sflag:$0x1] =	stream.indirect.gather @!p4 [hbm4b:s4+s12], $0x40, s10, s12, $0xb8;
	[tilespmem:$0x1EE40] =	vst v63  }
0xb0: {  	s10 =	simm.s32 @!p4 $0x9000;
	s11 =	sadd.s32 @!p4 $0x580, s6;
	s6 =	smov.u32 s8  }
0xb1: {  	[tilespmem:s10], [sflag:$0x1] =	stream.indirect.gather @!p4 [hbm4b:s4+s12], $0x40, s13, s12, $0xb8;
	[tilespmem:$0x1EE40] =	vst v63  }
0xb2: {  	s8 =	simm.s32 @!p4 $0xB000  }
0xb3: {  	[tilespmem:s8], [sflag:$0x1] =	stream.indirect.gather @!p4 [hbm4b:s4+s12], $0x40, s11, s12, $0xb8;
	[tilespmem:$0x1EE40] =	vst v63  }
0xb4: {  	_ =	swait.ge [sflag:s14], $0x2000  }
0xb5: {  	[sflag:s14] =	ssyncset.done $0x0  }
0xb6: {  	[sflag:s14] =	ssyncadd.s32 $0xFFFFE000  }
0xb7: {  	_ =	swait.ge [sflag:s14], $0x2000  }
0xb8: {  	[sflag:s14] =	ssyncset.done $0x0  }
0xb9: {  	[sflag:s14] =	ssyncadd.s32 $0xFFFFE000  }
0xba: {  	_ =	swait.ge [sflag:s14], $0x2000  }
0xbb: {  	[sflag:s14] =	ssyncset.done $0x0  }
0xbc: {  	[sflag:s14] =	ssyncadd.s32 $0xFFFFE000  }
0xbd: {  	_ =	swait.ge [sflag:s14], $0x2000  }
0xbe: {  	[sflag:s14] =	ssyncset.done $0x0  }
0xbf: {  	s8 =	sadd.s32 $0x2A00, s5;
	[sflag:s14] =	ssyncadd.s32 $0xFFFFE000  }
0xc0: {  	[spmem:s2] =	stream.indirect.scatter.add.bf16 [tilespmem:s28], [sflag:$0x4], $0x40, s8, s20, $0xb8;
	[tilespmem:$0x1EE40] =	vst v63  }
0xc1: {  	s8 =	sadd.s32 $0x2A80, s5  }
0xc2: {  	[spmem:s2] =	stream.indirect.scatter.add.bf16 [tilespmem:s29], [sflag:$0x4], $0x40, s8, s20, $0xb8;
	[tilespmem:$0x1EE40] =	vst v63  }
0xc3: {  	s8 =	sadd.s32 $0x2B00, s5  }
0xc4: {  	[spmem:s2] =	stream.indirect.scatter.add.bf16 [tilespmem:s30], [sflag:$0x4], $0x40, s8, s20, $0xb8;
	[tilespmem:$0x1EE40] =	vst v63  }
0xc5: {  	s5 =	sadd.s32 $0x2B80, s5  }
0xc6: {  	[spmem:s2] =	stream.indirect.scatter.add.bf16 [tilespmem:s31], [sflag:$0x4], $0x40, s5, s20, $0xb8;
	[tilespmem:$0x1EE40] =	vst v63  }
0xc7: {  	_ =	swait.ge [sflag:s23], $0x2000  }
0xc8: {  	[sflag:s23] =	ssyncset.done $0x0  }
0xc9: {  	[sflag:s23] =	ssyncadd.s32 $0xFFFFE000  }
0xca: {  	_ =	swait.ge [sflag:s23], $0x2000  }
0xcb: {  	[sflag:s23] =	ssyncset.done $0x0  }
0xcc: {  	[sflag:s23] =	ssyncadd.s32 $0xFFFFE000  }
.Ltmp0:
0xcd: {  	_ =	swait.ge [sflag:s23], $0x2000;
	(pc) =	sbr.rel @p3 .LBB2_2-.Ltmp0, $4  }
0xce: {  	[sflag:s23] =	ssyncset.done $0x0  }
0xcf: {  	[sflag:s23] =	ssyncadd.s32 $0xFFFFE000  }
0xd0: {  	_ =	swait.ge [sflag:s23], $0x2000  }
0xd1: {  	s5 =	sshra.s32 s6, $0x2;
	[sflag:s23] =	ssyncset.done $0x0  }
0xd2: {  	s7 =	sadd.s32 $0x200, s5;
	[sflag:s23] =	ssyncadd.s32 $0xFFFFE000  }
0xd3: {  	[tilespmem:s28], [sflag:$0x2] =	stream.indirect.gather [hbm4b:s4+s20], $0x40, s7, s20, $0xb8;
	[tilespmem:$0x1EE40] =	vst v63  }
0xd4: {  	s12 =	sadd.s32 $0x280, s5  }
0xd5: {  	[tilespmem:s29], [sflag:$0x2] =	stream.indirect.gather [hbm4b:s4+s20], $0x40, s12, s20, $0xb8;
	[tilespmem:$0x1EE40] =	vst v63  }
0xd6: {  	s13 =	sadd.s32 $0x300, s5  }
0xd7: {  	[tilespmem:s30], [sflag:$0x2] =	stream.indirect.gather [hbm4b:s4+s20], $0x40, s13, s20, $0xb8;
	[tilespmem:$0x1EE40] =	vst v63  }
0xd8: {  	s8 =	sadd.s32 $0x380, s5  }
0xd9: {  	[tilespmem:s31], [sflag:$0x2] =	stream.indirect.gather [hbm4b:s4+s20], $0x40, s8, s20, $0xb8;
	[tilespmem:$0x1EE40] =	vst v63  }
0xda: {  	_ =	swait.ge [sflag:s0], $0x2000  }
0xdb: {  	[sflag:s0] =	ssyncset.done $0x0  }
0xdc: {  	[sflag:s0] =	ssyncadd.s32 $0xFFFFE000  }
0xdd: {  	_ =	swait.ge [sflag:s0], $0x2000  }
0xde: {  	[sflag:s0] =	ssyncset.done $0x0  }
0xdf: {  	[sflag:s0] =	ssyncadd.s32 $0xFFFFE000  }
0xe0: {  	_ =	swait.ge [sflag:s0], $0x2000  }
0xe1: {  	[sflag:s0] =	ssyncset.done $0x0  }
0xe2: {  	[sflag:s0] =	ssyncadd.s32 $0xFFFFE000  }
0xe3: {  	_ =	swait.ge [sflag:s0], $0x2000  }
0xe4: {  	[sflag:s0] =	ssyncset.done $0x0  }
0xe5: {  	s10 =	sadd.s32 $0x2800, s5;
	[sflag:s0] =	ssyncadd.s32 $0xFFFFE000  }
0xe6: {  	[spmem:s2] =	stream.indirect.scatter.add.bf16 [tilespmem:s21], [sflag:$0x3], $0x40, s10, s20, $0xb8;
	[tilespmem:$0x1EE40] =	vst v63  }
0xe7: {  	s11 =	sadd.s32 $0x2880, s5  }
0xe8: {  	[spmem:s2] =	stream.indirect.scatter.add.bf16 [tilespmem:s22], [sflag:$0x3], $0x40, s11, s20, $0xb8;
	[tilespmem:$0x1EE40] =	vst v63  }
0xe9: {  	s12 =	sadd.s32 $0x2900, s5  }
0xea: {  	[spmem:s2] =	stream.indirect.scatter.add.bf16 [tilespmem:s24], [sflag:$0x3], $0x40, s12, s20, $0xb8;
	[tilespmem:$0x1EE40] =	vst v63  }
0xeb: {  	s13 =	sadd.s32 $0x2980, s5  }
0xec: {  	[spmem:s2] =	stream.indirect.scatter.add.bf16 [tilespmem:s26], [sflag:$0x3], $0x40, s13, s20, $0xb8;
	[tilespmem:$0x1EE40] =	vst v63  }
0xed: {  	_ =	swait.ge [sflag:s1], $0x2000  }
0xee: {  	[sflag:s1] =	ssyncset.done $0x0  }
0xef: {  	[sflag:s1] =	ssyncadd.s32 $0xFFFFE000  }
0xf0: {  	_ =	swait.ge [sflag:s1], $0x2000  }
0xf1: {  	[sflag:s1] =	ssyncset.done $0x0  }
0xf2: {  	[sflag:s1] =	ssyncadd.s32 $0xFFFFE000  }
0xf3: {  	_ =	swait.ge [sflag:s1], $0x2000  }
0xf4: {  	[sflag:s1] =	ssyncset.done $0x0  }
0xf5: {  	[sflag:s1] =	ssyncadd.s32 $0xFFFFE000  }
0xf6: {  	p3 =	seq.s32 s6, $0x9000;
	_ =	swait.ge [sflag:s1], $0x2000  }
0xf7: {  	s6 =	sshra.s32 @!p3 s6, $0x2;
	s7 =	simm.s32 @!p3 $0x5000;
	[sflag:s1] =	ssyncset.done $0x0  }
0xf8: {  	s8 =	sadd.s32 @!p3 $0x400, s6;
	s10 =	simm.s32 @!p3 $0x80;
	[sflag:s1] =	ssyncadd.s32 $0xFFFFE000  }
0xf9: {  	[tilespmem:s7], [sflag:$0x1] =	stream.indirect.gather @!p3 [hbm4b:s4+s10], $0x40, s8, s10, $0xb8;
	[tilespmem:$0x1EE40] =	vst v63  }
0xfa: {  	s7 =	sadd.s32 @!p3 $0x480, s6;
	s8 =	simm.s32 @!p3 $0x7000  }
0xfb: {  	[tilespmem:s8], [sflag:$0x1] =	stream.indirect.gather @!p3 [hbm4b:s4+s10], $0x40, s7, s10, $0xb8;
	[tilespmem:$0x1EE40] =	vst v63  }
0xfc: {  	s7 =	sadd.s32 @!p3 $0x500, s6;
	s8 =	simm.s32 @!p3 $0x9000  }
0xfd: {  	[tilespmem:s8], [sflag:$0x1] =	stream.indirect.gather @!p3 [hbm4b:s4+s10], $0x40, s7, s10, $0xb8;
	[tilespmem:$0x1EE40] =	vst v63  }
0xfe: {  	s6 =	sadd.s32 @!p3 $0x580, s6;
	s7 =	simm.s32 @!p3 $0xB000  }
0xff: {  	[tilespmem:s7], [sflag:$0x1] =	stream.indirect.gather @!p3 [hbm4b:s4+s10], $0x40, s6, s10, $0xb8;
	[tilespmem:$0x1EE40] =	vst v63  }
0x100: {  	_ =	swait.ge [sflag:s14], $0x2000  }
0x101: {  	[sflag:s14] =	ssyncset.done $0x0  }
0x102: {  	[sflag:s14] =	ssyncadd.s32 $0xFFFFE000  }
0x103: {  	_ =	swait.ge [sflag:s14], $0x2000  }
0x104: {  	[sflag:s14] =	ssyncset.done $0x0  }
0x105: {  	[sflag:s14] =	ssyncadd.s32 $0xFFFFE000  }
0x106: {  	_ =	swait.ge [sflag:s14], $0x2000  }
0x107: {  	[sflag:s14] =	ssyncset.done $0x0  }
0x108: {  	[sflag:s14] =	ssyncadd.s32 $0xFFFFE000  }
0x109: {  	_ =	swait.ge [sflag:s14], $0x2000  }
0x10a: {  	[sflag:s14] =	ssyncset.done $0x0  }
0x10b: {  	s7 =	sadd.s32 $0x2A00, s5;
	[sflag:s14] =	ssyncadd.s32 $0xFFFFE000  }
0x10c: {  	[spmem:s2] =	stream.indirect.scatter.add.bf16 [tilespmem:s28], [sflag:$0x4], $0x40, s7, s20, $0xb8;
	[tilespmem:$0x1EE40] =	vst v63  }
0x10d: {  	s8 =	sadd.s32 $0x2A80, s5  }
0x10e: {  	[spmem:s2] =	stream.indirect.scatter.add.bf16 [tilespmem:s29], [sflag:$0x4], $0x40, s8, s20, $0xb8;
	[tilespmem:$0x1EE40] =	vst v63  }
0x10f: {  	s10 =	sadd.s32 $0x2B00, s5  }
0x110: {  	[spmem:s2] =	stream.indirect.scatter.add.bf16 [tilespmem:s30], [sflag:$0x4], $0x40, s10, s20, $0xb8;
	[tilespmem:$0x1EE40] =	vst v63  }
0x111: {  	s11 =	sadd.s32 $0x2B80, s5  }
0x112: {  	[spmem:s2] =	stream.indirect.scatter.add.bf16 [tilespmem:s31], [sflag:$0x4], $0x40, s11, s20, $0xb8;
	[tilespmem:$0x1EE40] =	vst v63  }
0x113: {  	_ =	swait.ge [sflag:s23], $0x2000  }
0x114: {  	[sflag:s23] =	ssyncset.done $0x0  }
0x115: {  	[sflag:s23] =	ssyncadd.s32 $0xFFFFE000  }
0x116: {  	_ =	swait.ge [sflag:s23], $0x2000  }
0x117: {  	[sflag:s23] =	ssyncset.done $0x0  }
0x118: {  	[sflag:s23] =	ssyncadd.s32 $0xFFFFE000  }
0x119: {  	_ =	swait.ge [sflag:s23], $0x2000  }
0x11a: {  	[sflag:s23] =	ssyncset.done $0x0  }
0x11b: {  	[sflag:s23] =	ssyncadd.s32 $0xFFFFE000  }
0x11c: {  	_ =	swait.ge [sflag:s23], $0x2000  }
0x11d: {  	[sflag:s23] =	ssyncset.done $0x0  }
0x11e: {  	[sflag:s23] =	ssyncadd.s32 $0xFFFFE000  }
0x11f: {  	[bflag:$0x0] =	sbarrier.arrive $0xFFFF  }
0x120: {  	s12 =	rddreg [dreg:$0x9]  }
0x121: {  	[hbm:s12], [sflag:s16] =	dma.local [spmem:s17], $0x1380  }
0x122: {  	_ =	swait.ge [sflag:s15], $0x1380  }
0x123: {  	[sflag:s15] =	ssyncset.done $0x0  }
0x124: {  	s5 =	sshrl.u32 @!p2 s9, $0x3;
	s6 =	rddreg [dreg:$0xa];
	[sflag:s15] =	ssyncadd.s32 $0xFFFFEC80  }
0x125: {  	[hbm:s6], [sflag:s16] =	dma.local @!p2 [spmem:s5], $0x80  }
0x126: {  	s5 =	simm.s32 @!p2 $0x5  }
0x127: {  	_ =	swait.ge @!p2 [sflag:s5], $0x80  }
0x128: {  	s25 =	sadd.s32 $0x1, s25;
	s13 =	rddreg [dreg:$0xb]  }
0x129: {  	p3 =	sne.s32 s25, s13  }
.Ltmp1:
0x12a: {  	_ = 	snop;
	(pc) =	sbr.rel @p3 .LBB2_1-.Ltmp1, $3  }
0x12b: {  	_ =	sdelay $0x1  }
0x12c: {  	[sflag:s5] =	ssyncset.done @!p2 $0x0  }
0x12d: {  	[sflag:s5] =	ssyncadd.s32 @!p2 $0xFFFFFF80  }
0x12e: {  	_ =	sfence.sel $0x180000  }
0x12f: {  	[bflag:$0x0] =	sbarrier.arrive $0xFFFF  }
0x130: {  	_ =	strace $0x9000004A  }
0x131: {  	s0 =	stileid.u32;
	[bflag:$0x2] =	sbarrier.arrive $0xFFFF  }
0x132: {  	p0 =	sne.s32 s0, $0x0;
	s0 =	rddreg [dreg:$0x3]  }
0x133: {  	s0 =	sadd.s32 @!p0 $0x100000, s0  }
0x134: {  	[sflag:s0] =	ssyncadd.tile.s32 @!p0 $0x1;
	_ =	shalt  }
.Lfunc_end2:
_tile_overlayer_lowered:
.L_overlay_start_2:
0x135: {  	(tag) =	ssettag $0x2  }
0x136: {  	s0 =	rddreg [dreg:$0x0];
	s2 =	stileid.u32  }
0x137: {  	s1 =	rddreg [dreg:$0x1];
	p0 =	sne.s32 s2, $0x0  }
0x138: {  	s3 =	rddreg [dreg:$0x2];
	[bflag:$0x3] =	sbarrier.arrive $0xFFFF;
	s2 =	simm.s32 @!p0 $0x1C05  }
0x139: {  	[timem:s3], [sflag:s2] =	dma.local @!p0 [hbm:s0], s1  }
0x13a: {  	s0 =	simm.s32 @!p0 $0x5  }
0x13b: {  	_ =	swait.ge @!p0 [sflag:s0], s1  }
0x13c: {  	s1 =	ssub.s32 @!p0 $0x0, s1;
	[sflag:s0] =	ssyncset.done @!p0 $0x0  }
0x13d: {  	[sflag:s0] =	ssyncadd.s32 @!p0 s1  }
0x13e: {  	[bflag:$0x3] =	sbarrier.arrive $0xFFFF  }
0x13f: {  	_ =	shalt  }

// kernel: kernel.18.cloned.1.call-start
scs
__scs_entry_jumppad:
0x0: {  	(pc) =	sbr.rel $0x88, $3  }
0x1: {  	(tag) =	ssettag $0x0;
	lr =	simm.s32 $0x1  }
0x2: {  	[smem:$0x3F94] =	sst lr;
	_ =	strace $0xD0000000  }
0x3: {  	_ = 	snop  }
0x4: {  	_ = 	snop  }
0x5: {  	_ = 	snop  }
0x6: {  	_ = 	snop  }
0x7: {  	_ = 	snop  }
__scs_overlays_trampoline_lowered:
0x8: {  	[smem:$0x3FA3] =	sst s0  }
0x9: {  	[smem:$0x3FA4] =	sst s1  }
0xa: {  	[smem:$0x3FA5] =	sst s2  }
0xb: {  	[smem:$0x3FA6] =	sst s3  }
0xc: {  	[smem:$0x3FA7] =	sst s4  }
0xd: {  	[smem:$0x3FA8] =	sst s5  }
0xe: {  	[smem:$0x3FA9] =	sst s6  }
0xf: {  	[smem:$0x3FAA] =	sst s7  }
0x10: {  	[smem:$0x3FAB] =	sst s8  }
0x11: {  	[smem:$0x3FAC] =	sst s9;
	s0 =	simm.s32 @!p0 $0x0  }
0x12: {  	s1 =	sld [smem:$0x3F92];
	s0 =	simm.s32 @p0 $0x1  }
0x13: {  	[smem:$0x3FAD] =	sst s0;
	s0 =	simm.s32 @!p1 $0x0  }
0x14: {  	s2 =	sld [smem:$0x3F91];
	s0 =	simm.s32 @p1 $0x1  }
0x15: {  	[smem:$0x3FAE] =	sst s0;
	s0 =	simm.s32 @!p2 $0x0  }
0x16: {  	s3 =	sld [smem:$0x3FDB];
	s0 =	simm.s32 @p2 $0x1  }
0x17: {  	s4 =	simm.s32 $0x1BF5;
	[smem:$0x3FB0] =	sst s0  }
0x18: {  	s0 =	sld [smem:$0x3F93];
	_ =	swait.ge [sflag:s4], $0x0  }
0x19: {  	s7 =	sld [smem:$0x3F94]  }
0x1a: {  	s8 =	sadd.s32 $0xFFFFE003, lr  }
0x1b: {  	s9 =	sadd.s32 $0xFFFFFEF7, lr;
	s5 =	simm.s32 $0xFFFFFFFF;
	p2 =	slt.u32 s8, $0xFFFFF086  }
0x1c: {  	p1 =	slt.u32 s9, $0xF7A;
	s5 =	simm.s32 @!p2 $0x0  }
0x1d: {  	s5 =	simm.s32 @p1 $0x1;
	p0 =	seq.s32 s7, s2  }
0x1e: {  	s7 =	smul.u32 @!p0 $0xF7A, s2;
	p2 =	seq.s32 @!p0 s5, $0x0  }
0x1f: {  	s9 =	smul.u32 $0xF7A, s1;
	s8 =	simm.s32 @!p0 $0x1BF5;
	p2 =	por !p2, p0  }
0x20: {  	[sflag:s8] =	ssyncset.s32 @!p0 $0xFFFFF086;
	s6 =	sadd.s32 @!p0 s3, s7;
	s7 =	simm.s32 @!p0 $0x108  }
0x21: {  	s3 =	sadd.s32 s3, s9;
	s6 =	sadd.s32 @!p0 $0x88, s6;
	s7 =	simm.s32 @p2 $0x1082  }
0x22: {  	[simem:s7], [sflag:s8] =	dma.local @!p0 [hbm:s6], $0xF7A  }
0x23: {  	s9 =	sor.u32 $0xD0000000, s2;
	s6 =	simm.s32 $0x108;
	_ =	swait.ge @!p0 [sflag:s8], $0x0  }
0x24: {  	s3 =	sadd.s32 $0x88, s3;
	s6 =	simm.s32 @!p1 $0x1082;
	[sflag:s4] =	ssyncset.s32 $0xFFFFF086  }
0x25: {  	[simem:s6], [sflag:s4] =	dma.local [hbm:s3], $0xF7A  }
0x26: {  	[smem:$0x3F94] =	sst s1;
	(tag) =	ssettag s2;
	_ =	strace s9  }
0x27: {  	s1 =	sld [smem:$0x3FA4]  }
0x28: {  	s2 =	sld [smem:$0x3FA5]  }
0x29: {  	s4 =	sld [smem:$0x3FA7]  }
0x2a: {  	p0 =	seq.s32 s5, $0x0;
	s5 =	sld [smem:$0x3FA8]  }
0x2b: {  	s6 =	sld [smem:$0x3FA9]  }
0x2c: {  	s7 =	sld [smem:$0x3FAA]  }
0x2d: {  	s3 =	simm.s32 $0x108;
	s8 =	sld [smem:$0x3FAB]  }
0x2e: {  	s3 =	simm.s32 @!p0 $0x1082;
	s9 =	sld [smem:$0x3FAC]  }
0x2f: {  	lr =	sadd.s32 s0, s3;
	s0 =	sld [smem:$0x3FA3]  }
0x30: {  	s3 =	sld [smem:$0x3FA6]  }
0x31: {  	[smem:$0x3FAF] =	sst s10  }
0x32: {  	s10 =	sld [smem:$0x3FAD];
	_ =	sdelay $0x3  }
0x33: {  	p0 =	seq.s32 s10, $0x1;
	s10 =	sld [smem:$0x3FAF];
	_ =	sdelay $0x3  }
0x34: {  	[smem:$0x3FAF] =	sst s10  }
0x35: {  	s10 =	sld [smem:$0x3FAE];
	_ =	sdelay $0x3  }
0x36: {  	p1 =	seq.s32 s10, $0x1;
	s10 =	sld [smem:$0x3FAF];
	_ =	sdelay $0x3  }
0x37: {  	[smem:$0x3FAF] =	sst s10  }
0x38: {  	s10 =	sld [smem:$0x3FB0]  }
0x39: {  	_ = 	snop;
	(pc) =	sbr.ind lr, $3  }
0x3a: {  	_ = 	snop  }
0x3b: {  	_ = 	snop  }
0x3c: {  	p2 =	seq.s32 s10, $0x1;
	s10 =	sld [smem:$0x3FAF]  }
0x3d: {  	_ =	shalt  }
0x3e: {  	_ =	shalt  }
0x3f: {  	_ =	shalt  }
0x40: {  	_ =	shalt  }
0x41: {  	_ =	shalt  }
0x42: {  	_ =	shalt  }
0x43: {  	_ =	shalt  }
0x44: {  	_ =	shalt  }
0x45: {  	_ =	shalt  }
0x46: {  	_ =	shalt  }
0x47: {  	_ =	shalt  }
0x48: {  	_ =	shalt  }
0x49: {  	_ =	shalt  }
0x4a: {  	_ =	shalt  }
0x4b: {  	_ =	shalt  }
0x4c: {  	_ =	shalt  }
0x4d: {  	_ =	shalt  }
0x4e: {  	_ =	shalt  }
0x4f: {  	_ =	shalt  }
0x50: {  	_ =	shalt  }
0x51: {  	_ =	shalt  }
0x52: {  	_ =	shalt  }
0x53: {  	_ =	shalt  }
0x54: {  	_ =	shalt  }
0x55: {  	_ =	shalt  }
0x56: {  	_ =	shalt  }
0x57: {  	_ =	shalt  }
0x58: {  	_ =	shalt  }
0x59: {  	_ =	shalt  }
0x5a: {  	_ =	shalt  }
0x5b: {  	_ =	shalt  }
0x5c: {  	_ =	shalt  }
0x5d: {  	_ =	shalt  }
0x5e: {  	_ =	shalt  }
0x5f: {  	_ =	shalt  }
0x60: {  	_ =	shalt  }
0x61: {  	_ =	shalt  }
0x62: {  	_ =	shalt  }
0x63: {  	_ =	shalt  }
0x64: {  	_ =	shalt  }
0x65: {  	_ =	shalt  }
0x66: {  	_ =	shalt  }
0x67: {  	_ =	shalt  }
0x68: {  	_ =	shalt  }
0x69: {  	_ =	shalt  }
0x6a: {  	_ =	shalt  }
0x6b: {  	_ =	shalt  }
0x6c: {  	_ =	shalt  }
0x6d: {  	_ =	shalt  }
0x6e: {  	_ =	shalt  }
0x6f: {  	_ =	shalt  }
0x70: {  	_ =	shalt  }
0x71: {  	_ =	shalt  }
0x72: {  	_ =	shalt  }
0x73: {  	_ =	shalt  }
0x74: {  	_ =	shalt  }
0x75: {  	_ =	shalt  }
0x76: {  	_ =	shalt  }
0x77: {  	_ =	shalt  }
0x78: {  	_ =	shalt  }
0x79: {  	_ =	shalt  }
0x7a: {  	_ =	shalt  }
0x7b: {  	_ =	shalt  }
0x7c: {  	_ =	shalt  }
0x7d: {  	_ =	shalt  }
0x7e: {  	_ =	shalt  }
0x7f: {  	_ =	shalt  }
0x80: {  	_ =	shalt  }
0x81: {  	_ =	shalt  }
0x82: {  	_ =	shalt  }
0x83: {  	_ =	shalt  }
0x84: {  	_ =	shalt  }
0x85: {  	_ =	shalt  }
0x86: {  	_ =	shalt  }
0x87: {  	_ =	shalt  }
.Lfunc_end0:
.L_simem_size_0:
called_computation.2_lowered:
.L_overlay_start_0:
0x88: {  	s2 =	sld [smem:$0x3FD9]  }
0x89: {  	s3 =	sld [smem:$0x3FFE];
	_ =	sdelay $0x1  }
0x8a: {  	s1 =	srdreg.scid  }
0x8b: {  	s0 =	sand.u32 $0x1, s1  }
0x8c: {  	s17 =	sshll.u32 s0, $0xA;
	s2 =	sadd.s32 s3, s2  }
0x8d: {  	s2 =	sadd.s32 s2, s17  }
0x8e: {  	[smem:$0x3FBB] =	sst s2  }
0x8f: {  	_ = 	snop  }
0x90: {  	s2 =	sld [smem:$0x3FD0];
	(tm) =	ssettm $0x1  }
0x91: {  	s18 =	sld [smem:$0x3FFB];
	_ =	sdelay $0x3  }
0x92: {  	_ =	strace s18  }
0x93: {  	s3 =	sld [smem:$0x3FFC];
	_ =	sdelay $0x3  }
0x94: {  	_ =	strace s3  }
0x95: {  	s3 =	sld [smem:$0x3FFD];
	_ =	sdelay $0x3  }
0x96: {  	_ =	strace s3  }
0x97: {  	_ =	strace $0x8FFFFFFF  }
0x98: {  	s19 =	sld [smem:$0x3FDB];
	_ =	sdelay $0x1  }
0x99: {  	s4 =	simm.s32 $_scs_section_size  }
0x9a: {  	s5 =	simm.s32 $_size__tile_overlayer_lowered;
	s6 =	simm.s32 $_tile_overlayer_lowered  }
0x9b: {  	s22 =	simm.s32 $0x1BFF;
	s21 =	sshll.u32 s6, $0x1;
	s3 =	sadd.s32 s4, s19  }
0x9c: {  	s7 =	simm.s32 $0x0;
	s20 =	sshll.u32 s5, $0x1;
	s5 =	sadd.s32 s21, s3  }
0x9d: {  	[timem:s7], [sflag:s22] =	dma.local [hbm:s5], s20  }
0x9e: {  	_ =	swait.ge [sflag:s22], s20  }
0x9f: {  	s4 =	ssub.s32 $0x0, s20;
	[sflag:s22] =	ssyncset.done $0x0  }
0xa0: {  	[sflag:s22] =	ssyncadd.s32 s4;
	_ =	sdelay $0x1  }
0xa1: {  	s23 =	simm.s32 $0x1B8B  }
0xa2: {  	_ =	swait.ge [sflag:s23], $0x1  }
0xa3: {  	[sflag:s23] =	ssyncset.done $0x0  }
0xa4: {  	s25 =	simm.s32 $0x1B8E;
	s24 =	sld [smem:$0x3FFE];
	[sflag:s23] =	ssyncadd.s32 $0xFFFFFFFF  }
0xa5: {  	s26 =	simm.s32 $execute0_lowered;
	[smem:$0x3FD2] =	sst s25  }
0xa6: {  	s5 =	sshll.u32 s26, $0x1;
	_ =	strace $0x8000004C;
	[dreg:$0x1] =	wrdreg $0xFFFFFFFF  }
0xa7: {  	s28 =	simm.s32 $_size_execute0_lowered;
	s3 =	sadd.s32 s3, s5;
	[dreg:$0x0] =	wrdreg $0x0  }
0xa8: {  	s5 =	sshll.u32 s28, $0x1;
	[dreg:$0x2] =	wrdreg s3  }
0xa9: {  	[dreg:$0x3] =	wrdreg s5  }
0xaa: {  	[dreg:$0x4] =	wrdreg $0xC0  }
0xab: {  	_ =	task [dreg:s7], $0x5FFFF  }
0xac: {  	[dreg:$0x1] =	wrdreg $0xFFFFFFFF  }
0xad: {  	[dreg:$0x0] =	wrdreg $0x60  }
0xae: {  	[dreg:$0x2] =	wrdreg s24  }
0xaf: {  	[dreg:$0x3] =	wrdreg s2  }
0xb0: {  	[dreg:$0x4] =	wrdreg $0x150000  }
0xb1: {  	[dreg:$0x5] =	wrdreg $0x9  }
0xb2: {  	_ =	task.clear_ibuf [dreg:s7], $0x6FFFF;
	_ =	strace $0x9000004C  }
0xb3: {  	s29 =	simm.s32 $0x9;
	_ =	strace $0x8000004E  }
0xb4: {  	_ =	swait.ge [sflag:s29], $0x1  }
0xb5: {  	[sflag:s29] =	ssyncadd.s32 $0xFFFFFFFF  }
0xb6: {  	_ =	strace $0x9000004E  }
0xb7: {  	_ =	sfence  }
0xb8: {  	s30 =	sld [smem:$0x0];
	_ =	sdelay $0x2  }
0xb9: {  	s31 =	sshll.u32 s1, $0xD;
	s1 =	sshrl.u32 s1, $0x2  }
0xba: {  	s3 =	sand.u32 $0x4000, s31;
	s1 =	sadd.s32 s1, s30  }
0xbb: {  	s0 =	sor.u32 s3, s0;
	s1 =	sshll.u32 s1, $0x11  }
0xbc: {  	s0 =	sor.u32 s1, s0  }
0xbd: {  	s0 =	sadd.s32 $0x8F2B, s0  }
0xbe: {  	[sflag:s0] =	ssyncadd.remote.s32 $0x1  }
0xbf: {  	_ =	sfence.sel $0xFFFF  }
0xc0: {  	[dreg:$0x0] =	wrdreg $0xFFFFFFFF;
	(pc) =	sbr.abs _section_cstart, $3  }
0xc1: {  	[dreg:$0x1] =	wrdreg $0xFFFFFFFF  }
0xc2: {  	_ =	task.clear_ibuf [dreg:s7], $0x2FFFF;
	_ =	strace $0x9FFFFFFF  }
0xc3: {  	(tm) =	ssettm $0x7FFFFFFF  }
tec
execute0_lowered:
.L_overlay_start_1:
0x0: {  	(tag) =	ssettag $0x1  }
0x1: {  	s0 =	rddreg [dreg:$0x0]  }
0x2: {  	s1 =	rddreg [dreg:$0x1]  }
0x3: {  	s2 =	rddreg [dreg:$0x2];
	s3 =	simm.s32 $0x0  }
0x4: {  	s23 =	stileid.u32;
	s4 =	srdreg.scid;
	s15 =	simm.s32 $0x5  }
0x5: {  	s28 =	simm.s32 $0xD000;
	s29 =	simm.s32 $0xF000;
	s30 =	simm.s32 $0x11000  }
0x6: {  	s31 =	simm.s32 $0x13000;
	[smem:$0x7FF] =	sst s3;
	s5 =	smul.u32 $0x500, s23  }
0x7: {  	s6 =	sand.u32 $0x1, s4;
	s4 =	sadd.s32 $0xAFC00, s0;
	s9 =	smul.u32 $0x27000, s23  }
0x8: {  	s10 =	sadd.s32 $0x13400, s0;
	s13 =	smul.u32 $0x270, s23;
	s26 =	sshll.u32 s23, $0x6  }
0x9: {  	p0 =	seq.s32 s23, $0x0;
	p2 =	sne.s32 s23, $0xF;
	s7 =	smul.u32 $0x5000, s6  }
0xa: {  	_ =	strace $0x8000004D;
	[dreg:$0x4] =	wrdreg s10;
	s11 =	smul.u32 $0x2710, s6  }
0xb: {  	s18 =	ssub.s32 $0x2, s6;
	s6 =	smul.u32 $0x138800, s6;
	s16 =	sor.u32 $0x1C05, s26  }
0xc: {  	p1 =	sne.s32 @!p0 s23, $0xF;
	s26 =	simm.s32 $0xB000;
	s23 =	simm.s32 $0x4  }
0xd: {  	s8 =	sadd.s32 s5, s0;
	s0 =	sadd.s32 $0xD6E00, s0;
	s12 =	sshrl.u32 s18, $0x1  }
0xe: {  	s21 =	sshrl.u32 s9, $0x2;
	s9 =	sadd.s32 $0x9C000, s2;
	p1 =	por p1, p0  }
0xf: {  	s14 =	ssub.s32 s18, s12;
	s5 =	sadd.s32 s5, s7;
	s19 =	sadd.s32 $0x3E00, s8  }
0x10: {  	s20 =	sadd.s32 s13, s11;
	s6 =	sshrl.u32 s6, $0x4;
	s7 =	sadd.s32 $0x9C400, s2  }
0x11: {  	[dreg:$0x5] =	wrdreg s19;
	s1 =	sadd.s32 s1, s5;
	s5 =	sadd.s32 s21, s2  }
0x12: {  	s6 =	sadd.s32 $0x13800, s6;
	s25 =	smax.u32 s14, $0x1;
	s18 =	sshrl.u32 @p0 s7, $0x3  }
0x13: {  	s19 =	sshrl.u32 @!p1 s9, $0x3;
	s21 =	simm.s32 $0x5000;
	[dreg:$0x6] =	wrdreg s1  }
0x14: {  	s1 =	sshll.u32 s20, $0x3;
	s24 =	sadd.s32 s4, s6;
	[dreg:$0xb] =	wrdreg s25  }
0x15: {  	s14 =	simm.s32 $0x2;
	s22 =	sadd.s32 s4, s1;
	[dreg:$0x8] =	wrdreg s24  }
0x16: {  	s17 =	sshrl.u32 s5, $0x3;
	s1 =	sadd.s32 s0, s1;
	[dreg:$0x7] =	wrdreg s22  }
0x17: {  	s20 =	simm.s32 $0x80;
	s0 =	sadd.s32 s0, s6;
	[dreg:$0x9] =	wrdreg s1  }
0x18: {  	s25 =	simm.s32 $0x0;
	s24 =	simm.s32 $0x9000;
	[dreg:$0xa] =	wrdreg s0  }
0x19: {  	s22 =	simm.s32 $0x7000;
	s0 =	simm.s32 $0x1;
	s1 =	simm.s32 $0x3  }
.LBB2_1:
0x1a: {  	s5 =	rddreg [dreg:$0x5];
	s6 =	simm.s32 $0x2800  }
0x1b: {  	[tilespmem:s6], [sflag:$0x5] =	stream.linear.gather [hbm4b:s5+s3], $0x2800, $0x38;
	[tilespmem:$0x1EE40] =	vst v63  }
0x1c: {  	_ =	swait.ge [sflag:s15], $0x2800  }
0x1d: {  	[sflag:s15] =	ssyncset.done $0x0  }
0x1e: {  	s12 =	rddreg [dreg:$0x6];
	[sflag:s15] =	ssyncadd.s32 $0xFFFFD800  }
0x1f: {  	[tilespmem:s3], [sflag:$0x5] =	stream.linear.gather [hbm4b:s12+s3], $0x2800, $0x38;
	[tilespmem:$0x1EE40] =	vst v63  }
0x20: {  	_ =	swait.ge [sflag:s15], $0x2800  }
0x21: {  	[sflag:s15] =	ssyncset.done $0x0  }
0x22: {  	s13 =	rddreg [dreg:$0x7];
	[sflag:s15] =	ssyncadd.s32 $0xFFFFD800  }
0x23: {  	[spmem:s17], [sflag:s16] =	dma.local [hbm:s13], $0x1380  }
0x24: {  	_ =	swait.ge [sflag:s15], $0x1380  }
0x25: {  	[sflag:s15] =	ssyncset.done $0x0  }
0x26: {  	s5 =	rddreg [dreg:$0x4];
	[sflag:s15] =	ssyncadd.s32 $0xFFFFEC80  }
0x27: {  	[spmem:s18], [sflag:s16] =	dma.local @p0 [hbm:s5], $0x400  }
0x28: {  	s5 =	simm.s32 @p0 $0x5  }
0x29: {  	_ =	swait.ge @p0 [sflag:s5], $0x400  }
0x2a: {  	[sflag:s5] =	ssyncset.done @p0 $0x0  }
0x2b: {  	[sflag:s5] =	ssyncadd.s32 @p0 $0xFFFFFC00;
	s5 =	rddreg [dreg:$0x8]  }
0x2c: {  	[spmem:s19], [sflag:s16] =	dma.local @!p1 [hbm:s5], $0x80  }
0x2d: {  	s5 =	simm.s32 @!p1 $0x5  }
0x2e: {  	_ =	swait.ge @!p1 [sflag:s5], $0x80  }
0x2f: {  	[sflag:s5] =	ssyncset.done @!p1 $0x0  }
0x30: {  	[sflag:s5] =	ssyncadd.s32 @!p1 $0xFFFFFF80  }
0x31: {  	[bflag:$0x0] =	sbarrier.arrive $0xFFFF  }
0x32: {  	[tilespmem:s21], [sflag:$0x1] =	stream.indirect.gather [hbm4b:s4+s20], $0x40, s3, s20, $0xb8;
	[tilespmem:$0x1EE40] =	vst v63  }
0x33: {  	_ = 	snop  }
0x34: {  	[tilespmem:s22], [sflag:$0x1] =	stream.indirect.gather [hbm4b:s4+s20], $0x40, s20, s20, $0xb8;
	[tilespmem:$0x1EE40] =	vst v63  }
0x35: {  	s6 =	simm.s32 $0x100  }
0x36: {  	[tilespmem:s24], [sflag:$0x1] =	stream.indirect.gather [hbm4b:s4+s20], $0x40, s6, s20, $0xb8;
	[tilespmem:$0x1EE40] =	vst v63  }
0x37: {  	s7 =	simm.s32 $0x180  }
0x38: {  	[tilespmem:s26], [sflag:$0x1] =	stream.indirect.gather [hbm4b:s4+s20], $0x40, s7, s20, $0xb8;
	[tilespmem:$0x1EE40] =	vst v63  }
0x39: {  	s8 =	simm.s32 $0x200  }
0x3a: {  	[tilespmem:s28], [sflag:$0x2] =	stream.indirect.gather [hbm4b:s4+s20], $0x40, s8, s20, $0xb8;
	[tilespmem:$0x1EE40] =	vst v63  }
0x3b: {  	s10 =	simm.s32 $0x280  }
0x3c: {  	[tilespmem:s29], [sflag:$0x2] =	stream.indirect.gather [hbm4b:s4+s20], $0x40, s10, s20, $0xb8;
	[tilespmem:$0x1EE40] =	vst v63  }
0x3d: {  	s11 =	simm.s32 $0x300  }
0x3e: {  	[tilespmem:s30], [sflag:$0x2] =	stream.indirect.gather [hbm4b:s4+s20], $0x40, s11, s20, $0xb8;
	[tilespmem:$0x1EE40] =	vst v63  }
0x3f: {  	s12 =	simm.s32 $0x380  }
0x40: {  	[tilespmem:s31], [sflag:$0x2] =	stream.indirect.gather [hbm4b:s4+s20], $0x40, s12, s20, $0xb8;
	[tilespmem:$0x1EE40] =	vst v63  }
0x41: {  	_ =	swait.ge [sflag:s0], $0x2000  }
0x42: {  	[sflag:s0] =	ssyncset.done $0x0  }
0x43: {  	[sflag:s0] =	ssyncadd.s32 $0xFFFFE000  }
0x44: {  	_ =	swait.ge [sflag:s0], $0x2000  }
0x45: {  	[sflag:s0] =	ssyncset.done $0x0  }
0x46: {  	[sflag:s0] =	ssyncadd.s32 $0xFFFFE000  }
0x47: {  	_ =	swait.ge [sflag:s0], $0x2000  }
0x48: {  	[sflag:s0] =	ssyncset.done $0x0  }
0x49: {  	[sflag:s0] =	ssyncadd.s32 $0xFFFFE000  }
0x4a: {  	_ =	swait.ge [sflag:s0], $0x2000  }
0x4b: {  	[sflag:s0] =	ssyncset.done $0x0  }
0x4c: {  	s13 =	simm.s32 $0x2800;
	[sflag:s0] =	ssyncadd.s32 $0xFFFFE000  }
0x4d: {  	[spmem:s2] =	stream.indirect.scatter.add.bf16 [tilespmem:s21], [sflag:$0x3], $0x40, s13, s20, $0xb8;
	[tilespmem:$0x1EE40] =	vst v63  }
0x4e: {  	s6 =	simm.s32 $0x2880  }
0x4f: {  	[spmem:s2] =	stream.indirect.scatter.add.bf16 [tilespmem:s22], [sflag:$0x3], $0x40, s6, s20, $0xb8;
	[tilespmem:$0x1EE40] =	vst v63  }
0x50: {  	s7 =	simm.s32 $0x2900  }
0x51: {  	[spmem:s2] =	stream.indirect.scatter.add.bf16 [tilespmem:s24], [sflag:$0x3], $0x40, s7, s20, $0xb8;
	[tilespmem:$0x1EE40] =	vst v63  }
0x52: {  	s8 =	simm.s32 $0x2980  }
0x53: {  	[spmem:s2] =	stream.indirect.scatter.add.bf16 [tilespmem:s26], [sflag:$0x3], $0x40, s8, s20, $0xb8;
	[tilespmem:$0x1EE40] =	vst v63  }
0x54: {  	_ =	swait.ge [sflag:s1], $0x2000  }
0x55: {  	[sflag:s1] =	ssyncset.done $0x0  }
0x56: {  	[sflag:s1] =	ssyncadd.s32 $0xFFFFE000  }
0x57: {  	_ =	swait.ge [sflag:s1], $0x2000  }
0x58: {  	[sflag:s1] =	ssyncset.done $0x0  }
0x59: {  	[sflag:s1] =	ssyncadd.s32 $0xFFFFE000  }
0x5a: {  	_ =	swait.ge [sflag:s1], $0x2000  }
0x5b: {  	[sflag:s1] =	ssyncset.done $0x0  }
0x5c: {  	[sflag:s1] =	ssyncadd.s32 $0xFFFFE000  }
0x5d: {  	p3 =	por $0x0, $0x0;
	_ =	swait.ge [sflag:s1], $0x2000  }
0x5e: {  	s5 =	simm.s32 @!p3 $0x5000;
	[sflag:s1] =	ssyncset.done $0x0  }
0x5f: {  	s6 =	simm.s32 @!p3 $0x400;
	s7 =	simm.s32 @!p3 $0x80;
	[sflag:s1] =	ssyncadd.s32 $0xFFFFE000  }
0x60: {  	[tilespmem:s5], [sflag:$0x1] =	stream.indirect.gather @!p3 [hbm4b:s4+s7], $0x40, s6, s7, $0xb8;
	[tilespmem:$0x1EE40] =	vst v63  }
0x61: {  	s5 =	simm.s32 @!p3 $0x480;
	s6 =	simm.s32 @!p3 $0x7000  }
0x62: {  	[tilespmem:s6], [sflag:$0x1] =	stream.indirect.gather @!p3 [hbm4b:s4+s7], $0x40, s5, s7, $0xb8;
	[tilespmem:$0x1EE40] =	vst v63  }
0x63: {  	s5 =	simm.s32 @!p3 $0x500;
	s6 =	simm.s32 @!p3 $0x9000  }
0x64: {  	[tilespmem:s6], [sflag:$0x1] =	stream.indirect.gather @!p3 [hbm4b:s4+s7], $0x40, s5, s7, $0xb8;
	[tilespmem:$0x1EE40] =	vst v63  }
0x65: {  	s5 =	simm.s32 @!p3 $0x580;
	s6 =	simm.s32 @!p3 $0xB000  }
0x66: {  	[tilespmem:s6], [sflag:$0x1] =	stream.indirect.gather @!p3 [hbm4b:s4+s7], $0x40, s5, s7, $0xb8;
	[tilespmem:$0x1EE40] =	vst v63  }
0x67: {  	_ =	swait.ge [sflag:s14], $0x2000  }
0x68: {  	[sflag:s14] =	ssyncset.done $0x0  }
0x69: {  	[sflag:s14] =	ssyncadd.s32 $0xFFFFE000  }
0x6a: {  	_ =	swait.ge [sflag:s14], $0x2000  }
0x6b: {  	[sflag:s14] =	ssyncset.done $0x0  }
0x6c: {  	[sflag:s14] =	ssyncadd.s32 $0xFFFFE000  }
0x6d: {  	_ =	swait.ge [sflag:s14], $0x2000  }
0x6e: {  	[sflag:s14] =	ssyncset.done $0x0  }
0x6f: {  	[sflag:s14] =	ssyncadd.s32 $0xFFFFE000  }
0x70: {  	_ =	swait.ge [sflag:s14], $0x2000  }
0x71: {  	[sflag:s14] =	ssyncset.done $0x0  }
0x72: {  	s10 =	simm.s32 $0x2A00;
	[sflag:s14] =	ssyncadd.s32 $0xFFFFE000  }
0x73: {  	[spmem:s2] =	stream.indirect.scatter.add.bf16 [tilespmem:s28], [sflag:$0x4], $0x40, s10, s20, $0xb8;
	[tilespmem:$0x1EE40] =	vst v63  }
0x74: {  	s11 =	simm.s32 $0x2A80  }
0x75: {  	[spmem:s2] =	stream.indirect.scatter.add.bf16 [tilespmem:s29], [sflag:$0x4], $0x40, s11, s20, $0xb8;
	[tilespmem:$0x1EE40] =	vst v63  }
0x76: {  	s12 =	simm.s32 $0x2B00  }
0x77: {  	[spmem:s2] =	stream.indirect.scatter.add.bf16 [tilespmem:s30], [sflag:$0x4], $0x40, s12, s20, $0xb8;
	[tilespmem:$0x1EE40] =	vst v63  }
0x78: {  	s13 =	simm.s32 $0x2B80  }
0x79: {  	[spmem:s2] =	stream.indirect.scatter.add.bf16 [tilespmem:s31], [sflag:$0x4], $0x40, s13, s20, $0xb8;
	[tilespmem:$0x1EE40] =	vst v63  }
0x7a: {  	_ =	swait.ge [sflag:s23], $0x2000  }
0x7b: {  	[sflag:s23] =	ssyncset.done $0x0  }
0x7c: {  	[sflag:s23] =	ssyncadd.s32 $0xFFFFE000  }
0x7d: {  	_ =	swait.ge [sflag:s23], $0x2000  }
0x7e: {  	[sflag:s23] =	ssyncset.done $0x0  }
0x7f: {  	[sflag:s23] =	ssyncadd.s32 $0xFFFFE000  }
0x80: {  	_ =	swait.ge [sflag:s23], $0x2000  }
0x81: {  	[sflag:s23] =	ssyncset.done $0x0  }
0x82: {  	[sflag:s23] =	ssyncadd.s32 $0xFFFFE000  }
0x83: {  	s6 =	simm.s32 $0x1000;
	_ =	swait.ge [sflag:s23], $0x2000  }
0x84: {  	s7 =	simm.s32 $0x2000;
	s5 =	simm.s32 $0x400;
	[sflag:s23] =	ssyncset.done $0x0  }
.LBB2_2:
0x85: {  	s10 =	sadd.s32 $0x200, s5  }
0x86: {  	[sflag:s23] =	ssyncadd.s32 $0xFFFFE000;
	s8 =	smov.u32 s7;
	s7 =	sadd.s32 $0x1000, s7  }
0x87: {  	[tilespmem:s28], [sflag:$0x2] =	stream.indirect.gather [hbm4b:s4+s20], $0x40, s10, s20, $0xb8;
	[tilespmem:$0x1EE40] =	vst v63  }
0x88: {  	p3 =	sne.s32 s7, $0xA000;
	s10 =	sadd.s32 $0x280, s5  }
0x89: {  	[tilespmem:s29], [sflag:$0x2] =	stream.indirect.gather [hbm4b:s4+s20], $0x40, s10, s20, $0xb8;
	[tilespmem:$0x1EE40] =	vst v63  }
0x8a: {  	s10 =	sadd.s32 $0x300, s5  }
0x8b: {  	[tilespmem:s30], [sflag:$0x2] =	stream.indirect.gather [hbm4b:s4+s20], $0x40, s10, s20, $0xb8;
	[tilespmem:$0x1EE40] =	vst v63  }
0x8c: {  	s10 =	sadd.s32 $0x380, s5  }
0x8d: {  	[tilespmem:s31], [sflag:$0x2] =	stream.indirect.gather [hbm4b:s4+s20], $0x40, s10, s20, $0xb8;
	[tilespmem:$0x1EE40] =	vst v63  }
0x8e: {  	_ =	swait.ge [sflag:s0], $0x2000  }
0x8f: {  	[sflag:s0] =	ssyncset.done $0x0  }
0x90: {  	[sflag:s0] =	ssyncadd.s32 $0xFFFFE000  }
0x91: {  	_ =	swait.ge [sflag:s0], $0x2000  }
0x92: {  	[sflag:s0] =	ssyncset.done $0x0  }
0x93: {  	[sflag:s0] =	ssyncadd.s32 $0xFFFFE000  }
0x94: {  	_ =	swait.ge [sflag:s0], $0x2000  }
0x95: {  	[sflag:s0] =	ssyncset.done $0x0  }
0x96: {  	[sflag:s0] =	ssyncadd.s32 $0xFFFFE000  }
0x97: {  	_ =	swait.ge [sflag:s0], $0x2000  }
0x98: {  	[sflag:s0] =	ssyncset.done $0x0  }
0x99: {  	s10 =	sadd.s32 $0x2800, s5;
	[sflag:s0] =	ssyncadd.s32 $0xFFFFE000  }
0x9a: {  	[spmem:s2] =	stream.indirect.scatter.add.bf16 [tilespmem:s21], [sflag:$0x3], $0x40, s10, s20, $0xb8;
	[tilespmem:$0x1EE40] =	vst v63  }
0x9b: {  	s10 =	sadd.s32 $0x2880, s5  }
0x9c: {  	[spmem:s2] =	stream.indirect.scatter.add.bf16 [tilespmem:s22], [sflag:$0x3], $0x40, s10, s20, $0xb8;
	[tilespmem:$0x1EE40] =	vst v63  }
0x9d: {  	s10 =	sadd.s32 $0x2900, s5  }
0x9e: {  	[spmem:s2] =	stream.indirect.scatter.add.bf16 [tilespmem:s24], [sflag:$0x3], $0x40, s10, s20, $0xb8;
	[tilespmem:$0x1EE40] =	vst v63  }
0x9f: {  	s10 =	sadd.s32 $0x2980, s5  }
0xa0: {  	[spmem:s2] =	stream.indirect.scatter.add.bf16 [tilespmem:s26], [sflag:$0x3], $0x40, s10, s20, $0xb8;
	[tilespmem:$0x1EE40] =	vst v63  }
0xa1: {  	_ =	swait.ge [sflag:s1], $0x2000  }
0xa2: {  	[sflag:s1] =	ssyncset.done $0x0  }
0xa3: {  	[sflag:s1] =	ssyncadd.s32 $0xFFFFE000  }
0xa4: {  	_ =	swait.ge [sflag:s1], $0x2000  }
0xa5: {  	[sflag:s1] =	ssyncset.done $0x0  }
0xa6: {  	[sflag:s1] =	ssyncadd.s32 $0xFFFFE000  }
0xa7: {  	_ =	swait.ge [sflag:s1], $0x2000  }
0xa8: {  	[sflag:s1] =	ssyncset.done $0x0  }
0xa9: {  	[sflag:s1] =	ssyncadd.s32 $0xFFFFE000  }
0xaa: {  	p4 =	seq.s32 s6, $0x9000;
	_ =	swait.ge [sflag:s1], $0x2000  }
0xab: {  	s6 =	sshra.s32 @!p4 s6, $0x2;
	s10 =	simm.s32 @!p4 $0x5000;
	[sflag:s1] =	ssyncset.done $0x0  }
0xac: {  	s12 =	simm.s32 @!p4 $0x80;
	s11 =	sadd.s32 @!p4 $0x400, s6;
	[sflag:s1] =	ssyncadd.s32 $0xFFFFE000  }
0xad: {  	[tilespmem:s10], [sflag:$0x1] =	stream.indirect.gather @!p4 [hbm4b:s4+s12], $0x40, s11, s12, $0xb8;
	[tilespmem:$0x1EE40] =	vst v63  }
0xae: {  	s13 =	sadd.s32 @!p4 $0x500, s6;
	s10 =	sadd.s32 @!p4 $0x480, s6;
	s11 =	simm.s32 @!p4 $0x7000  }
0xaf: {  	[tilespmem:s11], [sflag:$0x1] =	stream.indirect.gather @!p4 [hbm4b:s4+s12], $0x40, s10, s12, $0xb8;
	[tilespmem:$0x1EE40] =	vst v63  }
0xb0: {  	s10 =	simm.s32 @!p4 $0x9000;
	s11 =	sadd.s32 @!p4 $0x580, s6;
	s6 =	smov.u32 s8  }
0xb1: {  	[tilespmem:s10], [sflag:$0x1] =	stream.indirect.gather @!p4 [hbm4b:s4+s12], $0x40, s13, s12, $0xb8;
	[tilespmem:$0x1EE40] =	vst v63  }
0xb2: {  	s8 =	simm.s32 @!p4 $0xB000  }
0xb3: {  	[tilespmem:s8], [sflag:$0x1] =	stream.indirect.gather @!p4 [hbm4b:s4+s12], $0x40, s11, s12, $0xb8;
	[tilespmem:$0x1EE40] =	vst v63  }
0xb4: {  	_ =	swait.ge [sflag:s14], $0x2000  }
0xb5: {  	[sflag:s14] =	ssyncset.done $0x0  }
0xb6: {  	[sflag:s14] =	ssyncadd.s32 $0xFFFFE000  }
0xb7: {  	_ =	swait.ge [sflag:s14], $0x2000  }
0xb8: {  	[sflag:s14] =	ssyncset.done $0x0  }
0xb9: {  	[sflag:s14] =	ssyncadd.s32 $0xFFFFE000  }
0xba: {  	_ =	swait.ge [sflag:s14], $0x2000  }
0xbb: {  	[sflag:s14] =	ssyncset.done $0x0  }
0xbc: {  	[sflag:s14] =	ssyncadd.s32 $0xFFFFE000  }
0xbd: {  	_ =	swait.ge [sflag:s14], $0x2000  }
0xbe: {  	[sflag:s14] =	ssyncset.done $0x0  }
0xbf: {  	s8 =	sadd.s32 $0x2A00, s5;
	[sflag:s14] =	ssyncadd.s32 $0xFFFFE000  }
0xc0: {  	[spmem:s2] =	stream.indirect.scatter.add.bf16 [tilespmem:s28], [sflag:$0x4], $0x40, s8, s20, $0xb8;
	[tilespmem:$0x1EE40] =	vst v63  }
0xc1: {  	s8 =	sadd.s32 $0x2A80, s5  }
0xc2: {  	[spmem:s2] =	stream.indirect.scatter.add.bf16 [tilespmem:s29], [sflag:$0x4], $0x40, s8, s20, $0xb8;
	[tilespmem:$0x1EE40] =	vst v63  }
0xc3: {  	s8 =	sadd.s32 $0x2B00, s5  }
0xc4: {  	[spmem:s2] =	stream.indirect.scatter.add.bf16 [tilespmem:s30], [sflag:$0x4], $0x40, s8, s20, $0xb8;
	[tilespmem:$0x1EE40] =	vst v63  }
0xc5: {  	s5 =	sadd.s32 $0x2B80, s5  }
0xc6: {  	[spmem:s2] =	stream.indirect.scatter.add.bf16 [tilespmem:s31], [sflag:$0x4], $0x40, s5, s20, $0xb8;
	[tilespmem:$0x1EE40] =	vst v63  }
0xc7: {  	_ =	swait.ge [sflag:s23], $0x2000  }
0xc8: {  	[sflag:s23] =	ssyncset.done $0x0  }
0xc9: {  	[sflag:s23] =	ssyncadd.s32 $0xFFFFE000  }
0xca: {  	_ =	swait.ge [sflag:s23], $0x2000  }
0xcb: {  	[sflag:s23] =	ssyncset.done $0x0  }
0xcc: {  	[sflag:s23] =	ssyncadd.s32 $0xFFFFE000  }
.Ltmp0:
0xcd: {  	_ =	swait.ge [sflag:s23], $0x2000;
	(pc) =	sbr.rel @p3 .LBB2_2-.Ltmp0, $4  }
0xce: {  	[sflag:s23] =	ssyncset.done $0x0  }
0xcf: {  	[sflag:s23] =	ssyncadd.s32 $0xFFFFE000  }
0xd0: {  	_ =	swait.ge [sflag:s23], $0x2000  }
0xd1: {  	s5 =	sshra.s32 s6, $0x2;
	[sflag:s23] =	ssyncset.done $0x0  }
0xd2: {  	s7 =	sadd.s32 $0x200, s5;
	[sflag:s23] =	ssyncadd.s32 $0xFFFFE000  }
0xd3: {  	[tilespmem:s28], [sflag:$0x2] =	stream.indirect.gather [hbm4b:s4+s20], $0x40, s7, s20, $0xb8;
	[tilespmem:$0x1EE40] =	vst v63  }
0xd4: {  	s12 =	sadd.s32 $0x280, s5  }
0xd5: {  	[tilespmem:s29], [sflag:$0x2] =	stream.indirect.gather [hbm4b:s4+s20], $0x40, s12, s20, $0xb8;
	[tilespmem:$0x1EE40] =	vst v63  }
0xd6: {  	s13 =	sadd.s32 $0x300, s5  }
0xd7: {  	[tilespmem:s30], [sflag:$0x2] =	stream.indirect.gather [hbm4b:s4+s20], $0x40, s13, s20, $0xb8;
	[tilespmem:$0x1EE40] =	vst v63  }
0xd8: {  	s8 =	sadd.s32 $0x380, s5  }
0xd9: {  	[tilespmem:s31], [sflag:$0x2] =	stream.indirect.gather [hbm4b:s4+s20], $0x40, s8, s20, $0xb8;
	[tilespmem:$0x1EE40] =	vst v63  }
0xda: {  	_ =	swait.ge [sflag:s0], $0x2000  }
0xdb: {  	[sflag:s0] =	ssyncset.done $0x0  }
0xdc: {  	[sflag:s0] =	ssyncadd.s32 $0xFFFFE000  }
0xdd: {  	_ =	swait.ge [sflag:s0], $0x2000  }
0xde: {  	[sflag:s0] =	ssyncset.done $0x0  }
0xdf: {  	[sflag:s0] =	ssyncadd.s32 $0xFFFFE000  }
0xe0: {  	_ =	swait.ge [sflag:s0], $0x2000  }
0xe1: {  	[sflag:s0] =	ssyncset.done $0x0  }
0xe2: {  	[sflag:s0] =	ssyncadd.s32 $0xFFFFE000  }
0xe3: {  	_ =	swait.ge [sflag:s0], $0x2000  }
0xe4: {  	[sflag:s0] =	ssyncset.done $0x0  }
0xe5: {  	s10 =	sadd.s32 $0x2800, s5;
	[sflag:s0] =	ssyncadd.s32 $0xFFFFE000  }
0xe6: {  	[spmem:s2] =	stream.indirect.scatter.add.bf16 [tilespmem:s21], [sflag:$0x3], $0x40, s10, s20, $0xb8;
	[tilespmem:$0x1EE40] =	vst v63  }
0xe7: {  	s11 =	sadd.s32 $0x2880, s5  }
0xe8: {  	[spmem:s2] =	stream.indirect.scatter.add.bf16 [tilespmem:s22], [sflag:$0x3], $0x40, s11, s20, $0xb8;
	[tilespmem:$0x1EE40] =	vst v63  }
0xe9: {  	s12 =	sadd.s32 $0x2900, s5  }
0xea: {  	[spmem:s2] =	stream.indirect.scatter.add.bf16 [tilespmem:s24], [sflag:$0x3], $0x40, s12, s20, $0xb8;
	[tilespmem:$0x1EE40] =	vst v63  }
0xeb: {  	s13 =	sadd.s32 $0x2980, s5  }
0xec: {  	[spmem:s2] =	stream.indirect.scatter.add.bf16 [tilespmem:s26], [sflag:$0x3], $0x40, s13, s20, $0xb8;
	[tilespmem:$0x1EE40] =	vst v63  }
0xed: {  	_ =	swait.ge [sflag:s1], $0x2000  }
0xee: {  	[sflag:s1] =	ssyncset.done $0x0  }
0xef: {  	[sflag:s1] =	ssyncadd.s32 $0xFFFFE000  }
0xf0: {  	_ =	swait.ge [sflag:s1], $0x2000  }
0xf1: {  	[sflag:s1] =	ssyncset.done $0x0  }
0xf2: {  	[sflag:s1] =	ssyncadd.s32 $0xFFFFE000  }
0xf3: {  	_ =	swait.ge [sflag:s1], $0x2000  }
0xf4: {  	[sflag:s1] =	ssyncset.done $0x0  }
0xf5: {  	[sflag:s1] =	ssyncadd.s32 $0xFFFFE000  }
0xf6: {  	p3 =	seq.s32 s6, $0x9000;
	_ =	swait.ge [sflag:s1], $0x2000  }
0xf7: {  	s6 =	sshra.s32 @!p3 s6, $0x2;
	s7 =	simm.s32 @!p3 $0x5000;
	[sflag:s1] =	ssyncset.done $0x0  }
0xf8: {  	s8 =	sadd.s32 @!p3 $0x400, s6;
	s10 =	simm.s32 @!p3 $0x80;
	[sflag:s1] =	ssyncadd.s32 $0xFFFFE000  }
0xf9: {  	[tilespmem:s7], [sflag:$0x1] =	stream.indirect.gather @!p3 [hbm4b:s4+s10], $0x40, s8, s10, $0xb8;
	[tilespmem:$0x1EE40] =	vst v63  }
0xfa: {  	s7 =	sadd.s32 @!p3 $0x480, s6;
	s8 =	simm.s32 @!p3 $0x7000  }
0xfb: {  	[tilespmem:s8], [sflag:$0x1] =	stream.indirect.gather @!p3 [hbm4b:s4+s10], $0x40, s7, s10, $0xb8;
	[tilespmem:$0x1EE40] =	vst v63  }
0xfc: {  	s7 =	sadd.s32 @!p3 $0x500, s6;
	s8 =	simm.s32 @!p3 $0x9000  }
0xfd: {  	[tilespmem:s8], [sflag:$0x1] =	stream.indirect.gather @!p3 [hbm4b:s4+s10], $0x40, s7, s10, $0xb8;
	[tilespmem:$0x1EE40] =	vst v63  }
0xfe: {  	s6 =	sadd.s32 @!p3 $0x580, s6;
	s7 =	simm.s32 @!p3 $0xB000  }
0xff: {  	[tilespmem:s7], [sflag:$0x1] =	stream.indirect.gather @!p3 [hbm4b:s4+s10], $0x40, s6, s10, $0xb8;
	[tilespmem:$0x1EE40] =	vst v63  }
0x100: {  	_ =	swait.ge [sflag:s14], $0x2000  }
0x101: {  	[sflag:s14] =	ssyncset.done $0x0  }
0x102: {  	[sflag:s14] =	ssyncadd.s32 $0xFFFFE000  }
0x103: {  	_ =	swait.ge [sflag:s14], $0x2000  }
0x104: {  	[sflag:s14] =	ssyncset.done $0x0  }
0x105: {  	[sflag:s14] =	ssyncadd.s32 $0xFFFFE000  }
0x106: {  	_ =	swait.ge [sflag:s14], $0x2000  }
0x107: {  	[sflag:s14] =	ssyncset.done $0x0  }
0x108: {  	[sflag:s14] =	ssyncadd.s32 $0xFFFFE000  }
0x109: {  	_ =	swait.ge [sflag:s14], $0x2000  }
0x10a: {  	[sflag:s14] =	ssyncset.done $0x0  }
0x10b: {  	s7 =	sadd.s32 $0x2A00, s5;
	[sflag:s14] =	ssyncadd.s32 $0xFFFFE000  }
0x10c: {  	[spmem:s2] =	stream.indirect.scatter.add.bf16 [tilespmem:s28], [sflag:$0x4], $0x40, s7, s20, $0xb8;
	[tilespmem:$0x1EE40] =	vst v63  }
0x10d: {  	s8 =	sadd.s32 $0x2A80, s5  }
0x10e: {  	[spmem:s2] =	stream.indirect.scatter.add.bf16 [tilespmem:s29], [sflag:$0x4], $0x40, s8, s20, $0xb8;
	[tilespmem:$0x1EE40] =	vst v63  }
0x10f: {  	s10 =	sadd.s32 $0x2B00, s5  }
0x110: {  	[spmem:s2] =	stream.indirect.scatter.add.bf16 [tilespmem:s30], [sflag:$0x4], $0x40, s10, s20, $0xb8;
	[tilespmem:$0x1EE40] =	vst v63  }
0x111: {  	s11 =	sadd.s32 $0x2B80, s5  }
0x112: {  	[spmem:s2] =	stream.indirect.scatter.add.bf16 [tilespmem:s31], [sflag:$0x4], $0x40, s11, s20, $0xb8;
	[tilespmem:$0x1EE40] =	vst v63  }
0x113: {  	_ =	swait.ge [sflag:s23], $0x2000  }
0x114: {  	[sflag:s23] =	ssyncset.done $0x0  }
0x115: {  	[sflag:s23] =	ssyncadd.s32 $0xFFFFE000  }
0x116: {  	_ =	swait.ge [sflag:s23], $0x2000  }
0x117: {  	[sflag:s23] =	ssyncset.done $0x0  }
0x118: {  	[sflag:s23] =	ssyncadd.s32 $0xFFFFE000  }
0x119: {  	_ =	swait.ge [sflag:s23], $0x2000  }
0x11a: {  	[sflag:s23] =	ssyncset.done $0x0  }
0x11b: {  	[sflag:s23] =	ssyncadd.s32 $0xFFFFE000  }
0x11c: {  	_ =	swait.ge [sflag:s23], $0x2000  }
0x11d: {  	[sflag:s23] =	ssyncset.done $0x0  }
0x11e: {  	[sflag:s23] =	ssyncadd.s32 $0xFFFFE000  }
0x11f: {  	[bflag:$0x0] =	sbarrier.arrive $0xFFFF  }
0x120: {  	s12 =	rddreg [dreg:$0x9]  }
0x121: {  	[hbm:s12], [sflag:s16] =	dma.local [spmem:s17], $0x1380  }
0x122: {  	_ =	swait.ge [sflag:s15], $0x1380  }
0x123: {  	[sflag:s15] =	ssyncset.done $0x0  }
0x124: {  	s5 =	sshrl.u32 @!p2 s9, $0x3;
	s6 =	rddreg [dreg:$0xa];
	[sflag:s15] =	ssyncadd.s32 $0xFFFFEC80  }
0x125: {  	[hbm:s6], [sflag:s16] =	dma.local @!p2 [spmem:s5], $0x80  }
0x126: {  	s5 =	simm.s32 @!p2 $0x5  }
0x127: {  	_ =	swait.ge @!p2 [sflag:s5], $0x80  }
0x128: {  	s25 =	sadd.s32 $0x1, s25;
	s13 =	rddreg [dreg:$0xb]  }
0x129: {  	p3 =	sne.s32 s25, s13  }
.Ltmp1:
0x12a: {  	_ = 	snop;
	(pc) =	sbr.rel @p3 .LBB2_1-.Ltmp1, $3  }
0x12b: {  	_ =	sdelay $0x1  }
0x12c: {  	[sflag:s5] =	ssyncset.done @!p2 $0x0  }
0x12d: {  	[sflag:s5] =	ssyncadd.s32 @!p2 $0xFFFFFF80  }
0x12e: {  	_ =	sfence.sel $0x180000  }
0x12f: {  	[bflag:$0x0] =	sbarrier.arrive $0xFFFF  }
0x130: {  	_ =	strace $0x9000004D  }
0x131: {  	s0 =	stileid.u32;
	[bflag:$0x2] =	sbarrier.arrive $0xFFFF  }
0x132: {  	p0 =	sne.s32 s0, $0x0;
	s0 =	rddreg [dreg:$0x3]  }
0x133: {  	s0 =	sadd.s32 @!p0 $0x100000, s0  }
0x134: {  	[sflag:s0] =	ssyncadd.tile.s32 @!p0 $0x1;
	_ =	shalt  }
.Lfunc_end2:
_tile_overlayer_lowered:
.L_overlay_start_2:
0x135: {  	(tag) =	ssettag $0x2  }
0x136: {  	s0 =	rddreg [dreg:$0x0];
	s2 =	stileid.u32  }
0x137: {  	s1 =	rddreg [dreg:$0x1];
	p0 =	sne.s32 s2, $0x0  }
0x138: {  	s3 =	rddreg [dreg:$0x2];
	[bflag:$0x3] =	sbarrier.arrive $0xFFFF;
	s2 =	simm.s32 @!p0 $0x1C05  }
0x139: {  	[timem:s3], [sflag:s2] =	dma.local @!p0 [hbm:s0], s1  }
0x13a: {  	s0 =	simm.s32 @!p0 $0x5  }
0x13b: {  	_ =	swait.ge @!p0 [sflag:s0], s1  }
0x13c: {  	s1 =	ssub.s32 @!p0 $0x0, s1;
	[sflag:s0] =	ssyncset.done @!p0 $0x0  }
0x13d: {  	[sflag:s0] =	ssyncadd.s32 @!p0 s1  }
0x13e: {  	[bflag:$0x3] =	sbarrier.arrive $0xFFFF  }
0x13f: {  	_ =	shalt  }

// kernel: kernel.21.cloned.1.call-start
scs
__scs_entry_jumppad:
0x0: {  	(pc) =	sbr.rel $0x88, $3  }
0x1: {  	(tag) =	ssettag $0x0;
	lr =	simm.s32 $0x1  }
0x2: {  	[smem:$0x3F94] =	sst lr;
	_ =	strace $0xD0000000  }
0x3: {  	_ = 	snop  }
0x4: {  	_ = 	snop  }
0x5: {  	_ = 	snop  }
0x6: {  	_ = 	snop  }
0x7: {  	_ = 	snop  }
__scs_overlays_trampoline_lowered:
0x8: {  	[smem:$0x3FA3] =	sst s0  }
0x9: {  	[smem:$0x3FA4] =	sst s1  }
0xa: {  	[smem:$0x3FA5] =	sst s2  }
0xb: {  	[smem:$0x3FA6] =	sst s3  }
0xc: {  	[smem:$0x3FA7] =	sst s4  }
0xd: {  	[smem:$0x3FA8] =	sst s5  }
0xe: {  	[smem:$0x3FA9] =	sst s6  }
0xf: {  	[smem:$0x3FAA] =	sst s7  }
0x10: {  	[smem:$0x3FAB] =	sst s8  }
0x11: {  	[smem:$0x3FAC] =	sst s9;
	s0 =	simm.s32 @!p0 $0x0  }
0x12: {  	s1 =	sld [smem:$0x3F92];
	s0 =	simm.s32 @p0 $0x1  }
0x13: {  	[smem:$0x3FAD] =	sst s0;
	s0 =	simm.s32 @!p1 $0x0  }
0x14: {  	s2 =	sld [smem:$0x3F91];
	s0 =	simm.s32 @p1 $0x1  }
0x15: {  	[smem:$0x3FAE] =	sst s0;
	s0 =	simm.s32 @!p2 $0x0  }
0x16: {  	s3 =	sld [smem:$0x3FDB];
	s0 =	simm.s32 @p2 $0x1  }
0x17: {  	s4 =	simm.s32 $0x1BF5;
	[smem:$0x3FB0] =	sst s0  }
0x18: {  	s0 =	sld [smem:$0x3F93];
	_ =	swait.ge [sflag:s4], $0x0  }
0x19: {  	s7 =	sld [smem:$0x3F94]  }
0x1a: {  	s8 =	sadd.s32 $0xFFFFE003, lr  }
0x1b: {  	s9 =	sadd.s32 $0xFFFFFEF7, lr;
	s5 =	simm.s32 $0xFFFFFFFF;
	p2 =	slt.u32 s8, $0xFFFFF086  }
0x1c: {  	p1 =	slt.u32 s9, $0xF7A;
	s5 =	simm.s32 @!p2 $0x0  }
0x1d: {  	s5 =	simm.s32 @p1 $0x1;
	p0 =	seq.s32 s7, s2  }
0x1e: {  	s7 =	smul.u32 @!p0 $0xF7A, s2;
	p2 =	seq.s32 @!p0 s5, $0x0  }
0x1f: {  	s9 =	smul.u32 $0xF7A, s1;
	s8 =	simm.s32 @!p0 $0x1BF5;
	p2 =	por !p2, p0  }
0x20: {  	[sflag:s8] =	ssyncset.s32 @!p0 $0xFFFFF086;
	s6 =	sadd.s32 @!p0 s3, s7;
	s7 =	simm.s32 @!p0 $0x108  }
0x21: {  	s3 =	sadd.s32 s3, s9;
	s6 =	sadd.s32 @!p0 $0x88, s6;
	s7 =	simm.s32 @p2 $0x1082  }
0x22: {  	[simem:s7], [sflag:s8] =	dma.local @!p0 [hbm:s6], $0xF7A  }
0x23: {  	s9 =	sor.u32 $0xD0000000, s2;
	s6 =	simm.s32 $0x108;
	_ =	swait.ge @!p0 [sflag:s8], $0x0  }
0x24: {  	s3 =	sadd.s32 $0x88, s3;
	s6 =	simm.s32 @!p1 $0x1082;
	[sflag:s4] =	ssyncset.s32 $0xFFFFF086  }
0x25: {  	[simem:s6], [sflag:s4] =	dma.local [hbm:s3], $0xF7A  }
0x26: {  	[smem:$0x3F94] =	sst s1;
	(tag) =	ssettag s2;
	_ =	strace s9  }
0x27: {  	s1 =	sld [smem:$0x3FA4]  }
0x28: {  	s2 =	sld [smem:$0x3FA5]  }
0x29: {  	s4 =	sld [smem:$0x3FA7]  }
0x2a: {  	p0 =	seq.s32 s5, $0x0;
	s5 =	sld [smem:$0x3FA8]  }
0x2b: {  	s6 =	sld [smem:$0x3FA9]  }
0x2c: {  	s7 =	sld [smem:$0x3FAA]  }
0x2d: {  	s3 =	simm.s32 $0x108;
	s8 =	sld [smem:$0x3FAB]  }
0x2e: {  	s3 =	simm.s32 @!p0 $0x1082;
	s9 =	sld [smem:$0x3FAC]  }
0x2f: {  	lr =	sadd.s32 s0, s3;
	s0 =	sld [smem:$0x3FA3]  }
0x30: {  	s3 =	sld [smem:$0x3FA6]  }
0x31: {  	[smem:$0x3FAF] =	sst s10  }
0x32: {  	s10 =	sld [smem:$0x3FAD];
	_ =	sdelay $0x3  }
0x33: {  	p0 =	seq.s32 s10, $0x1;
	s10 =	sld [smem:$0x3FAF];
	_ =	sdelay $0x3  }
0x34: {  	[smem:$0x3FAF] =	sst s10  }
0x35: {  	s10 =	sld [smem:$0x3FAE];
	_ =	sdelay $0x3  }
0x36: {  	p1 =	seq.s32 s10, $0x1;
	s10 =	sld [smem:$0x3FAF];
	_ =	sdelay $0x3  }
0x37: {  	[smem:$0x3FAF] =	sst s10  }
0x38: {  	s10 =	sld [smem:$0x3FB0]  }
0x39: {  	_ = 	snop;
	(pc) =	sbr.ind lr, $3  }
0x3a: {  	_ = 	snop  }
0x3b: {  	_ = 	snop  }
0x3c: {  	p2 =	seq.s32 s10, $0x1;
	s10 =	sld [smem:$0x3FAF]  }
0x3d: {  	_ =	shalt  }
0x3e: {  	_ =	shalt  }
0x3f: {  	_ =	shalt  }
0x40: {  	_ =	shalt  }
0x41: {  	_ =	shalt  }
0x42: {  	_ =	shalt  }
0x43: {  	_ =	shalt  }
0x44: {  	_ =	shalt  }
0x45: {  	_ =	shalt  }
0x46: {  	_ =	shalt  }
0x47: {  	_ =	shalt  }
0x48: {  	_ =	shalt  }
0x49: {  	_ =	shalt  }
0x4a: {  	_ =	shalt  }
0x4b: {  	_ =	shalt  }
0x4c: {  	_ =	shalt  }
0x4d: {  	_ =	shalt  }
0x4e: {  	_ =	shalt  }
0x4f: {  	_ =	shalt  }
0x50: {  	_ =	shalt  }
0x51: {  	_ =	shalt  }
0x52: {  	_ =	shalt  }
0x53: {  	_ =	shalt  }
0x54: {  	_ =	shalt  }
0x55: {  	_ =	shalt  }
0x56: {  	_ =	shalt  }
0x57: {  	_ =	shalt  }
0x58: {  	_ =	shalt  }
0x59: {  	_ =	shalt  }
0x5a: {  	_ =	shalt  }
0x5b: {  	_ =	shalt  }
0x5c: {  	_ =	shalt  }
0x5d: {  	_ =	shalt  }
0x5e: {  	_ =	shalt  }
0x5f: {  	_ =	shalt  }
0x60: {  	_ =	shalt  }
0x61: {  	_ =	shalt  }
0x62: {  	_ =	shalt  }
0x63: {  	_ =	shalt  }
0x64: {  	_ =	shalt  }
0x65: {  	_ =	shalt  }
0x66: {  	_ =	shalt  }
0x67: {  	_ =	shalt  }
0x68: {  	_ =	shalt  }
0x69: {  	_ =	shalt  }
0x6a: {  	_ =	shalt  }
0x6b: {  	_ =	shalt  }
0x6c: {  	_ =	shalt  }
0x6d: {  	_ =	shalt  }
0x6e: {  	_ =	shalt  }
0x6f: {  	_ =	shalt  }
0x70: {  	_ =	shalt  }
0x71: {  	_ =	shalt  }
0x72: {  	_ =	shalt  }
0x73: {  	_ =	shalt  }
0x74: {  	_ =	shalt  }
0x75: {  	_ =	shalt  }
0x76: {  	_ =	shalt  }
0x77: {  	_ =	shalt  }
0x78: {  	_ =	shalt  }
0x79: {  	_ =	shalt  }
0x7a: {  	_ =	shalt  }
0x7b: {  	_ =	shalt  }
0x7c: {  	_ =	shalt  }
0x7d: {  	_ =	shalt  }
0x7e: {  	_ =	shalt  }
0x7f: {  	_ =	shalt  }
0x80: {  	_ =	shalt  }
0x81: {  	_ =	shalt  }
0x82: {  	_ =	shalt  }
0x83: {  	_ =	shalt  }
0x84: {  	_ =	shalt  }
0x85: {  	_ =	shalt  }
0x86: {  	_ =	shalt  }
0x87: {  	_ =	shalt  }
.Lfunc_end0:
.L_simem_size_0:
called_computation.3_lowered:
.L_overlay_start_0:
0x88: {  	s2 =	sld [smem:$0x3FD9]  }
0x89: {  	s3 =	sld [smem:$0x3FFE];
	_ =	sdelay $0x1  }
0x8a: {  	s1 =	srdreg.scid  }
0x8b: {  	s0 =	sand.u32 $0x1, s1  }
0x8c: {  	s17 =	sshll.u32 s0, $0xA;
	s2 =	sadd.s32 s3, s2  }
0x8d: {  	s2 =	sadd.s32 s2, s17  }
0x8e: {  	[smem:$0x3FBB] =	sst s2  }
0x8f: {  	_ = 	snop  }
0x90: {  	s2 =	sld [smem:$0x3FD0];
	(tm) =	ssettm $0x1  }
0x91: {  	s18 =	sld [smem:$0x3FFB];
	_ =	sdelay $0x3  }
0x92: {  	_ =	strace s18  }
0x93: {  	s3 =	sld [smem:$0x3FFC];
	_ =	sdelay $0x3  }
0x94: {  	_ =	strace s3  }
0x95: {  	s3 =	sld [smem:$0x3FFD];
	_ =	sdelay $0x3  }
0x96: {  	_ =	strace s3  }
0x97: {  	_ =	strace $0x8FFFFFFF  }
0x98: {  	s19 =	sld [smem:$0x3FDB];
	_ =	sdelay $0x1  }
0x99: {  	s4 =	simm.s32 $_scs_section_size  }
0x9a: {  	s5 =	simm.s32 $_size__tile_overlayer_lowered;
	s6 =	simm.s32 $_tile_overlayer_lowered  }
0x9b: {  	s22 =	simm.s32 $0x1BFF;
	s21 =	sshll.u32 s6, $0x1;
	s3 =	sadd.s32 s4, s19  }
0x9c: {  	s7 =	simm.s32 $0x0;
	s20 =	sshll.u32 s5, $0x1;
	s5 =	sadd.s32 s21, s3  }
0x9d: {  	[timem:s7], [sflag:s22] =	dma.local [hbm:s5], s20  }
0x9e: {  	_ =	swait.ge [sflag:s22], s20  }
0x9f: {  	s4 =	ssub.s32 $0x0, s20;
	[sflag:s22] =	ssyncset.done $0x0  }
0xa0: {  	[sflag:s22] =	ssyncadd.s32 s4;
	_ =	sdelay $0x1  }
0xa1: {  	s23 =	simm.s32 $0x1B8B  }
0xa2: {  	_ =	swait.ge [sflag:s23], $0x1  }
0xa3: {  	[sflag:s23] =	ssyncset.done $0x0  }
0xa4: {  	s25 =	simm.s32 $0x1B8E;
	s24 =	sld [smem:$0x3FFE];
	[sflag:s23] =	ssyncadd.s32 $0xFFFFFFFF  }
0xa5: {  	s26 =	simm.s32 $execute0_lowered;
	[smem:$0x3FD2] =	sst s25  }
0xa6: {  	s5 =	sshll.u32 s26, $0x1;
	_ =	strace $0x8000004F;
	[dreg:$0x1] =	wrdreg $0xFFFFFFFF  }
0xa7: {  	s28 =	simm.s32 $_size_execute0_lowered;
	s3 =	sadd.s32 s3, s5;
	[dreg:$0x0] =	wrdreg $0x0  }
0xa8: {  	s5 =	sshll.u32 s28, $0x1;
	[dreg:$0x2] =	wrdreg s3  }
0xa9: {  	[dreg:$0x3] =	wrdreg s5  }
0xaa: {  	[dreg:$0x4] =	wrdreg $0xC0  }
0xab: {  	_ =	task [dreg:s7], $0x5FFFF  }
0xac: {  	[dreg:$0x1] =	wrdreg $0xFFFFFFFF  }
0xad: {  	[dreg:$0x0] =	wrdreg $0x60  }
0xae: {  	[dreg:$0x2] =	wrdreg s24  }
0xaf: {  	[dreg:$0x3] =	wrdreg s2  }
0xb0: {  	[dreg:$0x4] =	wrdreg $0x150000  }
0xb1: {  	[dreg:$0x5] =	wrdreg $0x9  }
0xb2: {  	_ =	task.clear_ibuf [dreg:s7], $0x6FFFF;
	_ =	strace $0x9000004F  }
0xb3: {  	s29 =	simm.s32 $0x9;
	_ =	strace $0x80000051  }
0xb4: {  	_ =	swait.ge [sflag:s29], $0x1  }
0xb5: {  	[sflag:s29] =	ssyncadd.s32 $0xFFFFFFFF  }
0xb6: {  	_ =	strace $0x90000051  }
0xb7: {  	_ =	sfence  }
0xb8: {  	s30 =	sld [smem:$0x0];
	_ =	sdelay $0x2  }
0xb9: {  	s31 =	sshll.u32 s1, $0xD;
	s1 =	sshrl.u32 s1, $0x2  }
0xba: {  	s3 =	sand.u32 $0x4000, s31;
	s1 =	sadd.s32 s1, s30  }
0xbb: {  	s0 =	sor.u32 s3, s0;
	s1 =	sshll.u32 s1, $0x11  }
0xbc: {  	s0 =	sor.u32 s1, s0  }
0xbd: {  	s0 =	sadd.s32 $0x8F2B, s0  }
0xbe: {  	[sflag:s0] =	ssyncadd.remote.s32 $0x1  }
0xbf: {  	_ =	sfence.sel $0xFFFF  }
0xc0: {  	[dreg:$0x0] =	wrdreg $0xFFFFFFFF;
	(pc) =	sbr.abs _section_cstart, $3  }
0xc1: {  	[dreg:$0x1] =	wrdreg $0xFFFFFFFF  }
0xc2: {  	_ =	task.clear_ibuf [dreg:s7], $0x2FFFF;
	_ =	strace $0x9FFFFFFF  }
0xc3: {  	(tm) =	ssettm $0x7FFFFFFF  }
tec
execute0_lowered:
.L_overlay_start_1:
0x0: {  	(tag) =	ssettag $0x1  }
0x1: {  	s0 =	rddreg [dreg:$0x0]  }
0x2: {  	s1 =	rddreg [dreg:$0x1]  }
0x3: {  	s2 =	rddreg [dreg:$0x2];
	s3 =	simm.s32 $0x0  }
0x4: {  	s23 =	stileid.u32;
	s4 =	srdreg.scid;
	s15 =	simm.s32 $0x5  }
0x5: {  	s28 =	simm.s32 $0xD000;
	s29 =	simm.s32 $0xF000;
	s30 =	simm.s32 $0x11000  }
0x6: {  	s31 =	simm.s32 $0x13000;
	[smem:$0x7FF] =	sst s3;
	s5 =	smul.u32 $0x500, s23  }
0x7: {  	s6 =	sand.u32 $0x1, s4;
	s4 =	sadd.s32 $0xAFC00, s0;
	s9 =	smul.u32 $0x27000, s23  }
0x8: {  	s10 =	sadd.s32 $0x13400, s0;
	s13 =	smul.u32 $0x270, s23;
	s26 =	sshll.u32 s23, $0x6  }
0x9: {  	p0 =	seq.s32 s23, $0x0;
	p2 =	sne.s32 s23, $0xF;
	s7 =	smul.u32 $0x5000, s6  }
0xa: {  	_ =	strace $0x80000050;
	[dreg:$0x4] =	wrdreg s10;
	s11 =	smul.u32 $0x2710, s6  }
0xb: {  	s18 =	ssub.s32 $0x2, s6;
	s6 =	smul.u32 $0x138800, s6;
	s16 =	sor.u32 $0x1C05, s26  }
0xc: {  	p1 =	sne.s32 @!p0 s23, $0xF;
	s26 =	simm.s32 $0xB000;
	s23 =	simm.s32 $0x4  }
0xd: {  	s8 =	sadd.s32 s5, s0;
	s0 =	sadd.s32 $0xD6E00, s0;
	s12 =	sshrl.u32 s18, $0x1  }
0xe: {  	s21 =	sshrl.u32 s9, $0x2;
	s9 =	sadd.s32 $0x9C000, s2;
	p1 =	por p1, p0  }
0xf: {  	s14 =	ssub.s32 s18, s12;
	s5 =	sadd.s32 s5, s7;
	s19 =	sadd.s32 $0x3E00, s8  }
0x10: {  	s20 =	sadd.s32 s13, s11;
	s6 =	sshrl.u32 s6, $0x4;
	s7 =	sadd.s32 $0x9C400, s2  }
0x11: {  	[dreg:$0x5] =	wrdreg s19;
	s1 =	sadd.s32 s1, s5;
	s5 =	sadd.s32 s21, s2  }
0x12: {  	s6 =	sadd.s32 $0x13800, s6;
	s25 =	smax.u32 s14, $0x1;
	s18 =	sshrl.u32 @p0 s7, $0x3  }
0x13: {  	s19 =	sshrl.u32 @!p1 s9, $0x3;
	s21 =	simm.s32 $0x5000;
	[dreg:$0x6] =	wrdreg s1  }
0x14: {  	s1 =	sshll.u32 s20, $0x3;
	s24 =	sadd.s32 s4, s6;
	[dreg:$0xb] =	wrdreg s25  }
0x15: {  	s14 =	simm.s32 $0x2;
	s22 =	sadd.s32 s4, s1;
	[dreg:$0x8] =	wrdreg s24  }
0x16: {  	s17 =	sshrl.u32 s5, $0x3;
	s1 =	sadd.s32 s0, s1;
	[dreg:$0x7] =	wrdreg s22  }
0x17: {  	s20 =	simm.s32 $0x80;
	s0 =	sadd.s32 s0, s6;
	[dreg:$0x9] =	wrdreg s1  }
0x18: {  	s25 =	simm.s32 $0x0;
	s24 =	simm.s32 $0x9000;
	[dreg:$0xa] =	wrdreg s0  }
0x19: {  	s22 =	simm.s32 $0x7000;
	s0 =	simm.s32 $0x1;
	s1 =	simm.s32 $0x3  }
.LBB2_1:
0x1a: {  	s5 =	rddreg [dreg:$0x5];
	s6 =	simm.s32 $0x2800  }
0x1b: {  	[tilespmem:s6], [sflag:$0x5] =	stream.linear.gather [hbm4b:s5+s3], $0x2800, $0x38;
	[tilespmem:$0x1EE40] =	vst v63  }
0x1c: {  	_ =	swait.ge [sflag:s15], $0x2800  }
0x1d: {  	[sflag:s15] =	ssyncset.done $0x0  }
0x1e: {  	s12 =	rddreg [dreg:$0x6];
	[sflag:s15] =	ssyncadd.s32 $0xFFFFD800  }
0x1f: {  	[tilespmem:s3], [sflag:$0x5] =	stream.linear.gather [hbm4b:s12+s3], $0x2800, $0x38;
	[tilespmem:$0x1EE40] =	vst v63  }
0x20: {  	_ =	swait.ge [sflag:s15], $0x2800  }
0x21: {  	[sflag:s15] =	ssyncset.done $0x0  }
0x22: {  	s13 =	rddreg [dreg:$0x7];
	[sflag:s15] =	ssyncadd.s32 $0xFFFFD800  }
0x23: {  	[spmem:s17], [sflag:s16] =	dma.local [hbm:s13], $0x1380  }
0x24: {  	_ =	swait.ge [sflag:s15], $0x1380  }
0x25: {  	[sflag:s15] =	ssyncset.done $0x0  }
0x26: {  	s5 =	rddreg [dreg:$0x4];
	[sflag:s15] =	ssyncadd.s32 $0xFFFFEC80  }
0x27: {  	[spmem:s18], [sflag:s16] =	dma.local @p0 [hbm:s5], $0x400  }
0x28: {  	s5 =	simm.s32 @p0 $0x5  }
0x29: {  	_ =	swait.ge @p0 [sflag:s5], $0x400  }
0x2a: {  	[sflag:s5] =	ssyncset.done @p0 $0x0  }
0x2b: {  	[sflag:s5] =	ssyncadd.s32 @p0 $0xFFFFFC00;
	s5 =	rddreg [dreg:$0x8]  }
0x2c: {  	[spmem:s19], [sflag:s16] =	dma.local @!p1 [hbm:s5], $0x80  }
0x2d: {  	s5 =	simm.s32 @!p1 $0x5  }
0x2e: {  	_ =	swait.ge @!p1 [sflag:s5], $0x80  }
0x2f: {  	[sflag:s5] =	ssyncset.done @!p1 $0x0  }
0x30: {  	[sflag:s5] =	ssyncadd.s32 @!p1 $0xFFFFFF80  }
0x31: {  	[bflag:$0x0] =	sbarrier.arrive $0xFFFF  }
0x32: {  	[tilespmem:s21], [sflag:$0x1] =	stream.indirect.gather [hbm4b:s4+s20], $0x40, s3, s20, $0xb8;
	[tilespmem:$0x1EE40] =	vst v63  }
0x33: {  	_ = 	snop  }
0x34: {  	[tilespmem:s22], [sflag:$0x1] =	stream.indirect.gather [hbm4b:s4+s20], $0x40, s20, s20, $0xb8;
	[tilespmem:$0x1EE40] =	vst v63  }
0x35: {  	s6 =	simm.s32 $0x100  }
0x36: {  	[tilespmem:s24], [sflag:$0x1] =	stream.indirect.gather [hbm4b:s4+s20], $0x40, s6, s20, $0xb8;
	[tilespmem:$0x1EE40] =	vst v63  }
0x37: {  	s7 =	simm.s32 $0x180  }
0x38: {  	[tilespmem:s26], [sflag:$0x1] =	stream.indirect.gather [hbm4b:s4+s20], $0x40, s7, s20, $0xb8;
	[tilespmem:$0x1EE40] =	vst v63  }
0x39: {  	s8 =	simm.s32 $0x200  }
0x3a: {  	[tilespmem:s28], [sflag:$0x2] =	stream.indirect.gather [hbm4b:s4+s20], $0x40, s8, s20, $0xb8;
	[tilespmem:$0x1EE40] =	vst v63  }
0x3b: {  	s10 =	simm.s32 $0x280  }
0x3c: {  	[tilespmem:s29], [sflag:$0x2] =	stream.indirect.gather [hbm4b:s4+s20], $0x40, s10, s20, $0xb8;
	[tilespmem:$0x1EE40] =	vst v63  }
0x3d: {  	s11 =	simm.s32 $0x300  }
0x3e: {  	[tilespmem:s30], [sflag:$0x2] =	stream.indirect.gather [hbm4b:s4+s20], $0x40, s11, s20, $0xb8;
	[tilespmem:$0x1EE40] =	vst v63  }
0x3f: {  	s12 =	simm.s32 $0x380  }
0x40: {  	[tilespmem:s31], [sflag:$0x2] =	stream.indirect.gather [hbm4b:s4+s20], $0x40, s12, s20, $0xb8;
	[tilespmem:$0x1EE40] =	vst v63  }
0x41: {  	_ =	swait.ge [sflag:s0], $0x2000  }
0x42: {  	[sflag:s0] =	ssyncset.done $0x0  }
0x43: {  	[sflag:s0] =	ssyncadd.s32 $0xFFFFE000  }
0x44: {  	_ =	swait.ge [sflag:s0], $0x2000  }
0x45: {  	[sflag:s0] =	ssyncset.done $0x0  }
0x46: {  	[sflag:s0] =	ssyncadd.s32 $0xFFFFE000  }
0x47: {  	_ =	swait.ge [sflag:s0], $0x2000  }
0x48: {  	[sflag:s0] =	ssyncset.done $0x0  }
0x49: {  	[sflag:s0] =	ssyncadd.s32 $0xFFFFE000  }
0x4a: {  	_ =	swait.ge [sflag:s0], $0x2000  }
0x4b: {  	[sflag:s0] =	ssyncset.done $0x0  }
0x4c: {  	s13 =	simm.s32 $0x2800;
	[sflag:s0] =	ssyncadd.s32 $0xFFFFE000  }
0x4d: {  	[spmem:s2] =	stream.indirect.scatter.add.bf16 [tilespmem:s21], [sflag:$0x3], $0x40, s13, s20, $0xb8;
	[tilespmem:$0x1EE40] =	vst v63  }
0x4e: {  	s6 =	simm.s32 $0x2880  }
0x4f: {  	[spmem:s2] =	stream.indirect.scatter.add.bf16 [tilespmem:s22], [sflag:$0x3], $0x40, s6, s20, $0xb8;
	[tilespmem:$0x1EE40] =	vst v63  }
0x50: {  	s7 =	simm.s32 $0x2900  }
0x51: {  	[spmem:s2] =	stream.indirect.scatter.add.bf16 [tilespmem:s24], [sflag:$0x3], $0x40, s7, s20, $0xb8;
	[tilespmem:$0x1EE40] =	vst v63  }
0x52: {  	s8 =	simm.s32 $0x2980  }
0x53: {  	[spmem:s2] =	stream.indirect.scatter.add.bf16 [tilespmem:s26], [sflag:$0x3], $0x40, s8, s20, $0xb8;
	[tilespmem:$0x1EE40] =	vst v63  }
0x54: {  	_ =	swait.ge [sflag:s1], $0x2000  }
0x55: {  	[sflag:s1] =	ssyncset.done $0x0  }
0x56: {  	[sflag:s1] =	ssyncadd.s32 $0xFFFFE000  }
0x57: {  	_ =	swait.ge [sflag:s1], $0x2000  }
0x58: {  	[sflag:s1] =	ssyncset.done $0x0  }
0x59: {  	[sflag:s1] =	ssyncadd.s32 $0xFFFFE000  }
0x5a: {  	_ =	swait.ge [sflag:s1], $0x2000  }
0x5b: {  	[sflag:s1] =	ssyncset.done $0x0  }
0x5c: {  	[sflag:s1] =	ssyncadd.s32 $0xFFFFE000  }
0x5d: {  	p3 =	por $0x0, $0x0;
	_ =	swait.ge [sflag:s1], $0x2000  }
0x5e: {  	s5 =	simm.s32 @!p3 $0x5000;
	[sflag:s1] =	ssyncset.done $0x0  }
0x5f: {  	s6 =	simm.s32 @!p3 $0x400;
	s7 =	simm.s32 @!p3 $0x80;
	[sflag:s1] =	ssyncadd.s32 $0xFFFFE000  }
0x60: {  	[tilespmem:s5], [sflag:$0x1] =	stream.indirect.gather @!p3 [hbm4b:s4+s7], $0x40, s6, s7, $0xb8;
	[tilespmem:$0x1EE40] =	vst v63  }
0x61: {  	s5 =	simm.s32 @!p3 $0x480;
	s6 =	simm.s32 @!p3 $0x7000  }
0x62: {  	[tilespmem:s6], [sflag:$0x1] =	stream.indirect.gather @!p3 [hbm4b:s4+s7], $0x40, s5, s7, $0xb8;
	[tilespmem:$0x1EE40] =	vst v63  }
0x63: {  	s5 =	simm.s32 @!p3 $0x500;
	s6 =	simm.s32 @!p3 $0x9000  }
0x64: {  	[tilespmem:s6], [sflag:$0x1] =	stream.indirect.gather @!p3 [hbm4b:s4+s7], $0x40, s5, s7, $0xb8;
	[tilespmem:$0x1EE40] =	vst v63  }
0x65: {  	s5 =	simm.s32 @!p3 $0x580;
	s6 =	simm.s32 @!p3 $0xB000  }
0x66: {  	[tilespmem:s6], [sflag:$0x1] =	stream.indirect.gather @!p3 [hbm4b:s4+s7], $0x40, s5, s7, $0xb8;
	[tilespmem:$0x1EE40] =	vst v63  }
0x67: {  	_ =	swait.ge [sflag:s14], $0x2000  }
0x68: {  	[sflag:s14] =	ssyncset.done $0x0  }
0x69: {  	[sflag:s14] =	ssyncadd.s32 $0xFFFFE000  }
0x6a: {  	_ =	swait.ge [sflag:s14], $0x2000  }
0x6b: {  	[sflag:s14] =	ssyncset.done $0x0  }
0x6c: {  	[sflag:s14] =	ssyncadd.s32 $0xFFFFE000  }
0x6d: {  	_ =	swait.ge [sflag:s14], $0x2000  }
0x6e: {  	[sflag:s14] =	ssyncset.done $0x0  }
0x6f: {  	[sflag:s14] =	ssyncadd.s32 $0xFFFFE000  }
0x70: {  	_ =	swait.ge [sflag:s14], $0x2000  }
0x71: {  	[sflag:s14] =	ssyncset.done $0x0  }
0x72: {  	s10 =	simm.s32 $0x2A00;
	[sflag:s14] =	ssyncadd.s32 $0xFFFFE000  }
0x73: {  	[spmem:s2] =	stream.indirect.scatter.add.bf16 [tilespmem:s28], [sflag:$0x4], $0x40, s10, s20, $0xb8;
	[tilespmem:$0x1EE40] =	vst v63  }
0x74: {  	s11 =	simm.s32 $0x2A80  }
0x75: {  	[spmem:s2] =	stream.indirect.scatter.add.bf16 [tilespmem:s29], [sflag:$0x4], $0x40, s11, s20, $0xb8;
	[tilespmem:$0x1EE40] =	vst v63  }
0x76: {  	s12 =	simm.s32 $0x2B00  }
0x77: {  	[spmem:s2] =	stream.indirect.scatter.add.bf16 [tilespmem:s30], [sflag:$0x4], $0x40, s12, s20, $0xb8;
	[tilespmem:$0x1EE40] =	vst v63  }
0x78: {  	s13 =	simm.s32 $0x2B80  }
0x79: {  	[spmem:s2] =	stream.indirect.scatter.add.bf16 [tilespmem:s31], [sflag:$0x4], $0x40, s13, s20, $0xb8;
	[tilespmem:$0x1EE40] =	vst v63  }
0x7a: {  	_ =	swait.ge [sflag:s23], $0x2000  }
0x7b: {  	[sflag:s23] =	ssyncset.done $0x0  }
0x7c: {  	[sflag:s23] =	ssyncadd.s32 $0xFFFFE000  }
0x7d: {  	_ =	swait.ge [sflag:s23], $0x2000  }
0x7e: {  	[sflag:s23] =	ssyncset.done $0x0  }
0x7f: {  	[sflag:s23] =	ssyncadd.s32 $0xFFFFE000  }
0x80: {  	_ =	swait.ge [sflag:s23], $0x2000  }
0x81: {  	[sflag:s23] =	ssyncset.done $0x0  }
0x82: {  	[sflag:s23] =	ssyncadd.s32 $0xFFFFE000  }
0x83: {  	s6 =	simm.s32 $0x1000;
	_ =	swait.ge [sflag:s23], $0x2000  }
0x84: {  	s7 =	simm.s32 $0x2000;
	s5 =	simm.s32 $0x400;
	[sflag:s23] =	ssyncset.done $0x0  }
.LBB2_2:
0x85: {  	s10 =	sadd.s32 $0x200, s5  }
0x86: {  	[sflag:s23] =	ssyncadd.s32 $0xFFFFE000;
	s8 =	smov.u32 s7;
	s7 =	sadd.s32 $0x1000, s7  }
0x87: {  	[tilespmem:s28], [sflag:$0x2] =	stream.indirect.gather [hbm4b:s4+s20], $0x40, s10, s20, $0xb8;
	[tilespmem:$0x1EE40] =	vst v63  }
0x88: {  	p3 =	sne.s32 s7, $0xA000;
	s10 =	sadd.s32 $0x280, s5  }
0x89: {  	[tilespmem:s29], [sflag:$0x2] =	stream.indirect.gather [hbm4b:s4+s20], $0x40, s10, s20, $0xb8;
	[tilespmem:$0x1EE40] =	vst v63  }
0x8a: {  	s10 =	sadd.s32 $0x300, s5  }
0x8b: {  	[tilespmem:s30], [sflag:$0x2] =	stream.indirect.gather [hbm4b:s4+s20], $0x40, s10, s20, $0xb8;
	[tilespmem:$0x1EE40] =	vst v63  }
0x8c: {  	s10 =	sadd.s32 $0x380, s5  }
0x8d: {  	[tilespmem:s31], [sflag:$0x2] =	stream.indirect.gather [hbm4b:s4+s20], $0x40, s10, s20, $0xb8;
	[tilespmem:$0x1EE40] =	vst v63  }
0x8e: {  	_ =	swait.ge [sflag:s0], $0x2000  }
0x8f: {  	[sflag:s0] =	ssyncset.done $0x0  }
0x90: {  	[sflag:s0] =	ssyncadd.s32 $0xFFFFE000  }
0x91: {  	_ =	swait.ge [sflag:s0], $0x2000  }
0x92: {  	[sflag:s0] =	ssyncset.done $0x0  }
0x93: {  	[sflag:s0] =	ssyncadd.s32 $0xFFFFE000  }
0x94: {  	_ =	swait.ge [sflag:s0], $0x2000  }
0x95: {  	[sflag:s0] =	ssyncset.done $0x0  }
0x96: {  	[sflag:s0] =	ssyncadd.s32 $0xFFFFE000  }
0x97: {  	_ =	swait.ge [sflag:s0], $0x2000  }
0x98: {  	[sflag:s0] =	ssyncset.done $0x0  }
0x99: {  	s10 =	sadd.s32 $0x2800, s5;
	[sflag:s0] =	ssyncadd.s32 $0xFFFFE000  }
0x9a: {  	[spmem:s2] =	stream.indirect.scatter.add.bf16 [tilespmem:s21], [sflag:$0x3], $0x40, s10, s20, $0xb8;
	[tilespmem:$0x1EE40] =	vst v63  }
0x9b: {  	s10 =	sadd.s32 $0x2880, s5  }
0x9c: {  	[spmem:s2] =	stream.indirect.scatter.add.bf16 [tilespmem:s22], [sflag:$0x3], $0x40, s10, s20, $0xb8;
	[tilespmem:$0x1EE40] =	vst v63  }
0x9d: {  	s10 =	sadd.s32 $0x2900, s5  }
0x9e: {  	[spmem:s2] =	stream.indirect.scatter.add.bf16 [tilespmem:s24], [sflag:$0x3], $0x40, s10, s20, $0xb8;
	[tilespmem:$0x1EE40] =	vst v63  }
0x9f: {  	s10 =	sadd.s32 $0x2980, s5  }
0xa0: {  	[spmem:s2] =	stream.indirect.scatter.add.bf16 [tilespmem:s26], [sflag:$0x3], $0x40, s10, s20, $0xb8;
	[tilespmem:$0x1EE40] =	vst v63  }
0xa1: {  	_ =	swait.ge [sflag:s1], $0x2000  }
0xa2: {  	[sflag:s1] =	ssyncset.done $0x0  }
0xa3: {  	[sflag:s1] =	ssyncadd.s32 $0xFFFFE000  }
0xa4: {  	_ =	swait.ge [sflag:s1], $0x2000  }
0xa5: {  	[sflag:s1] =	ssyncset.done $0x0  }
0xa6: {  	[sflag:s1] =	ssyncadd.s32 $0xFFFFE000  }
0xa7: {  	_ =	swait.ge [sflag:s1], $0x2000  }
0xa8: {  	[sflag:s1] =	ssyncset.done $0x0  }
0xa9: {  	[sflag:s1] =	ssyncadd.s32 $0xFFFFE000  }
0xaa: {  	p4 =	seq.s32 s6, $0x9000;
	_ =	swait.ge [sflag:s1], $0x2000  }
0xab: {  	s6 =	sshra.s32 @!p4 s6, $0x2;
	s10 =	simm.s32 @!p4 $0x5000;
	[sflag:s1] =	ssyncset.done $0x0  }
0xac: {  	s12 =	simm.s32 @!p4 $0x80;
	s11 =	sadd.s32 @!p4 $0x400, s6;
	[sflag:s1] =	ssyncadd.s32 $0xFFFFE000  }
0xad: {  	[tilespmem:s10], [sflag:$0x1] =	stream.indirect.gather @!p4 [hbm4b:s4+s12], $0x40, s11, s12, $0xb8;
	[tilespmem:$0x1EE40] =	vst v63  }
0xae: {  	s13 =	sadd.s32 @!p4 $0x500, s6;
	s10 =	sadd.s32 @!p4 $0x480, s6;
	s11 =	simm.s32 @!p4 $0x7000  }
0xaf: {  	[tilespmem:s11], [sflag:$0x1] =	stream.indirect.gather @!p4 [hbm4b:s4+s12], $0x40, s10, s12, $0xb8;
	[tilespmem:$0x1EE40] =	vst v63  }
0xb0: {  	s10 =	simm.s32 @!p4 $0x9000;
	s11 =	sadd.s32 @!p4 $0x580, s6;
	s6 =	smov.u32 s8  }
0xb1: {  	[tilespmem:s10], [sflag:$0x1] =	stream.indirect.gather @!p4 [hbm4b:s4+s12], $0x40, s13, s12, $0xb8;
	[tilespmem:$0x1EE40] =	vst v63  }
0xb2: {  	s8 =	simm.s32 @!p4 $0xB000  }
0xb3: {  	[tilespmem:s8], [sflag:$0x1] =	stream.indirect.gather @!p4 [hbm4b:s4+s12], $0x40, s11, s12, $0xb8;
	[tilespmem:$0x1EE40] =	vst v63  }
0xb4: {  	_ =	swait.ge [sflag:s14], $0x2000  }
0xb5: {  	[sflag:s14] =	ssyncset.done $0x0  }
0xb6: {  	[sflag:s14] =	ssyncadd.s32 $0xFFFFE000  }
0xb7: {  	_ =	swait.ge [sflag:s14], $0x2000  }
0xb8: {  	[sflag:s14] =	ssyncset.done $0x0  }
0xb9: {  	[sflag:s14] =	ssyncadd.s32 $0xFFFFE000  }
0xba: {  	_ =	swait.ge [sflag:s14], $0x2000  }
0xbb: {  	[sflag:s14] =	ssyncset.done $0x0  }
0xbc: {  	[sflag:s14] =	ssyncadd.s32 $0xFFFFE000  }
0xbd: {  	_ =	swait.ge [sflag:s14], $0x2000  }
0xbe: {  	[sflag:s14] =	ssyncset.done $0x0  }
0xbf: {  	s8 =	sadd.s32 $0x2A00, s5;
	[sflag:s14] =	ssyncadd.s32 $0xFFFFE000  }
0xc0: {  	[spmem:s2] =	stream.indirect.scatter.add.bf16 [tilespmem:s28], [sflag:$0x4], $0x40, s8, s20, $0xb8;
	[tilespmem:$0x1EE40] =	vst v63  }
0xc1: {  	s8 =	sadd.s32 $0x2A80, s5  }
0xc2: {  	[spmem:s2] =	stream.indirect.scatter.add.bf16 [tilespmem:s29], [sflag:$0x4], $0x40, s8, s20, $0xb8;
	[tilespmem:$0x1EE40] =	vst v63  }
0xc3: {  	s8 =	sadd.s32 $0x2B00, s5  }
0xc4: {  	[spmem:s2] =	stream.indirect.scatter.add.bf16 [tilespmem:s30], [sflag:$0x4], $0x40, s8, s20, $0xb8;
	[tilespmem:$0x1EE40] =	vst v63  }
0xc5: {  	s5 =	sadd.s32 $0x2B80, s5  }
0xc6: {  	[spmem:s2] =	stream.indirect.scatter.add.bf16 [tilespmem:s31], [sflag:$0x4], $0x40, s5, s20, $0xb8;
	[tilespmem:$0x1EE40] =	vst v63  }
0xc7: {  	_ =	swait.ge [sflag:s23], $0x2000  }
0xc8: {  	[sflag:s23] =	ssyncset.done $0x0  }
0xc9: {  	[sflag:s23] =	ssyncadd.s32 $0xFFFFE000  }
0xca: {  	_ =	swait.ge [sflag:s23], $0x2000  }
0xcb: {  	[sflag:s23] =	ssyncset.done $0x0  }
0xcc: {  	[sflag:s23] =	ssyncadd.s32 $0xFFFFE000  }
.Ltmp0:
0xcd: {  	_ =	swait.ge [sflag:s23], $0x2000;
	(pc) =	sbr.rel @p3 .LBB2_2-.Ltmp0, $4  }
0xce: {  	[sflag:s23] =	ssyncset.done $0x0  }
0xcf: {  	[sflag:s23] =	ssyncadd.s32 $0xFFFFE000  }
0xd0: {  	_ =	swait.ge [sflag:s23], $0x2000  }
0xd1: {  	s5 =	sshra.s32 s6, $0x2;
	[sflag:s23] =	ssyncset.done $0x0  }
0xd2: {  	s7 =	sadd.s32 $0x200, s5;
	[sflag:s23] =	ssyncadd.s32 $0xFFFFE000  }
0xd3: {  	[tilespmem:s28], [sflag:$0x2] =	stream.indirect.gather [hbm4b:s4+s20], $0x40, s7, s20, $0xb8;
	[tilespmem:$0x1EE40] =	vst v63  }
0xd4: {  	s12 =	sadd.s32 $0x280, s5  }
0xd5: {  	[tilespmem:s29], [sflag:$0x2] =	stream.indirect.gather [hbm4b:s4+s20], $0x40, s12, s20, $0xb8;
	[tilespmem:$0x1EE40] =	vst v63  }
0xd6: {  	s13 =	sadd.s32 $0x300, s5  }
0xd7: {  	[tilespmem:s30], [sflag:$0x2] =	stream.indirect.gather [hbm4b:s4+s20], $0x40, s13, s20, $0xb8;
	[tilespmem:$0x1EE40] =	vst v63  }
0xd8: {  	s8 =	sadd.s32 $0x380, s5  }
0xd9: {  	[tilespmem:s31], [sflag:$0x2] =	stream.indirect.gather [hbm4b:s4+s20], $0x40, s8, s20, $0xb8;
	[tilespmem:$0x1EE40] =	vst v63  }
0xda: {  	_ =	swait.ge [sflag:s0], $0x2000  }
0xdb: {  	[sflag:s0] =	ssyncset.done $0x0  }
0xdc: {  	[sflag:s0] =	ssyncadd.s32 $0xFFFFE000  }
0xdd: {  	_ =	swait.ge [sflag:s0], $0x2000  }
0xde: {  	[sflag:s0] =	ssyncset.done $0x0  }
0xdf: {  	[sflag:s0] =	ssyncadd.s32 $0xFFFFE000  }
0xe0: {  	_ =	swait.ge [sflag:s0], $0x2000  }
0xe1: {  	[sflag:s0] =	ssyncset.done $0x0  }
0xe2: {  	[sflag:s0] =	ssyncadd.s32 $0xFFFFE000  }
0xe3: {  	_ =	swait.ge [sflag:s0], $0x2000  }
0xe4: {  	[sflag:s0] =	ssyncset.done $0x0  }
0xe5: {  	s10 =	sadd.s32 $0x2800, s5;
	[sflag:s0] =	ssyncadd.s32 $0xFFFFE000  }
0xe6: {  	[spmem:s2] =	stream.indirect.scatter.add.bf16 [tilespmem:s21], [sflag:$0x3], $0x40, s10, s20, $0xb8;
	[tilespmem:$0x1EE40] =	vst v63  }
0xe7: {  	s11 =	sadd.s32 $0x2880, s5  }
0xe8: {  	[spmem:s2] =	stream.indirect.scatter.add.bf16 [tilespmem:s22], [sflag:$0x3], $0x40, s11, s20, $0xb8;
	[tilespmem:$0x1EE40] =	vst v63  }
0xe9: {  	s12 =	sadd.s32 $0x2900, s5  }
0xea: {  	[spmem:s2] =	stream.indirect.scatter.add.bf16 [tilespmem:s24], [sflag:$0x3], $0x40, s12, s20, $0xb8;
	[tilespmem:$0x1EE40] =	vst v63  }
0xeb: {  	s13 =	sadd.s32 $0x2980, s5  }
0xec: {  	[spmem:s2] =	stream.indirect.scatter.add.bf16 [tilespmem:s26], [sflag:$0x3], $0x40, s13, s20, $0xb8;
	[tilespmem:$0x1EE40] =	vst v63  }
0xed: {  	_ =	swait.ge [sflag:s1], $0x2000  }
0xee: {  	[sflag:s1] =	ssyncset.done $0x0  }
0xef: {  	[sflag:s1] =	ssyncadd.s32 $0xFFFFE000  }
0xf0: {  	_ =	swait.ge [sflag:s1], $0x2000  }
0xf1: {  	[sflag:s1] =	ssyncset.done $0x0  }
0xf2: {  	[sflag:s1] =	ssyncadd.s32 $0xFFFFE000  }
0xf3: {  	_ =	swait.ge [sflag:s1], $0x2000  }
0xf4: {  	[sflag:s1] =	ssyncset.done $0x0  }
0xf5: {  	[sflag:s1] =	ssyncadd.s32 $0xFFFFE000  }
0xf6: {  	p3 =	seq.s32 s6, $0x9000;
	_ =	swait.ge [sflag:s1], $0x2000  }
0xf7: {  	s6 =	sshra.s32 @!p3 s6, $0x2;
	s7 =	simm.s32 @!p3 $0x5000;
	[sflag:s1] =	ssyncset.done $0x0  }
0xf8: {  	s8 =	sadd.s32 @!p3 $0x400, s6;
	s10 =	simm.s32 @!p3 $0x80;
	[sflag:s1] =	ssyncadd.s32 $0xFFFFE000  }
0xf9: {  	[tilespmem:s7], [sflag:$0x1] =	stream.indirect.gather @!p3 [hbm4b:s4+s10], $0x40, s8, s10, $0xb8;
	[tilespmem:$0x1EE40] =	vst v63  }
0xfa: {  	s7 =	sadd.s32 @!p3 $0x480, s6;
	s8 =	simm.s32 @!p3 $0x7000  }
0xfb: {  	[tilespmem:s8], [sflag:$0x1] =	stream.indirect.gather @!p3 [hbm4b:s4+s10], $0x40, s7, s10, $0xb8;
	[tilespmem:$0x1EE40] =	vst v63  }
0xfc: {  	s7 =	sadd.s32 @!p3 $0x500, s6;
	s8 =	simm.s32 @!p3 $0x9000  }
0xfd: {  	[tilespmem:s8], [sflag:$0x1] =	stream.indirect.gather @!p3 [hbm4b:s4+s10], $0x40, s7, s10, $0xb8;
	[tilespmem:$0x1EE40] =	vst v63  }
0xfe: {  	s6 =	sadd.s32 @!p3 $0x580, s6;
	s7 =	simm.s32 @!p3 $0xB000  }
0xff: {  	[tilespmem:s7], [sflag:$0x1] =	stream.indirect.gather @!p3 [hbm4b:s4+s10], $0x40, s6, s10, $0xb8;
	[tilespmem:$0x1EE40] =	vst v63  }
0x100: {  	_ =	swait.ge [sflag:s14], $0x2000  }
0x101: {  	[sflag:s14] =	ssyncset.done $0x0  }
0x102: {  	[sflag:s14] =	ssyncadd.s32 $0xFFFFE000  }
0x103: {  	_ =	swait.ge [sflag:s14], $0x2000  }
0x104: {  	[sflag:s14] =	ssyncset.done $0x0  }
0x105: {  	[sflag:s14] =	ssyncadd.s32 $0xFFFFE000  }
0x106: {  	_ =	swait.ge [sflag:s14], $0x2000  }
0x107: {  	[sflag:s14] =	ssyncset.done $0x0  }
0x108: {  	[sflag:s14] =	ssyncadd.s32 $0xFFFFE000  }
0x109: {  	_ =	swait.ge [sflag:s14], $0x2000  }
0x10a: {  	[sflag:s14] =	ssyncset.done $0x0  }
0x10b: {  	s7 =	sadd.s32 $0x2A00, s5;
	[sflag:s14] =	ssyncadd.s32 $0xFFFFE000  }
0x10c: {  	[spmem:s2] =	stream.indirect.scatter.add.bf16 [tilespmem:s28], [sflag:$0x4], $0x40, s7, s20, $0xb8;
	[tilespmem:$0x1EE40] =	vst v63  }
0x10d: {  	s8 =	sadd.s32 $0x2A80, s5  }
0x10e: {  	[spmem:s2] =	stream.indirect.scatter.add.bf16 [tilespmem:s29], [sflag:$0x4], $0x40, s8, s20, $0xb8;
	[tilespmem:$0x1EE40] =	vst v63  }
0x10f: {  	s10 =	sadd.s32 $0x2B00, s5  }
0x110: {  	[spmem:s2] =	stream.indirect.scatter.add.bf16 [tilespmem:s30], [sflag:$0x4], $0x40, s10, s20, $0xb8;
	[tilespmem:$0x1EE40] =	vst v63  }
0x111: {  	s11 =	sadd.s32 $0x2B80, s5  }
0x112: {  	[spmem:s2] =	stream.indirect.scatter.add.bf16 [tilespmem:s31], [sflag:$0x4], $0x40, s11, s20, $0xb8;
	[tilespmem:$0x1EE40] =	vst v63  }
0x113: {  	_ =	swait.ge [sflag:s23], $0x2000  }
0x114: {  	[sflag:s23] =	ssyncset.done $0x0  }
0x115: {  	[sflag:s23] =	ssyncadd.s32 $0xFFFFE000  }
0x116: {  	_ =	swait.ge [sflag:s23], $0x2000  }
0x117: {  	[sflag:s23] =	ssyncset.done $0x0  }
0x118: {  	[sflag:s23] =	ssyncadd.s32 $0xFFFFE000  }
0x119: {  	_ =	swait.ge [sflag:s23], $0x2000  }
0x11a: {  	[sflag:s23] =	ssyncset.done $0x0  }
0x11b: {  	[sflag:s23] =	ssyncadd.s32 $0xFFFFE000  }
0x11c: {  	_ =	swait.ge [sflag:s23], $0x2000  }
0x11d: {  	[sflag:s23] =	ssyncset.done $0x0  }
0x11e: {  	[sflag:s23] =	ssyncadd.s32 $0xFFFFE000  }
0x11f: {  	[bflag:$0x0] =	sbarrier.arrive $0xFFFF  }
0x120: {  	s12 =	rddreg [dreg:$0x9]  }
0x121: {  	[hbm:s12], [sflag:s16] =	dma.local [spmem:s17], $0x1380  }
0x122: {  	_ =	swait.ge [sflag:s15], $0x1380  }
0x123: {  	[sflag:s15] =	ssyncset.done $0x0  }
0x124: {  	s5 =	sshrl.u32 @!p2 s9, $0x3;
	s6 =	rddreg [dreg:$0xa];
	[sflag:s15] =	ssyncadd.s32 $0xFFFFEC80  }
0x125: {  	[hbm:s6], [sflag:s16] =	dma.local @!p2 [spmem:s5], $0x80  }
0x126: {  	s5 =	simm.s32 @!p2 $0x5  }
0x127: {  	_ =	swait.ge @!p2 [sflag:s5], $0x80  }
0x128: {  	s25 =	sadd.s32 $0x1, s25;
	s13 =	rddreg [dreg:$0xb]  }
0x129: {  	p3 =	sne.s32 s25, s13  }
.Ltmp1:
0x12a: {  	_ = 	snop;
	(pc) =	sbr.rel @p3 .LBB2_1-.Ltmp1, $3  }
0x12b: {  	_ =	sdelay $0x1  }
0x12c: {  	[sflag:s5] =	ssyncset.done @!p2 $0x0  }
0x12d: {  	[sflag:s5] =	ssyncadd.s32 @!p2 $0xFFFFFF80  }
0x12e: {  	_ =	sfence.sel $0x180000  }
0x12f: {  	[bflag:$0x0] =	sbarrier.arrive $0xFFFF  }
0x130: {  	_ =	strace $0x90000050  }
0x131: {  	s0 =	stileid.u32;
	[bflag:$0x2] =	sbarrier.arrive $0xFFFF  }
0x132: {  	p0 =	sne.s32 s0, $0x0;
	s0 =	rddreg [dreg:$0x3]  }
0x133: {  	s0 =	sadd.s32 @!p0 $0x100000, s0  }
0x134: {  	[sflag:s0] =	ssyncadd.tile.s32 @!p0 $0x1;
	_ =	shalt  }
.Lfunc_end2:
_tile_overlayer_lowered:
.L_overlay_start_2:
0x135: {  	(tag) =	ssettag $0x2  }
0x136: {  	s0 =	rddreg [dreg:$0x0];
	s2 =	stileid.u32  }
0x137: {  	s1 =	rddreg [dreg:$0x1];
	p0 =	sne.s32 s2, $0x0  }
0x138: {  	s3 =	rddreg [dreg:$0x2];
	[bflag:$0x3] =	sbarrier.arrive $0xFFFF;
	s2 =	simm.s32 @!p0 $0x1C05  }
0x139: {  	[timem:s3], [sflag:s2] =	dma.local @!p0 [hbm:s0], s1  }
0x13a: {  	s0 =	simm.s32 @!p0 $0x5  }
0x13b: {  	_ =	swait.ge @!p0 [sflag:s0], s1  }
0x13c: {  	s1 =	ssub.s32 @!p0 $0x0, s1;
	[sflag:s0] =	ssyncset.done @!p0 $0x0  }
0x13d: {  	[sflag:s0] =	ssyncadd.s32 @!p0 s1  }
0x13e: {  	[bflag:$0x3] =	sbarrier.arrive $0xFFFF  }
0x13f: {  	_ =	shalt  }

// kernel: kernel.24.cloned.1.call-start
scs
__scs_entry_jumppad:
0x0: {  	(pc) =	sbr.rel $0x88, $3  }
0x1: {  	(tag) =	ssettag $0x0;
	lr =	simm.s32 $0x1  }
0x2: {  	[smem:$0x3F94] =	sst lr;
	_ =	strace $0xD0000000  }
0x3: {  	_ = 	snop  }
0x4: {  	_ = 	snop  }
0x5: {  	_ = 	snop  }
0x6: {  	_ = 	snop  }
0x7: {  	_ = 	snop  }
__scs_overlays_trampoline_lowered:
0x8: {  	[smem:$0x3FA3] =	sst s0  }
0x9: {  	[smem:$0x3FA4] =	sst s1  }
0xa: {  	[smem:$0x3FA5] =	sst s2  }
0xb: {  	[smem:$0x3FA6] =	sst s3  }
0xc: {  	[smem:$0x3FA7] =	sst s4  }
0xd: {  	[smem:$0x3FA8] =	sst s5  }
0xe: {  	[smem:$0x3FA9] =	sst s6  }
0xf: {  	[smem:$0x3FAA] =	sst s7  }
0x10: {  	[smem:$0x3FAB] =	sst s8  }
0x11: {  	[smem:$0x3FAC] =	sst s9;
	s0 =	simm.s32 @!p0 $0x0  }
0x12: {  	s1 =	sld [smem:$0x3F92];
	s0 =	simm.s32 @p0 $0x1  }
0x13: {  	[smem:$0x3FAD] =	sst s0;
	s0 =	simm.s32 @!p1 $0x0  }
0x14: {  	s2 =	sld [smem:$0x3F91];
	s0 =	simm.s32 @p1 $0x1  }
0x15: {  	[smem:$0x3FAE] =	sst s0;
	s0 =	simm.s32 @!p2 $0x0  }
0x16: {  	s3 =	sld [smem:$0x3FDB];
	s0 =	simm.s32 @p2 $0x1  }
0x17: {  	s4 =	simm.s32 $0x1BF5;
	[smem:$0x3FB0] =	sst s0  }
0x18: {  	s0 =	sld [smem:$0x3F93];
	_ =	swait.ge [sflag:s4], $0x0  }
0x19: {  	s7 =	sld [smem:$0x3F94]  }
0x1a: {  	s8 =	sadd.s32 $0xFFFFE003, lr  }
0x1b: {  	s9 =	sadd.s32 $0xFFFFFEF7, lr;
	s5 =	simm.s32 $0xFFFFFFFF;
	p2 =	slt.u32 s8, $0xFFFFF086  }
0x1c: {  	p1 =	slt.u32 s9, $0xF7A;
	s5 =	simm.s32 @!p2 $0x0  }
0x1d: {  	s5 =	simm.s32 @p1 $0x1;
	p0 =	seq.s32 s7, s2  }
0x1e: {  	s7 =	smul.u32 @!p0 $0xF7A, s2;
	p2 =	seq.s32 @!p0 s5, $0x0  }
0x1f: {  	s9 =	smul.u32 $0xF7A, s1;
	s8 =	simm.s32 @!p0 $0x1BF5;
	p2 =	por !p2, p0  }
0x20: {  	[sflag:s8] =	ssyncset.s32 @!p0 $0xFFFFF086;
	s6 =	sadd.s32 @!p0 s3, s7;
	s7 =	simm.s32 @!p0 $0x108  }
0x21: {  	s3 =	sadd.s32 s3, s9;
	s6 =	sadd.s32 @!p0 $0x88, s6;
	s7 =	simm.s32 @p2 $0x1082  }
0x22: {  	[simem:s7], [sflag:s8] =	dma.local @!p0 [hbm:s6], $0xF7A  }
0x23: {  	s9 =	sor.u32 $0xD0000000, s2;
	s6 =	simm.s32 $0x108;
	_ =	swait.ge @!p0 [sflag:s8], $0x0  }
0x24: {  	s3 =	sadd.s32 $0x88, s3;
	s6 =	simm.s32 @!p1 $0x1082;
	[sflag:s4] =	ssyncset.s32 $0xFFFFF086  }
0x25: {  	[simem:s6], [sflag:s4] =	dma.local [hbm:s3], $0xF7A  }
0x26: {  	[smem:$0x3F94] =	sst s1;
	(tag) =	ssettag s2;
	_ =	strace s9  }
0x27: {  	s1 =	sld [smem:$0x3FA4]  }
0x28: {  	s2 =	sld [smem:$0x3FA5]  }
0x29: {  	s4 =	sld [smem:$0x3FA7]  }
0x2a: {  	p0 =	seq.s32 s5, $0x0;
	s5 =	sld [smem:$0x3FA8]  }
0x2b: {  	s6 =	sld [smem:$0x3FA9]  }
0x2c: {  	s7 =	sld [smem:$0x3FAA]  }
0x2d: {  	s3 =	simm.s32 $0x108;
	s8 =	sld [smem:$0x3FAB]  }
0x2e: {  	s3 =	simm.s32 @!p0 $0x1082;
	s9 =	sld [smem:$0x3FAC]  }
0x2f: {  	lr =	sadd.s32 s0, s3;
	s0 =	sld [smem:$0x3FA3]  }
0x30: {  	s3 =	sld [smem:$0x3FA6]  }
0x31: {  	[smem:$0x3FAF] =	sst s10  }
0x32: {  	s10 =	sld [smem:$0x3FAD];
	_ =	sdelay $0x3  }
0x33: {  	p0 =	seq.s32 s10, $0x1;
	s10 =	sld [smem:$0x3FAF];
	_ =	sdelay $0x3  }
0x34: {  	[smem:$0x3FAF] =	sst s10  }
0x35: {  	s10 =	sld [smem:$0x3FAE];
	_ =	sdelay $0x3  }
0x36: {  	p1 =	seq.s32 s10, $0x1;
	s10 =	sld [smem:$0x3FAF];
	_ =	sdelay $0x3  }
0x37: {  	[smem:$0x3FAF] =	sst s10  }
0x38: {  	s10 =	sld [smem:$0x3FB0]  }
0x39: {  	_ = 	snop;
	(pc) =	sbr.ind lr, $3  }
0x3a: {  	_ = 	snop  }
0x3b: {  	_ = 	snop  }
0x3c: {  	p2 =	seq.s32 s10, $0x1;
	s10 =	sld [smem:$0x3FAF]  }
0x3d: {  	_ =	shalt  }
0x3e: {  	_ =	shalt  }
0x3f: {  	_ =	shalt  }
0x40: {  	_ =	shalt  }
0x41: {  	_ =	shalt  }
0x42: {  	_ =	shalt  }
0x43: {  	_ =	shalt  }
0x44: {  	_ =	shalt  }
0x45: {  	_ =	shalt  }
0x46: {  	_ =	shalt  }
0x47: {  	_ =	shalt  }
0x48: {  	_ =	shalt  }
0x49: {  	_ =	shalt  }
0x4a: {  	_ =	shalt  }
0x4b: {  	_ =	shalt  }
0x4c: {  	_ =	shalt  }
0x4d: {  	_ =	shalt  }
0x4e: {  	_ =	shalt  }
0x4f: {  	_ =	shalt  }
0x50: {  	_ =	shalt  }
0x51: {  	_ =	shalt  }
0x52: {  	_ =	shalt  }
0x53: {  	_ =	shalt  }
0x54: {  	_ =	shalt  }
0x55: {  	_ =	shalt  }
0x56: {  	_ =	shalt  }
0x57: {  	_ =	shalt  }
0x58: {  	_ =	shalt  }
0x59: {  	_ =	shalt  }
0x5a: {  	_ =	shalt  }
0x5b: {  	_ =	shalt  }
0x5c: {  	_ =	shalt  }
0x5d: {  	_ =	shalt  }
0x5e: {  	_ =	shalt  }
0x5f: {  	_ =	shalt  }
0x60: {  	_ =	shalt  }
0x61: {  	_ =	shalt  }
0x62: {  	_ =	shalt  }
0x63: {  	_ =	shalt  }
0x64: {  	_ =	shalt  }
0x65: {  	_ =	shalt  }
0x66: {  	_ =	shalt  }
0x67: {  	_ =	shalt  }
0x68: {  	_ =	shalt  }
0x69: {  	_ =	shalt  }
0x6a: {  	_ =	shalt  }
0x6b: {  	_ =	shalt  }
0x6c: {  	_ =	shalt  }
0x6d: {  	_ =	shalt  }
0x6e: {  	_ =	shalt  }
0x6f: {  	_ =	shalt  }
0x70: {  	_ =	shalt  }
0x71: {  	_ =	shalt  }
0x72: {  	_ =	shalt  }
0x73: {  	_ =	shalt  }
0x74: {  	_ =	shalt  }
0x75: {  	_ =	shalt  }
0x76: {  	_ =	shalt  }
0x77: {  	_ =	shalt  }
0x78: {  	_ =	shalt  }
0x79: {  	_ =	shalt  }
0x7a: {  	_ =	shalt  }
0x7b: {  	_ =	shalt  }
0x7c: {  	_ =	shalt  }
0x7d: {  	_ =	shalt  }
0x7e: {  	_ =	shalt  }
0x7f: {  	_ =	shalt  }
0x80: {  	_ =	shalt  }
0x81: {  	_ =	shalt  }
0x82: {  	_ =	shalt  }
0x83: {  	_ =	shalt  }
0x84: {  	_ =	shalt  }
0x85: {  	_ =	shalt  }
0x86: {  	_ =	shalt  }
0x87: {  	_ =	shalt  }
.Lfunc_end0:
.L_simem_size_0:
called_computation.4_lowered:
.L_overlay_start_0:
0x88: {  	s2 =	sld [smem:$0x3FD9]  }
0x89: {  	s3 =	sld [smem:$0x3FFE];
	_ =	sdelay $0x1  }
0x8a: {  	s1 =	srdreg.scid  }
0x8b: {  	s0 =	sand.u32 $0x1, s1  }
0x8c: {  	s17 =	sshll.u32 s0, $0xA;
	s2 =	sadd.s32 s3, s2  }
0x8d: {  	s2 =	sadd.s32 s2, s17  }
0x8e: {  	[smem:$0x3FBB] =	sst s2  }
0x8f: {  	_ = 	snop  }
0x90: {  	s2 =	sld [smem:$0x3FD0];
	(tm) =	ssettm $0x1  }
0x91: {  	s18 =	sld [smem:$0x3FFB];
	_ =	sdelay $0x3  }
0x92: {  	_ =	strace s18  }
0x93: {  	s3 =	sld [smem:$0x3FFC];
	_ =	sdelay $0x3  }
0x94: {  	_ =	strace s3  }
0x95: {  	s3 =	sld [smem:$0x3FFD];
	_ =	sdelay $0x3  }
0x96: {  	_ =	strace s3  }
0x97: {  	_ =	strace $0x8FFFFFFF  }
0x98: {  	s19 =	sld [smem:$0x3FDB];
	_ =	sdelay $0x1  }
0x99: {  	s4 =	simm.s32 $_scs_section_size  }
0x9a: {  	s5 =	simm.s32 $_size__tile_overlayer_lowered;
	s6 =	simm.s32 $_tile_overlayer_lowered  }
0x9b: {  	s22 =	simm.s32 $0x1BFF;
	s21 =	sshll.u32 s6, $0x1;
	s3 =	sadd.s32 s4, s19  }
0x9c: {  	s7 =	simm.s32 $0x0;
	s20 =	sshll.u32 s5, $0x1;
	s5 =	sadd.s32 s21, s3  }
0x9d: {  	[timem:s7], [sflag:s22] =	dma.local [hbm:s5], s20  }
0x9e: {  	_ =	swait.ge [sflag:s22], s20  }
0x9f: {  	s4 =	ssub.s32 $0x0, s20;
	[sflag:s22] =	ssyncset.done $0x0  }
0xa0: {  	[sflag:s22] =	ssyncadd.s32 s4;
	_ =	sdelay $0x1  }
0xa1: {  	s23 =	simm.s32 $0x1B8B  }
0xa2: {  	_ =	swait.ge [sflag:s23], $0x1  }
0xa3: {  	[sflag:s23] =	ssyncset.done $0x0  }
0xa4: {  	s25 =	simm.s32 $0x1B8E;
	s24 =	sld [smem:$0x3FFE];
	[sflag:s23] =	ssyncadd.s32 $0xFFFFFFFF  }
0xa5: {  	s26 =	simm.s32 $execute0_lowered;
	[smem:$0x3FD2] =	sst s25  }
0xa6: {  	s5 =	sshll.u32 s26, $0x1;
	_ =	strace $0x80000052;
	[dreg:$0x1] =	wrdreg $0xFFFFFFFF  }
0xa7: {  	s28 =	simm.s32 $_size_execute0_lowered;
	s3 =	sadd.s32 s3, s5;
	[dreg:$0x0] =	wrdreg $0x0  }
0xa8: {  	s5 =	sshll.u32 s28, $0x1;
	[dreg:$0x2] =	wrdreg s3  }
0xa9: {  	[dreg:$0x3] =	wrdreg s5  }
0xaa: {  	[dreg:$0x4] =	wrdreg $0xC0  }
0xab: {  	_ =	task [dreg:s7], $0x5FFFF  }
0xac: {  	[dreg:$0x1] =	wrdreg $0xFFFFFFFF  }
0xad: {  	[dreg:$0x0] =	wrdreg $0x60  }
0xae: {  	[dreg:$0x2] =	wrdreg s24  }
0xaf: {  	[dreg:$0x3] =	wrdreg s2  }
0xb0: {  	[dreg:$0x4] =	wrdreg $0x150000  }
0xb1: {  	[dreg:$0x5] =	wrdreg $0x9  }
0xb2: {  	_ =	task.clear_ibuf [dreg:s7], $0x6FFFF;
	_ =	strace $0x90000052  }
0xb3: {  	s29 =	simm.s32 $0x9;
	_ =	strace $0x80000054  }
0xb4: {  	_ =	swait.ge [sflag:s29], $0x1  }
0xb5: {  	[sflag:s29] =	ssyncadd.s32 $0xFFFFFFFF  }
0xb6: {  	_ =	strace $0x90000054  }
0xb7: {  	_ =	sfence  }
0xb8: {  	s30 =	sld [smem:$0x0];
	_ =	sdelay $0x2  }
0xb9: {  	s31 =	sshll.u32 s1, $0xD;
	s1 =	sshrl.u32 s1, $0x2  }
0xba: {  	s3 =	sand.u32 $0x4000, s31;
	s1 =	sadd.s32 s1, s30  }
0xbb: {  	s0 =	sor.u32 s3, s0;
	s1 =	sshll.u32 s1, $0x11  }
0xbc: {  	s0 =	sor.u32 s1, s0  }
0xbd: {  	s0 =	sadd.s32 $0x8F2B, s0  }
0xbe: {  	[sflag:s0] =	ssyncadd.remote.s32 $0x1  }
0xbf: {  	_ =	sfence.sel $0xFFFF  }
0xc0: {  	[dreg:$0x0] =	wrdreg $0xFFFFFFFF;
	(pc) =	sbr.abs _section_cstart, $3  }
0xc1: {  	[dreg:$0x1] =	wrdreg $0xFFFFFFFF  }
0xc2: {  	_ =	task.clear_ibuf [dreg:s7], $0x2FFFF;
	_ =	strace $0x9FFFFFFF  }
0xc3: {  	(tm) =	ssettm $0x7FFFFFFF  }
tec
execute0_lowered:
.L_overlay_start_1:
0x0: {  	(tag) =	ssettag $0x1  }
0x1: {  	s0 =	rddreg [dreg:$0x0]  }
0x2: {  	s1 =	rddreg [dreg:$0x1]  }
0x3: {  	s2 =	rddreg [dreg:$0x2];
	s3 =	simm.s32 $0x0  }
0x4: {  	s23 =	stileid.u32;
	s4 =	srdreg.scid;
	s15 =	simm.s32 $0x5  }
0x5: {  	s28 =	simm.s32 $0xD000;
	s29 =	simm.s32 $0xF000;
	s30 =	simm.s32 $0x11000  }
0x6: {  	s31 =	simm.s32 $0x13000;
	[smem:$0x7FF] =	sst s3;
	s5 =	smul.u32 $0x500, s23  }
0x7: {  	s6 =	sand.u32 $0x1, s4;
	s4 =	sadd.s32 $0xAFC00, s0;
	s9 =	smul.u32 $0x27000, s23  }
0x8: {  	s10 =	sadd.s32 $0x13400, s0;
	s13 =	smul.u32 $0x270, s23;
	s26 =	sshll.u32 s23, $0x6  }
0x9: {  	p0 =	seq.s32 s23, $0x0;
	p2 =	sne.s32 s23, $0xF;
	s7 =	smul.u32 $0x5000, s6  }
0xa: {  	_ =	strace $0x80000053;
	[dreg:$0x4] =	wrdreg s10;
	s11 =	smul.u32 $0x2710, s6  }
0xb: {  	s18 =	ssub.s32 $0x2, s6;
	s6 =	smul.u32 $0x138800, s6;
	s16 =	sor.u32 $0x1C05, s26  }
0xc: {  	p1 =	sne.s32 @!p0 s23, $0xF;
	s26 =	simm.s32 $0xB000;
	s23 =	simm.s32 $0x4  }
0xd: {  	s8 =	sadd.s32 s5, s0;
	s0 =	sadd.s32 $0xD6E00, s0;
	s12 =	sshrl.u32 s18, $0x1  }
0xe: {  	s21 =	sshrl.u32 s9, $0x2;
	s9 =	sadd.s32 $0x9C000, s2;
	p1 =	por p1, p0  }
0xf: {  	s14 =	ssub.s32 s18, s12;
	s5 =	sadd.s32 s5, s7;
	s19 =	sadd.s32 $0x3E00, s8  }
0x10: {  	s20 =	sadd.s32 s13, s11;
	s6 =	sshrl.u32 s6, $0x4;
	s7 =	sadd.s32 $0x9C400, s2  }
0x11: {  	[dreg:$0x5] =	wrdreg s19;
	s1 =	sadd.s32 s1, s5;
	s5 =	sadd.s32 s21, s2  }
0x12: {  	s6 =	sadd.s32 $0x13800, s6;
	s25 =	smax.u32 s14, $0x1;
	s18 =	sshrl.u32 @p0 s7, $0x3  }
0x13: {  	s19 =	sshrl.u32 @!p1 s9, $0x3;
	s21 =	simm.s32 $0x5000;
	[dreg:$0x6] =	wrdreg s1  }
0x14: {  	s1 =	sshll.u32 s20, $0x3;
	s24 =	sadd.s32 s4, s6;
	[dreg:$0xb] =	wrdreg s25  }
0x15: {  	s14 =	simm.s32 $0x2;
	s22 =	sadd.s32 s4, s1;
	[dreg:$0x8] =	wrdreg s24  }
0x16: {  	s17 =	sshrl.u32 s5, $0x3;
	s1 =	sadd.s32 s0, s1;
	[dreg:$0x7] =	wrdreg s22  }
0x17: {  	s20 =	simm.s32 $0x80;
	s0 =	sadd.s32 s0, s6;
	[dreg:$0x9] =	wrdreg s1  }
0x18: {  	s25 =	simm.s32 $0x0;
	s24 =	simm.s32 $0x9000;
	[dreg:$0xa] =	wrdreg s0  }
0x19: {  	s22 =	simm.s32 $0x7000;
	s0 =	simm.s32 $0x1;
	s1 =	simm.s32 $0x3  }
.LBB2_1:
0x1a: {  	s5 =	rddreg [dreg:$0x5];
	s6 =	simm.s32 $0x2800  }
0x1b: {  	[tilespmem:s6], [sflag:$0x5] =	stream.linear.gather [hbm4b:s5+s3], $0x2800, $0x38;
	[tilespmem:$0x1EE40] =	vst v63  }
0x1c: {  	_ =	swait.ge [sflag:s15], $0x2800  }
0x1d: {  	[sflag:s15] =	ssyncset.done $0x0  }
0x1e: {  	s12 =	rddreg [dreg:$0x6];
	[sflag:s15] =	ssyncadd.s32 $0xFFFFD800  }
0x1f: {  	[tilespmem:s3], [sflag:$0x5] =	stream.linear.gather [hbm4b:s12+s3], $0x2800, $0x38;
	[tilespmem:$0x1EE40] =	vst v63  }
0x20: {  	_ =	swait.ge [sflag:s15], $0x2800  }
0x21: {  	[sflag:s15] =	ssyncset.done $0x0  }
0x22: {  	s13 =	rddreg [dreg:$0x7];
	[sflag:s15] =	ssyncadd.s32 $0xFFFFD800  }
0x23: {  	[spmem:s17], [sflag:s16] =	dma.local [hbm:s13], $0x1380  }
0x24: {  	_ =	swait.ge [sflag:s15], $0x1380  }
0x25: {  	[sflag:s15] =	ssyncset.done $0x0  }
0x26: {  	s5 =	rddreg [dreg:$0x4];
	[sflag:s15] =	ssyncadd.s32 $0xFFFFEC80  }
0x27: {  	[spmem:s18], [sflag:s16] =	dma.local @p0 [hbm:s5], $0x400  }
0x28: {  	s5 =	simm.s32 @p0 $0x5  }
0x29: {  	_ =	swait.ge @p0 [sflag:s5], $0x400  }
0x2a: {  	[sflag:s5] =	ssyncset.done @p0 $0x0  }
0x2b: {  	[sflag:s5] =	ssyncadd.s32 @p0 $0xFFFFFC00;
	s5 =	rddreg [dreg:$0x8]  }
0x2c: {  	[spmem:s19], [sflag:s16] =	dma.local @!p1 [hbm:s5], $0x80  }
0x2d: {  	s5 =	simm.s32 @!p1 $0x5  }
0x2e: {  	_ =	swait.ge @!p1 [sflag:s5], $0x80  }
0x2f: {  	[sflag:s5] =	ssyncset.done @!p1 $0x0  }
0x30: {  	[sflag:s5] =	ssyncadd.s32 @!p1 $0xFFFFFF80  }
0x31: {  	[bflag:$0x0] =	sbarrier.arrive $0xFFFF  }
0x32: {  	[tilespmem:s21], [sflag:$0x1] =	stream.indirect.gather [hbm4b:s4+s20], $0x40, s3, s20, $0xb8;
	[tilespmem:$0x1EE40] =	vst v63  }
0x33: {  	_ = 	snop  }
0x34: {  	[tilespmem:s22], [sflag:$0x1] =	stream.indirect.gather [hbm4b:s4+s20], $0x40, s20, s20, $0xb8;
	[tilespmem:$0x1EE40] =	vst v63  }
0x35: {  	s6 =	simm.s32 $0x100  }
0x36: {  	[tilespmem:s24], [sflag:$0x1] =	stream.indirect.gather [hbm4b:s4+s20], $0x40, s6, s20, $0xb8;
	[tilespmem:$0x1EE40] =	vst v63  }
0x37: {  	s7 =	simm.s32 $0x180  }
0x38: {  	[tilespmem:s26], [sflag:$0x1] =	stream.indirect.gather [hbm4b:s4+s20], $0x40, s7, s20, $0xb8;
	[tilespmem:$0x1EE40] =	vst v63  }
0x39: {  	s8 =	simm.s32 $0x200  }
0x3a: {  	[tilespmem:s28], [sflag:$0x2] =	stream.indirect.gather [hbm4b:s4+s20], $0x40, s8, s20, $0xb8;
	[tilespmem:$0x1EE40] =	vst v63  }
0x3b: {  	s10 =	simm.s32 $0x280  }
0x3c: {  	[tilespmem:s29], [sflag:$0x2] =	stream.indirect.gather [hbm4b:s4+s20], $0x40, s10, s20, $0xb8;
	[tilespmem:$0x1EE40] =	vst v63  }
0x3d: {  	s11 =	simm.s32 $0x300  }
0x3e: {  	[tilespmem:s30], [sflag:$0x2] =	stream.indirect.gather [hbm4b:s4+s20], $0x40, s11, s20, $0xb8;
	[tilespmem:$0x1EE40] =	vst v63  }
0x3f: {  	s12 =	simm.s32 $0x380  }
0x40: {  	[tilespmem:s31], [sflag:$0x2] =	stream.indirect.gather [hbm4b:s4+s20], $0x40, s12, s20, $0xb8;
	[tilespmem:$0x1EE40] =	vst v63  }
0x41: {  	_ =	swait.ge [sflag:s0], $0x2000  }
0x42: {  	[sflag:s0] =	ssyncset.done $0x0  }
0x43: {  	[sflag:s0] =	ssyncadd.s32 $0xFFFFE000  }
0x44: {  	_ =	swait.ge [sflag:s0], $0x2000  }
0x45: {  	[sflag:s0] =	ssyncset.done $0x0  }
0x46: {  	[sflag:s0] =	ssyncadd.s32 $0xFFFFE000  }
0x47: {  	_ =	swait.ge [sflag:s0], $0x2000  }
0x48: {  	[sflag:s0] =	ssyncset.done $0x0  }
0x49: {  	[sflag:s0] =	ssyncadd.s32 $0xFFFFE000  }
0x4a: {  	_ =	swait.ge [sflag:s0], $0x2000  }
0x4b: {  	[sflag:s0] =	ssyncset.done $0x0  }
0x4c: {  	s13 =	simm.s32 $0x2800;
	[sflag:s0] =	ssyncadd.s32 $0xFFFFE000  }
0x4d: {  	[spmem:s2] =	stream.indirect.scatter.add.bf16 [tilespmem:s21], [sflag:$0x3], $0x40, s13, s20, $0xb8;
	[tilespmem:$0x1EE40] =	vst v63  }
0x4e: {  	s6 =	simm.s32 $0x2880  }
0x4f: {  	[spmem:s2] =	stream.indirect.scatter.add.bf16 [tilespmem:s22], [sflag:$0x3], $0x40, s6, s20, $0xb8;
	[tilespmem:$0x1EE40] =	vst v63  }
0x50: {  	s7 =	simm.s32 $0x2900  }
0x51: {  	[spmem:s2] =	stream.indirect.scatter.add.bf16 [tilespmem:s24], [sflag:$0x3], $0x40, s7, s20, $0xb8;
	[tilespmem:$0x1EE40] =	vst v63  }
0x52: {  	s8 =	simm.s32 $0x2980  }
0x53: {  	[spmem:s2] =	stream.indirect.scatter.add.bf16 [tilespmem:s26], [sflag:$0x3], $0x40, s8, s20, $0xb8;
	[tilespmem:$0x1EE40] =	vst v63  }
0x54: {  	_ =	swait.ge [sflag:s1], $0x2000  }
0x55: {  	[sflag:s1] =	ssyncset.done $0x0  }
0x56: {  	[sflag:s1] =	ssyncadd.s32 $0xFFFFE000  }
0x57: {  	_ =	swait.ge [sflag:s1], $0x2000  }
0x58: {  	[sflag:s1] =	ssyncset.done $0x0  }
0x59: {  	[sflag:s1] =	ssyncadd.s32 $0xFFFFE000  }
0x5a: {  	_ =	swait.ge [sflag:s1], $0x2000  }
0x5b: {  	[sflag:s1] =	ssyncset.done $0x0  }
0x5c: {  	[sflag:s1] =	ssyncadd.s32 $0xFFFFE000  }
0x5d: {  	p3 =	por $0x0, $0x0;
	_ =	swait.ge [sflag:s1], $0x2000  }
0x5e: {  	s5 =	simm.s32 @!p3 $0x5000;
	[sflag:s1] =	ssyncset.done $0x0  }
0x5f: {  	s6 =	simm.s32 @!p3 $0x400;
	s7 =	simm.s32 @!p3 $0x80;
	[sflag:s1] =	ssyncadd.s32 $0xFFFFE000  }
0x60: {  	[tilespmem:s5], [sflag:$0x1] =	stream.indirect.gather @!p3 [hbm4b:s4+s7], $0x40, s6, s7, $0xb8;
	[tilespmem:$0x1EE40] =	vst v63  }
0x61: {  	s5 =	simm.s32 @!p3 $0x480;
	s6 =	simm.s32 @!p3 $0x7000  }
0x62: {  	[tilespmem:s6], [sflag:$0x1] =	stream.indirect.gather @!p3 [hbm4b:s4+s7], $0x40, s5, s7, $0xb8;
	[tilespmem:$0x1EE40] =	vst v63  }
0x63: {  	s5 =	simm.s32 @!p3 $0x500;
	s6 =	simm.s32 @!p3 $0x9000  }
0x64: {  	[tilespmem:s6], [sflag:$0x1] =	stream.indirect.gather @!p3 [hbm4b:s4+s7], $0x40, s5, s7, $0xb8;
	[tilespmem:$0x1EE40] =	vst v63  }
0x65: {  	s5 =	simm.s32 @!p3 $0x580;
	s6 =	simm.s32 @!p3 $0xB000  }
0x66: {  	[tilespmem:s6], [sflag:$0x1] =	stream.indirect.gather @!p3 [hbm4b:s4+s7], $0x40, s5, s7, $0xb8;
	[tilespmem:$0x1EE40] =	vst v63  }
0x67: {  	_ =	swait.ge [sflag:s14], $0x2000  }
0x68: {  	[sflag:s14] =	ssyncset.done $0x0  }
0x69: {  	[sflag:s14] =	ssyncadd.s32 $0xFFFFE000  }
0x6a: {  	_ =	swait.ge [sflag:s14], $0x2000  }
0x6b: {  	[sflag:s14] =	ssyncset.done $0x0  }
0x6c: {  	[sflag:s14] =	ssyncadd.s32 $0xFFFFE000  }
0x6d: {  	_ =	swait.ge [sflag:s14], $0x2000  }
0x6e: {  	[sflag:s14] =	ssyncset.done $0x0  }
0x6f: {  	[sflag:s14] =	ssyncadd.s32 $0xFFFFE000  }
0x70: {  	_ =	swait.ge [sflag:s14], $0x2000  }
0x71: {  	[sflag:s14] =	ssyncset.done $0x0  }
0x72: {  	s10 =	simm.s32 $0x2A00;
	[sflag:s14] =	ssyncadd.s32 $0xFFFFE000  }
0x73: {  	[spmem:s2] =	stream.indirect.scatter.add.bf16 [tilespmem:s28], [sflag:$0x4], $0x40, s10, s20, $0xb8;
	[tilespmem:$0x1EE40] =	vst v63  }
0x74: {  	s11 =	simm.s32 $0x2A80  }
0x75: {  	[spmem:s2] =	stream.indirect.scatter.add.bf16 [tilespmem:s29], [sflag:$0x4], $0x40, s11, s20, $0xb8;
	[tilespmem:$0x1EE40] =	vst v63  }
0x76: {  	s12 =	simm.s32 $0x2B00  }
0x77: {  	[spmem:s2] =	stream.indirect.scatter.add.bf16 [tilespmem:s30], [sflag:$0x4], $0x40, s12, s20, $0xb8;
	[tilespmem:$0x1EE40] =	vst v63  }
0x78: {  	s13 =	simm.s32 $0x2B80  }
0x79: {  	[spmem:s2] =	stream.indirect.scatter.add.bf16 [tilespmem:s31], [sflag:$0x4], $0x40, s13, s20, $0xb8;
	[tilespmem:$0x1EE40] =	vst v63  }
0x7a: {  	_ =	swait.ge [sflag:s23], $0x2000  }
0x7b: {  	[sflag:s23] =	ssyncset.done $0x0  }
0x7c: {  	[sflag:s23] =	ssyncadd.s32 $0xFFFFE000  }
0x7d: {  	_ =	swait.ge [sflag:s23], $0x2000  }
0x7e: {  	[sflag:s23] =	ssyncset.done $0x0  }
0x7f: {  	[sflag:s23] =	ssyncadd.s32 $0xFFFFE000  }
0x80: {  	_ =	swait.ge [sflag:s23], $0x2000  }
0x81: {  	[sflag:s23] =	ssyncset.done $0x0  }
0x82: {  	[sflag:s23] =	ssyncadd.s32 $0xFFFFE000  }
0x83: {  	s6 =	simm.s32 $0x1000;
	_ =	swait.ge [sflag:s23], $0x2000  }
0x84: {  	s7 =	simm.s32 $0x2000;
	s5 =	simm.s32 $0x400;
	[sflag:s23] =	ssyncset.done $0x0  }
.LBB2_2:
0x85: {  	s10 =	sadd.s32 $0x200, s5  }
0x86: {  	[sflag:s23] =	ssyncadd.s32 $0xFFFFE000;
	s8 =	smov.u32 s7;
	s7 =	sadd.s32 $0x1000, s7  }
0x87: {  	[tilespmem:s28], [sflag:$0x2] =	stream.indirect.gather [hbm4b:s4+s20], $0x40, s10, s20, $0xb8;
	[tilespmem:$0x1EE40] =	vst v63  }
0x88: {  	p3 =	sne.s32 s7, $0xA000;
	s10 =	sadd.s32 $0x280, s5  }
0x89: {  	[tilespmem:s29], [sflag:$0x2] =	stream.indirect.gather [hbm4b:s4+s20], $0x40, s10, s20, $0xb8;
	[tilespmem:$0x1EE40] =	vst v63  }
0x8a: {  	s10 =	sadd.s32 $0x300, s5  }
0x8b: {  	[tilespmem:s30], [sflag:$0x2] =	stream.indirect.gather [hbm4b:s4+s20], $0x40, s10, s20, $0xb8;
	[tilespmem:$0x1EE40] =	vst v63  }
0x8c: {  	s10 =	sadd.s32 $0x380, s5  }
0x8d: {  	[tilespmem:s31], [sflag:$0x2] =	stream.indirect.gather [hbm4b:s4+s20], $0x40, s10, s20, $0xb8;
	[tilespmem:$0x1EE40] =	vst v63  }
0x8e: {  	_ =	swait.ge [sflag:s0], $0x2000  }
0x8f: {  	[sflag:s0] =	ssyncset.done $0x0  }
0x90: {  	[sflag:s0] =	ssyncadd.s32 $0xFFFFE000  }
0x91: {  	_ =	swait.ge [sflag:s0], $0x2000  }
0x92: {  	[sflag:s0] =	ssyncset.done $0x0  }
0x93: {  	[sflag:s0] =	ssyncadd.s32 $0xFFFFE000  }
0x94: {  	_ =	swait.ge [sflag:s0], $0x2000  }
0x95: {  	[sflag:s0] =	ssyncset.done $0x0  }
0x96: {  	[sflag:s0] =	ssyncadd.s32 $0xFFFFE000  }
0x97: {  	_ =	swait.ge [sflag:s0], $0x2000  }
0x98: {  	[sflag:s0] =	ssyncset.done $0x0  }
0x99: {  	s10 =	sadd.s32 $0x2800, s5;
	[sflag:s0] =	ssyncadd.s32 $0xFFFFE000  }
0x9a: {  	[spmem:s2] =	stream.indirect.scatter.add.bf16 [tilespmem:s21], [sflag:$0x3], $0x40, s10, s20, $0xb8;
	[tilespmem:$0x1EE40] =	vst v63  }
0x9b: {  	s10 =	sadd.s32 $0x2880, s5  }
0x9c: {  	[spmem:s2] =	stream.indirect.scatter.add.bf16 [tilespmem:s22], [sflag:$0x3], $0x40, s10, s20, $0xb8;
	[tilespmem:$0x1EE40] =	vst v63  }
0x9d: {  	s10 =	sadd.s32 $0x2900, s5  }
0x9e: {  	[spmem:s2] =	stream.indirect.scatter.add.bf16 [tilespmem:s24], [sflag:$0x3], $0x40, s10, s20, $0xb8;
	[tilespmem:$0x1EE40] =	vst v63  }
0x9f: {  	s10 =	sadd.s32 $0x2980, s5  }
0xa0: {  	[spmem:s2] =	stream.indirect.scatter.add.bf16 [tilespmem:s26], [sflag:$0x3], $0x40, s10, s20, $0xb8;
	[tilespmem:$0x1EE40] =	vst v63  }
0xa1: {  	_ =	swait.ge [sflag:s1], $0x2000  }
0xa2: {  	[sflag:s1] =	ssyncset.done $0x0  }
0xa3: {  	[sflag:s1] =	ssyncadd.s32 $0xFFFFE000  }
0xa4: {  	_ =	swait.ge [sflag:s1], $0x2000  }
0xa5: {  	[sflag:s1] =	ssyncset.done $0x0  }
0xa6: {  	[sflag:s1] =	ssyncadd.s32 $0xFFFFE000  }
0xa7: {  	_ =	swait.ge [sflag:s1], $0x2000  }
0xa8: {  	[sflag:s1] =	ssyncset.done $0x0  }
0xa9: {  	[sflag:s1] =	ssyncadd.s32 $0xFFFFE000  }
0xaa: {  	p4 =	seq.s32 s6, $0x9000;
	_ =	swait.ge [sflag:s1], $0x2000  }
0xab: {  	s6 =	sshra.s32 @!p4 s6, $0x2;
	s10 =	simm.s32 @!p4 $0x5000;
	[sflag:s1] =	ssyncset.done $0x0  }
0xac: {  	s12 =	simm.s32 @!p4 $0x80;
	s11 =	sadd.s32 @!p4 $0x400, s6;
	[sflag:s1] =	ssyncadd.s32 $0xFFFFE000  }
0xad: {  	[tilespmem:s10], [sflag:$0x1] =	stream.indirect.gather @!p4 [hbm4b:s4+s12], $0x40, s11, s12, $0xb8;
	[tilespmem:$0x1EE40] =	vst v63  }
0xae: {  	s13 =	sadd.s32 @!p4 $0x500, s6;
	s10 =	sadd.s32 @!p4 $0x480, s6;
	s11 =	simm.s32 @!p4 $0x7000  }
0xaf: {  	[tilespmem:s11], [sflag:$0x1] =	stream.indirect.gather @!p4 [hbm4b:s4+s12], $0x40, s10, s12, $0xb8;
	[tilespmem:$0x1EE40] =	vst v63  }
0xb0: {  	s10 =	simm.s32 @!p4 $0x9000;
	s11 =	sadd.s32 @!p4 $0x580, s6;
	s6 =	smov.u32 s8  }
0xb1: {  	[tilespmem:s10], [sflag:$0x1] =	stream.indirect.gather @!p4 [hbm4b:s4+s12], $0x40, s13, s12, $0xb8;
	[tilespmem:$0x1EE40] =	vst v63  }
0xb2: {  	s8 =	simm.s32 @!p4 $0xB000  }
0xb3: {  	[tilespmem:s8], [sflag:$0x1] =	stream.indirect.gather @!p4 [hbm4b:s4+s12], $0x40, s11, s12, $0xb8;
	[tilespmem:$0x1EE40] =	vst v63  }
0xb4: {  	_ =	swait.ge [sflag:s14], $0x2000  }
0xb5: {  	[sflag:s14] =	ssyncset.done $0x0  }
0xb6: {  	[sflag:s14] =	ssyncadd.s32 $0xFFFFE000  }
0xb7: {  	_ =	swait.ge [sflag:s14], $0x2000  }
0xb8: {  	[sflag:s14] =	ssyncset.done $0x0  }
0xb9: {  	[sflag:s14] =	ssyncadd.s32 $0xFFFFE000  }
0xba: {  	_ =	swait.ge [sflag:s14], $0x2000  }
0xbb: {  	[sflag:s14] =	ssyncset.done $0x0  }
0xbc: {  	[sflag:s14] =	ssyncadd.s32 $0xFFFFE000  }
0xbd: {  	_ =	swait.ge [sflag:s14], $0x2000  }
0xbe: {  	[sflag:s14] =	ssyncset.done $0x0  }
0xbf: {  	s8 =	sadd.s32 $0x2A00, s5;
	[sflag:s14] =	ssyncadd.s32 $0xFFFFE000  }
0xc0: {  	[spmem:s2] =	stream.indirect.scatter.add.bf16 [tilespmem:s28], [sflag:$0x4], $0x40, s8, s20, $0xb8;
	[tilespmem:$0x1EE40] =	vst v63  }
0xc1: {  	s8 =	sadd.s32 $0x2A80, s5  }
0xc2: {  	[spmem:s2] =	stream.indirect.scatter.add.bf16 [tilespmem:s29], [sflag:$0x4], $0x40, s8, s20, $0xb8;
	[tilespmem:$0x1EE40] =	vst v63  }
0xc3: {  	s8 =	sadd.s32 $0x2B00, s5  }
0xc4: {  	[spmem:s2] =	stream.indirect.scatter.add.bf16 [tilespmem:s30], [sflag:$0x4], $0x40, s8, s20, $0xb8;
	[tilespmem:$0x1EE40] =	vst v63  }
0xc5: {  	s5 =	sadd.s32 $0x2B80, s5  }
0xc6: {  	[spmem:s2] =	stream.indirect.scatter.add.bf16 [tilespmem:s31], [sflag:$0x4], $0x40, s5, s20, $0xb8;
	[tilespmem:$0x1EE40] =	vst v63  }
0xc7: {  	_ =	swait.ge [sflag:s23], $0x2000  }
0xc8: {  	[sflag:s23] =	ssyncset.done $0x0  }
0xc9: {  	[sflag:s23] =	ssyncadd.s32 $0xFFFFE000  }
0xca: {  	_ =	swait.ge [sflag:s23], $0x2000  }
0xcb: {  	[sflag:s23] =	ssyncset.done $0x0  }
0xcc: {  	[sflag:s23] =	ssyncadd.s32 $0xFFFFE000  }
.Ltmp0:
0xcd: {  	_ =	swait.ge [sflag:s23], $0x2000;
	(pc) =	sbr.rel @p3 .LBB2_2-.Ltmp0, $4  }
0xce: {  	[sflag:s23] =	ssyncset.done $0x0  }
0xcf: {  	[sflag:s23] =	ssyncadd.s32 $0xFFFFE000  }
0xd0: {  	_ =	swait.ge [sflag:s23], $0x2000  }
0xd1: {  	s5 =	sshra.s32 s6, $0x2;
	[sflag:s23] =	ssyncset.done $0x0  }
0xd2: {  	s7 =	sadd.s32 $0x200, s5;
	[sflag:s23] =	ssyncadd.s32 $0xFFFFE000  }
0xd3: {  	[tilespmem:s28], [sflag:$0x2] =	stream.indirect.gather [hbm4b:s4+s20], $0x40, s7, s20, $0xb8;
	[tilespmem:$0x1EE40] =	vst v63  }
0xd4: {  	s12 =	sadd.s32 $0x280, s5  }
0xd5: {  	[tilespmem:s29], [sflag:$0x2] =	stream.indirect.gather [hbm4b:s4+s20], $0x40, s12, s20, $0xb8;
	[tilespmem:$0x1EE40] =	vst v63  }
0xd6: {  	s13 =	sadd.s32 $0x300, s5  }
0xd7: {  	[tilespmem:s30], [sflag:$0x2] =	stream.indirect.gather [hbm4b:s4+s20], $0x40, s13, s20, $0xb8;
	[tilespmem:$0x1EE40] =	vst v63  }
0xd8: {  	s8 =	sadd.s32 $0x380, s5  }
0xd9: {  	[tilespmem:s31], [sflag:$0x2] =	stream.indirect.gather [hbm4b:s4+s20], $0x40, s8, s20, $0xb8;
	[tilespmem:$0x1EE40] =	vst v63  }
0xda: {  	_ =	swait.ge [sflag:s0], $0x2000  }
0xdb: {  	[sflag:s0] =	ssyncset.done $0x0  }
0xdc: {  	[sflag:s0] =	ssyncadd.s32 $0xFFFFE000  }
0xdd: {  	_ =	swait.ge [sflag:s0], $0x2000  }
0xde: {  	[sflag:s0] =	ssyncset.done $0x0  }
0xdf: {  	[sflag:s0] =	ssyncadd.s32 $0xFFFFE000  }
0xe0: {  	_ =	swait.ge [sflag:s0], $0x2000  }
0xe1: {  	[sflag:s0] =	ssyncset.done $0x0  }
0xe2: {  	[sflag:s0] =	ssyncadd.s32 $0xFFFFE000  }
0xe3: {  	_ =	swait.ge [sflag:s0], $0x2000  }
0xe4: {  	[sflag:s0] =	ssyncset.done $0x0  }
0xe5: {  	s10 =	sadd.s32 $0x2800, s5;
	[sflag:s0] =	ssyncadd.s32 $0xFFFFE000  }
0xe6: {  	[spmem:s2] =	stream.indirect.scatter.add.bf16 [tilespmem:s21], [sflag:$0x3], $0x40, s10, s20, $0xb8;
	[tilespmem:$0x1EE40] =	vst v63  }
0xe7: {  	s11 =	sadd.s32 $0x2880, s5  }
0xe8: {  	[spmem:s2] =	stream.indirect.scatter.add.bf16 [tilespmem:s22], [sflag:$0x3], $0x40, s11, s20, $0xb8;
	[tilespmem:$0x1EE40] =	vst v63  }
0xe9: {  	s12 =	sadd.s32 $0x2900, s5  }
0xea: {  	[spmem:s2] =	stream.indirect.scatter.add.bf16 [tilespmem:s24], [sflag:$0x3], $0x40, s12, s20, $0xb8;
	[tilespmem:$0x1EE40] =	vst v63  }
0xeb: {  	s13 =	sadd.s32 $0x2980, s5  }
0xec: {  	[spmem:s2] =	stream.indirect.scatter.add.bf16 [tilespmem:s26], [sflag:$0x3], $0x40, s13, s20, $0xb8;
	[tilespmem:$0x1EE40] =	vst v63  }
0xed: {  	_ =	swait.ge [sflag:s1], $0x2000  }
0xee: {  	[sflag:s1] =	ssyncset.done $0x0  }
0xef: {  	[sflag:s1] =	ssyncadd.s32 $0xFFFFE000  }
0xf0: {  	_ =	swait.ge [sflag:s1], $0x2000  }
0xf1: {  	[sflag:s1] =	ssyncset.done $0x0  }
0xf2: {  	[sflag:s1] =	ssyncadd.s32 $0xFFFFE000  }
0xf3: {  	_ =	swait.ge [sflag:s1], $0x2000  }
0xf4: {  	[sflag:s1] =	ssyncset.done $0x0  }
0xf5: {  	[sflag:s1] =	ssyncadd.s32 $0xFFFFE000  }
0xf6: {  	p3 =	seq.s32 s6, $0x9000;
	_ =	swait.ge [sflag:s1], $0x2000  }
0xf7: {  	s6 =	sshra.s32 @!p3 s6, $0x2;
	s7 =	simm.s32 @!p3 $0x5000;
	[sflag:s1] =	ssyncset.done $0x0  }
0xf8: {  	s8 =	sadd.s32 @!p3 $0x400, s6;
	s10 =	simm.s32 @!p3 $0x80;
	[sflag:s1] =	ssyncadd.s32 $0xFFFFE000  }
0xf9: {  	[tilespmem:s7], [sflag:$0x1] =	stream.indirect.gather @!p3 [hbm4b:s4+s10], $0x40, s8, s10, $0xb8;
	[tilespmem:$0x1EE40] =	vst v63  }
0xfa: {  	s7 =	sadd.s32 @!p3 $0x480, s6;
	s8 =	simm.s32 @!p3 $0x7000  }
0xfb: {  	[tilespmem:s8], [sflag:$0x1] =	stream.indirect.gather @!p3 [hbm4b:s4+s10], $0x40, s7, s10, $0xb8;
	[tilespmem:$0x1EE40] =	vst v63  }
0xfc: {  	s7 =	sadd.s32 @!p3 $0x500, s6;
	s8 =	simm.s32 @!p3 $0x9000  }
0xfd: {  	[tilespmem:s8], [sflag:$0x1] =	stream.indirect.gather @!p3 [hbm4b:s4+s10], $0x40, s7, s10, $0xb8;
	[tilespmem:$0x1EE40] =	vst v63  }
0xfe: {  	s6 =	sadd.s32 @!p3 $0x580, s6;
	s7 =	simm.s32 @!p3 $0xB000  }
0xff: {  	[tilespmem:s7], [sflag:$0x1] =	stream.indirect.gather @!p3 [hbm4b:s4+s10], $0x40, s6, s10, $0xb8;
	[tilespmem:$0x1EE40] =	vst v63  }
0x100: {  	_ =	swait.ge [sflag:s14], $0x2000  }
0x101: {  	[sflag:s14] =	ssyncset.done $0x0  }
0x102: {  	[sflag:s14] =	ssyncadd.s32 $0xFFFFE000  }
0x103: {  	_ =	swait.ge [sflag:s14], $0x2000  }
0x104: {  	[sflag:s14] =	ssyncset.done $0x0  }
0x105: {  	[sflag:s14] =	ssyncadd.s32 $0xFFFFE000  }
0x106: {  	_ =	swait.ge [sflag:s14], $0x2000  }
0x107: {  	[sflag:s14] =	ssyncset.done $0x0  }
0x108: {  	[sflag:s14] =	ssyncadd.s32 $0xFFFFE000  }
0x109: {  	_ =	swait.ge [sflag:s14], $0x2000  }
0x10a: {  	[sflag:s14] =	ssyncset.done $0x0  }
0x10b: {  	s7 =	sadd.s32 $0x2A00, s5;
	[sflag:s14] =	ssyncadd.s32 $0xFFFFE000  }
0x10c: {  	[spmem:s2] =	stream.indirect.scatter.add.bf16 [tilespmem:s28], [sflag:$0x4], $0x40, s7, s20, $0xb8;
	[tilespmem:$0x1EE40] =	vst v63  }
0x10d: {  	s8 =	sadd.s32 $0x2A80, s5  }
0x10e: {  	[spmem:s2] =	stream.indirect.scatter.add.bf16 [tilespmem:s29], [sflag:$0x4], $0x40, s8, s20, $0xb8;
	[tilespmem:$0x1EE40] =	vst v63  }
0x10f: {  	s10 =	sadd.s32 $0x2B00, s5  }
0x110: {  	[spmem:s2] =	stream.indirect.scatter.add.bf16 [tilespmem:s30], [sflag:$0x4], $0x40, s10, s20, $0xb8;
	[tilespmem:$0x1EE40] =	vst v63  }
0x111: {  	s11 =	sadd.s32 $0x2B80, s5  }
0x112: {  	[spmem:s2] =	stream.indirect.scatter.add.bf16 [tilespmem:s31], [sflag:$0x4], $0x40, s11, s20, $0xb8;
	[tilespmem:$0x1EE40] =	vst v63  }
0x113: {  	_ =	swait.ge [sflag:s23], $0x2000  }
0x114: {  	[sflag:s23] =	ssyncset.done $0x0  }
0x115: {  	[sflag:s23] =	ssyncadd.s32 $0xFFFFE000  }
0x116: {  	_ =	swait.ge [sflag:s23], $0x2000  }
0x117: {  	[sflag:s23] =	ssyncset.done $0x0  }
0x118: {  	[sflag:s23] =	ssyncadd.s32 $0xFFFFE000  }
0x119: {  	_ =	swait.ge [sflag:s23], $0x2000  }
0x11a: {  	[sflag:s23] =	ssyncset.done $0x0  }
0x11b: {  	[sflag:s23] =	ssyncadd.s32 $0xFFFFE000  }
0x11c: {  	_ =	swait.ge [sflag:s23], $0x2000  }
0x11d: {  	[sflag:s23] =	ssyncset.done $0x0  }
0x11e: {  	[sflag:s23] =	ssyncadd.s32 $0xFFFFE000  }
0x11f: {  	[bflag:$0x0] =	sbarrier.arrive $0xFFFF  }
0x120: {  	s12 =	rddreg [dreg:$0x9]  }
0x121: {  	[hbm:s12], [sflag:s16] =	dma.local [spmem:s17], $0x1380  }
0x122: {  	_ =	swait.ge [sflag:s15], $0x1380  }
0x123: {  	[sflag:s15] =	ssyncset.done $0x0  }
0x124: {  	s5 =	sshrl.u32 @!p2 s9, $0x3;
	s6 =	rddreg [dreg:$0xa];
	[sflag:s15] =	ssyncadd.s32 $0xFFFFEC80  }
0x125: {  	[hbm:s6], [sflag:s16] =	dma.local @!p2 [spmem:s5], $0x80  }
0x126: {  	s5 =	simm.s32 @!p2 $0x5  }
0x127: {  	_ =	swait.ge @!p2 [sflag:s5], $0x80  }
0x128: {  	s25 =	sadd.s32 $0x1, s25;
	s13 =	rddreg [dreg:$0xb]  }
0x129: {  	p3 =	sne.s32 s25, s13  }
.Ltmp1:
0x12a: {  	_ = 	snop;
	(pc) =	sbr.rel @p3 .LBB2_1-.Ltmp1, $3  }
0x12b: {  	_ =	sdelay $0x1  }
0x12c: {  	[sflag:s5] =	ssyncset.done @!p2 $0x0  }
0x12d: {  	[sflag:s5] =	ssyncadd.s32 @!p2 $0xFFFFFF80  }
0x12e: {  	_ =	sfence.sel $0x180000  }
0x12f: {  	[bflag:$0x0] =	sbarrier.arrive $0xFFFF  }
0x130: {  	_ =	strace $0x90000053  }
0x131: {  	s0 =	stileid.u32;
	[bflag:$0x2] =	sbarrier.arrive $0xFFFF  }
0x132: {  	p0 =	sne.s32 s0, $0x0;
	s0 =	rddreg [dreg:$0x3]  }
0x133: {  	s0 =	sadd.s32 @!p0 $0x100000, s0  }
0x134: {  	[sflag:s0] =	ssyncadd.tile.s32 @!p0 $0x1;
	_ =	shalt  }
.Lfunc_end2:
_tile_overlayer_lowered:
.L_overlay_start_2:
0x135: {  	(tag) =	ssettag $0x2  }
0x136: {  	s0 =	rddreg [dreg:$0x0];
	s2 =	stileid.u32  }
0x137: {  	s1 =	rddreg [dreg:$0x1];
	p0 =	sne.s32 s2, $0x0  }
0x138: {  	s3 =	rddreg [dreg:$0x2];
	[bflag:$0x3] =	sbarrier.arrive $0xFFFF;
	s2 =	simm.s32 @!p0 $0x1C05  }
0x139: {  	[timem:s3], [sflag:s2] =	dma.local @!p0 [hbm:s0], s1  }
0x13a: {  	s0 =	simm.s32 @!p0 $0x5  }
0x13b: {  	_ =	swait.ge @!p0 [sflag:s0], s1  }
0x13c: {  	s1 =	ssub.s32 @!p0 $0x0, s1;
	[sflag:s0] =	ssyncset.done @!p0 $0x0  }
0x13d: {  	[sflag:s0] =	ssyncadd.s32 @!p0 s1  }
0x13e: {  	[bflag:$0x3] =	sbarrier.arrive $0xFFFF  }
0x13f: {  	_ =	shalt  }

</sc_bundles>
